<compile_context>
chip_gen: v7x
topology: tpu7x:2x2x1
jax: 0.10.2.dev20260603
libtpu: 0.0.44.dev20260713+nightly
codegen_flags: <defaults>
</compile_context>

<pallas_src>
import dataclasses
import functools

import jax
import jax.numpy as jnp
from jax import lax
from jax.experimental import pallas as pl
from jax.experimental.pallas import tpu as pltpu
from jax.experimental.pallas import tpu_sc as plsc

DIM = 32
NUM_WORKERS = 32
CHUNK = 320
SUB = 320
SUBS_PER_CHUNK = CHUNK // SUB
GROUP = 16


def _sc_norm_sum(W, cidx, pidx):
    n = cidx.shape[0]
    n_full = n // CHUNK
    tail = n - n_full * CHUNK
    assert tail % GROUP == 0 and tail % 8 == 0 and tail <= CHUNK
    nc = -(-n_full // NUM_WORKERS)
    assert nc >= 3

    mesh = plsc.VectorSubcoreMesh(core_axis_name="c", subcore_axis_name="s")
    cp = pltpu.CompilerParams()
    if "needs_layout_passes" in pltpu.CompilerParams.__dataclass_fields__:
        cp = dataclasses.replace(cp, needs_layout_passes=False)
    if "use_tc_tiling_on_sc" in pltpu.CompilerParams.__dataclass_fields__:
        cp = dataclasses.replace(cp, use_tc_tiling_on_sc=False)

    @functools.partial(
        pl.kernel,
        compiler_params=cp,
        out_type=jax.ShapeDtypeStruct((NUM_WORKERS, GROUP), jnp.float32),
        mesh=mesh,
        scratch_types=(
            [pltpu.VMEM((CHUNK,), jnp.int32)] * 6
            + [pltpu.VMEM((CHUNK, DIM), jnp.float32)] * 6
            + [pltpu.VMEM((GROUP,), jnp.float32)]
            + [pltpu.SemaphoreType.DMA] * 6
        ),
    )
    def k(w_hbm, ci_hbm, pi_hbm, out_hbm,
          ci0, ci1, ci2, pi0, pi1, pi2,
          crows0, crows1, crows2, prows0, prows1, prows2, acc,
          isem0, isem1, isem2, gsem0, gsem1, gsem2):
        wid = lax.axis_index("s") * 2 + lax.axis_index("c")
        acc[...] = jnp.zeros((GROUP,), jnp.float32)
        lane = lax.iota(jnp.int32, GROUP)
        lo8 = lane < 8
        m8 = lane & 7
        x8 = lane ^ 8
        ff2 = (m8 & 3) | ((m8 >> 2) << 3)
        gg2 = ff2 + 4
        ff3 = (m8 & 1) | ((m8 >> 1) << 2)
        gg3 = ff3 + 2
        ff4 = m8 << 1
        gg4 = ff4 + 1

        gd = lax.GatherDimensionNumbers(
            offset_dims=(), collapsed_slice_dims=(0,), start_index_map=(0,))

        def take(v, idx):
            return lax.gather(v, idx[:, None], gd, slice_sizes=(1,),
                              mode=lax.GatherScatterMode.PROMISE_IN_BOUNDS)

        def comb1(a, b):
            return (jnp.where(lo8, a, take(b, x8))
                    + jnp.where(lo8, take(a, x8), b))

        def comb(a, b, ff, gg):
            return (jnp.where(lo8, take(a, ff), take(b, ff))
                    + jnp.where(lo8, take(a, gg), take(b, gg)))

        def base_of(kk):
            cg = wid + NUM_WORKERS * kk
            return jnp.where(cg < n_full, cg, 0) * CHUNK


        def ifetch(kk, civ, piv, isem):
            b = base_of(kk)
            pltpu.async_copy(ci_hbm.at[pl.ds(b, CHUNK)], civ, isem)
            pltpu.async_copy(pi_hbm.at[pl.ds(b, CHUNK)], piv, isem)

        def iwait(civ, piv, isem):
            pltpu.make_async_copy(ci_hbm.at[pl.ds(0, CHUNK)], civ, isem).wait()
            pltpu.make_async_copy(pi_hbm.at[pl.ds(0, CHUNK)], piv, isem).wait()

        def gissue(civ, piv, cr, pr, gsem):
            for j in range(SUBS_PER_CHUNK):
                sl = pl.ds(j * SUB, SUB)
                pltpu.async_copy(w_hbm.at[civ.at[sl]], cr.at[sl], gsem)
                pltpu.async_copy(w_hbm.at[piv.at[sl]], pr.at[sl], gsem)

        def gwait(cr, pr, gsem):
            dummy = w_hbm.at[pl.ds(0, CHUNK)]
            pltpu.make_async_copy(dummy, cr, gsem).wait()
            pltpu.make_async_copy(dummy, pr, gsem).wait()

        def group_sqnorms(cr, pr, g):
            base = g * GROUP
            ss = []
            for kk in range(GROUP):
                r = base + kk
                d0 = cr[r, pl.ds(0, 16)] - pr[r, pl.ds(0, 16)]
                d1 = cr[r, pl.ds(16, 16)] - pr[r, pl.ds(16, 16)]
                ss.append(d0 * d0 + d1 * d1)
            t = [comb1(ss[2 * j], ss[2 * j + 1]) for j in range(8)]
            u = [comb(t[2 * j], t[2 * j + 1], ff2, gg2) for j in range(4)]
            w = [comb(u[2 * j], u[2 * j + 1], ff3, gg3) for j in range(2)]
            return comb(w[0], w[1], ff4, gg4)

        def vsqrt(s):
            sc = jnp.maximum(s, jnp.float32(1e-30))
            i = plsc.bitcast(sc, jnp.int32)
            i = jnp.int32(0x5F3759DF) - lax.shift_right_logical(i, 1)
            y = plsc.bitcast(i, jnp.float32)
            y = y * (jnp.float32(1.5) - jnp.float32(0.5) * sc * y * y)
            return sc * y

        def compute(cr, pr, ngroups):
            assert ngroups % 2 == 0 or ngroups < 2

            if ngroups >= 2:
                @pl.loop(0, ngroups, step=2)
                def _group(g):
                    s0 = group_sqnorms(cr, pr, g)
                    t0 = vsqrt(s0)
                    s1 = group_sqnorms(cr, pr, g + 1)
                    acc[...] = acc[...] + (t0 + vsqrt(s1))
            else:
                @pl.loop(0, ngroups)
                def _group(g):
                    s = group_sqnorms(cr, pr, g)
                    acc[...] = acc[...] + vsqrt(s)

        ci = (ci0, ci1, ci2)
        pi = (pi0, pi1, pi2)
        cr = (crows0, crows1, crows2)
        pr = (prows0, prows1, prows2)
        isem = (isem0, isem1, isem2)
        gsem = (gsem0, gsem1, gsem2)

        ifetch(0, ci[0], pi[0], isem[0])
        ifetch(1, ci[1], pi[1], isem[1])
        ifetch(2, ci[2], pi[2], isem[2])
        iwait(ci[0], pi[0], isem[0])
        gissue(ci[0], pi[0], cr[0], pr[0], gsem[0])
        iwait(ci[1], pi[1], isem[1])
        gissue(ci[1], pi[1], cr[1], pr[1], gsem[1])

        @pl.loop(0, 3 * ((nc + 2) // 3), step=3)
        def _pipe(kk):
            for i in range(3):
                s = i
                s2 = (i + 2) % 3

                @pl.when(kk + i < nc)
                def _(i=i, s=s, s2=s2):
                    gwait(cr[s], pr[s], gsem[s])

                    @pl.when(kk + i + 3 < nc)
                    def _():
                        ifetch(kk + i + 3, ci[s], pi[s], isem[s])

                    @pl.when(kk + i + 2 < nc)
                    def _():
                        iwait(ci[s2], pi[s2], isem[s2])
                        gissue(ci[s2], pi[s2], cr[s2], pr[s2], gsem[s2])

                    @pl.when(wid + NUM_WORKERS * (kk + i) < n_full)
                    def _():
                        compute(cr[s], pr[s], CHUNK // GROUP)

        if tail:
            @pl.when(wid == 0)
            def _tail():
                tb = n_full * CHUNK
                pltpu.sync_copy(ci_hbm.at[pl.ds(tb, tail)],
                                ci0.at[pl.ds(0, tail)])
                pltpu.sync_copy(pi_hbm.at[pl.ds(tb, tail)],
                                pi0.at[pl.ds(0, tail)])
                pltpu.sync_copy(w_hbm.at[ci0.at[pl.ds(0, tail)]],
                                crows0.at[pl.ds(0, tail)])
                pltpu.sync_copy(w_hbm.at[pi0.at[pl.ds(0, tail)]],
                                prows0.at[pl.ds(0, tail)])
                compute(crows0, prows0, tail // GROUP)

        pltpu.sync_copy(acc, out_hbm.at[wid])

    return k(W, cidx, pidx)


def kernel(W, childs_idx, parents_idx):
    partials = _sc_norm_sum(W, childs_idx, parents_idx)
    return jnp.sum(partials) / 2.0

# --- scband reference (transcript-rebuilt; emitter-appended) ---
"""Pipeline reference for scband-hierarchical-regularization-87797721465275 (READ-ONLY COPY).

The authoritative reference and input builder live on the scoring server;
editing this copy changes nothing except your own understanding.
"""

import jax, jax.numpy as jnp
import numpy as np

VOCAB = 1000000
DIM = 32
N_PAIRS = 1000000

def setup_inputs(seed: int = 0) -> dict:
    key = jax.random.key(seed)
    k1, k2, k3 = jax.random.split(key, 3)
    W = jax.random.normal(k1, (VOCAB, DIM), dtype=jnp.float32)
    childs_idx = jax.random.randint(k2, (N_PAIRS,), 0, VOCAB, dtype=jnp.int32)
    parents_idx = jax.random.randint(k3, (N_PAIRS,), 0, VOCAB, dtype=jnp.int32)
    return {"W": W, "childs_idx": childs_idx, "parents_idx": parents_idx}

def reference(W, childs_idx, parents_idx):
    # gather child and parent embedding rows (SparseCore-friendly gathers)
    child_emb = jnp.take(W, childs_idx, axis=0)
    parent_emb = jnp.take(W, parents_idx, axis=0)
    diff = child_emb - parent_emb
    # torch.norm(diff, 2, 1): L2 norm along dim 1
    norms = jnp.sqrt(jnp.sum(diff * diff, axis=1))
    return jnp.sum(norms) / 2.0

if __name__ == "__main__":
    import jax
    _d = setup_inputs()
    print(jax.jit(kernel)(*tuple(_d.values())))

</pallas_src>

<mosaic_0001>
#map = affine_map<(d0, d1) -> (0, 0)>
#map1 = affine_map<(d0, d1) -> (0)>
module attributes {stable_mosaic.version = 14 : i64} {
  func.func @k(%arg0: i32, %arg1: i32, %arg2: memref<1000000x32xf32, #tpu.memory_space<hbm>>, %arg3: memref<1000000xi32, #tpu.memory_space<hbm>>, %arg4: memref<1000000xi32, #tpu.memory_space<hbm>>, %arg5: memref<32x16xf32, #tpu.memory_space<hbm>>, %arg6: memref<320xi32, #tpu.memory_space<vmem>>, %arg7: memref<320xi32, #tpu.memory_space<vmem>>, %arg8: memref<320xi32, #tpu.memory_space<vmem>>, %arg9: memref<320xi32, #tpu.memory_space<vmem>>, %arg10: memref<320xi32, #tpu.memory_space<vmem>>, %arg11: memref<320xi32, #tpu.memory_space<vmem>>, %arg12: memref<320x32xf32, #tpu.memory_space<vmem>>, %arg13: memref<320x32xf32, #tpu.memory_space<vmem>>, %arg14: memref<320x32xf32, #tpu.memory_space<vmem>>, %arg15: memref<320x32xf32, #tpu.memory_space<vmem>>, %arg16: memref<320x32xf32, #tpu.memory_space<vmem>>, %arg17: memref<320x32xf32, #tpu.memory_space<vmem>>, %arg18: memref<16xf32, #tpu.memory_space<vmem>>, %arg19: memref<!tpu.dma_semaphore, #tpu.memory_space<semaphore_mem>>, %arg20: memref<!tpu.dma_semaphore, #tpu.memory_space<semaphore_mem>>, %arg21: memref<!tpu.dma_semaphore, #tpu.memory_space<semaphore_mem>>, %arg22: memref<!tpu.dma_semaphore, #tpu.memory_space<semaphore_mem>>, %arg23: memref<!tpu.dma_semaphore, #tpu.memory_space<semaphore_mem>>, %arg24: memref<!tpu.dma_semaphore, #tpu.memory_space<semaphore_mem>>) attributes {dimension_semantics = [#tpu.dimension_semantics<core_parallel>, #tpu.dimension_semantics<subcore_parallel>], iteration_bounds = array<i64: 2, 16>, scalar_prefetch = 0 : i64, scratch_operands = 19 : i64, tpu.core_type = #tpu.core_type<sc_vector_subcore>, window_params = [{transform_indices = #map}, {transform_indices = #map1}, {transform_indices = #map1}, {transform_indices = #map}]} {
    %mul3A = arith.constant 2 : i32
    %mul3A_0 = arith.muli %arg1, %mul3A : i32
    %add3A = arith.addi %mul3A_0, %arg0 : i32
    %broadcast_in_dim3A = arith.constant 0.000000e+00 : f32
    %broadcast_in_dim3A_1 = vector.broadcast %broadcast_in_dim3A : f32 to vector<16xf32>
    %swap3A = arith.constant 0 : index
    %swap3A_2 = tpu.vector_load %arg18[%swap3A] {strides = array<i32>} : memref<16xf32, #tpu.memory_space<vmem>>, vector<16xf32>,
    tpu.vector_store %arg18[%swap3A], %broadcast_in_dim3A_1 {strides = array<i32>} : memref<16xf32, #tpu.memory_space<vmem>>, vector<16xf32>,
    %iota3A = tpu.iota {dimensions = array<i32: 0>} : vector<16xi32>
    %lt3A = arith.constant 8 : i32
    %lt3A_3 = vector.broadcast %lt3A : i32 to vector<16xi32>
    %lt3A_4 = arith.cmpi slt, %iota3A, %lt3A_3 : vector<16xi32>
    %and3A = arith.constant 7 : i32
    %and3A_5 = vector.broadcast %and3A : i32 to vector<16xi32>
    %and3A_6 = arith.andi %iota3A, %and3A_5 : vector<16xi32>
    %xor3A = arith.constant 8 : i32
    %xor3A_7 = vector.broadcast %xor3A : i32 to vector<16xi32>
    %xor3A_8 = arith.xori %iota3A, %xor3A_7 : vector<16xi32>
    %and3A_9 = arith.constant 3 : i32
    %and3A_10 = vector.broadcast %and3A_9 : i32 to vector<16xi32>
    %and3A_11 = arith.andi %and3A_6, %and3A_10 : vector<16xi32>
    %shift_right_arithmetic3A = arith.constant 2 : i32
    %shift_right_arithmetic3A_12 = vector.broadcast %shift_right_arithmetic3A : i32 to vector<16xi32>
    %shift_right_arithmetic3A_13 = arith.shrsi %and3A_6, %shift_right_arithmetic3A_12 : vector<16xi32>
    %shift_left3A = arith.constant 3 : i32
    %shift_left3A_14 = vector.broadcast %shift_left3A : i32 to vector<16xi32>
    %shift_left3A_15 = arith.shli %shift_right_arithmetic3A_13, %shift_left3A_14 : vector<16xi32>
    %or3A = arith.ori %and3A_11, %shift_left3A_15 : vector<16xi32>
    %add3A_16 = arith.constant 4 : i32
    %add3A_17 = vector.broadcast %add3A_16 : i32 to vector<16xi32>
    %add3A_18 = arith.addi %or3A, %add3A_17 : vector<16xi32>
    %and3A_19 = arith.constant 1 : i32
    %and3A_20 = vector.broadcast %and3A_19 : i32 to vector<16xi32>
    %and3A_21 = arith.andi %and3A_6, %and3A_20 : vector<16xi32>
    %shift_right_arithmetic3A_22 = arith.constant 1 : i32
    %shift_right_arithmetic3A_23 = vector.broadcast %shift_right_arithmetic3A_22 : i32 to vector<16xi32>
    %shift_right_arithmetic3A_24 = arith.shrsi %and3A_6, %shift_right_arithmetic3A_23 : vector<16xi32>
    %shift_left3A_25 = arith.constant 2 : i32
    %shift_left3A_26 = vector.broadcast %shift_left3A_25 : i32 to vector<16xi32>
    %shift_left3A_27 = arith.shli %shift_right_arithmetic3A_24, %shift_left3A_26 : vector<16xi32>
    %or3A_28 = arith.ori %and3A_21, %shift_left3A_27 : vector<16xi32>
    %add3A_29 = arith.constant 2 : i32
    %add3A_30 = vector.broadcast %add3A_29 : i32 to vector<16xi32>
    %add3A_31 = arith.addi %or3A_28, %add3A_30 : vector<16xi32>
    %shift_left3A_32 = arith.constant 1 : i32
    %shift_left3A_33 = vector.broadcast %shift_left3A_32 : i32 to vector<16xi32>
    %shift_left3A_34 = arith.shli %and3A_6, %shift_left3A_33 : vector<16xi32>
    %add3A_35 = arith.constant 1 : i32
    %add3A_36 = vector.broadcast %add3A_35 : i32 to vector<16xi32>
    %add3A_37 = arith.addi %shift_left3A_34, %add3A_36 : vector<16xi32>
    %add3A_38 = arith.constant 0 : i32
    %add3A_39 = arith.addi %add3A, %add3A_38 : i32
    %lt3A_40 = arith.constant 3125 : i32
    %lt3A_41 = arith.cmpi slt, %add3A_39, %lt3A_40 : i32
    %jit3A = arith.constant 0 : i32
    %select_n3A = arith.select %lt3A_41, %add3A_39, %jit3A : i32
    %mul3A_42 = arith.constant 320 : i32
    %mul3A_43 = arith.muli %select_n3A, %mul3A_42 : i32
    %dma_start3A = tpu.memref_slice %arg3[%mul3A_43] : memref<1000000xi32, #tpu.memory_space<hbm>> -> memref<320xi32, #tpu.memory_space<hbm>>
    %dma_start3A_44 = tpu.memref_slice %arg3[%mul3A_43] : memref<1000000xi32, #tpu.memory_space<hbm>> -> memref<320xi32, #tpu.memory_space<hbm>>
    tpu.enqueue_dma source(%dma_start3A_44 : memref<320xi32, #tpu.memory_space<hbm>>) target(%arg6 : memref<320xi32, #tpu.memory_space<vmem>>) target_semaphore(%arg19 : memref<!tpu.dma_semaphore, #tpu.memory_space<semaphore_mem>>)
    %dma_start3A_45 = tpu.memref_slice %arg4[%mul3A_43] : memref<1000000xi32, #tpu.memory_space<hbm>> -> memref<320xi32, #tpu.memory_space<hbm>>
    %dma_start3A_46 = tpu.memref_slice %arg4[%mul3A_43] : memref<1000000xi32, #tpu.memory_space<hbm>> -> memref<320xi32, #tpu.memory_space<hbm>>
    tpu.enqueue_dma source(%dma_start3A_46 : memref<320xi32, #tpu.memory_space<hbm>>) target(%arg9 : memref<320xi32, #tpu.memory_space<vmem>>) target_semaphore(%arg19 : memref<!tpu.dma_semaphore, #tpu.memory_space<semaphore_mem>>)
    %add3A_47 = arith.constant 32 : i32
    %add3A_48 = arith.addi %add3A, %add3A_47 : i32
    %lt3A_49 = arith.constant 3125 : i32
    %lt3A_50 = arith.cmpi slt, %add3A_48, %lt3A_49 : i32
    %jit3A_51 = arith.constant 0 : i32
    %select_n3A_52 = arith.select %lt3A_50, %add3A_48, %jit3A_51 : i32
    %mul3A_53 = arith.constant 320 : i32
    %mul3A_54 = arith.muli %select_n3A_52, %mul3A_53 : i32
    %dma_start3A_55 = tpu.memref_slice %arg3[%mul3A_54] : memref<1000000xi32, #tpu.memory_space<hbm>> -> memref<320xi32, #tpu.memory_space<hbm>>
    %dma_start3A_56 = tpu.memref_slice %arg3[%mul3A_54] : memref<1000000xi32, #tpu.memory_space<hbm>> -> memref<320xi32, #tpu.memory_space<hbm>>
    tpu.enqueue_dma source(%dma_start3A_56 : memref<320xi32, #tpu.memory_space<hbm>>) target(%arg7 : memref<320xi32, #tpu.memory_space<vmem>>) target_semaphore(%arg20 : memref<!tpu.dma_semaphore, #tpu.memory_space<semaphore_mem>>)
    %dma_start3A_57 = tpu.memref_slice %arg4[%mul3A_54] : memref<1000000xi32, #tpu.memory_space<hbm>> -> memref<320xi32, #tpu.memory_space<hbm>>
    %dma_start3A_58 = tpu.memref_slice %arg4[%mul3A_54] : memref<1000000xi32, #tpu.memory_space<hbm>> -> memref<320xi32, #tpu.memory_space<hbm>>
    tpu.enqueue_dma source(%dma_start3A_58 : memref<320xi32, #tpu.memory_space<hbm>>) target(%arg10 : memref<320xi32, #tpu.memory_space<vmem>>) target_semaphore(%arg20 : memref<!tpu.dma_semaphore, #tpu.memory_space<semaphore_mem>>)
    %add3A_59 = arith.constant 64 : i32
    %add3A_60 = arith.addi %add3A, %add3A_59 : i32
    %lt3A_61 = arith.constant 3125 : i32
    %lt3A_62 = arith.cmpi slt, %add3A_60, %lt3A_61 : i32
    %jit3A_63 = arith.constant 0 : i32
    %select_n3A_64 = arith.select %lt3A_62, %add3A_60, %jit3A_63 : i32
    %mul3A_65 = arith.constant 320 : i32
    %mul3A_66 = arith.muli %select_n3A_64, %mul3A_65 : i32
    %dma_start3A_67 = tpu.memref_slice %arg3[%mul3A_66] : memref<1000000xi32, #tpu.memory_space<hbm>> -> memref<320xi32, #tpu.memory_space<hbm>>
    %dma_start3A_68 = tpu.memref_slice %arg3[%mul3A_66] : memref<1000000xi32, #tpu.memory_space<hbm>> -> memref<320xi32, #tpu.memory_space<hbm>>
    tpu.enqueue_dma source(%dma_start3A_68 : memref<320xi32, #tpu.memory_space<hbm>>) target(%arg8 : memref<320xi32, #tpu.memory_space<vmem>>) target_semaphore(%arg21 : memref<!tpu.dma_semaphore, #tpu.memory_space<semaphore_mem>>)
    %dma_start3A_69 = tpu.memref_slice %arg4[%mul3A_66] : memref<1000000xi32, #tpu.memory_space<hbm>> -> memref<320xi32, #tpu.memory_space<hbm>>
    %dma_start3A_70 = tpu.memref_slice %arg4[%mul3A_66] : memref<1000000xi32, #tpu.memory_space<hbm>> -> memref<320xi32, #tpu.memory_space<hbm>>
    tpu.enqueue_dma source(%dma_start3A_70 : memref<320xi32, #tpu.memory_space<hbm>>) target(%arg11 : memref<320xi32, #tpu.memory_space<vmem>>) target_semaphore(%arg21 : memref<!tpu.dma_semaphore, #tpu.memory_space<semaphore_mem>>)
    %dma_wait3A = arith.constant 0 : i32
    %dma_wait3A_71 = tpu.memref_slice %arg3[%dma_wait3A] : memref<1000000xi32, #tpu.memory_space<hbm>> -> memref<320xi32, #tpu.memory_space<hbm>>
    %dma_wait3A_72 = arith.constant 0 : i32
    %dma_wait3A_73 = tpu.memref_slice %arg3[%dma_wait3A_72] : memref<1000000xi32, #tpu.memory_space<hbm>> -> memref<320xi32, #tpu.memory_space<hbm>>
    tpu.wait_dma2 semaphore(%arg19 : memref<!tpu.dma_semaphore, #tpu.memory_space<semaphore_mem>>) src(%dma_wait3A_73 : memref<320xi32, #tpu.memory_space<hbm>>) dst(%arg6 : memref<320xi32, #tpu.memory_space<vmem>>)
    %dma_wait3A_74 = arith.constant 0 : i32
    %dma_wait3A_75 = tpu.memref_slice %arg4[%dma_wait3A_74] : memref<1000000xi32, #tpu.memory_space<hbm>> -> memref<320xi32, #tpu.memory_space<hbm>>
    %dma_wait3A_76 = arith.constant 0 : i32
    %dma_wait3A_77 = tpu.memref_slice %arg4[%dma_wait3A_76] : memref<1000000xi32, #tpu.memory_space<hbm>> -> memref<320xi32, #tpu.memory_space<hbm>>
    tpu.wait_dma2 semaphore(%arg19 : memref<!tpu.dma_semaphore, #tpu.memory_space<semaphore_mem>>) src(%dma_wait3A_77 : memref<320xi32, #tpu.memory_space<hbm>>) dst(%arg9 : memref<320xi32, #tpu.memory_space<vmem>>)
    %dma_start3A_78 = arith.constant 0 : i32
    %dma_start3A_79 = arith.constant 0 : i32
    %dma_start3A_80 = tpu.memref_slice %arg12[%dma_start3A_78, %dma_start3A_79] : memref<320x32xf32, #tpu.memory_space<vmem>> -> memref<320x32xf32, #tpu.memory_space<vmem>>
    %dma_start3A_81 = arith.constant 0 : i32
    %dma_start3A_82 = tpu.memref_slice %arg6[%dma_start3A_81] : memref<320xi32, #tpu.memory_space<vmem>> -> memref<320xi32, #tpu.memory_space<vmem>>
    %dma_start3A_83 = arith.constant 0 : i32
    %dma_start3A_84 = arith.constant 0 : i32
    %dma_start3A_85 = tpu.memref_slice %arg2[%dma_start3A_83, %dma_start3A_84] : memref<1000000x32xf32, #tpu.memory_space<hbm>> -> memref<1000000x32xf32, #tpu.memory_space<hbm>>
    tpu.enqueue_indirect_dma source(%dma_start3A_85 : memref<1000000x32xf32, #tpu.memory_space<hbm>>) target(%dma_start3A_80 : memref<320x32xf32, #tpu.memory_space<vmem>>) offsets(%dma_start3A_82 : memref<320xi32, #tpu.memory_space<vmem>>) semaphore(%arg22 : memref<!tpu.dma_semaphore, #tpu.memory_space<semaphore_mem>>)
    %dma_start3A_86 = arith.constant 0 : i32
    %dma_start3A_87 = arith.constant 0 : i32
    %dma_start3A_88 = tpu.memref_slice %arg15[%dma_start3A_86, %dma_start3A_87] : memref<320x32xf32, #tpu.memory_space<vmem>> -> memref<320x32xf32, #tpu.memory_space<vmem>>
    %dma_start3A_89 = arith.constant 0 : i32
    %dma_start3A_90 = tpu.memref_slice %arg9[%dma_start3A_89] : memref<320xi32, #tpu.memory_space<vmem>> -> memref<320xi32, #tpu.memory_space<vmem>>
    %dma_start3A_91 = arith.constant 0 : i32
    %dma_start3A_92 = arith.constant 0 : i32
    %dma_start3A_93 = tpu.memref_slice %arg2[%dma_start3A_91, %dma_start3A_92] : memref<1000000x32xf32, #tpu.memory_space<hbm>> -> memref<1000000x32xf32, #tpu.memory_space<hbm>>
    tpu.enqueue_indirect_dma source(%dma_start3A_93 : memref<1000000x32xf32, #tpu.memory_space<hbm>>) target(%dma_start3A_88 : memref<320x32xf32, #tpu.memory_space<vmem>>) offsets(%dma_start3A_90 : memref<320xi32, #tpu.memory_space<vmem>>) semaphore(%arg22 : memref<!tpu.dma_semaphore, #tpu.memory_space<semaphore_mem>>)
    %dma_wait3A_94 = arith.constant 0 : i32
    %dma_wait3A_95 = tpu.memref_slice %arg3[%dma_wait3A_94] : memref<1000000xi32, #tpu.memory_space<hbm>> -> memref<320xi32, #tpu.memory_space<hbm>>
    %dma_wait3A_96 = arith.constant 0 : i32
    %dma_wait3A_97 = tpu.memref_slice %arg3[%dma_wait3A_96] : memref<1000000xi32, #tpu.memory_space<hbm>> -> memref<320xi32, #tpu.memory_space<hbm>>
    tpu.wait_dma2 semaphore(%arg20 : memref<!tpu.dma_semaphore, #tpu.memory_space<semaphore_mem>>) src(%dma_wait3A_97 : memref<320xi32, #tpu.memory_space<hbm>>) dst(%arg7 : memref<320xi32, #tpu.memory_space<vmem>>)
    %dma_wait3A_98 = arith.constant 0 : i32
    %dma_wait3A_99 = tpu.memref_slice %arg4[%dma_wait3A_98] : memref<1000000xi32, #tpu.memory_space<hbm>> -> memref<320xi32, #tpu.memory_space<hbm>>
    %dma_wait3A_100 = arith.constant 0 : i32
    %dma_wait3A_101 = tpu.memref_slice %arg4[%dma_wait3A_100] : memref<1000000xi32, #tpu.memory_space<hbm>> -> memref<320xi32, #tpu.memory_space<hbm>>
    tpu.wait_dma2 semaphore(%arg20 : memref<!tpu.dma_semaphore, #tpu.memory_space<semaphore_mem>>) src(%dma_wait3A_101 : memref<320xi32, #tpu.memory_space<hbm>>) dst(%arg10 : memref<320xi32, #tpu.memory_space<vmem>>)
    %dma_start3A_102 = arith.constant 0 : i32
    %dma_start3A_103 = arith.constant 0 : i32
    %dma_start3A_104 = tpu.memref_slice %arg13[%dma_start3A_102, %dma_start3A_103] : memref<320x32xf32, #tpu.memory_space<vmem>> -> memref<320x32xf32, #tpu.memory_space<vmem>>
    %dma_start3A_105 = arith.constant 0 : i32
    %dma_start3A_106 = tpu.memref_slice %arg7[%dma_start3A_105] : memref<320xi32, #tpu.memory_space<vmem>> -> memref<320xi32, #tpu.memory_space<vmem>>
    %dma_start3A_107 = arith.constant 0 : i32
    %dma_start3A_108 = arith.constant 0 : i32
    %dma_start3A_109 = tpu.memref_slice %arg2[%dma_start3A_107, %dma_start3A_108] : memref<1000000x32xf32, #tpu.memory_space<hbm>> -> memref<1000000x32xf32, #tpu.memory_space<hbm>>
    tpu.enqueue_indirect_dma source(%dma_start3A_109 : memref<1000000x32xf32, #tpu.memory_space<hbm>>) target(%dma_start3A_104 : memref<320x32xf32, #tpu.memory_space<vmem>>) offsets(%dma_start3A_106 : memref<320xi32, #tpu.memory_space<vmem>>) semaphore(%arg23 : memref<!tpu.dma_semaphore, #tpu.memory_space<semaphore_mem>>)
    %dma_start3A_110 = arith.constant 0 : i32
    %dma_start3A_111 = arith.constant 0 : i32
    %dma_start3A_112 = tpu.memref_slice %arg16[%dma_start3A_110, %dma_start3A_111] : memref<320x32xf32, #tpu.memory_space<vmem>> -> memref<320x32xf32, #tpu.memory_space<vmem>>
    %dma_start3A_113 = arith.constant 0 : i32
    %dma_start3A_114 = tpu.memref_slice %arg10[%dma_start3A_113] : memref<320xi32, #tpu.memory_space<vmem>> -> memref<320xi32, #tpu.memory_space<vmem>>
    %dma_start3A_115 = arith.constant 0 : i32
    %dma_start3A_116 = arith.constant 0 : i32
    %dma_start3A_117 = tpu.memref_slice %arg2[%dma_start3A_115, %dma_start3A_116] : memref<1000000x32xf32, #tpu.memory_space<hbm>> -> memref<1000000x32xf32, #tpu.memory_space<hbm>>
    tpu.enqueue_indirect_dma source(%dma_start3A_117 : memref<1000000x32xf32, #tpu.memory_space<hbm>>) target(%dma_start3A_112 : memref<320x32xf32, #tpu.memory_space<vmem>>) offsets(%dma_start3A_114 : memref<320xi32, #tpu.memory_space<vmem>>) semaphore(%arg23 : memref<!tpu.dma_semaphore, #tpu.memory_space<semaphore_mem>>)
    %scan3A = arith.constant 0 : i32
    %scan3A_118 = arith.constant 33 : i32
    %scan3A_119 = arith.addi %scan3A, %scan3A_118 : i32
    %scan3A_120 = arith.constant 1 : i32
    scf.for %scan3A_122 = %scan3A to %scan3A_119 step %scan3A_120  : i32 {
      %mul3A_123 = arith.constant 3 : i32
      %mul3A_124 = arith.muli %scan3A_122, %mul3A_123 : i32
      %add3A_125 = arith.constant 0 : i32
      %add3A_126 = arith.addi %add3A_125, %mul3A_124 : i32
      %add3A_127 = arith.constant 0 : i32
      %add3A_128 = arith.addi %add3A_126, %add3A_127 : i32
      %lt3A_129 = arith.constant 98 : i32
      %lt3A_130 = arith.cmpi slt, %add3A_128, %lt3A_129 : i32
      %convert_element_type3A = arith.extui %lt3A_130 : i1 to i32
      %cond3A = arith.constant 0 : i32
      %cond3A_131 = arith.cmpi ne, %convert_element_type3A, %cond3A : i32
      scf.if %cond3A_131 {
        %dma_wait3A_146 = arith.constant 0 : i32
        %dma_wait3A_147 = arith.constant 0 : i32
        %dma_wait3A_148 = tpu.memref_slice %arg2[%dma_wait3A_146, %dma_wait3A_147] : memref<1000000x32xf32, #tpu.memory_space<hbm>> -> memref<320x32xf32, #tpu.memory_space<hbm>>
        %dma_wait3A_149 = arith.constant 0 : i32
        %dma_wait3A_150 = arith.constant 0 : i32
        %dma_wait3A_151 = tpu.memref_slice %arg2[%dma_wait3A_149, %dma_wait3A_150] : memref<1000000x32xf32, #tpu.memory_space<hbm>> -> memref<320x32xf32, #tpu.memory_space<hbm>>
        tpu.wait_dma2 semaphore(%arg22 : memref<!tpu.dma_semaphore, #tpu.memory_space<semaphore_mem>>) src(%dma_wait3A_151 : memref<320x32xf32, #tpu.memory_space<hbm>>) dst(%arg12 : memref<320x32xf32, #tpu.memory_space<vmem>>)
        %dma_wait3A_152 = arith.constant 0 : i32
        %dma_wait3A_153 = arith.constant 0 : i32
        %dma_wait3A_154 = tpu.memref_slice %arg2[%dma_wait3A_152, %dma_wait3A_153] : memref<1000000x32xf32, #tpu.memory_space<hbm>> -> memref<320x32xf32, #tpu.memory_space<hbm>>
        %dma_wait3A_155 = arith.constant 0 : i32
        %dma_wait3A_156 = arith.constant 0 : i32
        %dma_wait3A_157 = tpu.memref_slice %arg2[%dma_wait3A_155, %dma_wait3A_156] : memref<1000000x32xf32, #tpu.memory_space<hbm>> -> memref<320x32xf32, #tpu.memory_space<hbm>>
        tpu.wait_dma2 semaphore(%arg22 : memref<!tpu.dma_semaphore, #tpu.memory_space<semaphore_mem>>) src(%dma_wait3A_157 : memref<320x32xf32, #tpu.memory_space<hbm>>) dst(%arg15 : memref<320x32xf32, #tpu.memory_space<vmem>>)
        %add3A_158 = arith.constant 0 : i32
        %add3A_159 = arith.addi %add3A_126, %add3A_158 : i32
        %add3A_160 = arith.constant 3 : i32
        %add3A_161 = arith.addi %add3A_159, %add3A_160 : i32
        %lt3A_162 = arith.constant 98 : i32
        %lt3A_163 = arith.cmpi slt, %add3A_161, %lt3A_162 : i32
        %convert_element_type3A_164 = arith.extui %lt3A_163 : i1 to i32
        %cond3A_165 = arith.constant 0 : i32
        %cond3A_166 = arith.cmpi ne, %convert_element_type3A_164, %cond3A_165 : i32
        scf.if %cond3A_166 {
          %add3A_186 = arith.constant 0 : i32
          %add3A_187 = arith.addi %add3A_126, %add3A_186 : i32
          %add3A_188 = arith.constant 3 : i32
          %add3A_189 = arith.addi %add3A_187, %add3A_188 : i32
          %mul3A_190 = arith.constant 32 : i32
          %mul3A_191 = arith.muli %mul3A_190, %add3A_189 : i32
          %add3A_192 = arith.addi %add3A, %mul3A_191 : i32
          %lt3A_193 = arith.constant 3125 : i32
          %lt3A_194 = arith.cmpi slt, %add3A_192, %lt3A_193 : i32
          %jit3A_195 = arith.constant 0 : i32
          %select_n3A_196 = arith.select %lt3A_194, %add3A_192, %jit3A_195 : i32
          %mul3A_197 = arith.constant 320 : i32
          %mul3A_198 = arith.muli %select_n3A_196, %mul3A_197 : i32
          %dma_start3A_199 = tpu.memref_slice %arg3[%mul3A_198] : memref<1000000xi32, #tpu.memory_space<hbm>> -> memref<320xi32, #tpu.memory_space<hbm>>
          %dma_start3A_200 = tpu.memref_slice %arg3[%mul3A_198] : memref<1000000xi32, #tpu.memory_space<hbm>> -> memref<320xi32, #tpu.memory_space<hbm>>
          tpu.enqueue_dma source(%dma_start3A_200 : memref<320xi32, #tpu.memory_space<hbm>>) target(%arg6 : memref<320xi32, #tpu.memory_space<vmem>>) target_semaphore(%arg19 : memref<!tpu.dma_semaphore, #tpu.memory_space<semaphore_mem>>)
          %dma_start3A_201 = tpu.memref_slice %arg4[%mul3A_198] : memref<1000000xi32, #tpu.memory_space<hbm>> -> memref<320xi32, #tpu.memory_space<hbm>>
          %dma_start3A_202 = tpu.memref_slice %arg4[%mul3A_198] : memref<1000000xi32, #tpu.memory_space<hbm>> -> memref<320xi32, #tpu.memory_space<hbm>>
          tpu.enqueue_dma source(%dma_start3A_202 : memref<320xi32, #tpu.memory_space<hbm>>) target(%arg9 : memref<320xi32, #tpu.memory_space<vmem>>) target_semaphore(%arg19 : memref<!tpu.dma_semaphore, #tpu.memory_space<semaphore_mem>>)
        } else {
        }
        %add3A_167 = arith.constant 0 : i32
        %add3A_168 = arith.addi %add3A_126, %add3A_167 : i32
        %add3A_169 = arith.constant 2 : i32
        %add3A_170 = arith.addi %add3A_168, %add3A_169 : i32
        %lt3A_171 = arith.constant 98 : i32
        %lt3A_172 = arith.cmpi slt, %add3A_170, %lt3A_171 : i32
        %convert_element_type3A_173 = arith.extui %lt3A_172 : i1 to i32
        %cond3A_174 = arith.constant 0 : i32
        %cond3A_175 = arith.cmpi ne, %convert_element_type3A_173, %cond3A_174 : i32
        scf.if %cond3A_175 {
          %dma_wait3A_186 = arith.constant 0 : i32
          %dma_wait3A_187 = tpu.memref_slice %arg3[%dma_wait3A_186] : memref<1000000xi32, #tpu.memory_space<hbm>> -> memref<320xi32, #tpu.memory_space<hbm>>
          %dma_wait3A_188 = arith.constant 0 : i32
          %dma_wait3A_189 = tpu.memref_slice %arg3[%dma_wait3A_188] : memref<1000000xi32, #tpu.memory_space<hbm>> -> memref<320xi32, #tpu.memory_space<hbm>>
          tpu.wait_dma2 semaphore(%arg21 : memref<!tpu.dma_semaphore, #tpu.memory_space<semaphore_mem>>) src(%dma_wait3A_189 : memref<320xi32, #tpu.memory_space<hbm>>) dst(%arg8 : memref<320xi32, #tpu.memory_space<vmem>>)
          %dma_wait3A_190 = arith.constant 0 : i32
          %dma_wait3A_191 = tpu.memref_slice %arg4[%dma_wait3A_190] : memref<1000000xi32, #tpu.memory_space<hbm>> -> memref<320xi32, #tpu.memory_space<hbm>>
          %dma_wait3A_192 = arith.constant 0 : i32
          %dma_wait3A_193 = tpu.memref_slice %arg4[%dma_wait3A_192] : memref<1000000xi32, #tpu.memory_space<hbm>> -> memref<320xi32, #tpu.memory_space<hbm>>
          tpu.wait_dma2 semaphore(%arg21 : memref<!tpu.dma_semaphore, #tpu.memory_space<semaphore_mem>>) src(%dma_wait3A_193 : memref<320xi32, #tpu.memory_space<hbm>>) dst(%arg11 : memref<320xi32, #tpu.memory_space<vmem>>)
          %dma_start3A_194 = arith.constant 0 : i32
          %dma_start3A_195 = arith.constant 0 : i32
          %dma_start3A_196 = tpu.memref_slice %arg14[%dma_start3A_194, %dma_start3A_195] : memref<320x32xf32, #tpu.memory_space<vmem>> -> memref<320x32xf32, #tpu.memory_space<vmem>>
          %dma_start3A_197 = arith.constant 0 : i32
          %dma_start3A_198 = tpu.memref_slice %arg8[%dma_start3A_197] : memref<320xi32, #tpu.memory_space<vmem>> -> memref<320xi32, #tpu.memory_space<vmem>>
          %dma_start3A_199 = arith.constant 0 : i32
          %dma_start3A_200 = arith.constant 0 : i32
          %dma_start3A_201 = tpu.memref_slice %arg2[%dma_start3A_199, %dma_start3A_200] : memref<1000000x32xf32, #tpu.memory_space<hbm>> -> memref<1000000x32xf32, #tpu.memory_space<hbm>>
          tpu.enqueue_indirect_dma source(%dma_start3A_201 : memref<1000000x32xf32, #tpu.memory_space<hbm>>) target(%dma_start3A_196 : memref<320x32xf32, #tpu.memory_space<vmem>>) offsets(%dma_start3A_198 : memref<320xi32, #tpu.memory_space<vmem>>) semaphore(%arg24 : memref<!tpu.dma_semaphore, #tpu.memory_space<semaphore_mem>>)
          %dma_start3A_202 = arith.constant 0 : i32
          %dma_start3A_203 = arith.constant 0 : i32
          %dma_start3A_204 = tpu.memref_slice %arg17[%dma_start3A_202, %dma_start3A_203] : memref<320x32xf32, #tpu.memory_space<vmem>> -> memref<320x32xf32, #tpu.memory_space<vmem>>
          %dma_start3A_205 = arith.constant 0 : i32
          %dma_start3A_206 = tpu.memref_slice %arg11[%dma_start3A_205] : memref<320xi32, #tpu.memory_space<vmem>> -> memref<320xi32, #tpu.memory_space<vmem>>
          %dma_start3A_207 = arith.constant 0 : i32
          %dma_start3A_208 = arith.constant 0 : i32
          %dma_start3A_209 = tpu.memref_slice %arg2[%dma_start3A_207, %dma_start3A_208] : memref<1000000x32xf32, #tpu.memory_space<hbm>> -> memref<1000000x32xf32, #tpu.memory_space<hbm>>
          tpu.enqueue_indirect_dma source(%dma_start3A_209 : memref<1000000x32xf32, #tpu.memory_space<hbm>>) target(%dma_start3A_204 : memref<320x32xf32, #tpu.memory_space<vmem>>) offsets(%dma_start3A_206 : memref<320xi32, #tpu.memory_space<vmem>>) semaphore(%arg24 : memref<!tpu.dma_semaphore, #tpu.memory_space<semaphore_mem>>)
        } else {
        }
        %add3A_176 = arith.constant 0 : i32
        %add3A_177 = arith.addi %add3A_126, %add3A_176 : i32
        %mul3A_178 = arith.constant 32 : i32
        %mul3A_179 = arith.muli %mul3A_178, %add3A_177 : i32
        %add3A_180 = arith.addi %add3A, %mul3A_179 : i32
        %lt3A_181 = arith.constant 3125 : i32
        %lt3A_182 = arith.cmpi slt, %add3A_180, %lt3A_181 : i32
        %convert_element_type3A_183 = arith.extui %lt3A_182 : i1 to i32
        %cond3A_184 = arith.constant 0 : i32
        %cond3A_185 = arith.cmpi ne, %convert_element_type3A_183, %cond3A_184 : i32
        scf.if %cond3A_185 {
          %scan3A_186 = arith.constant 0 : i32
          %scan3A_187 = arith.constant 10 : i32
          %scan3A_188 = arith.addi %scan3A_186, %scan3A_187 : i32
          %scan3A_189 = arith.constant 1 : i32
          scf.for %scan3A_191 = %scan3A_186 to %scan3A_188 step %scan3A_189  : i32 {
            %mul3A_192 = arith.constant 2 : i32
            %mul3A_193 = arith.muli %scan3A_191, %mul3A_192 : i32
            %add3A_194 = arith.constant 0 : i32
            %add3A_195 = arith.addi %add3A_194, %mul3A_193 : i32
            %mul3A_196 = arith.constant 16 : i32
            %mul3A_197 = arith.muli %add3A_195, %mul3A_196 : i32
            %add3A_198 = arith.constant 0 : i32
            %add3A_199 = arith.addi %mul3A_197, %add3A_198 : i32
            %get3A = arith.index_cast %add3A_199 : i32 to index
            %get3A_200 = arith.constant 0 : index
            %get3A_201 = tpu.vector_load %arg12[%get3A, %get3A_200] {strides = array<i32>} : memref<320x32xf32, #tpu.memory_space<vmem>>, vector<16xf32>,
            %get3A_202 = arith.index_cast %add3A_199 : i32 to index
            %get3A_203 = arith.constant 0 : index
            %get3A_204 = tpu.vector_load %arg15[%get3A_202, %get3A_203] {strides = array<i32>} : memref<320x32xf32, #tpu.memory_space<vmem>>, vector<16xf32>,
            %sub3A = arith.subf %get3A_201, %get3A_204 : vector<16xf32>
            %get3A_205 = arith.index_cast %add3A_199 : i32 to index
            %get3A_206 = arith.constant 16 : index
            %get3A_207 = tpu.vector_load %arg12[%get3A_205, %get3A_206] {strides = array<i32>} : memref<320x32xf32, #tpu.memory_space<vmem>>, vector<16xf32>,
            %get3A_208 = arith.index_cast %add3A_199 : i32 to index
            %get3A_209 = arith.constant 16 : index
            %get3A_210 = tpu.vector_load %arg15[%get3A_208, %get3A_209] {strides = array<i32>} : memref<320x32xf32, #tpu.memory_space<vmem>>, vector<16xf32>,
            %sub3A_211 = arith.subf %get3A_207, %get3A_210 : vector<16xf32>
            %mul3A_212 = arith.mulf %sub3A, %sub3A : vector<16xf32>
            %mul3A_213 = arith.mulf %sub3A_211, %sub3A_211 : vector<16xf32>
            %add3A_214 = arith.addf %mul3A_212, %mul3A_213 : vector<16xf32>
            %add3A_215 = arith.constant 1 : i32
            %add3A_216 = arith.addi %mul3A_197, %add3A_215 : i32
            %get3A_217 = arith.index_cast %add3A_216 : i32 to index
            %get3A_218 = arith.constant 0 : index
            %get3A_219 = tpu.vector_load %arg12[%get3A_217, %get3A_218] {strides = array<i32>} : memref<320x32xf32, #tpu.memory_space<vmem>>, vector<16xf32>,
            %get3A_220 = arith.index_cast %add3A_216 : i32 to index
            %get3A_221 = arith.constant 0 : index
            %get3A_222 = tpu.vector_load %arg15[%get3A_220, %get3A_221] {strides = array<i32>} : memref<320x32xf32, #tpu.memory_space<vmem>>, vector<16xf32>,
            %sub3A_223 = arith.subf %get3A_219, %get3A_222 : vector<16xf32>
            %get3A_224 = arith.index_cast %add3A_216 : i32 to index
            %get3A_225 = arith.constant 16 : index
            %get3A_226 = tpu.vector_load %arg12[%get3A_224, %get3A_225] {strides = array<i32>} : memref<320x32xf32, #tpu.memory_space<vmem>>, vector<16xf32>,
            %get3A_227 = arith.index_cast %add3A_216 : i32 to index
            %get3A_228 = arith.constant 16 : index
            %get3A_229 = tpu.vector_load %arg15[%get3A_227, %get3A_228] {strides = array<i32>} : memref<320x32xf32, #tpu.memory_space<vmem>>, vector<16xf32>,
            %sub3A_230 = arith.subf %get3A_226, %get3A_229 : vector<16xf32>
            %mul3A_231 = arith.mulf %sub3A_223, %sub3A_223 : vector<16xf32>
            %mul3A_232 = arith.mulf %sub3A_230, %sub3A_230 : vector<16xf32>
            %add3A_233 = arith.addf %mul3A_231, %mul3A_232 : vector<16xf32>
            %add3A_234 = arith.constant 2 : i32
            %add3A_235 = arith.addi %mul3A_197, %add3A_234 : i32
            %get3A_236 = arith.index_cast %add3A_235 : i32 to index
            %get3A_237 = arith.constant 0 : index
            %get3A_238 = tpu.vector_load %arg12[%get3A_236, %get3A_237] {strides = array<i32>} : memref<320x32xf32, #tpu.memory_space<vmem>>, vector<16xf32>,
            %get3A_239 = arith.index_cast %add3A_235 : i32 to index
            %get3A_240 = arith.constant 0 : index
            %get3A_241 = tpu.vector_load %arg15[%get3A_239, %get3A_240] {strides = array<i32>} : memref<320x32xf32, #tpu.memory_space<vmem>>, vector<16xf32>,
            %sub3A_242 = arith.subf %get3A_238, %get3A_241 : vector<16xf32>
            %get3A_243 = arith.index_cast %add3A_235 : i32 to index
            %get3A_244 = arith.constant 16 : index
            %get3A_245 = tpu.vector_load %arg12[%get3A_243, %get3A_244] {strides = array<i32>} : memref<320x32xf32, #tpu.memory_space<vmem>>, vector<16xf32>,
            %get3A_246 = arith.index_cast %add3A_235 : i32 to index
            %get3A_247 = arith.constant 16 : index
            %get3A_248 = tpu.vector_load %arg15[%get3A_246, %get3A_247] {strides = array<i32>} : memref<320x32xf32, #tpu.memory_space<vmem>>, vector<16xf32>,
            %sub3A_249 = arith.subf %get3A_245, %get3A_248 : vector<16xf32>
            %mul3A_250 = arith.mulf %sub3A_242, %sub3A_242 : vector<16xf32>
            %mul3A_251 = arith.mulf %sub3A_249, %sub3A_249 : vector<16xf32>
            %add3A_252 = arith.addf %mul3A_250, %mul3A_251 : vector<16xf32>
            %add3A_253 = arith.constant 3 : i32
            %add3A_254 = arith.addi %mul3A_197, %add3A_253 : i32
            %get3A_255 = arith.index_cast %add3A_254 : i32 to index
            %get3A_256 = arith.constant 0 : index
            %get3A_257 = tpu.vector_load %arg12[%get3A_255, %get3A_256] {strides = array<i32>} : memref<320x32xf32, #tpu.memory_space<vmem>>, vector<16xf32>,
            %get3A_258 = arith.index_cast %add3A_254 : i32 to index
            %get3A_259 = arith.constant 0 : index
            %get3A_260 = tpu.vector_load %arg15[%get3A_258, %get3A_259] {strides = array<i32>} : memref<320x32xf32, #tpu.memory_space<vmem>>, vector<16xf32>,
            %sub3A_261 = arith.subf %get3A_257, %get3A_260 : vector<16xf32>
            %get3A_262 = arith.index_cast %add3A_254 : i32 to index
            %get3A_263 = arith.constant 16 : index
            %get3A_264 = tpu.vector_load %arg12[%get3A_262, %get3A_263] {strides = array<i32>} : memref<320x32xf32, #tpu.memory_space<vmem>>, vector<16xf32>,
            %get3A_265 = arith.index_cast %add3A_254 : i32 to index
            %get3A_266 = arith.constant 16 : index
            %get3A_267 = tpu.vector_load %arg15[%get3A_265, %get3A_266] {strides = array<i32>} : memref<320x32xf32, #tpu.memory_space<vmem>>, vector<16xf32>,
            %sub3A_268 = arith.subf %get3A_264, %get3A_267 : vector<16xf32>
            %mul3A_269 = arith.mulf %sub3A_261, %sub3A_261 : vector<16xf32>
            %mul3A_270 = arith.mulf %sub3A_268, %sub3A_268 : vector<16xf32>
            %add3A_271 = arith.addf %mul3A_269, %mul3A_270 : vector<16xf32>
            %add3A_272 = arith.constant 4 : i32
            %add3A_273 = arith.addi %mul3A_197, %add3A_272 : i32
            %get3A_274 = arith.index_cast %add3A_273 : i32 to index
            %get3A_275 = arith.constant 0 : index
            %get3A_276 = tpu.vector_load %arg12[%get3A_274, %get3A_275] {strides = array<i32>} : memref<320x32xf32, #tpu.memory_space<vmem>>, vector<16xf32>,
            %get3A_277 = arith.index_cast %add3A_273 : i32 to index
            %get3A_278 = arith.constant 0 : index
            %get3A_279 = tpu.vector_load %arg15[%get3A_277, %get3A_278] {strides = array<i32>} : memref<320x32xf32, #tpu.memory_space<vmem>>, vector<16xf32>,
            %sub3A_280 = arith.subf %get3A_276, %get3A_279 : vector<16xf32>
            %get3A_281 = arith.index_cast %add3A_273 : i32 to index
            %get3A_282 = arith.constant 16 : index
            %get3A_283 = tpu.vector_load %arg12[%get3A_281, %get3A_282] {strides = array<i32>} : memref<320x32xf32, #tpu.memory_space<vmem>>, vector<16xf32>,
            %get3A_284 = arith.index_cast %add3A_273 : i32 to index
            %get3A_285 = arith.constant 16 : index
            %get3A_286 = tpu.vector_load %arg15[%get3A_284, %get3A_285] {strides = array<i32>} : memref<320x32xf32, #tpu.memory_space<vmem>>, vector<16xf32>,
            %sub3A_287 = arith.subf %get3A_283, %get3A_286 : vector<16xf32>
            %mul3A_288 = arith.mulf %sub3A_280, %sub3A_280 : vector<16xf32>
            %mul3A_289 = arith.mulf %sub3A_287, %sub3A_287 : vector<16xf32>
            %add3A_290 = arith.addf %mul3A_288, %mul3A_289 : vector<16xf32>
            %add3A_291 = arith.constant 5 : i32
            %add3A_292 = arith.addi %mul3A_197, %add3A_291 : i32
            %get3A_293 = arith.index_cast %add3A_292 : i32 to index
            %get3A_294 = arith.constant 0 : index
            %get3A_295 = tpu.vector_load %arg12[%get3A_293, %get3A_294] {strides = array<i32>} : memref<320x32xf32, #tpu.memory_space<vmem>>, vector<16xf32>,
            %get3A_296 = arith.index_cast %add3A_292 : i32 to index
            %get3A_297 = arith.constant 0 : index
            %get3A_298 = tpu.vector_load %arg15[%get3A_296, %get3A_297] {strides = array<i32>} : memref<320x32xf32, #tpu.memory_space<vmem>>, vector<16xf32>,
            %sub3A_299 = arith.subf %get3A_295, %get3A_298 : vector<16xf32>
            %get3A_300 = arith.index_cast %add3A_292 : i32 to index
            %get3A_301 = arith.constant 16 : index
            %get3A_302 = tpu.vector_load %arg12[%get3A_300, %get3A_301] {strides = array<i32>} : memref<320x32xf32, #tpu.memory_space<vmem>>, vector<16xf32>,
            %get3A_303 = arith.index_cast %add3A_292 : i32 to index
            %get3A_304 = arith.constant 16 : index
            %get3A_305 = tpu.vector_load %arg15[%get3A_303, %get3A_304] {strides = array<i32>} : memref<320x32xf32, #tpu.memory_space<vmem>>, vector<16xf32>,
            %sub3A_306 = arith.subf %get3A_302, %get3A_305 : vector<16xf32>
            %mul3A_307 = arith.mulf %sub3A_299, %sub3A_299 : vector<16xf32>
            %mul3A_308 = arith.mulf %sub3A_306, %sub3A_306 : vector<16xf32>
            %add3A_309 = arith.addf %mul3A_307, %mul3A_308 : vector<16xf32>
            %add3A_310 = arith.constant 6 : i32
            %add3A_311 = arith.addi %mul3A_197, %add3A_310 : i32
            %get3A_312 = arith.index_cast %add3A_311 : i32 to index
            %get3A_313 = arith.constant 0 : index
            %get3A_314 = tpu.vector_load %arg12[%get3A_312, %get3A_313] {strides = array<i32>} : memref<320x32xf32, #tpu.memory_space<vmem>>, vector<16xf32>,
            %get3A_315 = arith.index_cast %add3A_311 : i32 to index
            %get3A_316 = arith.constant 0 : index
            %get3A_317 = tpu.vector_load %arg15[%get3A_315, %get3A_316] {strides = array<i32>} : memref<320x32xf32, #tpu.memory_space<vmem>>, vector<16xf32>,
            %sub3A_318 = arith.subf %get3A_314, %get3A_317 : vector<16xf32>
            %get3A_319 = arith.index_cast %add3A_311 : i32 to index
            %get3A_320 = arith.constant 16 : index
            %get3A_321 = tpu.vector_load %arg12[%get3A_319, %get3A_320] {strides = array<i32>} : memref<320x32xf32, #tpu.memory_space<vmem>>, vector<16xf32>,
            %get3A_322 = arith.index_cast %add3A_311 : i32 to index
            %get3A_323 = arith.constant 16 : index
            %get3A_324 = tpu.vector_load %arg15[%get3A_322, %get3A_323] {strides = array<i32>} : memref<320x32xf32, #tpu.memory_space<vmem>>, vector<16xf32>,
            %sub3A_325 = arith.subf %get3A_321, %get3A_324 : vector<16xf32>
            %mul3A_326 = arith.mulf %sub3A_318, %sub3A_318 : vector<16xf32>
            %mul3A_327 = arith.mulf %sub3A_325, %sub3A_325 : vector<16xf32>
            %add3A_328 = arith.addf %mul3A_326, %mul3A_327 : vector<16xf32>
            %add3A_329 = arith.constant 7 : i32
            %add3A_330 = arith.addi %mul3A_197, %add3A_329 : i32
            %get3A_331 = arith.index_cast %add3A_330 : i32 to index
            %get3A_332 = arith.constant 0 : index
            %get3A_333 = tpu.vector_load %arg12[%get3A_331, %get3A_332] {strides = array<i32>} : memref<320x32xf32, #tpu.memory_space<vmem>>, vector<16xf32>,
            %get3A_334 = arith.index_cast %add3A_330 : i32 to index
            %get3A_335 = arith.constant 0 : index
            %get3A_336 = tpu.vector_load %arg15[%get3A_334, %get3A_335] {strides = array<i32>} : memref<320x32xf32, #tpu.memory_space<vmem>>, vector<16xf32>,
            %sub3A_337 = arith.subf %get3A_333, %get3A_336 : vector<16xf32>
            %get3A_338 = arith.index_cast %add3A_330 : i32 to index
            %get3A_339 = arith.constant 16 : index
            %get3A_340 = tpu.vector_load %arg12[%get3A_338, %get3A_339] {strides = array<i32>} : memref<320x32xf32, #tpu.memory_space<vmem>>, vector<16xf32>,
            %get3A_341 = arith.index_cast %add3A_330 : i32 to index
            %get3A_342 = arith.constant 16 : index
            %get3A_343 = tpu.vector_load %arg15[%get3A_341, %get3A_342] {strides = array<i32>} : memref<320x32xf32, #tpu.memory_space<vmem>>, vector<16xf32>,
            %sub3A_344 = arith.subf %get3A_340, %get3A_343 : vector<16xf32>
            %mul3A_345 = arith.mulf %sub3A_337, %sub3A_337 : vector<16xf32>
            %mul3A_346 = arith.mulf %sub3A_344, %sub3A_344 : vector<16xf32>
            %add3A_347 = arith.addf %mul3A_345, %mul3A_346 : vector<16xf32>
            %add3A_348 = arith.constant 8 : i32
            %add3A_349 = arith.addi %mul3A_197, %add3A_348 : i32
            %get3A_350 = arith.index_cast %add3A_349 : i32 to index
            %get3A_351 = arith.constant 0 : index
            %get3A_352 = tpu.vector_load %arg12[%get3A_350, %get3A_351] {strides = array<i32>} : memref<320x32xf32, #tpu.memory_space<vmem>>, vector<16xf32>,
            %get3A_353 = arith.index_cast %add3A_349 : i32 to index
            %get3A_354 = arith.constant 0 : index
            %get3A_355 = tpu.vector_load %arg15[%get3A_353, %get3A_354] {strides = array<i32>} : memref<320x32xf32, #tpu.memory_space<vmem>>, vector<16xf32>,
            %sub3A_356 = arith.subf %get3A_352, %get3A_355 : vector<16xf32>
            %get3A_357 = arith.index_cast %add3A_349 : i32 to index
            %get3A_358 = arith.constant 16 : index
            %get3A_359 = tpu.vector_load %arg12[%get3A_357, %get3A_358] {strides = array<i32>} : memref<320x32xf32, #tpu.memory_space<vmem>>, vector<16xf32>,
            %get3A_360 = arith.index_cast %add3A_349 : i32 to index
            %get3A_361 = arith.constant 16 : index
            %get3A_362 = tpu.vector_load %arg15[%get3A_360, %get3A_361] {strides = array<i32>} : memref<320x32xf32, #tpu.memory_space<vmem>>, vector<16xf32>,
            %sub3A_363 = arith.subf %get3A_359, %get3A_362 : vector<16xf32>
            %mul3A_364 = arith.mulf %sub3A_356, %sub3A_356 : vector<16xf32>
            %mul3A_365 = arith.mulf %sub3A_363, %sub3A_363 : vector<16xf32>
            %add3A_366 = arith.addf %mul3A_364, %mul3A_365 : vector<16xf32>
            %add3A_367 = arith.constant 9 : i32
            %add3A_368 = arith.addi %mul3A_197, %add3A_367 : i32
            %get3A_369 = arith.index_cast %add3A_368 : i32 to index
            %get3A_370 = arith.constant 0 : index
            %get3A_371 = tpu.vector_load %arg12[%get3A_369, %get3A_370] {strides = array<i32>} : memref<320x32xf32, #tpu.memory_space<vmem>>, vector<16xf32>,
            %get3A_372 = arith.index_cast %add3A_368 : i32 to index
            %get3A_373 = arith.constant 0 : index
            %get3A_374 = tpu.vector_load %arg15[%get3A_372, %get3A_373] {strides = array<i32>} : memref<320x32xf32, #tpu.memory_space<vmem>>, vector<16xf32>,
            %sub3A_375 = arith.subf %get3A_371, %get3A_374 : vector<16xf32>
            %get3A_376 = arith.index_cast %add3A_368 : i32 to index
            %get3A_377 = arith.constant 16 : index
            %get3A_378 = tpu.vector_load %arg12[%get3A_376, %get3A_377] {strides = array<i32>} : memref<320x32xf32, #tpu.memory_space<vmem>>, vector<16xf32>,
            %get3A_379 = arith.index_cast %add3A_368 : i32 to index
            %get3A_380 = arith.constant 16 : index
            %get3A_381 = tpu.vector_load %arg15[%get3A_379, %get3A_380] {strides = array<i32>} : memref<320x32xf32, #tpu.memory_space<vmem>>, vector<16xf32>,
            %sub3A_382 = arith.subf %get3A_378, %get3A_381 : vector<16xf32>
            %mul3A_383 = arith.mulf %sub3A_375, %sub3A_375 : vector<16xf32>
            %mul3A_384 = arith.mulf %sub3A_382, %sub3A_382 : vector<16xf32>
            %add3A_385 = arith.addf %mul3A_383, %mul3A_384 : vector<16xf32>
            %add3A_386 = arith.constant 10 : i32
            %add3A_387 = arith.addi %mul3A_197, %add3A_386 : i32
            %get3A_388 = arith.index_cast %add3A_387 : i32 to index
            %get3A_389 = arith.constant 0 : index
            %get3A_390 = tpu.vector_load %arg12[%get3A_388, %get3A_389] {strides = array<i32>} : memref<320x32xf32, #tpu.memory_space<vmem>>, vector<16xf32>,
            %get3A_391 = arith.index_cast %add3A_387 : i32 to index
            %get3A_392 = arith.constant 0 : index
            %get3A_393 = tpu.vector_load %arg15[%get3A_391, %get3A_392] {strides = array<i32>} : memref<320x32xf32, #tpu.memory_space<vmem>>, vector<16xf32>,
            %sub3A_394 = arith.subf %get3A_390, %get3A_393 : vector<16xf32>
            %get3A_395 = arith.index_cast %add3A_387 : i32 to index
            %get3A_396 = arith.constant 16 : index
            %get3A_397 = tpu.vector_load %arg12[%get3A_395, %get3A_396] {strides = array<i32>} : memref<320x32xf32, #tpu.memory_space<vmem>>, vector<16xf32>,
            %get3A_398 = arith.index_cast %add3A_387 : i32 to index
            %get3A_399 = arith.constant 16 : index
            %get3A_400 = tpu.vector_load %arg15[%get3A_398, %get3A_399] {strides = array<i32>} : memref<320x32xf32, #tpu.memory_space<vmem>>, vector<16xf32>,
            %sub3A_401 = arith.subf %get3A_397, %get3A_400 : vector<16xf32>
            %mul3A_402 = arith.mulf %sub3A_394, %sub3A_394 : vector<16xf32>
            %mul3A_403 = arith.mulf %sub3A_401, %sub3A_401 : vector<16xf32>
            %add3A_404 = arith.addf %mul3A_402, %mul3A_403 : vector<16xf32>
            %add3A_405 = arith.constant 11 : i32
            %add3A_406 = arith.addi %mul3A_197, %add3A_405 : i32
            %get3A_407 = arith.index_cast %add3A_406 : i32 to index
            %get3A_408 = arith.constant 0 : index
            %get3A_409 = tpu.vector_load %arg12[%get3A_407, %get3A_408] {strides = array<i32>} : memref<320x32xf32, #tpu.memory_space<vmem>>, vector<16xf32>,
            %get3A_410 = arith.index_cast %add3A_406 : i32 to index
            %get3A_411 = arith.constant 0 : index
            %get3A_412 = tpu.vector_load %arg15[%get3A_410, %get3A_411] {strides = array<i32>} : memref<320x32xf32, #tpu.memory_space<vmem>>, vector<16xf32>,
            %sub3A_413 = arith.subf %get3A_409, %get3A_412 : vector<16xf32>
            %get3A_414 = arith.index_cast %add3A_406 : i32 to index
            %get3A_415 = arith.constant 16 : index
            %get3A_416 = tpu.vector_load %arg12[%get3A_414, %get3A_415] {strides = array<i32>} : memref<320x32xf32, #tpu.memory_space<vmem>>, vector<16xf32>,
            %get3A_417 = arith.index_cast %add3A_406 : i32 to index
            %get3A_418 = arith.constant 16 : index
            %get3A_419 = tpu.vector_load %arg15[%get3A_417, %get3A_418] {strides = array<i32>} : memref<320x32xf32, #tpu.memory_space<vmem>>, vector<16xf32>,
            %sub3A_420 = arith.subf %get3A_416, %get3A_419 : vector<16xf32>
            %mul3A_421 = arith.mulf %sub3A_413, %sub3A_413 : vector<16xf32>
            %mul3A_422 = arith.mulf %sub3A_420, %sub3A_420 : vector<16xf32>
            %add3A_423 = arith.addf %mul3A_421, %mul3A_422 : vector<16xf32>
            %add3A_424 = arith.constant 12 : i32
            %add3A_425 = arith.addi %mul3A_197, %add3A_424 : i32
            %get3A_426 = arith.index_cast %add3A_425 : i32 to index
            %get3A_427 = arith.constant 0 : index
            %get3A_428 = tpu.vector_load %arg12[%get3A_426, %get3A_427] {strides = array<i32>} : memref<320x32xf32, #tpu.memory_space<vmem>>, vector<16xf32>,
            %get3A_429 = arith.index_cast %add3A_425 : i32 to index
            %get3A_430 = arith.constant 0 : index
            %get3A_431 = tpu.vector_load %arg15[%get3A_429, %get3A_430] {strides = array<i32>} : memref<320x32xf32, #tpu.memory_space<vmem>>, vector<16xf32>,
            %sub3A_432 = arith.subf %get3A_428, %get3A_431 : vector<16xf32>
            %get3A_433 = arith.index_cast %add3A_425 : i32 to index
            %get3A_434 = arith.constant 16 : index
            %get3A_435 = tpu.vector_load %arg12[%get3A_433, %get3A_434] {strides = array<i32>} : memref<320x32xf32, #tpu.memory_space<vmem>>, vector<16xf32>,
            %get3A_436 = arith.index_cast %add3A_425 : i32 to index
            %get3A_437 = arith.constant 16 : index
            %get3A_438 = tpu.vector_load %arg15[%get3A_436, %get3A_437] {strides = array<i32>} : memref<320x32xf32, #tpu.memory_space<vmem>>, vector<16xf32>,
            %sub3A_439 = arith.subf %get3A_435, %get3A_438 : vector<16xf32>
            %mul3A_440 = arith.mulf %sub3A_432, %sub3A_432 : vector<16xf32>
            %mul3A_441 = arith.mulf %sub3A_439, %sub3A_439 : vector<16xf32>
            %add3A_442 = arith.addf %mul3A_440, %mul3A_441 : vector<16xf32>
            %add3A_443 = arith.constant 13 : i32
            %add3A_444 = arith.addi %mul3A_197, %add3A_443 : i32
            %get3A_445 = arith.index_cast %add3A_444 : i32 to index
            %get3A_446 = arith.constant 0 : index
            %get3A_447 = tpu.vector_load %arg12[%get3A_445, %get3A_446] {strides = array<i32>} : memref<320x32xf32, #tpu.memory_space<vmem>>, vector<16xf32>,
            %get3A_448 = arith.index_cast %add3A_444 : i32 to index
            %get3A_449 = arith.constant 0 : index
            %get3A_450 = tpu.vector_load %arg15[%get3A_448, %get3A_449] {strides = array<i32>} : memref<320x32xf32, #tpu.memory_space<vmem>>, vector<16xf32>,
            %sub3A_451 = arith.subf %get3A_447, %get3A_450 : vector<16xf32>
            %get3A_452 = arith.index_cast %add3A_444 : i32 to index
            %get3A_453 = arith.constant 16 : index
            %get3A_454 = tpu.vector_load %arg12[%get3A_452, %get3A_453] {strides = array<i32>} : memref<320x32xf32, #tpu.memory_space<vmem>>, vector<16xf32>,
            %get3A_455 = arith.index_cast %add3A_444 : i32 to index
            %get3A_456 = arith.constant 16 : index
            %get3A_457 = tpu.vector_load %arg15[%get3A_455, %get3A_456] {strides = array<i32>} : memref<320x32xf32, #tpu.memory_space<vmem>>, vector<16xf32>,
            %sub3A_458 = arith.subf %get3A_454, %get3A_457 : vector<16xf32>
            %mul3A_459 = arith.mulf %sub3A_451, %sub3A_451 : vector<16xf32>
            %mul3A_460 = arith.mulf %sub3A_458, %sub3A_458 : vector<16xf32>
            %add3A_461 = arith.addf %mul3A_459, %mul3A_460 : vector<16xf32>
            %add3A_462 = arith.constant 14 : i32
            %add3A_463 = arith.addi %mul3A_197, %add3A_462 : i32
            %get3A_464 = arith.index_cast %add3A_463 : i32 to index
            %get3A_465 = arith.constant 0 : index
            %get3A_466 = tpu.vector_load %arg12[%get3A_464, %get3A_465] {strides = array<i32>} : memref<320x32xf32, #tpu.memory_space<vmem>>, vector<16xf32>,
            %get3A_467 = arith.index_cast %add3A_463 : i32 to index
            %get3A_468 = arith.constant 0 : index
            %get3A_469 = tpu.vector_load %arg15[%get3A_467, %get3A_468] {strides = array<i32>} : memref<320x32xf32, #tpu.memory_space<vmem>>, vector<16xf32>,
            %sub3A_470 = arith.subf %get3A_466, %get3A_469 : vector<16xf32>
            %get3A_471 = arith.index_cast %add3A_463 : i32 to index
            %get3A_472 = arith.constant 16 : index
            %get3A_473 = tpu.vector_load %arg12[%get3A_471, %get3A_472] {strides = array<i32>} : memref<320x32xf32, #tpu.memory_space<vmem>>, vector<16xf32>,
            %get3A_474 = arith.index_cast %add3A_463 : i32 to index
            %get3A_475 = arith.constant 16 : index
            %get3A_476 = tpu.vector_load %arg15[%get3A_474, %get3A_475] {strides = array<i32>} : memref<320x32xf32, #tpu.memory_space<vmem>>, vector<16xf32>,
            %sub3A_477 = arith.subf %get3A_473, %get3A_476 : vector<16xf32>
            %mul3A_478 = arith.mulf %sub3A_470, %sub3A_470 : vector<16xf32>
            %mul3A_479 = arith.mulf %sub3A_477, %sub3A_477 : vector<16xf32>
            %add3A_480 = arith.addf %mul3A_478, %mul3A_479 : vector<16xf32>
            %add3A_481 = arith.constant 15 : i32
            %add3A_482 = arith.addi %mul3A_197, %add3A_481 : i32
            %get3A_483 = arith.index_cast %add3A_482 : i32 to index
            %get3A_484 = arith.constant 0 : index
            %get3A_485 = tpu.vector_load %arg12[%get3A_483, %get3A_484] {strides = array<i32>} : memref<320x32xf32, #tpu.memory_space<vmem>>, vector<16xf32>,
            %get3A_486 = arith.index_cast %add3A_482 : i32 to index
            %get3A_487 = arith.constant 0 : index
            %get3A_488 = tpu.vector_load %arg15[%get3A_486, %get3A_487] {strides = array<i32>} : memref<320x32xf32, #tpu.memory_space<vmem>>, vector<16xf32>,
            %sub3A_489 = arith.subf %get3A_485, %get3A_488 : vector<16xf32>
            %get3A_490 = arith.index_cast %add3A_482 : i32 to index
            %get3A_491 = arith.constant 16 : index
            %get3A_492 = tpu.vector_load %arg12[%get3A_490, %get3A_491] {strides = array<i32>} : memref<320x32xf32, #tpu.memory_space<vmem>>, vector<16xf32>,
            %get3A_493 = arith.index_cast %add3A_482 : i32 to index
            %get3A_494 = arith.constant 16 : index
            %get3A_495 = tpu.vector_load %arg15[%get3A_493, %get3A_494] {strides = array<i32>} : memref<320x32xf32, #tpu.memory_space<vmem>>, vector<16xf32>,
            %sub3A_496 = arith.subf %get3A_492, %get3A_495 : vector<16xf32>
            %mul3A_497 = arith.mulf %sub3A_489, %sub3A_489 : vector<16xf32>
            %mul3A_498 = arith.mulf %sub3A_496, %sub3A_496 : vector<16xf32>
            %add3A_499 = arith.addf %mul3A_497, %mul3A_498 : vector<16xf32>
            %broadcast_in_dim3A_500 = vector.shape_cast %xor3A_8 : vector<16xi32> to vector<16x1xi32>
            %gather3A = vector.shape_cast %broadcast_in_dim3A_500 : vector<16x1xi32> to vector<16xi32>
            %gather3A_501 = tpu.dynamic_gather %add3A_233[%gather3A] in [0] : vector<16xf32>, vector<16xi32> -> vector<16xf32>
            %select_n3A_502 = arith.select %lt3A_4, %add3A_214, %gather3A_501 : vector<16xi1>, vector<16xf32>
            %broadcast_in_dim3A_503 = vector.shape_cast %xor3A_8 : vector<16xi32> to vector<16x1xi32>
            %gather3A_504 = vector.shape_cast %broadcast_in_dim3A_503 : vector<16x1xi32> to vector<16xi32>
            %gather3A_505 = tpu.dynamic_gather %add3A_214[%gather3A_504] in [0] : vector<16xf32>, vector<16xi32> -> vector<16xf32>
            %select_n3A_506 = arith.select %lt3A_4, %gather3A_505, %add3A_233 : vector<16xi1>, vector<16xf32>
            %add3A_507 = arith.addf %select_n3A_502, %select_n3A_506 : vector<16xf32>
            %broadcast_in_dim3A_508 = vector.shape_cast %xor3A_8 : vector<16xi32> to vector<16x1xi32>
            %gather3A_509 = vector.shape_cast %broadcast_in_dim3A_508 : vector<16x1xi32> to vector<16xi32>
            %gather3A_510 = tpu.dynamic_gather %add3A_271[%gather3A_509] in [0] : vector<16xf32>, vector<16xi32> -> vector<16xf32>
            %select_n3A_511 = arith.select %lt3A_4, %add3A_252, %gather3A_510 : vector<16xi1>, vector<16xf32>
            %broadcast_in_dim3A_512 = vector.shape_cast %xor3A_8 : vector<16xi32> to vector<16x1xi32>
            %gather3A_513 = vector.shape_cast %broadcast_in_dim3A_512 : vector<16x1xi32> to vector<16xi32>
            %gather3A_514 = tpu.dynamic_gather %add3A_252[%gather3A_513] in [0] : vector<16xf32>, vector<16xi32> -> vector<16xf32>
            %select_n3A_515 = arith.select %lt3A_4, %gather3A_514, %add3A_271 : vector<16xi1>, vector<16xf32>
            %add3A_516 = arith.addf %select_n3A_511, %select_n3A_515 : vector<16xf32>
            %broadcast_in_dim3A_517 = vector.shape_cast %xor3A_8 : vector<16xi32> to vector<16x1xi32>
            %gather3A_518 = vector.shape_cast %broadcast_in_dim3A_517 : vector<16x1xi32> to vector<16xi32>
            %gather3A_519 = tpu.dynamic_gather %add3A_309[%gather3A_518] in [0] : vector<16xf32>, vector<16xi32> -> vector<16xf32>
            %select_n3A_520 = arith.select %lt3A_4, %add3A_290, %gather3A_519 : vector<16xi1>, vector<16xf32>
            %broadcast_in_dim3A_521 = vector.shape_cast %xor3A_8 : vector<16xi32> to vector<16x1xi32>
            %gather3A_522 = vector.shape_cast %broadcast_in_dim3A_521 : vector<16x1xi32> to vector<16xi32>
            %gather3A_523 = tpu.dynamic_gather %add3A_290[%gather3A_522] in [0] : vector<16xf32>, vector<16xi32> -> vector<16xf32>
            %select_n3A_524 = arith.select %lt3A_4, %gather3A_523, %add3A_309 : vector<16xi1>, vector<16xf32>
            %add3A_525 = arith.addf %select_n3A_520, %select_n3A_524 : vector<16xf32>
            %broadcast_in_dim3A_526 = vector.shape_cast %xor3A_8 : vector<16xi32> to vector<16x1xi32>
            %gather3A_527 = vector.shape_cast %broadcast_in_dim3A_526 : vector<16x1xi32> to vector<16xi32>
            %gather3A_528 = tpu.dynamic_gather %add3A_347[%gather3A_527] in [0] : vector<16xf32>, vector<16xi32> -> vector<16xf32>
            %select_n3A_529 = arith.select %lt3A_4, %add3A_328, %gather3A_528 : vector<16xi1>, vector<16xf32>
            %broadcast_in_dim3A_530 = vector.shape_cast %xor3A_8 : vector<16xi32> to vector<16x1xi32>
            %gather3A_531 = vector.shape_cast %broadcast_in_dim3A_530 : vector<16x1xi32> to vector<16xi32>
            %gather3A_532 = tpu.dynamic_gather %add3A_328[%gather3A_531] in [0] : vector<16xf32>, vector<16xi32> -> vector<16xf32>
            %select_n3A_533 = arith.select %lt3A_4, %gather3A_532, %add3A_347 : vector<16xi1>, vector<16xf32>
            %add3A_534 = arith.addf %select_n3A_529, %select_n3A_533 : vector<16xf32>
            %broadcast_in_dim3A_535 = vector.shape_cast %xor3A_8 : vector<16xi32> to vector<16x1xi32>
            %gather3A_536 = vector.shape_cast %broadcast_in_dim3A_535 : vector<16x1xi32> to vector<16xi32>
            %gather3A_537 = tpu.dynamic_gather %add3A_385[%gather3A_536] in [0] : vector<16xf32>, vector<16xi32> -> vector<16xf32>
            %select_n3A_538 = arith.select %lt3A_4, %add3A_366, %gather3A_537 : vector<16xi1>, vector<16xf32>
            %broadcast_in_dim3A_539 = vector.shape_cast %xor3A_8 : vector<16xi32> to vector<16x1xi32>
            %gather3A_540 = vector.shape_cast %broadcast_in_dim3A_539 : vector<16x1xi32> to vector<16xi32>
            %gather3A_541 = tpu.dynamic_gather %add3A_366[%gather3A_540] in [0] : vector<16xf32>, vector<16xi32> -> vector<16xf32>
            %select_n3A_542 = arith.select %lt3A_4, %gather3A_541, %add3A_385 : vector<16xi1>, vector<16xf32>
            %add3A_543 = arith.addf %select_n3A_538, %select_n3A_542 : vector<16xf32>
            %broadcast_in_dim3A_544 = vector.shape_cast %xor3A_8 : vector<16xi32> to vector<16x1xi32>
            %gather3A_545 = vector.shape_cast %broadcast_in_dim3A_544 : vector<16x1xi32> to vector<16xi32>
            %gather3A_546 = tpu.dynamic_gather %add3A_423[%gather3A_545] in [0] : vector<16xf32>, vector<16xi32> -> vector<16xf32>
            %select_n3A_547 = arith.select %lt3A_4, %add3A_404, %gather3A_546 : vector<16xi1>, vector<16xf32>
            %broadcast_in_dim3A_548 = vector.shape_cast %xor3A_8 : vector<16xi32> to vector<16x1xi32>
            %gather3A_549 = vector.shape_cast %broadcast_in_dim3A_548 : vector<16x1xi32> to vector<16xi32>
            %gather3A_550 = tpu.dynamic_gather %add3A_404[%gather3A_549] in [0] : vector<16xf32>, vector<16xi32> -> vector<16xf32>
            %select_n3A_551 = arith.select %lt3A_4, %gather3A_550, %add3A_423 : vector<16xi1>, vector<16xf32>
            %add3A_552 = arith.addf %select_n3A_547, %select_n3A_551 : vector<16xf32>
            %broadcast_in_dim3A_553 = vector.shape_cast %xor3A_8 : vector<16xi32> to vector<16x1xi32>
            %gather3A_554 = vector.shape_cast %broadcast_in_dim3A_553 : vector<16x1xi32> to vector<16xi32>
            %gather3A_555 = tpu.dynamic_gather %add3A_461[%gather3A_554] in [0] : vector<16xf32>, vector<16xi32> -> vector<16xf32>
            %select_n3A_556 = arith.select %lt3A_4, %add3A_442, %gather3A_555 : vector<16xi1>, vector<16xf32>
            %broadcast_in_dim3A_557 = vector.shape_cast %xor3A_8 : vector<16xi32> to vector<16x1xi32>
            %gather3A_558 = vector.shape_cast %broadcast_in_dim3A_557 : vector<16x1xi32> to vector<16xi32>
            %gather3A_559 = tpu.dynamic_gather %add3A_442[%gather3A_558] in [0] : vector<16xf32>, vector<16xi32> -> vector<16xf32>
            %select_n3A_560 = arith.select %lt3A_4, %gather3A_559, %add3A_461 : vector<16xi1>, vector<16xf32>
            %add3A_561 = arith.addf %select_n3A_556, %select_n3A_560 : vector<16xf32>
            %broadcast_in_dim3A_562 = vector.shape_cast %xor3A_8 : vector<16xi32> to vector<16x1xi32>
            %gather3A_563 = vector.shape_cast %broadcast_in_dim3A_562 : vector<16x1xi32> to vector<16xi32>
            %gather3A_564 = tpu.dynamic_gather %add3A_499[%gather3A_563] in [0] : vector<16xf32>, vector<16xi32> -> vector<16xf32>
            %select_n3A_565 = arith.select %lt3A_4, %add3A_480, %gather3A_564 : vector<16xi1>, vector<16xf32>
            %broadcast_in_dim3A_566 = vector.shape_cast %xor3A_8 : vector<16xi32> to vector<16x1xi32>
            %gather3A_567 = vector.shape_cast %broadcast_in_dim3A_566 : vector<16x1xi32> to vector<16xi32>
            %gather3A_568 = tpu.dynamic_gather %add3A_480[%gather3A_567] in [0] : vector<16xf32>, vector<16xi32> -> vector<16xf32>
            %select_n3A_569 = arith.select %lt3A_4, %gather3A_568, %add3A_499 : vector<16xi1>, vector<16xf32>
            %add3A_570 = arith.addf %select_n3A_565, %select_n3A_569 : vector<16xf32>
            %broadcast_in_dim3A_571 = vector.shape_cast %or3A : vector<16xi32> to vector<16x1xi32>
            %gather3A_572 = vector.shape_cast %broadcast_in_dim3A_571 : vector<16x1xi32> to vector<16xi32>
            %gather3A_573 = tpu.dynamic_gather %add3A_507[%gather3A_572] in [0] : vector<16xf32>, vector<16xi32> -> vector<16xf32>
            %broadcast_in_dim3A_574 = vector.shape_cast %or3A : vector<16xi32> to vector<16x1xi32>
            %gather3A_575 = vector.shape_cast %broadcast_in_dim3A_574 : vector<16x1xi32> to vector<16xi32>
            %gather3A_576 = tpu.dynamic_gather %add3A_516[%gather3A_575] in [0] : vector<16xf32>, vector<16xi32> -> vector<16xf32>
            %select_n3A_577 = arith.select %lt3A_4, %gather3A_573, %gather3A_576 : vector<16xi1>, vector<16xf32>
            %broadcast_in_dim3A_578 = vector.shape_cast %add3A_18 : vector<16xi32> to vector<16x1xi32>
            %gather3A_579 = vector.shape_cast %broadcast_in_dim3A_578 : vector<16x1xi32> to vector<16xi32>
            %gather3A_580 = tpu.dynamic_gather %add3A_507[%gather3A_579] in [0] : vector<16xf32>, vector<16xi32> -> vector<16xf32>
            %broadcast_in_dim3A_581 = vector.shape_cast %add3A_18 : vector<16xi32> to vector<16x1xi32>
            %gather3A_582 = vector.shape_cast %broadcast_in_dim3A_581 : vector<16x1xi32> to vector<16xi32>
            %gather3A_583 = tpu.dynamic_gather %add3A_516[%gather3A_582] in [0] : vector<16xf32>, vector<16xi32> -> vector<16xf32>
            %select_n3A_584 = arith.select %lt3A_4, %gather3A_580, %gather3A_583 : vector<16xi1>, vector<16xf32>
            %add3A_585 = arith.addf %select_n3A_577, %select_n3A_584 : vector<16xf32>
            %broadcast_in_dim3A_586 = vector.shape_cast %or3A : vector<16xi32> to vector<16x1xi32>
            %gather3A_587 = vector.shape_cast %broadcast_in_dim3A_586 : vector<16x1xi32> to vector<16xi32>
            %gather3A_588 = tpu.dynamic_gather %add3A_525[%gather3A_587] in [0] : vector<16xf32>, vector<16xi32> -> vector<16xf32>
            %broadcast_in_dim3A_589 = vector.shape_cast %or3A : vector<16xi32> to vector<16x1xi32>
            %gather3A_590 = vector.shape_cast %broadcast_in_dim3A_589 : vector<16x1xi32> to vector<16xi32>
            %gather3A_591 = tpu.dynamic_gather %add3A_534[%gather3A_590] in [0] : vector<16xf32>, vector<16xi32> -> vector<16xf32>
            %select_n3A_592 = arith.select %lt3A_4, %gather3A_588, %gather3A_591 : vector<16xi1>, vector<16xf32>
            %broadcast_in_dim3A_593 = vector.shape_cast %add3A_18 : vector<16xi32> to vector<16x1xi32>
            %gather3A_594 = vector.shape_cast %broadcast_in_dim3A_593 : vector<16x1xi32> to vector<16xi32>
            %gather3A_595 = tpu.dynamic_gather %add3A_525[%gather3A_594] in [0] : vector<16xf32>, vector<16xi32> -> vector<16xf32>
            %broadcast_in_dim3A_596 = vector.shape_cast %add3A_18 : vector<16xi32> to vector<16x1xi32>
            %gather3A_597 = vector.shape_cast %broadcast_in_dim3A_596 : vector<16x1xi32> to vector<16xi32>
            %gather3A_598 = tpu.dynamic_gather %add3A_534[%gather3A_597] in [0] : vector<16xf32>, vector<16xi32> -> vector<16xf32>
            %select_n3A_599 = arith.select %lt3A_4, %gather3A_595, %gather3A_598 : vector<16xi1>, vector<16xf32>
            %add3A_600 = arith.addf %select_n3A_592, %select_n3A_599 : vector<16xf32>
            %broadcast_in_dim3A_601 = vector.shape_cast %or3A : vector<16xi32> to vector<16x1xi32>
            %gather3A_602 = vector.shape_cast %broadcast_in_dim3A_601 : vector<16x1xi32> to vector<16xi32>
            %gather3A_603 = tpu.dynamic_gather %add3A_543[%gather3A_602] in [0] : vector<16xf32>, vector<16xi32> -> vector<16xf32>
            %broadcast_in_dim3A_604 = vector.shape_cast %or3A : vector<16xi32> to vector<16x1xi32>
            %gather3A_605 = vector.shape_cast %broadcast_in_dim3A_604 : vector<16x1xi32> to vector<16xi32>
            %gather3A_606 = tpu.dynamic_gather %add3A_552[%gather3A_605] in [0] : vector<16xf32>, vector<16xi32> -> vector<16xf32>
            %select_n3A_607 = arith.select %lt3A_4, %gather3A_603, %gather3A_606 : vector<16xi1>, vector<16xf32>
            %broadcast_in_dim3A_608 = vector.shape_cast %add3A_18 : vector<16xi32> to vector<16x1xi32>
            %gather3A_609 = vector.shape_cast %broadcast_in_dim3A_608 : vector<16x1xi32> to vector<16xi32>
            %gather3A_610 = tpu.dynamic_gather %add3A_543[%gather3A_609] in [0] : vector<16xf32>, vector<16xi32> -> vector<16xf32>
            %broadcast_in_dim3A_611 = vector.shape_cast %add3A_18 : vector<16xi32> to vector<16x1xi32>
            %gather3A_612 = vector.shape_cast %broadcast_in_dim3A_611 : vector<16x1xi32> to vector<16xi32>
            %gather3A_613 = tpu.dynamic_gather %add3A_552[%gather3A_612] in [0] : vector<16xf32>, vector<16xi32> -> vector<16xf32>
            %select_n3A_614 = arith.select %lt3A_4, %gather3A_610, %gather3A_613 : vector<16xi1>, vector<16xf32>
            %add3A_615 = arith.addf %select_n3A_607, %select_n3A_614 : vector<16xf32>
            %broadcast_in_dim3A_616 = vector.shape_cast %or3A : vector<16xi32> to vector<16x1xi32>
            %gather3A_617 = vector.shape_cast %broadcast_in_dim3A_616 : vector<16x1xi32> to vector<16xi32>
            %gather3A_618 = tpu.dynamic_gather %add3A_561[%gather3A_617] in [0] : vector<16xf32>, vector<16xi32> -> vector<16xf32>
            %broadcast_in_dim3A_619 = vector.shape_cast %or3A : vector<16xi32> to vector<16x1xi32>
            %gather3A_620 = vector.shape_cast %broadcast_in_dim3A_619 : vector<16x1xi32> to vector<16xi32>
            %gather3A_621 = tpu.dynamic_gather %add3A_570[%gather3A_620] in [0] : vector<16xf32>, vector<16xi32> -> vector<16xf32>
            %select_n3A_622 = arith.select %lt3A_4, %gather3A_618, %gather3A_621 : vector<16xi1>, vector<16xf32>
            %broadcast_in_dim3A_623 = vector.shape_cast %add3A_18 : vector<16xi32> to vector<16x1xi32>
            %gather3A_624 = vector.shape_cast %broadcast_in_dim3A_623 : vector<16x1xi32> to vector<16xi32>
            %gather3A_625 = tpu.dynamic_gather %add3A_561[%gather3A_624] in [0] : vector<16xf32>, vector<16xi32> -> vector<16xf32>
            %broadcast_in_dim3A_626 = vector.shape_cast %add3A_18 : vector<16xi32> to vector<16x1xi32>
            %gather3A_627 = vector.shape_cast %broadcast_in_dim3A_626 : vector<16x1xi32> to vector<16xi32>
            %gather3A_628 = tpu.dynamic_gather %add3A_570[%gather3A_627] in [0] : vector<16xf32>, vector<16xi32> -> vector<16xf32>
            %select_n3A_629 = arith.select %lt3A_4, %gather3A_625, %gather3A_628 : vector<16xi1>, vector<16xf32>
            %add3A_630 = arith.addf %select_n3A_622, %select_n3A_629 : vector<16xf32>
            %broadcast_in_dim3A_631 = vector.shape_cast %or3A_28 : vector<16xi32> to vector<16x1xi32>
            %gather3A_632 = vector.shape_cast %broadcast_in_dim3A_631 : vector<16x1xi32> to vector<16xi32>
            %gather3A_633 = tpu.dynamic_gather %add3A_585[%gather3A_632] in [0] : vector<16xf32>, vector<16xi32> -> vector<16xf32>
            %broadcast_in_dim3A_634 = vector.shape_cast %or3A_28 : vector<16xi32> to vector<16x1xi32>
            %gather3A_635 = vector.shape_cast %broadcast_in_dim3A_634 : vector<16x1xi32> to vector<16xi32>
            %gather3A_636 = tpu.dynamic_gather %add3A_600[%gather3A_635] in [0] : vector<16xf32>, vector<16xi32> -> vector<16xf32>
            %select_n3A_637 = arith.select %lt3A_4, %gather3A_633, %gather3A_636 : vector<16xi1>, vector<16xf32>
            %broadcast_in_dim3A_638 = vector.shape_cast %add3A_31 : vector<16xi32> to vector<16x1xi32>
            %gather3A_639 = vector.shape_cast %broadcast_in_dim3A_638 : vector<16x1xi32> to vector<16xi32>
            %gather3A_640 = tpu.dynamic_gather %add3A_585[%gather3A_639] in [0] : vector<16xf32>, vector<16xi32> -> vector<16xf32>
            %broadcast_in_dim3A_641 = vector.shape_cast %add3A_31 : vector<16xi32> to vector<16x1xi32>
            %gather3A_642 = vector.shape_cast %broadcast_in_dim3A_641 : vector<16x1xi32> to vector<16xi32>
            %gather3A_643 = tpu.dynamic_gather %add3A_600[%gather3A_642] in [0] : vector<16xf32>, vector<16xi32> -> vector<16xf32>
            %select_n3A_644 = arith.select %lt3A_4, %gather3A_640, %gather3A_643 : vector<16xi1>, vector<16xf32>
            %add3A_645 = arith.addf %select_n3A_637, %select_n3A_644 : vector<16xf32>
            %broadcast_in_dim3A_646 = vector.shape_cast %or3A_28 : vector<16xi32> to vector<16x1xi32>
            %gather3A_647 = vector.shape_cast %broadcast_in_dim3A_646 : vector<16x1xi32> to vector<16xi32>
            %gather3A_648 = tpu.dynamic_gather %add3A_615[%gather3A_647] in [0] : vector<16xf32>, vector<16xi32> -> vector<16xf32>
            %broadcast_in_dim3A_649 = vector.shape_cast %or3A_28 : vector<16xi32> to vector<16x1xi32>
            %gather3A_650 = vector.shape_cast %broadcast_in_dim3A_649 : vector<16x1xi32> to vector<16xi32>
            %gather3A_651 = tpu.dynamic_gather %add3A_630[%gather3A_650] in [0] : vector<16xf32>, vector<16xi32> -> vector<16xf32>
            %select_n3A_652 = arith.select %lt3A_4, %gather3A_648, %gather3A_651 : vector<16xi1>, vector<16xf32>
            %broadcast_in_dim3A_653 = vector.shape_cast %add3A_31 : vector<16xi32> to vector<16x1xi32>
            %gather3A_654 = vector.shape_cast %broadcast_in_dim3A_653 : vector<16x1xi32> to vector<16xi32>
            %gather3A_655 = tpu.dynamic_gather %add3A_615[%gather3A_654] in [0] : vector<16xf32>, vector<16xi32> -> vector<16xf32>
            %broadcast_in_dim3A_656 = vector.shape_cast %add3A_31 : vector<16xi32> to vector<16x1xi32>
            %gather3A_657 = vector.shape_cast %broadcast_in_dim3A_656 : vector<16x1xi32> to vector<16xi32>
            %gather3A_658 = tpu.dynamic_gather %add3A_630[%gather3A_657] in [0] : vector<16xf32>, vector<16xi32> -> vector<16xf32>
            %select_n3A_659 = arith.select %lt3A_4, %gather3A_655, %gather3A_658 : vector<16xi1>, vector<16xf32>
            %add3A_660 = arith.addf %select_n3A_652, %select_n3A_659 : vector<16xf32>
            %broadcast_in_dim3A_661 = vector.shape_cast %shift_left3A_34 : vector<16xi32> to vector<16x1xi32>
            %gather3A_662 = vector.shape_cast %broadcast_in_dim3A_661 : vector<16x1xi32> to vector<16xi32>
            %gather3A_663 = tpu.dynamic_gather %add3A_645[%gather3A_662] in [0] : vector<16xf32>, vector<16xi32> -> vector<16xf32>
            %broadcast_in_dim3A_664 = vector.shape_cast %shift_left3A_34 : vector<16xi32> to vector<16x1xi32>
            %gather3A_665 = vector.shape_cast %broadcast_in_dim3A_664 : vector<16x1xi32> to vector<16xi32>
            %gather3A_666 = tpu.dynamic_gather %add3A_660[%gather3A_665] in [0] : vector<16xf32>, vector<16xi32> -> vector<16xf32>
            %select_n3A_667 = arith.select %lt3A_4, %gather3A_663, %gather3A_666 : vector<16xi1>, vector<16xf32>
            %broadcast_in_dim3A_668 = vector.shape_cast %add3A_37 : vector<16xi32> to vector<16x1xi32>
            %gather3A_669 = vector.shape_cast %broadcast_in_dim3A_668 : vector<16x1xi32> to vector<16xi32>
            %gather3A_670 = tpu.dynamic_gather %add3A_645[%gather3A_669] in [0] : vector<16xf32>, vector<16xi32> -> vector<16xf32>
            %broadcast_in_dim3A_671 = vector.shape_cast %add3A_37 : vector<16xi32> to vector<16x1xi32>
            %gather3A_672 = vector.shape_cast %broadcast_in_dim3A_671 : vector<16x1xi32> to vector<16xi32>
            %gather3A_673 = tpu.dynamic_gather %add3A_660[%gather3A_672] in [0] : vector<16xf32>, vector<16xi32> -> vector<16xf32>
            %select_n3A_674 = arith.select %lt3A_4, %gather3A_670, %gather3A_673 : vector<16xi1>, vector<16xf32>
            %add3A_675 = arith.addf %select_n3A_667, %select_n3A_674 : vector<16xf32>
            %max3A = arith.constant 1.000000e-30 : f32
            %max3A_676 = vector.broadcast %max3A : f32 to vector<16xf32>
            %max3A_677 = arith.maximumf %add3A_675, %max3A_676 : vector<16xf32>
            %bitcast3A = vector.bitcast %max3A_677 : vector<16xf32> to vector<16xi32>
            %shift_right_logical3A = arith.constant 1 : i32
            %shift_right_logical3A_678 = vector.broadcast %shift_right_logical3A : i32 to vector<16xi32>
            %shift_right_logical3A_679 = arith.shrui %bitcast3A, %shift_right_logical3A_678 : vector<16xi32>
            %sub3A_680 = arith.constant 1597463007 : i32
            %sub3A_681 = vector.broadcast %sub3A_680 : i32 to vector<16xi32>
            %sub3A_682 = arith.subi %sub3A_681, %shift_right_logical3A_679 : vector<16xi32>
            %bitcast3A_683 = vector.bitcast %sub3A_682 : vector<16xi32> to vector<16xf32>
            %mul3A_684 = arith.constant 5.000000e-01 : f32
            %mul3A_685 = vector.broadcast %mul3A_684 : f32 to vector<16xf32>
            %mul3A_686 = arith.mulf %mul3A_685, %max3A_677 : vector<16xf32>
            %mul3A_687 = arith.mulf %mul3A_686, %bitcast3A_683 : vector<16xf32>
            %mul3A_688 = arith.mulf %mul3A_687, %bitcast3A_683 : vector<16xf32>
            %sub3A_689 = arith.constant 1.500000e+00 : f32
            %sub3A_690 = vector.broadcast %sub3A_689 : f32 to vector<16xf32>
            %sub3A_691 = arith.subf %sub3A_690, %mul3A_688 : vector<16xf32>
            %mul3A_692 = arith.mulf %bitcast3A_683, %sub3A_691 : vector<16xf32>
            %mul3A_693 = arith.mulf %max3A_677, %mul3A_692 : vector<16xf32>
            %add3A_694 = arith.constant 1 : i32
            %add3A_695 = arith.addi %add3A_195, %add3A_694 : i32
            %mul3A_696 = arith.constant 16 : i32
            %mul3A_697 = arith.muli %add3A_695, %mul3A_696 : i32
            %add3A_698 = arith.constant 0 : i32
            %add3A_699 = arith.addi %mul3A_697, %add3A_698 : i32
            %get3A_700 = arith.index_cast %add3A_699 : i32 to index
            %get3A_701 = arith.constant 0 : index
            %get3A_702 = tpu.vector_load %arg12[%get3A_700, %get3A_701] {strides = array<i32>} : memref<320x32xf32, #tpu.memory_space<vmem>>, vector<16xf32>,
            %get3A_703 = arith.index_cast %add3A_699 : i32 to index
            %get3A_704 = arith.constant 0 : index
            %get3A_705 = tpu.vector_load %arg15[%get3A_703, %get3A_704] {strides = array<i32>} : memref<320x32xf32, #tpu.memory_space<vmem>>, vector<16xf32>,
            %sub3A_706 = arith.subf %get3A_702, %get3A_705 : vector<16xf32>
            %get3A_707 = arith.index_cast %add3A_699 : i32 to index
            %get3A_708 = arith.constant 16 : index
            %get3A_709 = tpu.vector_load %arg12[%get3A_707, %get3A_708] {strides = array<i32>} : memref<320x32xf32, #tpu.memory_space<vmem>>, vector<16xf32>,
            %get3A_710 = arith.index_cast %add3A_699 : i32 to index
            %get3A_711 = arith.constant 16 : index
            %get3A_712 = tpu.vector_load %arg15[%get3A_710, %get3A_711] {strides = array<i32>} : memref<320x32xf32, #tpu.memory_space<vmem>>, vector<16xf32>,
            %sub3A_713 = arith.subf %get3A_709, %get3A_712 : vector<16xf32>
            %mul3A_714 = arith.mulf %sub3A_706, %sub3A_706 : vector<16xf32>
            %mul3A_715 = arith.mulf %sub3A_713, %sub3A_713 : vector<16xf32>
            %add3A_716 = arith.addf %mul3A_714, %mul3A_715 : vector<16xf32>
            %add3A_717 = arith.constant 1 : i32
            %add3A_718 = arith.addi %mul3A_697, %add3A_717 : i32
            %get3A_719 = arith.index_cast %add3A_718 : i32 to index
            %get3A_720 = arith.constant 0 : index
            %get3A_721 = tpu.vector_load %arg12[%get3A_719, %get3A_720] {strides = array<i32>} : memref<320x32xf32, #tpu.memory_space<vmem>>, vector<16xf32>,
            %get3A_722 = arith.index_cast %add3A_718 : i32 to index
            %get3A_723 = arith.constant 0 : index
            %get3A_724 = tpu.vector_load %arg15[%get3A_722, %get3A_723] {strides = array<i32>} : memref<320x32xf32, #tpu.memory_space<vmem>>, vector<16xf32>,
            %sub3A_725 = arith.subf %get3A_721, %get3A_724 : vector<16xf32>
            %get3A_726 = arith.index_cast %add3A_718 : i32 to index
            %get3A_727 = arith.constant 16 : index
            %get3A_728 = tpu.vector_load %arg12[%get3A_726, %get3A_727] {strides = array<i32>} : memref<320x32xf32, #tpu.memory_space<vmem>>, vector<16xf32>,
            %get3A_729 = arith.index_cast %add3A_718 : i32 to index
            %get3A_730 = arith.constant 16 : index
            %get3A_731 = tpu.vector_load %arg15[%get3A_729, %get3A_730] {strides = array<i32>} : memref<320x32xf32, #tpu.memory_space<vmem>>, vector<16xf32>,
            %sub3A_732 = arith.subf %get3A_728, %get3A_731 : vector<16xf32>
            %mul3A_733 = arith.mulf %sub3A_725, %sub3A_725 : vector<16xf32>
            %mul3A_734 = arith.mulf %sub3A_732, %sub3A_732 : vector<16xf32>
            %add3A_735 = arith.addf %mul3A_733, %mul3A_734 : vector<16xf32>
            %add3A_736 = arith.constant 2 : i32
            %add3A_737 = arith.addi %mul3A_697, %add3A_736 : i32
            %get3A_738 = arith.index_cast %add3A_737 : i32 to index
            %get3A_739 = arith.constant 0 : index
            %get3A_740 = tpu.vector_load %arg12[%get3A_738, %get3A_739] {strides = array<i32>} : memref<320x32xf32, #tpu.memory_space<vmem>>, vector<16xf32>,
            %get3A_741 = arith.index_cast %add3A_737 : i32 to index
            %get3A_742 = arith.constant 0 : index
            %get3A_743 = tpu.vector_load %arg15[%get3A_741, %get3A_742] {strides = array<i32>} : memref<320x32xf32, #tpu.memory_space<vmem>>, vector<16xf32>,
            %sub3A_744 = arith.subf %get3A_740, %get3A_743 : vector<16xf32>
            %get3A_745 = arith.index_cast %add3A_737 : i32 to index
            %get3A_746 = arith.constant 16 : index
            %get3A_747 = tpu.vector_load %arg12[%get3A_745, %get3A_746] {strides = array<i32>} : memref<320x32xf32, #tpu.memory_space<vmem>>, vector<16xf32>,
            %get3A_748 = arith.index_cast %add3A_737 : i32 to index
            %get3A_749 = arith.constant 16 : index
            %get3A_750 = tpu.vector_load %arg15[%get3A_748, %get3A_749] {strides = array<i32>} : memref<320x32xf32, #tpu.memory_space<vmem>>, vector<16xf32>,
            %sub3A_751 = arith.subf %get3A_747, %get3A_750 : vector<16xf32>
            %mul3A_752 = arith.mulf %sub3A_744, %sub3A_744 : vector<16xf32>
            %mul3A_753 = arith.mulf %sub3A_751, %sub3A_751 : vector<16xf32>
            %add3A_754 = arith.addf %mul3A_752, %mul3A_753 : vector<16xf32>
            %add3A_755 = arith.constant 3 : i32
            %add3A_756 = arith.addi %mul3A_697, %add3A_755 : i32
            %get3A_757 = arith.index_cast %add3A_756 : i32 to index
            %get3A_758 = arith.constant 0 : index
            %get3A_759 = tpu.vector_load %arg12[%get3A_757, %get3A_758] {strides = array<i32>} : memref<320x32xf32, #tpu.memory_space<vmem>>, vector<16xf32>,
            %get3A_760 = arith.index_cast %add3A_756 : i32 to index
            %get3A_761 = arith.constant 0 : index
            %get3A_762 = tpu.vector_load %arg15[%get3A_760, %get3A_761] {strides = array<i32>} : memref<320x32xf32, #tpu.memory_space<vmem>>, vector<16xf32>,
            %sub3A_763 = arith.subf %get3A_759, %get3A_762 : vector<16xf32>
            %get3A_764 = arith.index_cast %add3A_756 : i32 to index
            %get3A_765 = arith.constant 16 : index
            %get3A_766 = tpu.vector_load %arg12[%get3A_764, %get3A_765] {strides = array<i32>} : memref<320x32xf32, #tpu.memory_space<vmem>>, vector<16xf32>,
            %get3A_767 = arith.index_cast %add3A_756 : i32 to index
            %get3A_768 = arith.constant 16 : index
            %get3A_769 = tpu.vector_load %arg15[%get3A_767, %get3A_768] {strides = array<i32>} : memref<320x32xf32, #tpu.memory_space<vmem>>, vector<16xf32>,
            %sub3A_770 = arith.subf %get3A_766, %get3A_769 : vector<16xf32>
            %mul3A_771 = arith.mulf %sub3A_763, %sub3A_763 : vector<16xf32>
            %mul3A_772 = arith.mulf %sub3A_770, %sub3A_770 : vector<16xf32>
            %add3A_773 = arith.addf %mul3A_771, %mul3A_772 : vector<16xf32>
            %add3A_774 = arith.constant 4 : i32
            %add3A_775 = arith.addi %mul3A_697, %add3A_774 : i32
            %get3A_776 = arith.index_cast %add3A_775 : i32 to index
            %get3A_777 = arith.constant 0 : index
            %get3A_778 = tpu.vector_load %arg12[%get3A_776, %get3A_777] {strides = array<i32>} : memref<320x32xf32, #tpu.memory_space<vmem>>, vector<16xf32>,
            %get3A_779 = arith.index_cast %add3A_775 : i32 to index
            %get3A_780 = arith.constant 0 : index
            %get3A_781 = tpu.vector_load %arg15[%get3A_779, %get3A_780] {strides = array<i32>} : memref<320x32xf32, #tpu.memory_space<vmem>>, vector<16xf32>,
            %sub3A_782 = arith.subf %get3A_778, %get3A_781 : vector<16xf32>
            %get3A_783 = arith.index_cast %add3A_775 : i32 to index
            %get3A_784 = arith.constant 16 : index
            %get3A_785 = tpu.vector_load %arg12[%get3A_783, %get3A_784] {strides = array<i32>} : memref<320x32xf32, #tpu.memory_space<vmem>>, vector<16xf32>,
            %get3A_786 = arith.index_cast %add3A_775 : i32 to index
            %get3A_787 = arith.constant 16 : index
            %get3A_788 = tpu.vector_load %arg15[%get3A_786, %get3A_787] {strides = array<i32>} : memref<320x32xf32, #tpu.memory_space<vmem>>, vector<16xf32>,
            %sub3A_789 = arith.subf %get3A_785, %get3A_788 : vector<16xf32>
            %mul3A_790 = arith.mulf %sub3A_782, %sub3A_782 : vector<16xf32>
            %mul3A_791 = arith.mulf %sub3A_789, %sub3A_789 : vector<16xf32>
            %add3A_792 = arith.addf %mul3A_790, %mul3A_791 : vector<16xf32>
            %add3A_793 = arith.constant 5 : i32
            %add3A_794 = arith.addi %mul3A_697, %add3A_793 : i32
            %get3A_795 = arith.index_cast %add3A_794 : i32 to index
            %get3A_796 = arith.constant 0 : index
            %get3A_797 = tpu.vector_load %arg12[%get3A_795, %get3A_796] {strides = array<i32>} : memref<320x32xf32, #tpu.memory_space<vmem>>, vector<16xf32>,
            %get3A_798 = arith.index_cast %add3A_794 : i32 to index
            %get3A_799 = arith.constant 0 : index
            %get3A_800 = tpu.vector_load %arg15[%get3A_798, %get3A_799] {strides = array<i32>} : memref<320x32xf32, #tpu.memory_space<vmem>>, vector<16xf32>,
            %sub3A_801 = arith.subf %get3A_797, %get3A_800 : vector<16xf32>
            %get3A_802 = arith.index_cast %add3A_794 : i32 to index
            %get3A_803 = arith.constant 16 : index
            %get3A_804 = tpu.vector_load %arg12[%get3A_802, %get3A_803] {strides = array<i32>} : memref<320x32xf32, #tpu.memory_space<vmem>>, vector<16xf32>,
            %get3A_805 = arith.index_cast %add3A_794 : i32 to index
            %get3A_806 = arith.constant 16 : index
            %get3A_807 = tpu.vector_load %arg15[%get3A_805, %get3A_806] {strides = array<i32>} : memref<320x32xf32, #tpu.memory_space<vmem>>, vector<16xf32>,
            %sub3A_808 = arith.subf %get3A_804, %get3A_807 : vector<16xf32>
            %mul3A_809 = arith.mulf %sub3A_801, %sub3A_801 : vector<16xf32>
            %mul3A_810 = arith.mulf %sub3A_808, %sub3A_808 : vector<16xf32>
            %add3A_811 = arith.addf %mul3A_809, %mul3A_810 : vector<16xf32>
            %add3A_812 = arith.constant 6 : i32
            %add3A_813 = arith.addi %mul3A_697, %add3A_812 : i32
            %get3A_814 = arith.index_cast %add3A_813 : i32 to index
            %get3A_815 = arith.constant 0 : index
            %get3A_816 = tpu.vector_load %arg12[%get3A_814, %get3A_815] {strides = array<i32>} : memref<320x32xf32, #tpu.memory_space<vmem>>, vector<16xf32>,
            %get3A_817 = arith.index_cast %add3A_813 : i32 to index
            %get3A_818 = arith.constant 0 : index
            %get3A_819 = tpu.vector_load %arg15[%get3A_817, %get3A_818] {strides = array<i32>} : memref<320x32xf32, #tpu.memory_space<vmem>>, vector<16xf32>,
            %sub3A_820 = arith.subf %get3A_816, %get3A_819 : vector<16xf32>
            %get3A_821 = arith.index_cast %add3A_813 : i32 to index
            %get3A_822 = arith.constant 16 : index
            %get3A_823 = tpu.vector_load %arg12[%get3A_821, %get3A_822] {strides = array<i32>} : memref<320x32xf32, #tpu.memory_space<vmem>>, vector<16xf32>,
            %get3A_824 = arith.index_cast %add3A_813 : i32 to index
            %get3A_825 = arith.constant 16 : index
            %get3A_826 = tpu.vector_load %arg15[%get3A_824, %get3A_825] {strides = array<i32>} : memref<320x32xf32, #tpu.memory_space<vmem>>, vector<16xf32>,
            %sub3A_827 = arith.subf %get3A_823, %get3A_826 : vector<16xf32>
            %mul3A_828 = arith.mulf %sub3A_820, %sub3A_820 : vector<16xf32>
            %mul3A_829 = arith.mulf %sub3A_827, %sub3A_827 : vector<16xf32>
            %add3A_830 = arith.addf %mul3A_828, %mul3A_829 : vector<16xf32>
            %add3A_831 = arith.constant 7 : i32
            %add3A_832 = arith.addi %mul3A_697, %add3A_831 : i32
            %get3A_833 = arith.index_cast %add3A_832 : i32 to index
            %get3A_834 = arith.constant 0 : index
            %get3A_835 = tpu.vector_load %arg12[%get3A_833, %get3A_834] {strides = array<i32>} : memref<320x32xf32, #tpu.memory_space<vmem>>, vector<16xf32>,
            %get3A_836 = arith.index_cast %add3A_832 : i32 to index
            %get3A_837 = arith.constant 0 : index
            %get3A_838 = tpu.vector_load %arg15[%get3A_836, %get3A_837] {strides = array<i32>} : memref<320x32xf32, #tpu.memory_space<vmem>>, vector<16xf32>,
            %sub3A_839 = arith.subf %get3A_835, %get3A_838 : vector<16xf32>
            %get3A_840 = arith.index_cast %add3A_832 : i32 to index
            %get3A_841 = arith.constant 16 : index
            %get3A_842 = tpu.vector_load %arg12[%get3A_840, %get3A_841] {strides = array<i32>} : memref<320x32xf32, #tpu.memory_space<vmem>>, vector<16xf32>,
            %get3A_843 = arith.index_cast %add3A_832 : i32 to index
            %get3A_844 = arith.constant 16 : index
            %get3A_845 = tpu.vector_load %arg15[%get3A_843, %get3A_844] {strides = array<i32>} : memref<320x32xf32, #tpu.memory_space<vmem>>, vector<16xf32>,
            %sub3A_846 = arith.subf %get3A_842, %get3A_845 : vector<16xf32>
            %mul3A_847 = arith.mulf %sub3A_839, %sub3A_839 : vector<16xf32>
            %mul3A_848 = arith.mulf %sub3A_846, %sub3A_846 : vector<16xf32>
            %add3A_849 = arith.addf %mul3A_847, %mul3A_848 : vector<16xf32>
            %add3A_850 = arith.constant 8 : i32
            %add3A_851 = arith.addi %mul3A_697, %add3A_850 : i32
            %get3A_852 = arith.index_cast %add3A_851 : i32 to index
            %get3A_853 = arith.constant 0 : index
            %get3A_854 = tpu.vector_load %arg12[%get3A_852, %get3A_853] {strides = array<i32>} : memref<320x32xf32, #tpu.memory_space<vmem>>, vector<16xf32>,
            %get3A_855 = arith.index_cast %add3A_851 : i32 to index
            %get3A_856 = arith.constant 0 : index
            %get3A_857 = tpu.vector_load %arg15[%get3A_855, %get3A_856] {strides = array<i32>} : memref<320x32xf32, #tpu.memory_space<vmem>>, vector<16xf32>,
            %sub3A_858 = arith.subf %get3A_854, %get3A_857 : vector<16xf32>
            %get3A_859 = arith.index_cast %add3A_851 : i32 to index
            %get3A_860 = arith.constant 16 : index
            %get3A_861 = tpu.vector_load %arg12[%get3A_859, %get3A_860] {strides = array<i32>} : memref<320x32xf32, #tpu.memory_space<vmem>>, vector<16xf32>,
            %get3A_862 = arith.index_cast %add3A_851 : i32 to index
            %get3A_863 = arith.constant 16 : index
            %get3A_864 = tpu.vector_load %arg15[%get3A_862, %get3A_863] {strides = array<i32>} : memref<320x32xf32, #tpu.memory_space<vmem>>, vector<16xf32>,
            %sub3A_865 = arith.subf %get3A_861, %get3A_864 : vector<16xf32>
            %mul3A_866 = arith.mulf %sub3A_858, %sub3A_858 : vector<16xf32>
            %mul3A_867 = arith.mulf %sub3A_865, %sub3A_865 : vector<16xf32>
            %add3A_868 = arith.addf %mul3A_866, %mul3A_867 : vector<16xf32>
            %add3A_869 = arith.constant 9 : i32
            %add3A_870 = arith.addi %mul3A_697, %add3A_869 : i32
            %get3A_871 = arith.index_cast %add3A_870 : i32 to index
            %get3A_872 = arith.constant 0 : index
            %get3A_873 = tpu.vector_load %arg12[%get3A_871, %get3A_872] {strides = array<i32>} : memref<320x32xf32, #tpu.memory_space<vmem>>, vector<16xf32>,
            %get3A_874 = arith.index_cast %add3A_870 : i32 to index
            %get3A_875 = arith.constant 0 : index
            %get3A_876 = tpu.vector_load %arg15[%get3A_874, %get3A_875] {strides = array<i32>} : memref<320x32xf32, #tpu.memory_space<vmem>>, vector<16xf32>,
            %sub3A_877 = arith.subf %get3A_873, %get3A_876 : vector<16xf32>
            %get3A_878 = arith.index_cast %add3A_870 : i32 to index
            %get3A_879 = arith.constant 16 : index
            %get3A_880 = tpu.vector_load %arg12[%get3A_878, %get3A_879] {strides = array<i32>} : memref<320x32xf32, #tpu.memory_space<vmem>>, vector<16xf32>,
            %get3A_881 = arith.index_cast %add3A_870 : i32 to index
            %get3A_882 = arith.constant 16 : index
            %get3A_883 = tpu.vector_load %arg15[%get3A_881, %get3A_882] {strides = array<i32>} : memref<320x32xf32, #tpu.memory_space<vmem>>, vector<16xf32>,
            %sub3A_884 = arith.subf %get3A_880, %get3A_883 : vector<16xf32>
            %mul3A_885 = arith.mulf %sub3A_877, %sub3A_877 : vector<16xf32>
            %mul3A_886 = arith.mulf %sub3A_884, %sub3A_884 : vector<16xf32>
            %add3A_887 = arith.addf %mul3A_885, %mul3A_886 : vector<16xf32>
            %add3A_888 = arith.constant 10 : i32
            %add3A_889 = arith.addi %mul3A_697, %add3A_888 : i32
            %get3A_890 = arith.index_cast %add3A_889 : i32 to index
            %get3A_891 = arith.constant 0 : index
            %get3A_892 = tpu.vector_load %arg12[%get3A_890, %get3A_891] {strides = array<i32>} : memref<320x32xf32, #tpu.memory_space<vmem>>, vector<16xf32>,
            %get3A_893 = arith.index_cast %add3A_889 : i32 to index
            %get3A_894 = arith.constant 0 : index
            %get3A_895 = tpu.vector_load %arg15[%get3A_893, %get3A_894] {strides = array<i32>} : memref<320x32xf32, #tpu.memory_space<vmem>>, vector<16xf32>,
            %sub3A_896 = arith.subf %get3A_892, %get3A_895 : vector<16xf32>
            %get3A_897 = arith.index_cast %add3A_889 : i32 to index
            %get3A_898 = arith.constant 16 : index
            %get3A_899 = tpu.vector_load %arg12[%get3A_897, %get3A_898] {strides = array<i32>} : memref<320x32xf32, #tpu.memory_space<vmem>>, vector<16xf32>,
            %get3A_900 = arith.index_cast %add3A_889 : i32 to index
            %get3A_901 = arith.constant 16 : index
            %get3A_902 = tpu.vector_load %arg15[%get3A_900, %get3A_901] {strides = array<i32>} : memref<320x32xf32, #tpu.memory_space<vmem>>, vector<16xf32>,
            %sub3A_903 = arith.subf %get3A_899, %get3A_902 : vector<16xf32>
            %mul3A_904 = arith.mulf %sub3A_896, %sub3A_896 : vector<16xf32>
            %mul3A_905 = arith.mulf %sub3A_903, %sub3A_903 : vector<16xf32>
            %add3A_906 = arith.addf %mul3A_904, %mul3A_905 : vector<16xf32>
            %add3A_907 = arith.constant 11 : i32
            %add3A_908 = arith.addi %mul3A_697, %add3A_907 : i32
            %get3A_909 = arith.index_cast %add3A_908 : i32 to index
            %get3A_910 = arith.constant 0 : index
            %get3A_911 = tpu.vector_load %arg12[%get3A_909, %get3A_910] {strides = array<i32>} : memref<320x32xf32, #tpu.memory_space<vmem>>, vector<16xf32>,
            %get3A_912 = arith.index_cast %add3A_908 : i32 to index
            %get3A_913 = arith.constant 0 : index
            %get3A_914 = tpu.vector_load %arg15[%get3A_912, %get3A_913] {strides = array<i32>} : memref<320x32xf32, #tpu.memory_space<vmem>>, vector<16xf32>,
            %sub3A_915 = arith.subf %get3A_911, %get3A_914 : vector<16xf32>
            %get3A_916 = arith.index_cast %add3A_908 : i32 to index
            %get3A_917 = arith.constant 16 : index
            %get3A_918 = tpu.vector_load %arg12[%get3A_916, %get3A_917] {strides = array<i32>} : memref<320x32xf32, #tpu.memory_space<vmem>>, vector<16xf32>,
            %get3A_919 = arith.index_cast %add3A_908 : i32 to index
            %get3A_920 = arith.constant 16 : index
            %get3A_921 = tpu.vector_load %arg15[%get3A_919, %get3A_920] {strides = array<i32>} : memref<320x32xf32, #tpu.memory_space<vmem>>, vector<16xf32>,
            %sub3A_922 = arith.subf %get3A_918, %get3A_921 : vector<16xf32>
            %mul3A_923 = arith.mulf %sub3A_915, %sub3A_915 : vector<16xf32>
            %mul3A_924 = arith.mulf %sub3A_922, %sub3A_922 : vector<16xf32>
            %add3A_925 = arith.addf %mul3A_923, %mul3A_924 : vector<16xf32>
            %add3A_926 = arith.constant 12 : i32
            %add3A_927 = arith.addi %mul3A_697, %add3A_926 : i32
            %get3A_928 = arith.index_cast %add3A_927 : i32 to index
            %get3A_929 = arith.constant 0 : index
            %get3A_930 = tpu.vector_load %arg12[%get3A_928, %get3A_929] {strides = array<i32>} : memref<320x32xf32, #tpu.memory_space<vmem>>, vector<16xf32>,
            %get3A_931 = arith.index_cast %add3A_927 : i32 to index
            %get3A_932 = arith.constant 0 : index
            %get3A_933 = tpu.vector_load %arg15[%get3A_931, %get3A_932] {strides = array<i32>} : memref<320x32xf32, #tpu.memory_space<vmem>>, vector<16xf32>,
            %sub3A_934 = arith.subf %get3A_930, %get3A_933 : vector<16xf32>
            %get3A_935 = arith.index_cast %add3A_927 : i32 to index
            %get3A_936 = arith.constant 16 : index
            %get3A_937 = tpu.vector_load %arg12[%get3A_935, %get3A_936] {strides = array<i32>} : memref<320x32xf32, #tpu.memory_space<vmem>>, vector<16xf32>,
            %get3A_938 = arith.index_cast %add3A_927 : i32 to index
            %get3A_939 = arith.constant 16 : index
            %get3A_940 = tpu.vector_load %arg15[%get3A_938, %get3A_939] {strides = array<i32>} : memref<320x32xf32, #tpu.memory_space<vmem>>, vector<16xf32>,
            %sub3A_941 = arith.subf %get3A_937, %get3A_940 : vector<16xf32>
            %mul3A_942 = arith.mulf %sub3A_934, %sub3A_934 : vector<16xf32>
            %mul3A_943 = arith.mulf %sub3A_941, %sub3A_941 : vector<16xf32>
            %add3A_944 = arith.addf %mul3A_942, %mul3A_943 : vector<16xf32>
            %add3A_945 = arith.constant 13 : i32
            %add3A_946 = arith.addi %mul3A_697, %add3A_945 : i32
            %get3A_947 = arith.index_cast %add3A_946 : i32 to index
            %get3A_948 = arith.constant 0 : index
            %get3A_949 = tpu.vector_load %arg12[%get3A_947, %get3A_948] {strides = array<i32>} : memref<320x32xf32, #tpu.memory_space<vmem>>, vector<16xf32>,
            %get3A_950 = arith.index_cast %add3A_946 : i32 to index
            %get3A_951 = arith.constant 0 : index
            %get3A_952 = tpu.vector_load %arg15[%get3A_950, %get3A_951] {strides = array<i32>} : memref<320x32xf32, #tpu.memory_space<vmem>>, vector<16xf32>,
            %sub3A_953 = arith.subf %get3A_949, %get3A_952 : vector<16xf32>
            %get3A_954 = arith.index_cast %add3A_946 : i32 to index
            %get3A_955 = arith.constant 16 : index
            %get3A_956 = tpu.vector_load %arg12[%get3A_954, %get3A_955] {strides = array<i32>} : memref<320x32xf32, #tpu.memory_space<vmem>>, vector<16xf32>,
            %get3A_957 = arith.index_cast %add3A_946 : i32 to index
            %get3A_958 = arith.constant 16 : index
            %get3A_959 = tpu.vector_load %arg15[%get3A_957, %get3A_958] {strides = array<i32>} : memref<320x32xf32, #tpu.memory_space<vmem>>, vector<16xf32>,
            %sub3A_960 = arith.subf %get3A_956, %get3A_959 : vector<16xf32>
            %mul3A_961 = arith.mulf %sub3A_953, %sub3A_953 : vector<16xf32>
            %mul3A_962 = arith.mulf %sub3A_960, %sub3A_960 : vector<16xf32>
            %add3A_963 = arith.addf %mul3A_961, %mul3A_962 : vector<16xf32>
            %add3A_964 = arith.constant 14 : i32
            %add3A_965 = arith.addi %mul3A_697, %add3A_964 : i32
            %get3A_966 = arith.index_cast %add3A_965 : i32 to index
            %get3A_967 = arith.constant 0 : index
            %get3A_968 = tpu.vector_load %arg12[%get3A_966, %get3A_967] {strides = array<i32>} : memref<320x32xf32, #tpu.memory_space<vmem>>, vector<16xf32>,
            %get3A_969 = arith.index_cast %add3A_965 : i32 to index
            %get3A_970 = arith.constant 0 : index
            %get3A_971 = tpu.vector_load %arg15[%get3A_969, %get3A_970] {strides = array<i32>} : memref<320x32xf32, #tpu.memory_space<vmem>>, vector<16xf32>,
            %sub3A_972 = arith.subf %get3A_968, %get3A_971 : vector<16xf32>
            %get3A_973 = arith.index_cast %add3A_965 : i32 to index
            %get3A_974 = arith.constant 16 : index
            %get3A_975 = tpu.vector_load %arg12[%get3A_973, %get3A_974] {strides = array<i32>} : memref<320x32xf32, #tpu.memory_space<vmem>>, vector<16xf32>,
            %get3A_976 = arith.index_cast %add3A_965 : i32 to index
            %get3A_977 = arith.constant 16 : index
            %get3A_978 = tpu.vector_load %arg15[%get3A_976, %get3A_977] {strides = array<i32>} : memref<320x32xf32, #tpu.memory_space<vmem>>, vector<16xf32>,
            %sub3A_979 = arith.subf %get3A_975, %get3A_978 : vector<16xf32>
            %mul3A_980 = arith.mulf %sub3A_972, %sub3A_972 : vector<16xf32>
            %mul3A_981 = arith.mulf %sub3A_979, %sub3A_979 : vector<16xf32>
            %add3A_982 = arith.addf %mul3A_980, %mul3A_981 : vector<16xf32>
            %add3A_983 = arith.constant 15 : i32
            %add3A_984 = arith.addi %mul3A_697, %add3A_983 : i32
            %get3A_985 = arith.index_cast %add3A_984 : i32 to index
            %get3A_986 = arith.constant 0 : index
            %get3A_987 = tpu.vector_load %arg12[%get3A_985, %get3A_986] {strides = array<i32>} : memref<320x32xf32, #tpu.memory_space<vmem>>, vector<16xf32>,
            %get3A_988 = arith.index_cast %add3A_984 : i32 to index
            %get3A_989 = arith.constant 0 : index
            %get3A_990 = tpu.vector_load %arg15[%get3A_988, %get3A_989] {strides = array<i32>} : memref<320x32xf32, #tpu.memory_space<vmem>>, vector<16xf32>,
            %sub3A_991 = arith.subf %get3A_987, %get3A_990 : vector<16xf32>
            %get3A_992 = arith.index_cast %add3A_984 : i32 to index
            %get3A_993 = arith.constant 16 : index
            %get3A_994 = tpu.vector_load %arg12[%get3A_992, %get3A_993] {strides = array<i32>} : memref<320x32xf32, #tpu.memory_space<vmem>>, vector<16xf32>,
            %get3A_995 = arith.index_cast %add3A_984 : i32 to index
            %get3A_996 = arith.constant 16 : index
            %get3A_997 = tpu.vector_load %arg15[%get3A_995, %get3A_996] {strides = array<i32>} : memref<320x32xf32, #tpu.memory_space<vmem>>, vector<16xf32>,
            %sub3A_998 = arith.subf %get3A_994, %get3A_997 : vector<16xf32>
            %mul3A_999 = arith.mulf %sub3A_991, %sub3A_991 : vector<16xf32>
            %mul3A_1000 = arith.mulf %sub3A_998, %sub3A_998 : vector<16xf32>
            %add3A_1001 = arith.addf %mul3A_999, %mul3A_1000 : vector<16xf32>
            %broadcast_in_dim3A_1002 = vector.shape_cast %xor3A_8 : vector<16xi32> to vector<16x1xi32>
            %gather3A_1003 = vector.shape_cast %broadcast_in_dim3A_1002 : vector<16x1xi32> to vector<16xi32>
            %gather3A_1004 = tpu.dynamic_gather %add3A_735[%gather3A_1003] in [0] : vector<16xf32>, vector<16xi32> -> vector<16xf32>
            %select_n3A_1005 = arith.select %lt3A_4, %add3A_716, %gather3A_1004 : vector<16xi1>, vector<16xf32>
            %broadcast_in_dim3A_1006 = vector.shape_cast %xor3A_8 : vector<16xi32> to vector<16x1xi32>
            %gather3A_1007 = vector.shape_cast %broadcast_in_dim3A_1006 : vector<16x1xi32> to vector<16xi32>
            %gather3A_1008 = tpu.dynamic_gather %add3A_716[%gather3A_1007] in [0] : vector<16xf32>, vector<16xi32> -> vector<16xf32>
            %select_n3A_1009 = arith.select %lt3A_4, %gather3A_1008, %add3A_735 : vector<16xi1>, vector<16xf32>
            %add3A_1010 = arith.addf %select_n3A_1005, %select_n3A_1009 : vector<16xf32>
            %broadcast_in_dim3A_1011 = vector.shape_cast %xor3A_8 : vector<16xi32> to vector<16x1xi32>
            %gather3A_1012 = vector.shape_cast %broadcast_in_dim3A_1011 : vector<16x1xi32> to vector<16xi32>
            %gather3A_1013 = tpu.dynamic_gather %add3A_773[%gather3A_1012] in [0] : vector<16xf32>, vector<16xi32> -> vector<16xf32>
            %select_n3A_1014 = arith.select %lt3A_4, %add3A_754, %gather3A_1013 : vector<16xi1>, vector<16xf32>
            %broadcast_in_dim3A_1015 = vector.shape_cast %xor3A_8 : vector<16xi32> to vector<16x1xi32>
            %gather3A_1016 = vector.shape_cast %broadcast_in_dim3A_1015 : vector<16x1xi32> to vector<16xi32>
            %gather3A_1017 = tpu.dynamic_gather %add3A_754[%gather3A_1016] in [0] : vector<16xf32>, vector<16xi32> -> vector<16xf32>
            %select_n3A_1018 = arith.select %lt3A_4, %gather3A_1017, %add3A_773 : vector<16xi1>, vector<16xf32>
            %add3A_1019 = arith.addf %select_n3A_1014, %select_n3A_1018 : vector<16xf32>
            %broadcast_in_dim3A_1020 = vector.shape_cast %xor3A_8 : vector<16xi32> to vector<16x1xi32>
            %gather3A_1021 = vector.shape_cast %broadcast_in_dim3A_1020 : vector<16x1xi32> to vector<16xi32>
            %gather3A_1022 = tpu.dynamic_gather %add3A_811[%gather3A_1021] in [0] : vector<16xf32>, vector<16xi32> -> vector<16xf32>
            %select_n3A_1023 = arith.select %lt3A_4, %add3A_792, %gather3A_1022 : vector<16xi1>, vector<16xf32>
            %broadcast_in_dim3A_1024 = vector.shape_cast %xor3A_8 : vector<16xi32> to vector<16x1xi32>
            %gather3A_1025 = vector.shape_cast %broadcast_in_dim3A_1024 : vector<16x1xi32> to vector<16xi32>
            %gather3A_1026 = tpu.dynamic_gather %add3A_792[%gather3A_1025] in [0] : vector<16xf32>, vector<16xi32> -> vector<16xf32>
            %select_n3A_1027 = arith.select %lt3A_4, %gather3A_1026, %add3A_811 : vector<16xi1>, vector<16xf32>
            %add3A_1028 = arith.addf %select_n3A_1023, %select_n3A_1027 : vector<16xf32>
            %broadcast_in_dim3A_1029 = vector.shape_cast %xor3A_8 : vector<16xi32> to vector<16x1xi32>
            %gather3A_1030 = vector.shape_cast %broadcast_in_dim3A_1029 : vector<16x1xi32> to vector<16xi32>
            %gather3A_1031 = tpu.dynamic_gather %add3A_849[%gather3A_1030] in [0] : vector<16xf32>, vector<16xi32> -> vector<16xf32>
            %select_n3A_1032 = arith.select %lt3A_4, %add3A_830, %gather3A_1031 : vector<16xi1>, vector<16xf32>
            %broadcast_in_dim3A_1033 = vector.shape_cast %xor3A_8 : vector<16xi32> to vector<16x1xi32>
            %gather3A_1034 = vector.shape_cast %broadcast_in_dim3A_1033 : vector<16x1xi32> to vector<16xi32>
            %gather3A_1035 = tpu.dynamic_gather %add3A_830[%gather3A_1034] in [0] : vector<16xf32>, vector<16xi32> -> vector<16xf32>
            %select_n3A_1036 = arith.select %lt3A_4, %gather3A_1035, %add3A_849 : vector<16xi1>, vector<16xf32>
            %add3A_1037 = arith.addf %select_n3A_1032, %select_n3A_1036 : vector<16xf32>
            %broadcast_in_dim3A_1038 = vector.shape_cast %xor3A_8 : vector<16xi32> to vector<16x1xi32>
            %gather3A_1039 = vector.shape_cast %broadcast_in_dim3A_1038 : vector<16x1xi32> to vector<16xi32>
            %gather3A_1040 = tpu.dynamic_gather %add3A_887[%gather3A_1039] in [0] : vector<16xf32>, vector<16xi32> -> vector<16xf32>
            %select_n3A_1041 = arith.select %lt3A_4, %add3A_868, %gather3A_1040 : vector<16xi1>, vector<16xf32>
            %broadcast_in_dim3A_1042 = vector.shape_cast %xor3A_8 : vector<16xi32> to vector<16x1xi32>
            %gather3A_1043 = vector.shape_cast %broadcast_in_dim3A_1042 : vector<16x1xi32> to vector<16xi32>
            %gather3A_1044 = tpu.dynamic_gather %add3A_868[%gather3A_1043] in [0] : vector<16xf32>, vector<16xi32> -> vector<16xf32>
            %select_n3A_1045 = arith.select %lt3A_4, %gather3A_1044, %add3A_887 : vector<16xi1>, vector<16xf32>
            %add3A_1046 = arith.addf %select_n3A_1041, %select_n3A_1045 : vector<16xf32>
            %broadcast_in_dim3A_1047 = vector.shape_cast %xor3A_8 : vector<16xi32> to vector<16x1xi32>
            %gather3A_1048 = vector.shape_cast %broadcast_in_dim3A_1047 : vector<16x1xi32> to vector<16xi32>
            %gather3A_1049 = tpu.dynamic_gather %add3A_925[%gather3A_1048] in [0] : vector<16xf32>, vector<16xi32> -> vector<16xf32>
            %select_n3A_1050 = arith.select %lt3A_4, %add3A_906, %gather3A_1049 : vector<16xi1>, vector<16xf32>
            %broadcast_in_dim3A_1051 = vector.shape_cast %xor3A_8 : vector<16xi32> to vector<16x1xi32>
            %gather3A_1052 = vector.shape_cast %broadcast_in_dim3A_1051 : vector<16x1xi32> to vector<16xi32>
            %gather3A_1053 = tpu.dynamic_gather %add3A_906[%gather3A_1052] in [0] : vector<16xf32>, vector<16xi32> -> vector<16xf32>
            %select_n3A_1054 = arith.select %lt3A_4, %gather3A_1053, %add3A_925 : vector<16xi1>, vector<16xf32>
            %add3A_1055 = arith.addf %select_n3A_1050, %select_n3A_1054 : vector<16xf32>
            %broadcast_in_dim3A_1056 = vector.shape_cast %xor3A_8 : vector<16xi32> to vector<16x1xi32>
            %gather3A_1057 = vector.shape_cast %broadcast_in_dim3A_1056 : vector<16x1xi32> to vector<16xi32>
            %gather3A_1058 = tpu.dynamic_gather %add3A_963[%gather3A_1057] in [0] : vector<16xf32>, vector<16xi32> -> vector<16xf32>
            %select_n3A_1059 = arith.select %lt3A_4, %add3A_944, %gather3A_1058 : vector<16xi1>, vector<16xf32>
            %broadcast_in_dim3A_1060 = vector.shape_cast %xor3A_8 : vector<16xi32> to vector<16x1xi32>
            %gather3A_1061 = vector.shape_cast %broadcast_in_dim3A_1060 : vector<16x1xi32> to vector<16xi32>
            %gather3A_1062 = tpu.dynamic_gather %add3A_944[%gather3A_1061] in [0] : vector<16xf32>, vector<16xi32> -> vector<16xf32>
            %select_n3A_1063 = arith.select %lt3A_4, %gather3A_1062, %add3A_963 : vector<16xi1>, vector<16xf32>
            %add3A_1064 = arith.addf %select_n3A_1059, %select_n3A_1063 : vector<16xf32>
            %broadcast_in_dim3A_1065 = vector.shape_cast %xor3A_8 : vector<16xi32> to vector<16x1xi32>
            %gather3A_1066 = vector.shape_cast %broadcast_in_dim3A_1065 : vector<16x1xi32> to vector<16xi32>
            %gather3A_1067 = tpu.dynamic_gather %add3A_1001[%gather3A_1066] in [0] : vector<16xf32>, vector<16xi32> -> vector<16xf32>
            %select_n3A_1068 = arith.select %lt3A_4, %add3A_982, %gather3A_1067 : vector<16xi1>, vector<16xf32>
            %broadcast_in_dim3A_1069 = vector.shape_cast %xor3A_8 : vector<16xi32> to vector<16x1xi32>
            %gather3A_1070 = vector.shape_cast %broadcast_in_dim3A_1069 : vector<16x1xi32> to vector<16xi32>
            %gather3A_1071 = tpu.dynamic_gather %add3A_982[%gather3A_1070] in [0] : vector<16xf32>, vector<16xi32> -> vector<16xf32>
            %select_n3A_1072 = arith.select %lt3A_4, %gather3A_1071, %add3A_1001 : vector<16xi1>, vector<16xf32>
            %add3A_1073 = arith.addf %select_n3A_1068, %select_n3A_1072 : vector<16xf32>
            %broadcast_in_dim3A_1074 = vector.shape_cast %or3A : vector<16xi32> to vector<16x1xi32>
            %gather3A_1075 = vector.shape_cast %broadcast_in_dim3A_1074 : vector<16x1xi32> to vector<16xi32>
            %gather3A_1076 = tpu.dynamic_gather %add3A_1010[%gather3A_1075] in [0] : vector<16xf32>, vector<16xi32> -> vector<16xf32>
            %broadcast_in_dim3A_1077 = vector.shape_cast %or3A : vector<16xi32> to vector<16x1xi32>
            %gather3A_1078 = vector.shape_cast %broadcast_in_dim3A_1077 : vector<16x1xi32> to vector<16xi32>
            %gather3A_1079 = tpu.dynamic_gather %add3A_1019[%gather3A_1078] in [0] : vector<16xf32>, vector<16xi32> -> vector<16xf32>
            %select_n3A_1080 = arith.select %lt3A_4, %gather3A_1076, %gather3A_1079 : vector<16xi1>, vector<16xf32>
            %broadcast_in_dim3A_1081 = vector.shape_cast %add3A_18 : vector<16xi32> to vector<16x1xi32>
            %gather3A_1082 = vector.shape_cast %broadcast_in_dim3A_1081 : vector<16x1xi32> to vector<16xi32>
            %gather3A_1083 = tpu.dynamic_gather %add3A_1010[%gather3A_1082] in [0] : vector<16xf32>, vector<16xi32> -> vector<16xf32>
            %broadcast_in_dim3A_1084 = vector.shape_cast %add3A_18 : vector<16xi32> to vector<16x1xi32>
            %gather3A_1085 = vector.shape_cast %broadcast_in_dim3A_1084 : vector<16x1xi32> to vector<16xi32>
            %gather3A_1086 = tpu.dynamic_gather %add3A_1019[%gather3A_1085] in [0] : vector<16xf32>, vector<16xi32> -> vector<16xf32>
            %select_n3A_1087 = arith.select %lt3A_4, %gather3A_1083, %gather3A_1086 : vector<16xi1>, vector<16xf32>
            %add3A_1088 = arith.addf %select_n3A_1080, %select_n3A_1087 : vector<16xf32>
            %broadcast_in_dim3A_1089 = vector.shape_cast %or3A : vector<16xi32> to vector<16x1xi32>
            %gather3A_1090 = vector.shape_cast %broadcast_in_dim3A_1089 : vector<16x1xi32> to vector<16xi32>
            %gather3A_1091 = tpu.dynamic_gather %add3A_1028[%gather3A_1090] in [0] : vector<16xf32>, vector<16xi32> -> vector<16xf32>
            %broadcast_in_dim3A_1092 = vector.shape_cast %or3A : vector<16xi32> to vector<16x1xi32>
            %gather3A_1093 = vector.shape_cast %broadcast_in_dim3A_1092 : vector<16x1xi32> to vector<16xi32>
            %gather3A_1094 = tpu.dynamic_gather %add3A_1037[%gather3A_1093] in [0] : vector<16xf32>, vector<16xi32> -> vector<16xf32>
            %select_n3A_1095 = arith.select %lt3A_4, %gather3A_1091, %gather3A_1094 : vector<16xi1>, vector<16xf32>
            %broadcast_in_dim3A_1096 = vector.shape_cast %add3A_18 : vector<16xi32> to vector<16x1xi32>
            %gather3A_1097 = vector.shape_cast %broadcast_in_dim3A_1096 : vector<16x1xi32> to vector<16xi32>
            %gather3A_1098 = tpu.dynamic_gather %add3A_1028[%gather3A_1097] in [0] : vector<16xf32>, vector<16xi32> -> vector<16xf32>
            %broadcast_in_dim3A_1099 = vector.shape_cast %add3A_18 : vector<16xi32> to vector<16x1xi32>
            %gather3A_1100 = vector.shape_cast %broadcast_in_dim3A_1099 : vector<16x1xi32> to vector<16xi32>
            %gather3A_1101 = tpu.dynamic_gather %add3A_1037[%gather3A_1100] in [0] : vector<16xf32>, vector<16xi32> -> vector<16xf32>
            %select_n3A_1102 = arith.select %lt3A_4, %gather3A_1098, %gather3A_1101 : vector<16xi1>, vector<16xf32>
            %add3A_1103 = arith.addf %select_n3A_1095, %select_n3A_1102 : vector<16xf32>
            %broadcast_in_dim3A_1104 = vector.shape_cast %or3A : vector<16xi32> to vector<16x1xi32>
            %gather3A_1105 = vector.shape_cast %broadcast_in_dim3A_1104 : vector<16x1xi32> to vector<16xi32>
            %gather3A_1106 = tpu.dynamic_gather %add3A_1046[%gather3A_1105] in [0] : vector<16xf32>, vector<16xi32> -> vector<16xf32>
            %broadcast_in_dim3A_1107 = vector.shape_cast %or3A : vector<16xi32> to vector<16x1xi32>
            %gather3A_1108 = vector.shape_cast %broadcast_in_dim3A_1107 : vector<16x1xi32> to vector<16xi32>
            %gather3A_1109 = tpu.dynamic_gather %add3A_1055[%gather3A_1108] in [0] : vector<16xf32>, vector<16xi32> -> vector<16xf32>
            %select_n3A_1110 = arith.select %lt3A_4, %gather3A_1106, %gather3A_1109 : vector<16xi1>, vector<16xf32>
            %broadcast_in_dim3A_1111 = vector.shape_cast %add3A_18 : vector<16xi32> to vector<16x1xi32>
            %gather3A_1112 = vector.shape_cast %broadcast_in_dim3A_1111 : vector<16x1xi32> to vector<16xi32>
            %gather3A_1113 = tpu.dynamic_gather %add3A_1046[%gather3A_1112] in [0] : vector<16xf32>, vector<16xi32> -> vector<16xf32>
            %broadcast_in_dim3A_1114 = vector.shape_cast %add3A_18 : vector<16xi32> to vector<16x1xi32>
            %gather3A_1115 = vector.shape_cast %broadcast_in_dim3A_1114 : vector<16x1xi32> to vector<16xi32>
            %gather3A_1116 = tpu.dynamic_gather %add3A_1055[%gather3A_1115] in [0] : vector<16xf32>, vector<16xi32> -> vector<16xf32>
            %select_n3A_1117 = arith.select %lt3A_4, %gather3A_1113, %gather3A_1116 : vector<16xi1>, vector<16xf32>
            %add3A_1118 = arith.addf %select_n3A_1110, %select_n3A_1117 : vector<16xf32>
            %broadcast_in_dim3A_1119 = vector.shape_cast %or3A : vector<16xi32> to vector<16x1xi32>
            %gather3A_1120 = vector.shape_cast %broadcast_in_dim3A_1119 : vector<16x1xi32> to vector<16xi32>
            %gather3A_1121 = tpu.dynamic_gather %add3A_1064[%gather3A_1120] in [0] : vector<16xf32>, vector<16xi32> -> vector<16xf32>
            %broadcast_in_dim3A_1122 = vector.shape_cast %or3A : vector<16xi32> to vector<16x1xi32>
            %gather3A_1123 = vector.shape_cast %broadcast_in_dim3A_1122 : vector<16x1xi32> to vector<16xi32>
            %gather3A_1124 = tpu.dynamic_gather %add3A_1073[%gather3A_1123] in [0] : vector<16xf32>, vector<16xi32> -> vector<16xf32>
            %select_n3A_1125 = arith.select %lt3A_4, %gather3A_1121, %gather3A_1124 : vector<16xi1>, vector<16xf32>
            %broadcast_in_dim3A_1126 = vector.shape_cast %add3A_18 : vector<16xi32> to vector<16x1xi32>
            %gather3A_1127 = vector.shape_cast %broadcast_in_dim3A_1126 : vector<16x1xi32> to vector<16xi32>
            %gather3A_1128 = tpu.dynamic_gather %add3A_1064[%gather3A_1127] in [0] : vector<16xf32>, vector<16xi32> -> vector<16xf32>
            %broadcast_in_dim3A_1129 = vector.shape_cast %add3A_18 : vector<16xi32> to vector<16x1xi32>
            %gather3A_1130 = vector.shape_cast %broadcast_in_dim3A_1129 : vector<16x1xi32> to vector<16xi32>
            %gather3A_1131 = tpu.dynamic_gather %add3A_1073[%gather3A_1130] in [0] : vector<16xf32>, vector<16xi32> -> vector<16xf32>
            %select_n3A_1132 = arith.select %lt3A_4, %gather3A_1128, %gather3A_1131 : vector<16xi1>, vector<16xf32>
            %add3A_1133 = arith.addf %select_n3A_1125, %select_n3A_1132 : vector<16xf32>
            %broadcast_in_dim3A_1134 = vector.shape_cast %or3A_28 : vector<16xi32> to vector<16x1xi32>
            %gather3A_1135 = vector.shape_cast %broadcast_in_dim3A_1134 : vector<16x1xi32> to vector<16xi32>
            %gather3A_1136 = tpu.dynamic_gather %add3A_1088[%gather3A_1135] in [0] : vector<16xf32>, vector<16xi32> -> vector<16xf32>
            %broadcast_in_dim3A_1137 = vector.shape_cast %or3A_28 : vector<16xi32> to vector<16x1xi32>
            %gather3A_1138 = vector.shape_cast %broadcast_in_dim3A_1137 : vector<16x1xi32> to vector<16xi32>
            %gather3A_1139 = tpu.dynamic_gather %add3A_1103[%gather3A_1138] in [0] : vector<16xf32>, vector<16xi32> -> vector<16xf32>
            %select_n3A_1140 = arith.select %lt3A_4, %gather3A_1136, %gather3A_1139 : vector<16xi1>, vector<16xf32>
            %broadcast_in_dim3A_1141 = vector.shape_cast %add3A_31 : vector<16xi32> to vector<16x1xi32>
            %gather3A_1142 = vector.shape_cast %broadcast_in_dim3A_1141 : vector<16x1xi32> to vector<16xi32>
            %gather3A_1143 = tpu.dynamic_gather %add3A_1088[%gather3A_1142] in [0] : vector<16xf32>, vector<16xi32> -> vector<16xf32>
            %broadcast_in_dim3A_1144 = vector.shape_cast %add3A_31 : vector<16xi32> to vector<16x1xi32>
            %gather3A_1145 = vector.shape_cast %broadcast_in_dim3A_1144 : vector<16x1xi32> to vector<16xi32>
            %gather3A_1146 = tpu.dynamic_gather %add3A_1103[%gather3A_1145] in [0] : vector<16xf32>, vector<16xi32> -> vector<16xf32>
            %select_n3A_1147 = arith.select %lt3A_4, %gather3A_1143, %gather3A_1146 : vector<16xi1>, vector<16xf32>
            %add3A_1148 = arith.addf %select_n3A_1140, %select_n3A_1147 : vector<16xf32>
            %broadcast_in_dim3A_1149 = vector.shape_cast %or3A_28 : vector<16xi32> to vector<16x1xi32>
            %gather3A_1150 = vector.shape_cast %broadcast_in_dim3A_1149 : vector<16x1xi32> to vector<16xi32>
            %gather3A_1151 = tpu.dynamic_gather %add3A_1118[%gather3A_1150] in [0] : vector<16xf32>, vector<16xi32> -> vector<16xf32>
            %broadcast_in_dim3A_1152 = vector.shape_cast %or3A_28 : vector<16xi32> to vector<16x1xi32>
            %gather3A_1153 = vector.shape_cast %broadcast_in_dim3A_1152 : vector<16x1xi32> to vector<16xi32>
            %gather3A_1154 = tpu.dynamic_gather %add3A_1133[%gather3A_1153] in [0] : vector<16xf32>, vector<16xi32> -> vector<16xf32>
            %select_n3A_1155 = arith.select %lt3A_4, %gather3A_1151, %gather3A_1154 : vector<16xi1>, vector<16xf32>
            %broadcast_in_dim3A_1156 = vector.shape_cast %add3A_31 : vector<16xi32> to vector<16x1xi32>
            %gather3A_1157 = vector.shape_cast %broadcast_in_dim3A_1156 : vector<16x1xi32> to vector<16xi32>
            %gather3A_1158 = tpu.dynamic_gather %add3A_1118[%gather3A_1157] in [0] : vector<16xf32>, vector<16xi32> -> vector<16xf32>
            %broadcast_in_dim3A_1159 = vector.shape_cast %add3A_31 : vector<16xi32> to vector<16x1xi32>
            %gather3A_1160 = vector.shape_cast %broadcast_in_dim3A_1159 : vector<16x1xi32> to vector<16xi32>
            %gather3A_1161 = tpu.dynamic_gather %add3A_1133[%gather3A_1160] in [0] : vector<16xf32>, vector<16xi32> -> vector<16xf32>
            %select_n3A_1162 = arith.select %lt3A_4, %gather3A_1158, %gather3A_1161 : vector<16xi1>, vector<16xf32>
            %add3A_1163 = arith.addf %select_n3A_1155, %select_n3A_1162 : vector<16xf32>
            %broadcast_in_dim3A_1164 = vector.shape_cast %shift_left3A_34 : vector<16xi32> to vector<16x1xi32>
            %gather3A_1165 = vector.shape_cast %broadcast_in_dim3A_1164 : vector<16x1xi32> to vector<16xi32>
            %gather3A_1166 = tpu.dynamic_gather %add3A_1148[%gather3A_1165] in [0] : vector<16xf32>, vector<16xi32> -> vector<16xf32>
            %broadcast_in_dim3A_1167 = vector.shape_cast %shift_left3A_34 : vector<16xi32> to vector<16x1xi32>
            %gather3A_1168 = vector.shape_cast %broadcast_in_dim3A_1167 : vector<16x1xi32> to vector<16xi32>
            %gather3A_1169 = tpu.dynamic_gather %add3A_1163[%gather3A_1168] in [0] : vector<16xf32>, vector<16xi32> -> vector<16xf32>
            %select_n3A_1170 = arith.select %lt3A_4, %gather3A_1166, %gather3A_1169 : vector<16xi1>, vector<16xf32>
            %broadcast_in_dim3A_1171 = vector.shape_cast %add3A_37 : vector<16xi32> to vector<16x1xi32>
            %gather3A_1172 = vector.shape_cast %broadcast_in_dim3A_1171 : vector<16x1xi32> to vector<16xi32>
            %gather3A_1173 = tpu.dynamic_gather %add3A_1148[%gather3A_1172] in [0] : vector<16xf32>, vector<16xi32> -> vector<16xf32>
            %broadcast_in_dim3A_1174 = vector.shape_cast %add3A_37 : vector<16xi32> to vector<16x1xi32>
            %gather3A_1175 = vector.shape_cast %broadcast_in_dim3A_1174 : vector<16x1xi32> to vector<16xi32>
            %gather3A_1176 = tpu.dynamic_gather %add3A_1163[%gather3A_1175] in [0] : vector<16xf32>, vector<16xi32> -> vector<16xf32>
            %select_n3A_1177 = arith.select %lt3A_4, %gather3A_1173, %gather3A_1176 : vector<16xi1>, vector<16xf32>
            %add3A_1178 = arith.addf %select_n3A_1170, %select_n3A_1177 : vector<16xf32>
            %get3A_1179 = arith.constant 0 : index
            %get3A_1180 = tpu.vector_load %arg18[%get3A_1179] {strides = array<i32>} : memref<16xf32, #tpu.memory_space<vmem>>, vector<16xf32>,
            %max3A_1181 = arith.constant 1.000000e-30 : f32
            %max3A_1182 = vector.broadcast %max3A_1181 : f32 to vector<16xf32>
            %max3A_1183 = arith.maximumf %add3A_1178, %max3A_1182 : vector<16xf32>
            %bitcast3A_1184 = vector.bitcast %max3A_1183 : vector<16xf32> to vector<16xi32>
            %shift_right_logical3A_1185 = arith.constant 1 : i32
            %shift_right_logical3A_1186 = vector.broadcast %shift_right_logical3A_1185 : i32 to vector<16xi32>
            %shift_right_logical3A_1187 = arith.shrui %bitcast3A_1184, %shift_right_logical3A_1186 : vector<16xi32>
            %sub3A_1188 = arith.constant 1597463007 : i32
            %sub3A_1189 = vector.broadcast %sub3A_1188 : i32 to vector<16xi32>
            %sub3A_1190 = arith.subi %sub3A_1189, %shift_right_logical3A_1187 : vector<16xi32>
            %bitcast3A_1191 = vector.bitcast %sub3A_1190 : vector<16xi32> to vector<16xf32>
            %mul3A_1192 = arith.constant 5.000000e-01 : f32
            %mul3A_1193 = vector.broadcast %mul3A_1192 : f32 to vector<16xf32>
            %mul3A_1194 = arith.mulf %mul3A_1193, %max3A_1183 : vector<16xf32>
            %mul3A_1195 = arith.mulf %mul3A_1194, %bitcast3A_1191 : vector<16xf32>
            %mul3A_1196 = arith.mulf %mul3A_1195, %bitcast3A_1191 : vector<16xf32>
            %sub3A_1197 = arith.constant 1.500000e+00 : f32
            %sub3A_1198 = vector.broadcast %sub3A_1197 : f32 to vector<16xf32>
            %sub3A_1199 = arith.subf %sub3A_1198, %mul3A_1196 : vector<16xf32>
            %mul3A_1200 = arith.mulf %bitcast3A_1191, %sub3A_1199 : vector<16xf32>
            %mul3A_1201 = arith.mulf %max3A_1183, %mul3A_1200 : vector<16xf32>
            %add3A_1202 = arith.addf %mul3A_693, %mul3A_1201 : vector<16xf32>
            %add3A_1203 = arith.addf %get3A_1180, %add3A_1202 : vector<16xf32>
            %swap3A_1204 = arith.constant 0 : index
            %swap3A_1205 = tpu.vector_load %arg18[%swap3A_1204] {strides = array<i32>} : memref<16xf32, #tpu.memory_space<vmem>>, vector<16xf32>,
            tpu.vector_store %arg18[%swap3A_1204], %add3A_1203 {strides = array<i32>} : memref<16xf32, #tpu.memory_space<vmem>>, vector<16xf32>,
          }
          %scan3A_190 = arith.constant 10 : i32
        } else {
        }
      } else {
      }
      %add3A_132 = arith.constant 1 : i32
      %add3A_133 = arith.addi %add3A_126, %add3A_132 : i32
      %lt3A_134 = arith.constant 98 : i32
      %lt3A_135 = arith.cmpi slt, %add3A_133, %lt3A_134 : i32
      %convert_element_type3A_136 = arith.extui %lt3A_135 : i1 to i32
      %cond3A_137 = arith.constant 0 : i32
      %cond3A_138 = arith.cmpi ne, %convert_element_type3A_136, %cond3A_137 : i32
      scf.if %cond3A_138 {
        %dma_wait3A_146 = arith.constant 0 : i32
        %dma_wait3A_147 = arith.constant 0 : i32
        %dma_wait3A_148 = tpu.memref_slice %arg2[%dma_wait3A_146, %dma_wait3A_147] : memref<1000000x32xf32, #tpu.memory_space<hbm>> -> memref<320x32xf32, #tpu.memory_space<hbm>>
        %dma_wait3A_149 = arith.constant 0 : i32
        %dma_wait3A_150 = arith.constant 0 : i32
        %dma_wait3A_151 = tpu.memref_slice %arg2[%dma_wait3A_149, %dma_wait3A_150] : memref<1000000x32xf32, #tpu.memory_space<hbm>> -> memref<320x32xf32, #tpu.memory_space<hbm>>
        tpu.wait_dma2 semaphore(%arg23 : memref<!tpu.dma_semaphore, #tpu.memory_space<semaphore_mem>>) src(%dma_wait3A_151 : memref<320x32xf32, #tpu.memory_space<hbm>>) dst(%arg13 : memref<320x32xf32, #tpu.memory_space<vmem>>)
        %dma_wait3A_152 = arith.constant 0 : i32
        %dma_wait3A_153 = arith.constant 0 : i32
        %dma_wait3A_154 = tpu.memref_slice %arg2[%dma_wait3A_152, %dma_wait3A_153] : memref<1000000x32xf32, #tpu.memory_space<hbm>> -> memref<320x32xf32, #tpu.memory_space<hbm>>
        %dma_wait3A_155 = arith.constant 0 : i32
        %dma_wait3A_156 = arith.constant 0 : i32
        %dma_wait3A_157 = tpu.memref_slice %arg2[%dma_wait3A_155, %dma_wait3A_156] : memref<1000000x32xf32, #tpu.memory_space<hbm>> -> memref<320x32xf32, #tpu.memory_space<hbm>>
        tpu.wait_dma2 semaphore(%arg23 : memref<!tpu.dma_semaphore, #tpu.memory_space<semaphore_mem>>) src(%dma_wait3A_157 : memref<320x32xf32, #tpu.memory_space<hbm>>) dst(%arg16 : memref<320x32xf32, #tpu.memory_space<vmem>>)
        %add3A_158 = arith.constant 1 : i32
        %add3A_159 = arith.addi %add3A_126, %add3A_158 : i32
        %add3A_160 = arith.constant 3 : i32
        %add3A_161 = arith.addi %add3A_159, %add3A_160 : i32
        %lt3A_162 = arith.constant 98 : i32
        %lt3A_163 = arith.cmpi slt, %add3A_161, %lt3A_162 : i32
        %convert_element_type3A_164 = arith.extui %lt3A_163 : i1 to i32
        %cond3A_165 = arith.constant 0 : i32
        %cond3A_166 = arith.cmpi ne, %convert_element_type3A_164, %cond3A_165 : i32
        scf.if %cond3A_166 {
          %add3A_186 = arith.constant 1 : i32
          %add3A_187 = arith.addi %add3A_126, %add3A_186 : i32
          %add3A_188 = arith.constant 3 : i32
          %add3A_189 = arith.addi %add3A_187, %add3A_188 : i32
          %mul3A_190 = arith.constant 32 : i32
          %mul3A_191 = arith.muli %mul3A_190, %add3A_189 : i32
          %add3A_192 = arith.addi %add3A, %mul3A_191 : i32
          %lt3A_193 = arith.constant 3125 : i32
          %lt3A_194 = arith.cmpi slt, %add3A_192, %lt3A_193 : i32
          %jit3A_195 = arith.constant 0 : i32
          %select_n3A_196 = arith.select %lt3A_194, %add3A_192, %jit3A_195 : i32
          %mul3A_197 = arith.constant 320 : i32
          %mul3A_198 = arith.muli %select_n3A_196, %mul3A_197 : i32
          %dma_start3A_199 = tpu.memref_slice %arg3[%mul3A_198] : memref<1000000xi32, #tpu.memory_space<hbm>> -> memref<320xi32, #tpu.memory_space<hbm>>
          %dma_start3A_200 = tpu.memref_slice %arg3[%mul3A_198] : memref<1000000xi32, #tpu.memory_space<hbm>> -> memref<320xi32, #tpu.memory_space<hbm>>
          tpu.enqueue_dma source(%dma_start3A_200 : memref<320xi32, #tpu.memory_space<hbm>>) target(%arg7 : memref<320xi32, #tpu.memory_space<vmem>>) target_semaphore(%arg20 : memref<!tpu.dma_semaphore, #tpu.memory_space<semaphore_mem>>)
          %dma_start3A_201 = tpu.memref_slice %arg4[%mul3A_198] : memref<1000000xi32, #tpu.memory_space<hbm>> -> memref<320xi32, #tpu.memory_space<hbm>>
          %dma_start3A_202 = tpu.memref_slice %arg4[%mul3A_198] : memref<1000000xi32, #tpu.memory_space<hbm>> -> memref<320xi32, #tpu.memory_space<hbm>>
          tpu.enqueue_dma source(%dma_start3A_202 : memref<320xi32, #tpu.memory_space<hbm>>) target(%arg10 : memref<320xi32, #tpu.memory_space<vmem>>) target_semaphore(%arg20 : memref<!tpu.dma_semaphore, #tpu.memory_space<semaphore_mem>>)
        } else {
        }
        %add3A_167 = arith.constant 1 : i32
        %add3A_168 = arith.addi %add3A_126, %add3A_167 : i32
        %add3A_169 = arith.constant 2 : i32
        %add3A_170 = arith.addi %add3A_168, %add3A_169 : i32
        %lt3A_171 = arith.constant 98 : i32
        %lt3A_172 = arith.cmpi slt, %add3A_170, %lt3A_171 : i32
        %convert_element_type3A_173 = arith.extui %lt3A_172 : i1 to i32
        %cond3A_174 = arith.constant 0 : i32
        %cond3A_175 = arith.cmpi ne, %convert_element_type3A_173, %cond3A_174 : i32
        scf.if %cond3A_175 {
          %dma_wait3A_186 = arith.constant 0 : i32
          %dma_wait3A_187 = tpu.memref_slice %arg3[%dma_wait3A_186] : memref<1000000xi32, #tpu.memory_space<hbm>> -> memref<320xi32, #tpu.memory_space<hbm>>
          %dma_wait3A_188 = arith.constant 0 : i32
          %dma_wait3A_189 = tpu.memref_slice %arg3[%dma_wait3A_188] : memref<1000000xi32, #tpu.memory_space<hbm>> -> memref<320xi32, #tpu.memory_space<hbm>>
          tpu.wait_dma2 semaphore(%arg19 : memref<!tpu.dma_semaphore, #tpu.memory_space<semaphore_mem>>) src(%dma_wait3A_189 : memref<320xi32, #tpu.memory_space<hbm>>) dst(%arg6 : memref<320xi32, #tpu.memory_space<vmem>>)
          %dma_wait3A_190 = arith.constant 0 : i32
          %dma_wait3A_191 = tpu.memref_slice %arg4[%dma_wait3A_190] : memref<1000000xi32, #tpu.memory_space<hbm>> -> memref<320xi32, #tpu.memory_space<hbm>>
          %dma_wait3A_192 = arith.constant 0 : i32
          %dma_wait3A_193 = tpu.memref_slice %arg4[%dma_wait3A_192] : memref<1000000xi32, #tpu.memory_space<hbm>> -> memref<320xi32, #tpu.memory_space<hbm>>
          tpu.wait_dma2 semaphore(%arg19 : memref<!tpu.dma_semaphore, #tpu.memory_space<semaphore_mem>>) src(%dma_wait3A_193 : memref<320xi32, #tpu.memory_space<hbm>>) dst(%arg9 : memref<320xi32, #tpu.memory_space<vmem>>)
          %dma_start3A_194 = arith.constant 0 : i32
          %dma_start3A_195 = arith.constant 0 : i32
          %dma_start3A_196 = tpu.memref_slice %arg12[%dma_start3A_194, %dma_start3A_195] : memref<320x32xf32, #tpu.memory_space<vmem>> -> memref<320x32xf32, #tpu.memory_space<vmem>>
          %dma_start3A_197 = arith.constant 0 : i32
          %dma_start3A_198 = tpu.memref_slice %arg6[%dma_start3A_197] : memref<320xi32, #tpu.memory_space<vmem>> -> memref<320xi32, #tpu.memory_space<vmem>>
          %dma_start3A_199 = arith.constant 0 : i32
          %dma_start3A_200 = arith.constant 0 : i32
          %dma_start3A_201 = tpu.memref_slice %arg2[%dma_start3A_199, %dma_start3A_200] : memref<1000000x32xf32, #tpu.memory_space<hbm>> -> memref<1000000x32xf32, #tpu.memory_space<hbm>>
          tpu.enqueue_indirect_dma source(%dma_start3A_201 : memref<1000000x32xf32, #tpu.memory_space<hbm>>) target(%dma_start3A_196 : memref<320x32xf32, #tpu.memory_space<vmem>>) offsets(%dma_start3A_198 : memref<320xi32, #tpu.memory_space<vmem>>) semaphore(%arg22 : memref<!tpu.dma_semaphore, #tpu.memory_space<semaphore_mem>>)
          %dma_start3A_202 = arith.constant 0 : i32
          %dma_start3A_203 = arith.constant 0 : i32
          %dma_start3A_204 = tpu.memref_slice %arg15[%dma_start3A_202, %dma_start3A_203] : memref<320x32xf32, #tpu.memory_space<vmem>> -> memref<320x32xf32, #tpu.memory_space<vmem>>
          %dma_start3A_205 = arith.constant 0 : i32
          %dma_start3A_206 = tpu.memref_slice %arg9[%dma_start3A_205] : memref<320xi32, #tpu.memory_space<vmem>> -> memref<320xi32, #tpu.memory_space<vmem>>
          %dma_start3A_207 = arith.constant 0 : i32
          %dma_start3A_208 = arith.constant 0 : i32
          %dma_start3A_209 = tpu.memref_slice %arg2[%dma_start3A_207, %dma_start3A_208] : memref<1000000x32xf32, #tpu.memory_space<hbm>> -> memref<1000000x32xf32, #tpu.memory_space<hbm>>
          tpu.enqueue_indirect_dma source(%dma_start3A_209 : memref<1000000x32xf32, #tpu.memory_space<hbm>>) target(%dma_start3A_204 : memref<320x32xf32, #tpu.memory_space<vmem>>) offsets(%dma_start3A_206 : memref<320xi32, #tpu.memory_space<vmem>>) semaphore(%arg22 : memref<!tpu.dma_semaphore, #tpu.memory_space<semaphore_mem>>)
        } else {
        }
        %add3A_176 = arith.constant 1 : i32
        %add3A_177 = arith.addi %add3A_126, %add3A_176 : i32
        %mul3A_178 = arith.constant 32 : i32
        %mul3A_179 = arith.muli %mul3A_178, %add3A_177 : i32
        %add3A_180 = arith.addi %add3A, %mul3A_179 : i32
        %lt3A_181 = arith.constant 3125 : i32
        %lt3A_182 = arith.cmpi slt, %add3A_180, %lt3A_181 : i32
        %convert_element_type3A_183 = arith.extui %lt3A_182 : i1 to i32
        %cond3A_184 = arith.constant 0 : i32
        %cond3A_185 = arith.cmpi ne, %convert_element_type3A_183, %cond3A_184 : i32
        scf.if %cond3A_185 {
          %scan3A_186 = arith.constant 0 : i32
          %scan3A_187 = arith.constant 10 : i32
          %scan3A_188 = arith.addi %scan3A_186, %scan3A_187 : i32
          %scan3A_189 = arith.constant 1 : i32
          scf.for %scan3A_191 = %scan3A_186 to %scan3A_188 step %scan3A_189  : i32 {
            %mul3A_192 = arith.constant 2 : i32
            %mul3A_193 = arith.muli %scan3A_191, %mul3A_192 : i32
            %add3A_194 = arith.constant 0 : i32
            %add3A_195 = arith.addi %add3A_194, %mul3A_193 : i32
            %mul3A_196 = arith.constant 16 : i32
            %mul3A_197 = arith.muli %add3A_195, %mul3A_196 : i32
            %add3A_198 = arith.constant 0 : i32
            %add3A_199 = arith.addi %mul3A_197, %add3A_198 : i32
            %get3A = arith.index_cast %add3A_199 : i32 to index
            %get3A_200 = arith.constant 0 : index
            %get3A_201 = tpu.vector_load %arg13[%get3A, %get3A_200] {strides = array<i32>} : memref<320x32xf32, #tpu.memory_space<vmem>>, vector<16xf32>,
            %get3A_202 = arith.index_cast %add3A_199 : i32 to index
            %get3A_203 = arith.constant 0 : index
            %get3A_204 = tpu.vector_load %arg16[%get3A_202, %get3A_203] {strides = array<i32>} : memref<320x32xf32, #tpu.memory_space<vmem>>, vector<16xf32>,
            %sub3A = arith.subf %get3A_201, %get3A_204 : vector<16xf32>
            %get3A_205 = arith.index_cast %add3A_199 : i32 to index
            %get3A_206 = arith.constant 16 : index
            %get3A_207 = tpu.vector_load %arg13[%get3A_205, %get3A_206] {strides = array<i32>} : memref<320x32xf32, #tpu.memory_space<vmem>>, vector<16xf32>,
            %get3A_208 = arith.index_cast %add3A_199 : i32 to index
            %get3A_209 = arith.constant 16 : index
            %get3A_210 = tpu.vector_load %arg16[%get3A_208, %get3A_209] {strides = array<i32>} : memref<320x32xf32, #tpu.memory_space<vmem>>, vector<16xf32>,
            %sub3A_211 = arith.subf %get3A_207, %get3A_210 : vector<16xf32>
            %mul3A_212 = arith.mulf %sub3A, %sub3A : vector<16xf32>
            %mul3A_213 = arith.mulf %sub3A_211, %sub3A_211 : vector<16xf32>
            %add3A_214 = arith.addf %mul3A_212, %mul3A_213 : vector<16xf32>
            %add3A_215 = arith.constant 1 : i32
            %add3A_216 = arith.addi %mul3A_197, %add3A_215 : i32
            %get3A_217 = arith.index_cast %add3A_216 : i32 to index
            %get3A_218 = arith.constant 0 : index
            %get3A_219 = tpu.vector_load %arg13[%get3A_217, %get3A_218] {strides = array<i32>} : memref<320x32xf32, #tpu.memory_space<vmem>>, vector<16xf32>,
            %get3A_220 = arith.index_cast %add3A_216 : i32 to index
            %get3A_221 = arith.constant 0 : index
            %get3A_222 = tpu.vector_load %arg16[%get3A_220, %get3A_221] {strides = array<i32>} : memref<320x32xf32, #tpu.memory_space<vmem>>, vector<16xf32>,
            %sub3A_223 = arith.subf %get3A_219, %get3A_222 : vector<16xf32>
            %get3A_224 = arith.index_cast %add3A_216 : i32 to index
            %get3A_225 = arith.constant 16 : index
            %get3A_226 = tpu.vector_load %arg13[%get3A_224, %get3A_225] {strides = array<i32>} : memref<320x32xf32, #tpu.memory_space<vmem>>, vector<16xf32>,
            %get3A_227 = arith.index_cast %add3A_216 : i32 to index
            %get3A_228 = arith.constant 16 : index
            %get3A_229 = tpu.vector_load %arg16[%get3A_227, %get3A_228] {strides = array<i32>} : memref<320x32xf32, #tpu.memory_space<vmem>>, vector<16xf32>,
            %sub3A_230 = arith.subf %get3A_226, %get3A_229 : vector<16xf32>
            %mul3A_231 = arith.mulf %sub3A_223, %sub3A_223 : vector<16xf32>
            %mul3A_232 = arith.mulf %sub3A_230, %sub3A_230 : vector<16xf32>
            %add3A_233 = arith.addf %mul3A_231, %mul3A_232 : vector<16xf32>
            %add3A_234 = arith.constant 2 : i32
            %add3A_235 = arith.addi %mul3A_197, %add3A_234 : i32
            %get3A_236 = arith.index_cast %add3A_235 : i32 to index
            %get3A_237 = arith.constant 0 : index
            %get3A_238 = tpu.vector_load %arg13[%get3A_236, %get3A_237] {strides = array<i32>} : memref<320x32xf32, #tpu.memory_space<vmem>>, vector<16xf32>,
            %get3A_239 = arith.index_cast %add3A_235 : i32 to index
            %get3A_240 = arith.constant 0 : index
            %get3A_241 = tpu.vector_load %arg16[%get3A_239, %get3A_240] {strides = array<i32>} : memref<320x32xf32, #tpu.memory_space<vmem>>, vector<16xf32>,
            %sub3A_242 = arith.subf %get3A_238, %get3A_241 : vector<16xf32>
            %get3A_243 = arith.index_cast %add3A_235 : i32 to index
            %get3A_244 = arith.constant 16 : index
            %get3A_245 = tpu.vector_load %arg13[%get3A_243, %get3A_244] {strides = array<i32>} : memref<320x32xf32, #tpu.memory_space<vmem>>, vector<16xf32>,
            %get3A_246 = arith.index_cast %add3A_235 : i32 to index
            %get3A_247 = arith.constant 16 : index
            %get3A_248 = tpu.vector_load %arg16[%get3A_246, %get3A_247] {strides = array<i32>} : memref<320x32xf32, #tpu.memory_space<vmem>>, vector<16xf32>,
            %sub3A_249 = arith.subf %get3A_245, %get3A_248 : vector<16xf32>
            %mul3A_250 = arith.mulf %sub3A_242, %sub3A_242 : vector<16xf32>
            %mul3A_251 = arith.mulf %sub3A_249, %sub3A_249 : vector<16xf32>
            %add3A_252 = arith.addf %mul3A_250, %mul3A_251 : vector<16xf32>
            %add3A_253 = arith.constant 3 : i32
            %add3A_254 = arith.addi %mul3A_197, %add3A_253 : i32
            %get3A_255 = arith.index_cast %add3A_254 : i32 to index
            %get3A_256 = arith.constant 0 : index
            %get3A_257 = tpu.vector_load %arg13[%get3A_255, %get3A_256] {strides = array<i32>} : memref<320x32xf32, #tpu.memory_space<vmem>>, vector<16xf32>,
            %get3A_258 = arith.index_cast %add3A_254 : i32 to index
            %get3A_259 = arith.constant 0 : index
            %get3A_260 = tpu.vector_load %arg16[%get3A_258, %get3A_259] {strides = array<i32>} : memref<320x32xf32, #tpu.memory_space<vmem>>, vector<16xf32>,
            %sub3A_261 = arith.subf %get3A_257, %get3A_260 : vector<16xf32>
            %get3A_262 = arith.index_cast %add3A_254 : i32 to index
            %get3A_263 = arith.constant 16 : index
            %get3A_264 = tpu.vector_load %arg13[%get3A_262, %get3A_263] {strides = array<i32>} : memref<320x32xf32, #tpu.memory_space<vmem>>, vector<16xf32>,
            %get3A_265 = arith.index_cast %add3A_254 : i32 to index
            %get3A_266 = arith.constant 16 : index
            %get3A_267 = tpu.vector_load %arg16[%get3A_265, %get3A_266] {strides = array<i32>} : memref<320x32xf32, #tpu.memory_space<vmem>>, vector<16xf32>,
            %sub3A_268 = arith.subf %get3A_264, %get3A_267 : vector<16xf32>
            %mul3A_269 = arith.mulf %sub3A_261, %sub3A_261 : vector<16xf32>
            %mul3A_270 = arith.mulf %sub3A_268, %sub3A_268 : vector<16xf32>
            %add3A_271 = arith.addf %mul3A_269, %mul3A_270 : vector<16xf32>
            %add3A_272 = arith.constant 4 : i32
            %add3A_273 = arith.addi %mul3A_197, %add3A_272 : i32
            %get3A_274 = arith.index_cast %add3A_273 : i32 to index
            %get3A_275 = arith.constant 0 : index
            %get3A_276 = tpu.vector_load %arg13[%get3A_274, %get3A_275] {strides = array<i32>} : memref<320x32xf32, #tpu.memory_space<vmem>>, vector<16xf32>,
            %get3A_277 = arith.index_cast %add3A_273 : i32 to index
            %get3A_278 = arith.constant 0 : index
            %get3A_279 = tpu.vector_load %arg16[%get3A_277, %get3A_278] {strides = array<i32>} : memref<320x32xf32, #tpu.memory_space<vmem>>, vector<16xf32>,
            %sub3A_280 = arith.subf %get3A_276, %get3A_279 : vector<16xf32>
            %get3A_281 = arith.index_cast %add3A_273 : i32 to index
            %get3A_282 = arith.constant 16 : index
            %get3A_283 = tpu.vector_load %arg13[%get3A_281, %get3A_282] {strides = array<i32>} : memref<320x32xf32, #tpu.memory_space<vmem>>, vector<16xf32>,
            %get3A_284 = arith.index_cast %add3A_273 : i32 to index
            %get3A_285 = arith.constant 16 : index
            %get3A_286 = tpu.vector_load %arg16[%get3A_284, %get3A_285] {strides = array<i32>} : memref<320x32xf32, #tpu.memory_space<vmem>>, vector<16xf32>,
            %sub3A_287 = arith.subf %get3A_283, %get3A_286 : vector<16xf32>
            %mul3A_288 = arith.mulf %sub3A_280, %sub3A_280 : vector<16xf32>
            %mul3A_289 = arith.mulf %sub3A_287, %sub3A_287 : vector<16xf32>
            %add3A_290 = arith.addf %mul3A_288, %mul3A_289 : vector<16xf32>
            %add3A_291 = arith.constant 5 : i32
            %add3A_292 = arith.addi %mul3A_197, %add3A_291 : i32
            %get3A_293 = arith.index_cast %add3A_292 : i32 to index
            %get3A_294 = arith.constant 0 : index
            %get3A_295 = tpu.vector_load %arg13[%get3A_293, %get3A_294] {strides = array<i32>} : memref<320x32xf32, #tpu.memory_space<vmem>>, vector<16xf32>,
            %get3A_296 = arith.index_cast %add3A_292 : i32 to index
            %get3A_297 = arith.constant 0 : index
            %get3A_298 = tpu.vector_load %arg16[%get3A_296, %get3A_297] {strides = array<i32>} : memref<320x32xf32, #tpu.memory_space<vmem>>, vector<16xf32>,
            %sub3A_299 = arith.subf %get3A_295, %get3A_298 : vector<16xf32>
            %get3A_300 = arith.index_cast %add3A_292 : i32 to index
            %get3A_301 = arith.constant 16 : index
            %get3A_302 = tpu.vector_load %arg13[%get3A_300, %get3A_301] {strides = array<i32>} : memref<320x32xf32, #tpu.memory_space<vmem>>, vector<16xf32>,
            %get3A_303 = arith.index_cast %add3A_292 : i32 to index
            %get3A_304 = arith.constant 16 : index
            %get3A_305 = tpu.vector_load %arg16[%get3A_303, %get3A_304] {strides = array<i32>} : memref<320x32xf32, #tpu.memory_space<vmem>>, vector<16xf32>,
            %sub3A_306 = arith.subf %get3A_302, %get3A_305 : vector<16xf32>
            %mul3A_307 = arith.mulf %sub3A_299, %sub3A_299 : vector<16xf32>
            %mul3A_308 = arith.mulf %sub3A_306, %sub3A_306 : vector<16xf32>
            %add3A_309 = arith.addf %mul3A_307, %mul3A_308 : vector<16xf32>
            %add3A_310 = arith.constant 6 : i32
            %add3A_311 = arith.addi %mul3A_197, %add3A_310 : i32
            %get3A_312 = arith.index_cast %add3A_311 : i32 to index
            %get3A_313 = arith.constant 0 : index
            %get3A_314 = tpu.vector_load %arg13[%get3A_312, %get3A_313] {strides = array<i32>} : memref<320x32xf32, #tpu.memory_space<vmem>>, vector<16xf32>,
            %get3A_315 = arith.index_cast %add3A_311 : i32 to index
            %get3A_316 = arith.constant 0 : index
            %get3A_317 = tpu.vector_load %arg16[%get3A_315, %get3A_316] {strides = array<i32>} : memref<320x32xf32, #tpu.memory_space<vmem>>, vector<16xf32>,
            %sub3A_318 = arith.subf %get3A_314, %get3A_317 : vector<16xf32>
            %get3A_319 = arith.index_cast %add3A_311 : i32 to index
            %get3A_320 = arith.constant 16 : index
            %get3A_321 = tpu.vector_load %arg13[%get3A_319, %get3A_320] {strides = array<i32>} : memref<320x32xf32, #tpu.memory_space<vmem>>, vector<16xf32>,
            %get3A_322 = arith.index_cast %add3A_311 : i32 to index
            %get3A_323 = arith.constant 16 : index
            %get3A_324 = tpu.vector_load %arg16[%get3A_322, %get3A_323] {strides = array<i32>} : memref<320x32xf32, #tpu.memory_space<vmem>>, vector<16xf32>,
            %sub3A_325 = arith.subf %get3A_321, %get3A_324 : vector<16xf32>
            %mul3A_326 = arith.mulf %sub3A_318, %sub3A_318 : vector<16xf32>
            %mul3A_327 = arith.mulf %sub3A_325, %sub3A_325 : vector<16xf32>
            %add3A_328 = arith.addf %mul3A_326, %mul3A_327 : vector<16xf32>
            %add3A_329 = arith.constant 7 : i32
            %add3A_330 = arith.addi %mul3A_197, %add3A_329 : i32
            %get3A_331 = arith.index_cast %add3A_330 : i32 to index
            %get3A_332 = arith.constant 0 : index
            %get3A_333 = tpu.vector_load %arg13[%get3A_331, %get3A_332] {strides = array<i32>} : memref<320x32xf32, #tpu.memory_space<vmem>>, vector<16xf32>,
            %get3A_334 = arith.index_cast %add3A_330 : i32 to index
            %get3A_335 = arith.constant 0 : index
            %get3A_336 = tpu.vector_load %arg16[%get3A_334, %get3A_335] {strides = array<i32>} : memref<320x32xf32, #tpu.memory_space<vmem>>, vector<16xf32>,
            %sub3A_337 = arith.subf %get3A_333, %get3A_336 : vector<16xf32>
            %get3A_338 = arith.index_cast %add3A_330 : i32 to index
            %get3A_339 = arith.constant 16 : index
            %get3A_340 = tpu.vector_load %arg13[%get3A_338, %get3A_339] {strides = array<i32>} : memref<320x32xf32, #tpu.memory_space<vmem>>, vector<16xf32>,
            %get3A_341 = arith.index_cast %add3A_330 : i32 to index
            %get3A_342 = arith.constant 16 : index
            %get3A_343 = tpu.vector_load %arg16[%get3A_341, %get3A_342] {strides = array<i32>} : memref<320x32xf32, #tpu.memory_space<vmem>>, vector<16xf32>,
            %sub3A_344 = arith.subf %get3A_340, %get3A_343 : vector<16xf32>
            %mul3A_345 = arith.mulf %sub3A_337, %sub3A_337 : vector<16xf32>
            %mul3A_346 = arith.mulf %sub3A_344, %sub3A_344 : vector<16xf32>
            %add3A_347 = arith.addf %mul3A_345, %mul3A_346 : vector<16xf32>
            %add3A_348 = arith.constant 8 : i32
            %add3A_349 = arith.addi %mul3A_197, %add3A_348 : i32
            %get3A_350 = arith.index_cast %add3A_349 : i32 to index
            %get3A_351 = arith.constant 0 : index
            %get3A_352 = tpu.vector_load %arg13[%get3A_350, %get3A_351] {strides = array<i32>} : memref<320x32xf32, #tpu.memory_space<vmem>>, vector<16xf32>,
            %get3A_353 = arith.index_cast %add3A_349 : i32 to index
            %get3A_354 = arith.constant 0 : index
            %get3A_355 = tpu.vector_load %arg16[%get3A_353, %get3A_354] {strides = array<i32>} : memref<320x32xf32, #tpu.memory_space<vmem>>, vector<16xf32>,
            %sub3A_356 = arith.subf %get3A_352, %get3A_355 : vector<16xf32>
            %get3A_357 = arith.index_cast %add3A_349 : i32 to index
            %get3A_358 = arith.constant 16 : index
            %get3A_359 = tpu.vector_load %arg13[%get3A_357, %get3A_358] {strides = array<i32>} : memref<320x32xf32, #tpu.memory_space<vmem>>, vector<16xf32>,
            %get3A_360 = arith.index_cast %add3A_349 : i32 to index
            %get3A_361 = arith.constant 16 : index
            %get3A_362 = tpu.vector_load %arg16[%get3A_360, %get3A_361] {strides = array<i32>} : memref<320x32xf32, #tpu.memory_space<vmem>>, vector<16xf32>,
            %sub3A_363 = arith.subf %get3A_359, %get3A_362 : vector<16xf32>
            %mul3A_364 = arith.mulf %sub3A_356, %sub3A_356 : vector<16xf32>
            %mul3A_365 = arith.mulf %sub3A_363, %sub3A_363 : vector<16xf32>
            %add3A_366 = arith.addf %mul3A_364, %mul3A_365 : vector<16xf32>
            %add3A_367 = arith.constant 9 : i32
            %add3A_368 = arith.addi %mul3A_197, %add3A_367 : i32
            %get3A_369 = arith.index_cast %add3A_368 : i32 to index
            %get3A_370 = arith.constant 0 : index
            %get3A_371 = tpu.vector_load %arg13[%get3A_369, %get3A_370] {strides = array<i32>} : memref<320x32xf32, #tpu.memory_space<vmem>>, vector<16xf32>,
            %get3A_372 = arith.index_cast %add3A_368 : i32 to index
            %get3A_373 = arith.constant 0 : index
            %get3A_374 = tpu.vector_load %arg16[%get3A_372, %get3A_373] {strides = array<i32>} : memref<320x32xf32, #tpu.memory_space<vmem>>, vector<16xf32>,
            %sub3A_375 = arith.subf %get3A_371, %get3A_374 : vector<16xf32>
            %get3A_376 = arith.index_cast %add3A_368 : i32 to index
            %get3A_377 = arith.constant 16 : index
            %get3A_378 = tpu.vector_load %arg13[%get3A_376, %get3A_377] {strides = array<i32>} : memref<320x32xf32, #tpu.memory_space<vmem>>, vector<16xf32>,
            %get3A_379 = arith.index_cast %add3A_368 : i32 to index
            %get3A_380 = arith.constant 16 : index
            %get3A_381 = tpu.vector_load %arg16[%get3A_379, %get3A_380] {strides = array<i32>} : memref<320x32xf32, #tpu.memory_space<vmem>>, vector<16xf32>,
            %sub3A_382 = arith.subf %get3A_378, %get3A_381 : vector<16xf32>
            %mul3A_383 = arith.mulf %sub3A_375, %sub3A_375 : vector<16xf32>
            %mul3A_384 = arith.mulf %sub3A_382, %sub3A_382 : vector<16xf32>
            %add3A_385 = arith.addf %mul3A_383, %mul3A_384 : vector<16xf32>
            %add3A_386 = arith.constant 10 : i32
            %add3A_387 = arith.addi %mul3A_197, %add3A_386 : i32
            %get3A_388 = arith.index_cast %add3A_387 : i32 to index
            %get3A_389 = arith.constant 0 : index
            %get3A_390 = tpu.vector_load %arg13[%get3A_388, %get3A_389] {strides = array<i32>} : memref<320x32xf32, #tpu.memory_space<vmem>>, vector<16xf32>,
            %get3A_391 = arith.index_cast %add3A_387 : i32 to index
            %get3A_392 = arith.constant 0 : index
            %get3A_393 = tpu.vector_load %arg16[%get3A_391, %get3A_392] {strides = array<i32>} : memref<320x32xf32, #tpu.memory_space<vmem>>, vector<16xf32>,
            %sub3A_394 = arith.subf %get3A_390, %get3A_393 : vector<16xf32>
            %get3A_395 = arith.index_cast %add3A_387 : i32 to index
            %get3A_396 = arith.constant 16 : index
            %get3A_397 = tpu.vector_load %arg13[%get3A_395, %get3A_396] {strides = array<i32>} : memref<320x32xf32, #tpu.memory_space<vmem>>, vector<16xf32>,
            %get3A_398 = arith.index_cast %add3A_387 : i32 to index
            %get3A_399 = arith.constant 16 : index
            %get3A_400 = tpu.vector_load %arg16[%get3A_398, %get3A_399] {strides = array<i32>} : memref<320x32xf32, #tpu.memory_space<vmem>>, vector<16xf32>,
            %sub3A_401 = arith.subf %get3A_397, %get3A_400 : vector<16xf32>
            %mul3A_402 = arith.mulf %sub3A_394, %sub3A_394 : vector<16xf32>
            %mul3A_403 = arith.mulf %sub3A_401, %sub3A_401 : vector<16xf32>
            %add3A_404 = arith.addf %mul3A_402, %mul3A_403 : vector<16xf32>
            %add3A_405 = arith.constant 11 : i32
            %add3A_406 = arith.addi %mul3A_197, %add3A_405 : i32
            %get3A_407 = arith.index_cast %add3A_406 : i32 to index
            %get3A_408 = arith.constant 0 : index
            %get3A_409 = tpu.vector_load %arg13[%get3A_407, %get3A_408] {strides = array<i32>} : memref<320x32xf32, #tpu.memory_space<vmem>>, vector<16xf32>,
            %get3A_410 = arith.index_cast %add3A_406 : i32 to index
            %get3A_411 = arith.constant 0 : index
            %get3A_412 = tpu.vector_load %arg16[%get3A_410, %get3A_411] {strides = array<i32>} : memref<320x32xf32, #tpu.memory_space<vmem>>, vector<16xf32>,
            %sub3A_413 = arith.subf %get3A_409, %get3A_412 : vector<16xf32>
            %get3A_414 = arith.index_cast %add3A_406 : i32 to index
            %get3A_415 = arith.constant 16 : index
            %get3A_416 = tpu.vector_load %arg13[%get3A_414, %get3A_415] {strides = array<i32>} : memref<320x32xf32, #tpu.memory_space<vmem>>, vector<16xf32>,
            %get3A_417 = arith.index_cast %add3A_406 : i32 to index
            %get3A_418 = arith.constant 16 : index
            %get3A_419 = tpu.vector_load %arg16[%get3A_417, %get3A_418] {strides = array<i32>} : memref<320x32xf32, #tpu.memory_space<vmem>>, vector<16xf32>,
            %sub3A_420 = arith.subf %get3A_416, %get3A_419 : vector<16xf32>
            %mul3A_421 = arith.mulf %sub3A_413, %sub3A_413 : vector<16xf32>
            %mul3A_422 = arith.mulf %sub3A_420, %sub3A_420 : vector<16xf32>
            %add3A_423 = arith.addf %mul3A_421, %mul3A_422 : vector<16xf32>
            %add3A_424 = arith.constant 12 : i32
            %add3A_425 = arith.addi %mul3A_197, %add3A_424 : i32
            %get3A_426 = arith.index_cast %add3A_425 : i32 to index
            %get3A_427 = arith.constant 0 : index
            %get3A_428 = tpu.vector_load %arg13[%get3A_426, %get3A_427] {strides = array<i32>} : memref<320x32xf32, #tpu.memory_space<vmem>>, vector<16xf32>,
            %get3A_429 = arith.index_cast %add3A_425 : i32 to index
            %get3A_430 = arith.constant 0 : index
            %get3A_431 = tpu.vector_load %arg16[%get3A_429, %get3A_430] {strides = array<i32>} : memref<320x32xf32, #tpu.memory_space<vmem>>, vector<16xf32>,
            %sub3A_432 = arith.subf %get3A_428, %get3A_431 : vector<16xf32>
            %get3A_433 = arith.index_cast %add3A_425 : i32 to index
            %get3A_434 = arith.constant 16 : index
            %get3A_435 = tpu.vector_load %arg13[%get3A_433, %get3A_434] {strides = array<i32>} : memref<320x32xf32, #tpu.memory_space<vmem>>, vector<16xf32>,
            %get3A_436 = arith.index_cast %add3A_425 : i32 to index
            %get3A_437 = arith.constant 16 : index
            %get3A_438 = tpu.vector_load %arg16[%get3A_436, %get3A_437] {strides = array<i32>} : memref<320x32xf32, #tpu.memory_space<vmem>>, vector<16xf32>,
            %sub3A_439 = arith.subf %get3A_435, %get3A_438 : vector<16xf32>
            %mul3A_440 = arith.mulf %sub3A_432, %sub3A_432 : vector<16xf32>
            %mul3A_441 = arith.mulf %sub3A_439, %sub3A_439 : vector<16xf32>
            %add3A_442 = arith.addf %mul3A_440, %mul3A_441 : vector<16xf32>
            %add3A_443 = arith.constant 13 : i32
            %add3A_444 = arith.addi %mul3A_197, %add3A_443 : i32
            %get3A_445 = arith.index_cast %add3A_444 : i32 to index
            %get3A_446 = arith.constant 0 : index
            %get3A_447 = tpu.vector_load %arg13[%get3A_445, %get3A_446] {strides = array<i32>} : memref<320x32xf32, #tpu.memory_space<vmem>>, vector<16xf32>,
            %get3A_448 = arith.index_cast %add3A_444 : i32 to index
            %get3A_449 = arith.constant 0 : index
            %get3A_450 = tpu.vector_load %arg16[%get3A_448, %get3A_449] {strides = array<i32>} : memref<320x32xf32, #tpu.memory_space<vmem>>, vector<16xf32>,
            %sub3A_451 = arith.subf %get3A_447, %get3A_450 : vector<16xf32>
            %get3A_452 = arith.index_cast %add3A_444 : i32 to index
            %get3A_453 = arith.constant 16 : index
            %get3A_454 = tpu.vector_load %arg13[%get3A_452, %get3A_453] {strides = array<i32>} : memref<320x32xf32, #tpu.memory_space<vmem>>, vector<16xf32>,
            %get3A_455 = arith.index_cast %add3A_444 : i32 to index
            %get3A_456 = arith.constant 16 : index
            %get3A_457 = tpu.vector_load %arg16[%get3A_455, %get3A_456] {strides = array<i32>} : memref<320x32xf32, #tpu.memory_space<vmem>>, vector<16xf32>,
            %sub3A_458 = arith.subf %get3A_454, %get3A_457 : vector<16xf32>
            %mul3A_459 = arith.mulf %sub3A_451, %sub3A_451 : vector<16xf32>
            %mul3A_460 = arith.mulf %sub3A_458, %sub3A_458 : vector<16xf32>
            %add3A_461 = arith.addf %mul3A_459, %mul3A_460 : vector<16xf32>
            %add3A_462 = arith.constant 14 : i32
            %add3A_463 = arith.addi %mul3A_197, %add3A_462 : i32
            %get3A_464 = arith.index_cast %add3A_463 : i32 to index
            %get3A_465 = arith.constant 0 : index
            %get3A_466 = tpu.vector_load %arg13[%get3A_464, %get3A_465] {strides = array<i32>} : memref<320x32xf32, #tpu.memory_space<vmem>>, vector<16xf32>,
            %get3A_467 = arith.index_cast %add3A_463 : i32 to index
            %get3A_468 = arith.constant 0 : index
            %get3A_469 = tpu.vector_load %arg16[%get3A_467, %get3A_468] {strides = array<i32>} : memref<320x32xf32, #tpu.memory_space<vmem>>, vector<16xf32>,
            %sub3A_470 = arith.subf %get3A_466, %get3A_469 : vector<16xf32>
            %get3A_471 = arith.index_cast %add3A_463 : i32 to index
            %get3A_472 = arith.constant 16 : index
            %get3A_473 = tpu.vector_load %arg13[%get3A_471, %get3A_472] {strides = array<i32>} : memref<320x32xf32, #tpu.memory_space<vmem>>, vector<16xf32>,
            %get3A_474 = arith.index_cast %add3A_463 : i32 to index
            %get3A_475 = arith.constant 16 : index
            %get3A_476 = tpu.vector_load %arg16[%get3A_474, %get3A_475] {strides = array<i32>} : memref<320x32xf32, #tpu.memory_space<vmem>>, vector<16xf32>,
            %sub3A_477 = arith.subf %get3A_473, %get3A_476 : vector<16xf32>
            %mul3A_478 = arith.mulf %sub3A_470, %sub3A_470 : vector<16xf32>
            %mul3A_479 = arith.mulf %sub3A_477, %sub3A_477 : vector<16xf32>
            %add3A_480 = arith.addf %mul3A_478, %mul3A_479 : vector<16xf32>
            %add3A_481 = arith.constant 15 : i32
            %add3A_482 = arith.addi %mul3A_197, %add3A_481 : i32
            %get3A_483 = arith.index_cast %add3A_482 : i32 to index
            %get3A_484 = arith.constant 0 : index
            %get3A_485 = tpu.vector_load %arg13[%get3A_483, %get3A_484] {strides = array<i32>} : memref<320x32xf32, #tpu.memory_space<vmem>>, vector<16xf32>,
            %get3A_486 = arith.index_cast %add3A_482 : i32 to index
            %get3A_487 = arith.constant 0 : index
            %get3A_488 = tpu.vector_load %arg16[%get3A_486, %get3A_487] {strides = array<i32>} : memref<320x32xf32, #tpu.memory_space<vmem>>, vector<16xf32>,
            %sub3A_489 = arith.subf %get3A_485, %get3A_488 : vector<16xf32>
            %get3A_490 = arith.index_cast %add3A_482 : i32 to index
            %get3A_491 = arith.constant 16 : index
            %get3A_492 = tpu.vector_load %arg13[%get3A_490, %get3A_491] {strides = array<i32>} : memref<320x32xf32, #tpu.memory_space<vmem>>, vector<16xf32>,
            %get3A_493 = arith.index_cast %add3A_482 : i32 to index
            %get3A_494 = arith.constant 16 : index
            %get3A_495 = tpu.vector_load %arg16[%get3A_493, %get3A_494] {strides = array<i32>} : memref<320x32xf32, #tpu.memory_space<vmem>>, vector<16xf32>,
            %sub3A_496 = arith.subf %get3A_492, %get3A_495 : vector<16xf32>
            %mul3A_497 = arith.mulf %sub3A_489, %sub3A_489 : vector<16xf32>
            %mul3A_498 = arith.mulf %sub3A_496, %sub3A_496 : vector<16xf32>
            %add3A_499 = arith.addf %mul3A_497, %mul3A_498 : vector<16xf32>
            %broadcast_in_dim3A_500 = vector.shape_cast %xor3A_8 : vector<16xi32> to vector<16x1xi32>
            %gather3A = vector.shape_cast %broadcast_in_dim3A_500 : vector<16x1xi32> to vector<16xi32>
            %gather3A_501 = tpu.dynamic_gather %add3A_233[%gather3A] in [0] : vector<16xf32>, vector<16xi32> -> vector<16xf32>
            %select_n3A_502 = arith.select %lt3A_4, %add3A_214, %gather3A_501 : vector<16xi1>, vector<16xf32>
            %broadcast_in_dim3A_503 = vector.shape_cast %xor3A_8 : vector<16xi32> to vector<16x1xi32>
            %gather3A_504 = vector.shape_cast %broadcast_in_dim3A_503 : vector<16x1xi32> to vector<16xi32>
            %gather3A_505 = tpu.dynamic_gather %add3A_214[%gather3A_504] in [0] : vector<16xf32>, vector<16xi32> -> vector<16xf32>
            %select_n3A_506 = arith.select %lt3A_4, %gather3A_505, %add3A_233 : vector<16xi1>, vector<16xf32>
            %add3A_507 = arith.addf %select_n3A_502, %select_n3A_506 : vector<16xf32>
            %broadcast_in_dim3A_508 = vector.shape_cast %xor3A_8 : vector<16xi32> to vector<16x1xi32>
            %gather3A_509 = vector.shape_cast %broadcast_in_dim3A_508 : vector<16x1xi32> to vector<16xi32>
            %gather3A_510 = tpu.dynamic_gather %add3A_271[%gather3A_509] in [0] : vector<16xf32>, vector<16xi32> -> vector<16xf32>
            %select_n3A_511 = arith.select %lt3A_4, %add3A_252, %gather3A_510 : vector<16xi1>, vector<16xf32>
            %broadcast_in_dim3A_512 = vector.shape_cast %xor3A_8 : vector<16xi32> to vector<16x1xi32>
            %gather3A_513 = vector.shape_cast %broadcast_in_dim3A_512 : vector<16x1xi32> to vector<16xi32>
            %gather3A_514 = tpu.dynamic_gather %add3A_252[%gather3A_513] in [0] : vector<16xf32>, vector<16xi32> -> vector<16xf32>
            %select_n3A_515 = arith.select %lt3A_4, %gather3A_514, %add3A_271 : vector<16xi1>, vector<16xf32>
            %add3A_516 = arith.addf %select_n3A_511, %select_n3A_515 : vector<16xf32>
            %broadcast_in_dim3A_517 = vector.shape_cast %xor3A_8 : vector<16xi32> to vector<16x1xi32>
            %gather3A_518 = vector.shape_cast %broadcast_in_dim3A_517 : vector<16x1xi32> to vector<16xi32>
            %gather3A_519 = tpu.dynamic_gather %add3A_309[%gather3A_518] in [0] : vector<16xf32>, vector<16xi32> -> vector<16xf32>
            %select_n3A_520 = arith.select %lt3A_4, %add3A_290, %gather3A_519 : vector<16xi1>, vector<16xf32>
            %broadcast_in_dim3A_521 = vector.shape_cast %xor3A_8 : vector<16xi32> to vector<16x1xi32>
            %gather3A_522 = vector.shape_cast %broadcast_in_dim3A_521 : vector<16x1xi32> to vector<16xi32>
            %gather3A_523 = tpu.dynamic_gather %add3A_290[%gather3A_522] in [0] : vector<16xf32>, vector<16xi32> -> vector<16xf32>
            %select_n3A_524 = arith.select %lt3A_4, %gather3A_523, %add3A_309 : vector<16xi1>, vector<16xf32>
            %add3A_525 = arith.addf %select_n3A_520, %select_n3A_524 : vector<16xf32>
            %broadcast_in_dim3A_526 = vector.shape_cast %xor3A_8 : vector<16xi32> to vector<16x1xi32>
            %gather3A_527 = vector.shape_cast %broadcast_in_dim3A_526 : vector<16x1xi32> to vector<16xi32>
            %gather3A_528 = tpu.dynamic_gather %add3A_347[%gather3A_527] in [0] : vector<16xf32>, vector<16xi32> -> vector<16xf32>
            %select_n3A_529 = arith.select %lt3A_4, %add3A_328, %gather3A_528 : vector<16xi1>, vector<16xf32>
            %broadcast_in_dim3A_530 = vector.shape_cast %xor3A_8 : vector<16xi32> to vector<16x1xi32>
            %gather3A_531 = vector.shape_cast %broadcast_in_dim3A_530 : vector<16x1xi32> to vector<16xi32>
            %gather3A_532 = tpu.dynamic_gather %add3A_328[%gather3A_531] in [0] : vector<16xf32>, vector<16xi32> -> vector<16xf32>
            %select_n3A_533 = arith.select %lt3A_4, %gather3A_532, %add3A_347 : vector<16xi1>, vector<16xf32>
            %add3A_534 = arith.addf %select_n3A_529, %select_n3A_533 : vector<16xf32>
            %broadcast_in_dim3A_535 = vector.shape_cast %xor3A_8 : vector<16xi32> to vector<16x1xi32>
            %gather3A_536 = vector.shape_cast %broadcast_in_dim3A_535 : vector<16x1xi32> to vector<16xi32>
            %gather3A_537 = tpu.dynamic_gather %add3A_385[%gather3A_536] in [0] : vector<16xf32>, vector<16xi32> -> vector<16xf32>
            %select_n3A_538 = arith.select %lt3A_4, %add3A_366, %gather3A_537 : vector<16xi1>, vector<16xf32>
            %broadcast_in_dim3A_539 = vector.shape_cast %xor3A_8 : vector<16xi32> to vector<16x1xi32>
            %gather3A_540 = vector.shape_cast %broadcast_in_dim3A_539 : vector<16x1xi32> to vector<16xi32>
            %gather3A_541 = tpu.dynamic_gather %add3A_366[%gather3A_540] in [0] : vector<16xf32>, vector<16xi32> -> vector<16xf32>
            %select_n3A_542 = arith.select %lt3A_4, %gather3A_541, %add3A_385 : vector<16xi1>, vector<16xf32>
            %add3A_543 = arith.addf %select_n3A_538, %select_n3A_542 : vector<16xf32>
            %broadcast_in_dim3A_544 = vector.shape_cast %xor3A_8 : vector<16xi32> to vector<16x1xi32>
            %gather3A_545 = vector.shape_cast %broadcast_in_dim3A_544 : vector<16x1xi32> to vector<16xi32>
            %gather3A_546 = tpu.dynamic_gather %add3A_423[%gather3A_545] in [0] : vector<16xf32>, vector<16xi32> -> vector<16xf32>
            %select_n3A_547 = arith.select %lt3A_4, %add3A_404, %gather3A_546 : vector<16xi1>, vector<16xf32>
            %broadcast_in_dim3A_548 = vector.shape_cast %xor3A_8 : vector<16xi32> to vector<16x1xi32>
            %gather3A_549 = vector.shape_cast %broadcast_in_dim3A_548 : vector<16x1xi32> to vector<16xi32>
            %gather3A_550 = tpu.dynamic_gather %add3A_404[%gather3A_549] in [0] : vector<16xf32>, vector<16xi32> -> vector<16xf32>
            %select_n3A_551 = arith.select %lt3A_4, %gather3A_550, %add3A_423 : vector<16xi1>, vector<16xf32>
            %add3A_552 = arith.addf %select_n3A_547, %select_n3A_551 : vector<16xf32>
            %broadcast_in_dim3A_553 = vector.shape_cast %xor3A_8 : vector<16xi32> to vector<16x1xi32>
            %gather3A_554 = vector.shape_cast %broadcast_in_dim3A_553 : vector<16x1xi32> to vector<16xi32>
            %gather3A_555 = tpu.dynamic_gather %add3A_461[%gather3A_554] in [0] : vector<16xf32>, vector<16xi32> -> vector<16xf32>
            %select_n3A_556 = arith.select %lt3A_4, %add3A_442, %gather3A_555 : vector<16xi1>, vector<16xf32>
            %broadcast_in_dim3A_557 = vector.shape_cast %xor3A_8 : vector<16xi32> to vector<16x1xi32>
            %gather3A_558 = vector.shape_cast %broadcast_in_dim3A_557 : vector<16x1xi32> to vector<16xi32>
            %gather3A_559 = tpu.dynamic_gather %add3A_442[%gather3A_558] in [0] : vector<16xf32>, vector<16xi32> -> vector<16xf32>
            %select_n3A_560 = arith.select %lt3A_4, %gather3A_559, %add3A_461 : vector<16xi1>, vector<16xf32>
            %add3A_561 = arith.addf %select_n3A_556, %select_n3A_560 : vector<16xf32>
            %broadcast_in_dim3A_562 = vector.shape_cast %xor3A_8 : vector<16xi32> to vector<16x1xi32>
            %gather3A_563 = vector.shape_cast %broadcast_in_dim3A_562 : vector<16x1xi32> to vector<16xi32>
            %gather3A_564 = tpu.dynamic_gather %add3A_499[%gather3A_563] in [0] : vector<16xf32>, vector<16xi32> -> vector<16xf32>
            %select_n3A_565 = arith.select %lt3A_4, %add3A_480, %gather3A_564 : vector<16xi1>, vector<16xf32>
            %broadcast_in_dim3A_566 = vector.shape_cast %xor3A_8 : vector<16xi32> to vector<16x1xi32>
            %gather3A_567 = vector.shape_cast %broadcast_in_dim3A_566 : vector<16x1xi32> to vector<16xi32>
            %gather3A_568 = tpu.dynamic_gather %add3A_480[%gather3A_567] in [0] : vector<16xf32>, vector<16xi32> -> vector<16xf32>
            %select_n3A_569 = arith.select %lt3A_4, %gather3A_568, %add3A_499 : vector<16xi1>, vector<16xf32>
            %add3A_570 = arith.addf %select_n3A_565, %select_n3A_569 : vector<16xf32>
            %broadcast_in_dim3A_571 = vector.shape_cast %or3A : vector<16xi32> to vector<16x1xi32>
            %gather3A_572 = vector.shape_cast %broadcast_in_dim3A_571 : vector<16x1xi32> to vector<16xi32>
            %gather3A_573 = tpu.dynamic_gather %add3A_507[%gather3A_572] in [0] : vector<16xf32>, vector<16xi32> -> vector<16xf32>
            %broadcast_in_dim3A_574 = vector.shape_cast %or3A : vector<16xi32> to vector<16x1xi32>
            %gather3A_575 = vector.shape_cast %broadcast_in_dim3A_574 : vector<16x1xi32> to vector<16xi32>
            %gather3A_576 = tpu.dynamic_gather %add3A_516[%gather3A_575] in [0] : vector<16xf32>, vector<16xi32> -> vector<16xf32>
            %select_n3A_577 = arith.select %lt3A_4, %gather3A_573, %gather3A_576 : vector<16xi1>, vector<16xf32>
            %broadcast_in_dim3A_578 = vector.shape_cast %add3A_18 : vector<16xi32> to vector<16x1xi32>
            %gather3A_579 = vector.shape_cast %broadcast_in_dim3A_578 : vector<16x1xi32> to vector<16xi32>
            %gather3A_580 = tpu.dynamic_gather %add3A_507[%gather3A_579] in [0] : vector<16xf32>, vector<16xi32> -> vector<16xf32>
            %broadcast_in_dim3A_581 = vector.shape_cast %add3A_18 : vector<16xi32> to vector<16x1xi32>
            %gather3A_582 = vector.shape_cast %broadcast_in_dim3A_581 : vector<16x1xi32> to vector<16xi32>
            %gather3A_583 = tpu.dynamic_gather %add3A_516[%gather3A_582] in [0] : vector<16xf32>, vector<16xi32> -> vector<16xf32>
            %select_n3A_584 = arith.select %lt3A_4, %gather3A_580, %gather3A_583 : vector<16xi1>, vector<16xf32>
            %add3A_585 = arith.addf %select_n3A_577, %select_n3A_584 : vector<16xf32>
            %broadcast_in_dim3A_586 = vector.shape_cast %or3A : vector<16xi32> to vector<16x1xi32>
            %gather3A_587 = vector.shape_cast %broadcast_in_dim3A_586 : vector<16x1xi32> to vector<16xi32>
            %gather3A_588 = tpu.dynamic_gather %add3A_525[%gather3A_587] in [0] : vector<16xf32>, vector<16xi32> -> vector<16xf32>
            %broadcast_in_dim3A_589 = vector.shape_cast %or3A : vector<16xi32> to vector<16x1xi32>
            %gather3A_590 = vector.shape_cast %broadcast_in_dim3A_589 : vector<16x1xi32> to vector<16xi32>
            %gather3A_591 = tpu.dynamic_gather %add3A_534[%gather3A_590] in [0] : vector<16xf32>, vector<16xi32> -> vector<16xf32>
            %select_n3A_592 = arith.select %lt3A_4, %gather3A_588, %gather3A_591 : vector<16xi1>, vector<16xf32>
            %broadcast_in_dim3A_593 = vector.shape_cast %add3A_18 : vector<16xi32> to vector<16x1xi32>
            %gather3A_594 = vector.shape_cast %broadcast_in_dim3A_593 : vector<16x1xi32> to vector<16xi32>
            %gather3A_595 = tpu.dynamic_gather %add3A_525[%gather3A_594] in [0] : vector<16xf32>, vector<16xi32> -> vector<16xf32>
            %broadcast_in_dim3A_596 = vector.shape_cast %add3A_18 : vector<16xi32> to vector<16x1xi32>
            %gather3A_597 = vector.shape_cast %broadcast_in_dim3A_596 : vector<16x1xi32> to vector<16xi32>
            %gather3A_598 = tpu.dynamic_gather %add3A_534[%gather3A_597] in [0] : vector<16xf32>, vector<16xi32> -> vector<16xf32>
            %select_n3A_599 = arith.select %lt3A_4, %gather3A_595, %gather3A_598 : vector<16xi1>, vector<16xf32>
            %add3A_600 = arith.addf %select_n3A_592, %select_n3A_599 : vector<16xf32>
            %broadcast_in_dim3A_601 = vector.shape_cast %or3A : vector<16xi32> to vector<16x1xi32>
            %gather3A_602 = vector.shape_cast %broadcast_in_dim3A_601 : vector<16x1xi32> to vector<16xi32>
            %gather3A_603 = tpu.dynamic_gather %add3A_543[%gather3A_602] in [0] : vector<16xf32>, vector<16xi32> -> vector<16xf32>
            %broadcast_in_dim3A_604 = vector.shape_cast %or3A : vector<16xi32> to vector<16x1xi32>
            %gather3A_605 = vector.shape_cast %broadcast_in_dim3A_604 : vector<16x1xi32> to vector<16xi32>
            %gather3A_606 = tpu.dynamic_gather %add3A_552[%gather3A_605] in [0] : vector<16xf32>, vector<16xi32> -> vector<16xf32>
            %select_n3A_607 = arith.select %lt3A_4, %gather3A_603, %gather3A_606 : vector<16xi1>, vector<16xf32>
            %broadcast_in_dim3A_608 = vector.shape_cast %add3A_18 : vector<16xi32> to vector<16x1xi32>
            %gather3A_609 = vector.shape_cast %broadcast_in_dim3A_608 : vector<16x1xi32> to vector<16xi32>
            %gather3A_610 = tpu.dynamic_gather %add3A_543[%gather3A_609] in [0] : vector<16xf32>, vector<16xi32> -> vector<16xf32>
            %broadcast_in_dim3A_611 = vector.shape_cast %add3A_18 : vector<16xi32> to vector<16x1xi32>
            %gather3A_612 = vector.shape_cast %broadcast_in_dim3A_611 : vector<16x1xi32> to vector<16xi32>
            %gather3A_613 = tpu.dynamic_gather %add3A_552[%gather3A_612] in [0] : vector<16xf32>, vector<16xi32> -> vector<16xf32>
            %select_n3A_614 = arith.select %lt3A_4, %gather3A_610, %gather3A_613 : vector<16xi1>, vector<16xf32>
            %add3A_615 = arith.addf %select_n3A_607, %select_n3A_614 : vector<16xf32>
            %broadcast_in_dim3A_616 = vector.shape_cast %or3A : vector<16xi32> to vector<16x1xi32>
            %gather3A_617 = vector.shape_cast %broadcast_in_dim3A_616 : vector<16x1xi32> to vector<16xi32>
            %gather3A_618 = tpu.dynamic_gather %add3A_561[%gather3A_617] in [0] : vector<16xf32>, vector<16xi32> -> vector<16xf32>
            %broadcast_in_dim3A_619 = vector.shape_cast %or3A : vector<16xi32> to vector<16x1xi32>
            %gather3A_620 = vector.shape_cast %broadcast_in_dim3A_619 : vector<16x1xi32> to vector<16xi32>
            %gather3A_621 = tpu.dynamic_gather %add3A_570[%gather3A_620] in [0] : vector<16xf32>, vector<16xi32> -> vector<16xf32>
            %select_n3A_622 = arith.select %lt3A_4, %gather3A_618, %gather3A_621 : vector<16xi1>, vector<16xf32>
            %broadcast_in_dim3A_623 = vector.shape_cast %add3A_18 : vector<16xi32> to vector<16x1xi32>
            %gather3A_624 = vector.shape_cast %broadcast_in_dim3A_623 : vector<16x1xi32> to vector<16xi32>
            %gather3A_625 = tpu.dynamic_gather %add3A_561[%gather3A_624] in [0] : vector<16xf32>, vector<16xi32> -> vector<16xf32>
            %broadcast_in_dim3A_626 = vector.shape_cast %add3A_18 : vector<16xi32> to vector<16x1xi32>
            %gather3A_627 = vector.shape_cast %broadcast_in_dim3A_626 : vector<16x1xi32> to vector<16xi32>
            %gather3A_628 = tpu.dynamic_gather %add3A_570[%gather3A_627] in [0] : vector<16xf32>, vector<16xi32> -> vector<16xf32>
            %select_n3A_629 = arith.select %lt3A_4, %gather3A_625, %gather3A_628 : vector<16xi1>, vector<16xf32>
            %add3A_630 = arith.addf %select_n3A_622, %select_n3A_629 : vector<16xf32>
            %broadcast_in_dim3A_631 = vector.shape_cast %or3A_28 : vector<16xi32> to vector<16x1xi32>
            %gather3A_632 = vector.shape_cast %broadcast_in_dim3A_631 : vector<16x1xi32> to vector<16xi32>
            %gather3A_633 = tpu.dynamic_gather %add3A_585[%gather3A_632] in [0] : vector<16xf32>, vector<16xi32> -> vector<16xf32>
            %broadcast_in_dim3A_634 = vector.shape_cast %or3A_28 : vector<16xi32> to vector<16x1xi32>
            %gather3A_635 = vector.shape_cast %broadcast_in_dim3A_634 : vector<16x1xi32> to vector<16xi32>
            %gather3A_636 = tpu.dynamic_gather %add3A_600[%gather3A_635] in [0] : vector<16xf32>, vector<16xi32> -> vector<16xf32>
            %select_n3A_637 = arith.select %lt3A_4, %gather3A_633, %gather3A_636 : vector<16xi1>, vector<16xf32>
            %broadcast_in_dim3A_638 = vector.shape_cast %add3A_31 : vector<16xi32> to vector<16x1xi32>
            %gather3A_639 = vector.shape_cast %broadcast_in_dim3A_638 : vector<16x1xi32> to vector<16xi32>
            %gather3A_640 = tpu.dynamic_gather %add3A_585[%gather3A_639] in [0] : vector<16xf32>, vector<16xi32> -> vector<16xf32>
            %broadcast_in_dim3A_641 = vector.shape_cast %add3A_31 : vector<16xi32> to vector<16x1xi32>
            %gather3A_642 = vector.shape_cast %broadcast_in_dim3A_641 : vector<16x1xi32> to vector<16xi32>
            %gather3A_643 = tpu.dynamic_gather %add3A_600[%gather3A_642] in [0] : vector<16xf32>, vector<16xi32> -> vector<16xf32>
            %select_n3A_644 = arith.select %lt3A_4, %gather3A_640, %gather3A_643 : vector<16xi1>, vector<16xf32>
            %add3A_645 = arith.addf %select_n3A_637, %select_n3A_644 : vector<16xf32>
            %broadcast_in_dim3A_646 = vector.shape_cast %or3A_28 : vector<16xi32> to vector<16x1xi32>
            %gather3A_647 = vector.shape_cast %broadcast_in_dim3A_646 : vector<16x1xi32> to vector<16xi32>
            %gather3A_648 = tpu.dynamic_gather %add3A_615[%gather3A_647] in [0] : vector<16xf32>, vector<16xi32> -> vector<16xf32>
            %broadcast_in_dim3A_649 = vector.shape_cast %or3A_28 : vector<16xi32> to vector<16x1xi32>
            %gather3A_650 = vector.shape_cast %broadcast_in_dim3A_649 : vector<16x1xi32> to vector<16xi32>
            %gather3A_651 = tpu.dynamic_gather %add3A_630[%gather3A_650] in [0] : vector<16xf32>, vector<16xi32> -> vector<16xf32>
            %select_n3A_652 = arith.select %lt3A_4, %gather3A_648, %gather3A_651 : vector<16xi1>, vector<16xf32>
            %broadcast_in_dim3A_653 = vector.shape_cast %add3A_31 : vector<16xi32> to vector<16x1xi32>
            %gather3A_654 = vector.shape_cast %broadcast_in_dim3A_653 : vector<16x1xi32> to vector<16xi32>
            %gather3A_655 = tpu.dynamic_gather %add3A_615[%gather3A_654] in [0] : vector<16xf32>, vector<16xi32> -> vector<16xf32>
            %broadcast_in_dim3A_656 = vector.shape_cast %add3A_31 : vector<16xi32> to vector<16x1xi32>
            %gather3A_657 = vector.shape_cast %broadcast_in_dim3A_656 : vector<16x1xi32> to vector<16xi32>
            %gather3A_658 = tpu.dynamic_gather %add3A_630[%gather3A_657] in [0] : vector<16xf32>, vector<16xi32> -> vector<16xf32>
            %select_n3A_659 = arith.select %lt3A_4, %gather3A_655, %gather3A_658 : vector<16xi1>, vector<16xf32>
            %add3A_660 = arith.addf %select_n3A_652, %select_n3A_659 : vector<16xf32>
            %broadcast_in_dim3A_661 = vector.shape_cast %shift_left3A_34 : vector<16xi32> to vector<16x1xi32>
            %gather3A_662 = vector.shape_cast %broadcast_in_dim3A_661 : vector<16x1xi32> to vector<16xi32>
            %gather3A_663 = tpu.dynamic_gather %add3A_645[%gather3A_662] in [0] : vector<16xf32>, vector<16xi32> -> vector<16xf32>
            %broadcast_in_dim3A_664 = vector.shape_cast %shift_left3A_34 : vector<16xi32> to vector<16x1xi32>
            %gather3A_665 = vector.shape_cast %broadcast_in_dim3A_664 : vector<16x1xi32> to vector<16xi32>
            %gather3A_666 = tpu.dynamic_gather %add3A_660[%gather3A_665] in [0] : vector<16xf32>, vector<16xi32> -> vector<16xf32>
            %select_n3A_667 = arith.select %lt3A_4, %gather3A_663, %gather3A_666 : vector<16xi1>, vector<16xf32>
            %broadcast_in_dim3A_668 = vector.shape_cast %add3A_37 : vector<16xi32> to vector<16x1xi32>
            %gather3A_669 = vector.shape_cast %broadcast_in_dim3A_668 : vector<16x1xi32> to vector<16xi32>
            %gather3A_670 = tpu.dynamic_gather %add3A_645[%gather3A_669] in [0] : vector<16xf32>, vector<16xi32> -> vector<16xf32>
            %broadcast_in_dim3A_671 = vector.shape_cast %add3A_37 : vector<16xi32> to vector<16x1xi32>
            %gather3A_672 = vector.shape_cast %broadcast_in_dim3A_671 : vector<16x1xi32> to vector<16xi32>
            %gather3A_673 = tpu.dynamic_gather %add3A_660[%gather3A_672] in [0] : vector<16xf32>, vector<16xi32> -> vector<16xf32>
            %select_n3A_674 = arith.select %lt3A_4, %gather3A_670, %gather3A_673 : vector<16xi1>, vector<16xf32>
            %add3A_675 = arith.addf %select_n3A_667, %select_n3A_674 : vector<16xf32>
            %max3A = arith.constant 1.000000e-30 : f32
            %max3A_676 = vector.broadcast %max3A : f32 to vector<16xf32>
            %max3A_677 = arith.maximumf %add3A_675, %max3A_676 : vector<16xf32>
            %bitcast3A = vector.bitcast %max3A_677 : vector<16xf32> to vector<16xi32>
            %shift_right_logical3A = arith.constant 1 : i32
            %shift_right_logical3A_678 = vector.broadcast %shift_right_logical3A : i32 to vector<16xi32>
            %shift_right_logical3A_679 = arith.shrui %bitcast3A, %shift_right_logical3A_678 : vector<16xi32>
            %sub3A_680 = arith.constant 1597463007 : i32
            %sub3A_681 = vector.broadcast %sub3A_680 : i32 to vector<16xi32>
            %sub3A_682 = arith.subi %sub3A_681, %shift_right_logical3A_679 : vector<16xi32>
            %bitcast3A_683 = vector.bitcast %sub3A_682 : vector<16xi32> to vector<16xf32>
            %mul3A_684 = arith.constant 5.000000e-01 : f32
            %mul3A_685 = vector.broadcast %mul3A_684 : f32 to vector<16xf32>
            %mul3A_686 = arith.mulf %mul3A_685, %max3A_677 : vector<16xf32>
            %mul3A_687 = arith.mulf %mul3A_686, %bitcast3A_683 : vector<16xf32>
            %mul3A_688 = arith.mulf %mul3A_687, %bitcast3A_683 : vector<16xf32>
            %sub3A_689 = arith.constant 1.500000e+00 : f32
            %sub3A_690 = vector.broadcast %sub3A_689 : f32 to vector<16xf32>
            %sub3A_691 = arith.subf %sub3A_690, %mul3A_688 : vector<16xf32>
            %mul3A_692 = arith.mulf %bitcast3A_683, %sub3A_691 : vector<16xf32>
            %mul3A_693 = arith.mulf %max3A_677, %mul3A_692 : vector<16xf32>
            %add3A_694 = arith.constant 1 : i32
            %add3A_695 = arith.addi %add3A_195, %add3A_694 : i32
            %mul3A_696 = arith.constant 16 : i32
            %mul3A_697 = arith.muli %add3A_695, %mul3A_696 : i32
            %add3A_698 = arith.constant 0 : i32
            %add3A_699 = arith.addi %mul3A_697, %add3A_698 : i32
            %get3A_700 = arith.index_cast %add3A_699 : i32 to index
            %get3A_701 = arith.constant 0 : index
            %get3A_702 = tpu.vector_load %arg13[%get3A_700, %get3A_701] {strides = array<i32>} : memref<320x32xf32, #tpu.memory_space<vmem>>, vector<16xf32>,
            %get3A_703 = arith.index_cast %add3A_699 : i32 to index
            %get3A_704 = arith.constant 0 : index
            %get3A_705 = tpu.vector_load %arg16[%get3A_703, %get3A_704] {strides = array<i32>} : memref<320x32xf32, #tpu.memory_space<vmem>>, vector<16xf32>,
            %sub3A_706 = arith.subf %get3A_702, %get3A_705 : vector<16xf32>
            %get3A_707 = arith.index_cast %add3A_699 : i32 to index
            %get3A_708 = arith.constant 16 : index
            %get3A_709 = tpu.vector_load %arg13[%get3A_707, %get3A_708] {strides = array<i32>} : memref<320x32xf32, #tpu.memory_space<vmem>>, vector<16xf32>,
            %get3A_710 = arith.index_cast %add3A_699 : i32 to index
            %get3A_711 = arith.constant 16 : index
            %get3A_712 = tpu.vector_load %arg16[%get3A_710, %get3A_711] {strides = array<i32>} : memref<320x32xf32, #tpu.memory_space<vmem>>, vector<16xf32>,
            %sub3A_713 = arith.subf %get3A_709, %get3A_712 : vector<16xf32>
            %mul3A_714 = arith.mulf %sub3A_706, %sub3A_706 : vector<16xf32>
            %mul3A_715 = arith.mulf %sub3A_713, %sub3A_713 : vector<16xf32>
            %add3A_716 = arith.addf %mul3A_714, %mul3A_715 : vector<16xf32>
            %add3A_717 = arith.constant 1 : i32
            %add3A_718 = arith.addi %mul3A_697, %add3A_717 : i32
            %get3A_719 = arith.index_cast %add3A_718 : i32 to index
            %get3A_720 = arith.constant 0 : index
            %get3A_721 = tpu.vector_load %arg13[%get3A_719, %get3A_720] {strides = array<i32>} : memref<320x32xf32, #tpu.memory_space<vmem>>, vector<16xf32>,
            %get3A_722 = arith.index_cast %add3A_718 : i32 to index
            %get3A_723 = arith.constant 0 : index
            %get3A_724 = tpu.vector_load %arg16[%get3A_722, %get3A_723] {strides = array<i32>} : memref<320x32xf32, #tpu.memory_space<vmem>>, vector<16xf32>,
            %sub3A_725 = arith.subf %get3A_721, %get3A_724 : vector<16xf32>
            %get3A_726 = arith.index_cast %add3A_718 : i32 to index
            %get3A_727 = arith.constant 16 : index
            %get3A_728 = tpu.vector_load %arg13[%get3A_726, %get3A_727] {strides = array<i32>} : memref<320x32xf32, #tpu.memory_space<vmem>>, vector<16xf32>,
            %get3A_729 = arith.index_cast %add3A_718 : i32 to index
            %get3A_730 = arith.constant 16 : index
            %get3A_731 = tpu.vector_load %arg16[%get3A_729, %get3A_730] {strides = array<i32>} : memref<320x32xf32, #tpu.memory_space<vmem>>, vector<16xf32>,
            %sub3A_732 = arith.subf %get3A_728, %get3A_731 : vector<16xf32>
            %mul3A_733 = arith.mulf %sub3A_725, %sub3A_725 : vector<16xf32>
            %mul3A_734 = arith.mulf %sub3A_732, %sub3A_732 : vector<16xf32>
            %add3A_735 = arith.addf %mul3A_733, %mul3A_734 : vector<16xf32>
            %add3A_736 = arith.constant 2 : i32
            %add3A_737 = arith.addi %mul3A_697, %add3A_736 : i32
            %get3A_738 = arith.index_cast %add3A_737 : i32 to index
            %get3A_739 = arith.constant 0 : index
            %get3A_740 = tpu.vector_load %arg13[%get3A_738, %get3A_739] {strides = array<i32>} : memref<320x32xf32, #tpu.memory_space<vmem>>, vector<16xf32>,
            %get3A_741 = arith.index_cast %add3A_737 : i32 to index
            %get3A_742 = arith.constant 0 : index
            %get3A_743 = tpu.vector_load %arg16[%get3A_741, %get3A_742] {strides = array<i32>} : memref<320x32xf32, #tpu.memory_space<vmem>>, vector<16xf32>,
            %sub3A_744 = arith.subf %get3A_740, %get3A_743 : vector<16xf32>
            %get3A_745 = arith.index_cast %add3A_737 : i32 to index
            %get3A_746 = arith.constant 16 : index
            %get3A_747 = tpu.vector_load %arg13[%get3A_745, %get3A_746] {strides = array<i32>} : memref<320x32xf32, #tpu.memory_space<vmem>>, vector<16xf32>,
            %get3A_748 = arith.index_cast %add3A_737 : i32 to index
            %get3A_749 = arith.constant 16 : index
            %get3A_750 = tpu.vector_load %arg16[%get3A_748, %get3A_749] {strides = array<i32>} : memref<320x32xf32, #tpu.memory_space<vmem>>, vector<16xf32>,
            %sub3A_751 = arith.subf %get3A_747, %get3A_750 : vector<16xf32>
            %mul3A_752 = arith.mulf %sub3A_744, %sub3A_744 : vector<16xf32>
            %mul3A_753 = arith.mulf %sub3A_751, %sub3A_751 : vector<16xf32>
            %add3A_754 = arith.addf %mul3A_752, %mul3A_753 : vector<16xf32>
            %add3A_755 = arith.constant 3 : i32
            %add3A_756 = arith.addi %mul3A_697, %add3A_755 : i32
            %get3A_757 = arith.index_cast %add3A_756 : i32 to index
            %get3A_758 = arith.constant 0 : index
            %get3A_759 = tpu.vector_load %arg13[%get3A_757, %get3A_758] {strides = array<i32>} : memref<320x32xf32, #tpu.memory_space<vmem>>, vector<16xf32>,
            %get3A_760 = arith.index_cast %add3A_756 : i32 to index
            %get3A_761 = arith.constant 0 : index
            %get3A_762 = tpu.vector_load %arg16[%get3A_760, %get3A_761] {strides = array<i32>} : memref<320x32xf32, #tpu.memory_space<vmem>>, vector<16xf32>,
            %sub3A_763 = arith.subf %get3A_759, %get3A_762 : vector<16xf32>
            %get3A_764 = arith.index_cast %add3A_756 : i32 to index
            %get3A_765 = arith.constant 16 : index
            %get3A_766 = tpu.vector_load %arg13[%get3A_764, %get3A_765] {strides = array<i32>} : memref<320x32xf32, #tpu.memory_space<vmem>>, vector<16xf32>,
            %get3A_767 = arith.index_cast %add3A_756 : i32 to index
            %get3A_768 = arith.constant 16 : index
            %get3A_769 = tpu.vector_load %arg16[%get3A_767, %get3A_768] {strides = array<i32>} : memref<320x32xf32, #tpu.memory_space<vmem>>, vector<16xf32>,
            %sub3A_770 = arith.subf %get3A_766, %get3A_769 : vector<16xf32>
            %mul3A_771 = arith.mulf %sub3A_763, %sub3A_763 : vector<16xf32>
            %mul3A_772 = arith.mulf %sub3A_770, %sub3A_770 : vector<16xf32>
            %add3A_773 = arith.addf %mul3A_771, %mul3A_772 : vector<16xf32>
            %add3A_774 = arith.constant 4 : i32
            %add3A_775 = arith.addi %mul3A_697, %add3A_774 : i32
            %get3A_776 = arith.index_cast %add3A_775 : i32 to index
            %get3A_777 = arith.constant 0 : index
            %get3A_778 = tpu.vector_load %arg13[%get3A_776, %get3A_777] {strides = array<i32>} : memref<320x32xf32, #tpu.memory_space<vmem>>, vector<16xf32>,
            %get3A_779 = arith.index_cast %add3A_775 : i32 to index
            %get3A_780 = arith.constant 0 : index
            %get3A_781 = tpu.vector_load %arg16[%get3A_779, %get3A_780] {strides = array<i32>} : memref<320x32xf32, #tpu.memory_space<vmem>>, vector<16xf32>,
            %sub3A_782 = arith.subf %get3A_778, %get3A_781 : vector<16xf32>
            %get3A_783 = arith.index_cast %add3A_775 : i32 to index
            %get3A_784 = arith.constant 16 : index
            %get3A_785 = tpu.vector_load %arg13[%get3A_783, %get3A_784] {strides = array<i32>} : memref<320x32xf32, #tpu.memory_space<vmem>>, vector<16xf32>,
            %get3A_786 = arith.index_cast %add3A_775 : i32 to index
            %get3A_787 = arith.constant 16 : index
            %get3A_788 = tpu.vector_load %arg16[%get3A_786, %get3A_787] {strides = array<i32>} : memref<320x32xf32, #tpu.memory_space<vmem>>, vector<16xf32>,
            %sub3A_789 = arith.subf %get3A_785, %get3A_788 : vector<16xf32>
            %mul3A_790 = arith.mulf %sub3A_782, %sub3A_782 : vector<16xf32>
            %mul3A_791 = arith.mulf %sub3A_789, %sub3A_789 : vector<16xf32>
            %add3A_792 = arith.addf %mul3A_790, %mul3A_791 : vector<16xf32>
            %add3A_793 = arith.constant 5 : i32
            %add3A_794 = arith.addi %mul3A_697, %add3A_793 : i32
            %get3A_795 = arith.index_cast %add3A_794 : i32 to index
            %get3A_796 = arith.constant 0 : index
            %get3A_797 = tpu.vector_load %arg13[%get3A_795, %get3A_796] {strides = array<i32>} : memref<320x32xf32, #tpu.memory_space<vmem>>, vector<16xf32>,
            %get3A_798 = arith.index_cast %add3A_794 : i32 to index
            %get3A_799 = arith.constant 0 : index
            %get3A_800 = tpu.vector_load %arg16[%get3A_798, %get3A_799] {strides = array<i32>} : memref<320x32xf32, #tpu.memory_space<vmem>>, vector<16xf32>,
            %sub3A_801 = arith.subf %get3A_797, %get3A_800 : vector<16xf32>
            %get3A_802 = arith.index_cast %add3A_794 : i32 to index
            %get3A_803 = arith.constant 16 : index
            %get3A_804 = tpu.vector_load %arg13[%get3A_802, %get3A_803] {strides = array<i32>} : memref<320x32xf32, #tpu.memory_space<vmem>>, vector<16xf32>,
            %get3A_805 = arith.index_cast %add3A_794 : i32 to index
            %get3A_806 = arith.constant 16 : index
            %get3A_807 = tpu.vector_load %arg16[%get3A_805, %get3A_806] {strides = array<i32>} : memref<320x32xf32, #tpu.memory_space<vmem>>, vector<16xf32>,
            %sub3A_808 = arith.subf %get3A_804, %get3A_807 : vector<16xf32>
            %mul3A_809 = arith.mulf %sub3A_801, %sub3A_801 : vector<16xf32>
            %mul3A_810 = arith.mulf %sub3A_808, %sub3A_808 : vector<16xf32>
            %add3A_811 = arith.addf %mul3A_809, %mul3A_810 : vector<16xf32>
            %add3A_812 = arith.constant 6 : i32
            %add3A_813 = arith.addi %mul3A_697, %add3A_812 : i32
            %get3A_814 = arith.index_cast %add3A_813 : i32 to index
            %get3A_815 = arith.constant 0 : index
            %get3A_816 = tpu.vector_load %arg13[%get3A_814, %get3A_815] {strides = array<i32>} : memref<320x32xf32, #tpu.memory_space<vmem>>, vector<16xf32>,
            %get3A_817 = arith.index_cast %add3A_813 : i32 to index
            %get3A_818 = arith.constant 0 : index
            %get3A_819 = tpu.vector_load %arg16[%get3A_817, %get3A_818] {strides = array<i32>} : memref<320x32xf32, #tpu.memory_space<vmem>>, vector<16xf32>,
            %sub3A_820 = arith.subf %get3A_816, %get3A_819 : vector<16xf32>
            %get3A_821 = arith.index_cast %add3A_813 : i32 to index
            %get3A_822 = arith.constant 16 : index
            %get3A_823 = tpu.vector_load %arg13[%get3A_821, %get3A_822] {strides = array<i32>} : memref<320x32xf32, #tpu.memory_space<vmem>>, vector<16xf32>,
            %get3A_824 = arith.index_cast %add3A_813 : i32 to index
            %get3A_825 = arith.constant 16 : index
            %get3A_826 = tpu.vector_load %arg16[%get3A_824, %get3A_825] {strides = array<i32>} : memref<320x32xf32, #tpu.memory_space<vmem>>, vector<16xf32>,
            %sub3A_827 = arith.subf %get3A_823, %get3A_826 : vector<16xf32>
            %mul3A_828 = arith.mulf %sub3A_820, %sub3A_820 : vector<16xf32>
            %mul3A_829 = arith.mulf %sub3A_827, %sub3A_827 : vector<16xf32>
            %add3A_830 = arith.addf %mul3A_828, %mul3A_829 : vector<16xf32>
            %add3A_831 = arith.constant 7 : i32
            %add3A_832 = arith.addi %mul3A_697, %add3A_831 : i32
            %get3A_833 = arith.index_cast %add3A_832 : i32 to index
            %get3A_834 = arith.constant 0 : index
            %get3A_835 = tpu.vector_load %arg13[%get3A_833, %get3A_834] {strides = array<i32>} : memref<320x32xf32, #tpu.memory_space<vmem>>, vector<16xf32>,
            %get3A_836 = arith.index_cast %add3A_832 : i32 to index
            %get3A_837 = arith.constant 0 : index
            %get3A_838 = tpu.vector_load %arg16[%get3A_836, %get3A_837] {strides = array<i32>} : memref<320x32xf32, #tpu.memory_space<vmem>>, vector<16xf32>,
            %sub3A_839 = arith.subf %get3A_835, %get3A_838 : vector<16xf32>
            %get3A_840 = arith.index_cast %add3A_832 : i32 to index
            %get3A_841 = arith.constant 16 : index
            %get3A_842 = tpu.vector_load %arg13[%get3A_840, %get3A_841] {strides = array<i32>} : memref<320x32xf32, #tpu.memory_space<vmem>>, vector<16xf32>,
            %get3A_843 = arith.index_cast %add3A_832 : i32 to index
            %get3A_844 = arith.constant 16 : index
            %get3A_845 = tpu.vector_load %arg16[%get3A_843, %get3A_844] {strides = array<i32>} : memref<320x32xf32, #tpu.memory_space<vmem>>, vector<16xf32>,
            %sub3A_846 = arith.subf %get3A_842, %get3A_845 : vector<16xf32>
            %mul3A_847 = arith.mulf %sub3A_839, %sub3A_839 : vector<16xf32>
            %mul3A_848 = arith.mulf %sub3A_846, %sub3A_846 : vector<16xf32>
            %add3A_849 = arith.addf %mul3A_847, %mul3A_848 : vector<16xf32>
            %add3A_850 = arith.constant 8 : i32
            %add3A_851 = arith.addi %mul3A_697, %add3A_850 : i32
            %get3A_852 = arith.index_cast %add3A_851 : i32 to index
            %get3A_853 = arith.constant 0 : index
            %get3A_854 = tpu.vector_load %arg13[%get3A_852, %get3A_853] {strides = array<i32>} : memref<320x32xf32, #tpu.memory_space<vmem>>, vector<16xf32>,
            %get3A_855 = arith.index_cast %add3A_851 : i32 to index
            %get3A_856 = arith.constant 0 : index
            %get3A_857 = tpu.vector_load %arg16[%get3A_855, %get3A_856] {strides = array<i32>} : memref<320x32xf32, #tpu.memory_space<vmem>>, vector<16xf32>,
            %sub3A_858 = arith.subf %get3A_854, %get3A_857 : vector<16xf32>
            %get3A_859 = arith.index_cast %add3A_851 : i32 to index
            %get3A_860 = arith.constant 16 : index
            %get3A_861 = tpu.vector_load %arg13[%get3A_859, %get3A_860] {strides = array<i32>} : memref<320x32xf32, #tpu.memory_space<vmem>>, vector<16xf32>,
            %get3A_862 = arith.index_cast %add3A_851 : i32 to index
            %get3A_863 = arith.constant 16 : index
            %get3A_864 = tpu.vector_load %arg16[%get3A_862, %get3A_863] {strides = array<i32>} : memref<320x32xf32, #tpu.memory_space<vmem>>, vector<16xf32>,
            %sub3A_865 = arith.subf %get3A_861, %get3A_864 : vector<16xf32>
            %mul3A_866 = arith.mulf %sub3A_858, %sub3A_858 : vector<16xf32>
            %mul3A_867 = arith.mulf %sub3A_865, %sub3A_865 : vector<16xf32>
            %add3A_868 = arith.addf %mul3A_866, %mul3A_867 : vector<16xf32>
            %add3A_869 = arith.constant 9 : i32
            %add3A_870 = arith.addi %mul3A_697, %add3A_869 : i32
            %get3A_871 = arith.index_cast %add3A_870 : i32 to index
            %get3A_872 = arith.constant 0 : index
            %get3A_873 = tpu.vector_load %arg13[%get3A_871, %get3A_872] {strides = array<i32>} : memref<320x32xf32, #tpu.memory_space<vmem>>, vector<16xf32>,
            %get3A_874 = arith.index_cast %add3A_870 : i32 to index
            %get3A_875 = arith.constant 0 : index
            %get3A_876 = tpu.vector_load %arg16[%get3A_874, %get3A_875] {strides = array<i32>} : memref<320x32xf32, #tpu.memory_space<vmem>>, vector<16xf32>,
            %sub3A_877 = arith.subf %get3A_873, %get3A_876 : vector<16xf32>
            %get3A_878 = arith.index_cast %add3A_870 : i32 to index
            %get3A_879 = arith.constant 16 : index
            %get3A_880 = tpu.vector_load %arg13[%get3A_878, %get3A_879] {strides = array<i32>} : memref<320x32xf32, #tpu.memory_space<vmem>>, vector<16xf32>,
            %get3A_881 = arith.index_cast %add3A_870 : i32 to index
            %get3A_882 = arith.constant 16 : index
            %get3A_883 = tpu.vector_load %arg16[%get3A_881, %get3A_882] {strides = array<i32>} : memref<320x32xf32, #tpu.memory_space<vmem>>, vector<16xf32>,
            %sub3A_884 = arith.subf %get3A_880, %get3A_883 : vector<16xf32>
            %mul3A_885 = arith.mulf %sub3A_877, %sub3A_877 : vector<16xf32>
            %mul3A_886 = arith.mulf %sub3A_884, %sub3A_884 : vector<16xf32>
            %add3A_887 = arith.addf %mul3A_885, %mul3A_886 : vector<16xf32>
            %add3A_888 = arith.constant 10 : i32
            %add3A_889 = arith.addi %mul3A_697, %add3A_888 : i32
            %get3A_890 = arith.index_cast %add3A_889 : i32 to index
            %get3A_891 = arith.constant 0 : index
            %get3A_892 = tpu.vector_load %arg13[%get3A_890, %get3A_891] {strides = array<i32>} : memref<320x32xf32, #tpu.memory_space<vmem>>, vector<16xf32>,
            %get3A_893 = arith.index_cast %add3A_889 : i32 to index
            %get3A_894 = arith.constant 0 : index
            %get3A_895 = tpu.vector_load %arg16[%get3A_893, %get3A_894] {strides = array<i32>} : memref<320x32xf32, #tpu.memory_space<vmem>>, vector<16xf32>,
            %sub3A_896 = arith.subf %get3A_892, %get3A_895 : vector<16xf32>
            %get3A_897 = arith.index_cast %add3A_889 : i32 to index
            %get3A_898 = arith.constant 16 : index
            %get3A_899 = tpu.vector_load %arg13[%get3A_897, %get3A_898] {strides = array<i32>} : memref<320x32xf32, #tpu.memory_space<vmem>>, vector<16xf32>,
            %get3A_900 = arith.index_cast %add3A_889 : i32 to index
            %get3A_901 = arith.constant 16 : index
            %get3A_902 = tpu.vector_load %arg16[%get3A_900, %get3A_901] {strides = array<i32>} : memref<320x32xf32, #tpu.memory_space<vmem>>, vector<16xf32>,
            %sub3A_903 = arith.subf %get3A_899, %get3A_902 : vector<16xf32>
            %mul3A_904 = arith.mulf %sub3A_896, %sub3A_896 : vector<16xf32>
            %mul3A_905 = arith.mulf %sub3A_903, %sub3A_903 : vector<16xf32>
            %add3A_906 = arith.addf %mul3A_904, %mul3A_905 : vector<16xf32>
            %add3A_907 = arith.constant 11 : i32
            %add3A_908 = arith.addi %mul3A_697, %add3A_907 : i32
            %get3A_909 = arith.index_cast %add3A_908 : i32 to index
            %get3A_910 = arith.constant 0 : index
            %get3A_911 = tpu.vector_load %arg13[%get3A_909, %get3A_910] {strides = array<i32>} : memref<320x32xf32, #tpu.memory_space<vmem>>, vector<16xf32>,
            %get3A_912 = arith.index_cast %add3A_908 : i32 to index
            %get3A_913 = arith.constant 0 : index
            %get3A_914 = tpu.vector_load %arg16[%get3A_912, %get3A_913] {strides = array<i32>} : memref<320x32xf32, #tpu.memory_space<vmem>>, vector<16xf32>,
            %sub3A_915 = arith.subf %get3A_911, %get3A_914 : vector<16xf32>
            %get3A_916 = arith.index_cast %add3A_908 : i32 to index
            %get3A_917 = arith.constant 16 : index
            %get3A_918 = tpu.vector_load %arg13[%get3A_916, %get3A_917] {strides = array<i32>} : memref<320x32xf32, #tpu.memory_space<vmem>>, vector<16xf32>,
            %get3A_919 = arith.index_cast %add3A_908 : i32 to index
            %get3A_920 = arith.constant 16 : index
            %get3A_921 = tpu.vector_load %arg16[%get3A_919, %get3A_920] {strides = array<i32>} : memref<320x32xf32, #tpu.memory_space<vmem>>, vector<16xf32>,
            %sub3A_922 = arith.subf %get3A_918, %get3A_921 : vector<16xf32>
            %mul3A_923 = arith.mulf %sub3A_915, %sub3A_915 : vector<16xf32>
            %mul3A_924 = arith.mulf %sub3A_922, %sub3A_922 : vector<16xf32>
            %add3A_925 = arith.addf %mul3A_923, %mul3A_924 : vector<16xf32>
            %add3A_926 = arith.constant 12 : i32
            %add3A_927 = arith.addi %mul3A_697, %add3A_926 : i32
            %get3A_928 = arith.index_cast %add3A_927 : i32 to index
            %get3A_929 = arith.constant 0 : index
            %get3A_930 = tpu.vector_load %arg13[%get3A_928, %get3A_929] {strides = array<i32>} : memref<320x32xf32, #tpu.memory_space<vmem>>, vector<16xf32>,
            %get3A_931 = arith.index_cast %add3A_927 : i32 to index
            %get3A_932 = arith.constant 0 : index
            %get3A_933 = tpu.vector_load %arg16[%get3A_931, %get3A_932] {strides = array<i32>} : memref<320x32xf32, #tpu.memory_space<vmem>>, vector<16xf32>,
            %sub3A_934 = arith.subf %get3A_930, %get3A_933 : vector<16xf32>
            %get3A_935 = arith.index_cast %add3A_927 : i32 to index
            %get3A_936 = arith.constant 16 : index
            %get3A_937 = tpu.vector_load %arg13[%get3A_935, %get3A_936] {strides = array<i32>} : memref<320x32xf32, #tpu.memory_space<vmem>>, vector<16xf32>,
            %get3A_938 = arith.index_cast %add3A_927 : i32 to index
            %get3A_939 = arith.constant 16 : index
            %get3A_940 = tpu.vector_load %arg16[%get3A_938, %get3A_939] {strides = array<i32>} : memref<320x32xf32, #tpu.memory_space<vmem>>, vector<16xf32>,
            %sub3A_941 = arith.subf %get3A_937, %get3A_940 : vector<16xf32>
            %mul3A_942 = arith.mulf %sub3A_934, %sub3A_934 : vector<16xf32>
            %mul3A_943 = arith.mulf %sub3A_941, %sub3A_941 : vector<16xf32>
            %add3A_944 = arith.addf %mul3A_942, %mul3A_943 : vector<16xf32>
            %add3A_945 = arith.constant 13 : i32
            %add3A_946 = arith.addi %mul3A_697, %add3A_945 : i32
            %get3A_947 = arith.index_cast %add3A_946 : i32 to index
            %get3A_948 = arith.constant 0 : index
            %get3A_949 = tpu.vector_load %arg13[%get3A_947, %get3A_948] {strides = array<i32>} : memref<320x32xf32, #tpu.memory_space<vmem>>, vector<16xf32>,
            %get3A_950 = arith.index_cast %add3A_946 : i32 to index
            %get3A_951 = arith.constant 0 : index
            %get3A_952 = tpu.vector_load %arg16[%get3A_950, %get3A_951] {strides = array<i32>} : memref<320x32xf32, #tpu.memory_space<vmem>>, vector<16xf32>,
            %sub3A_953 = arith.subf %get3A_949, %get3A_952 : vector<16xf32>
            %get3A_954 = arith.index_cast %add3A_946 : i32 to index
            %get3A_955 = arith.constant 16 : index
            %get3A_956 = tpu.vector_load %arg13[%get3A_954, %get3A_955] {strides = array<i32>} : memref<320x32xf32, #tpu.memory_space<vmem>>, vector<16xf32>,
            %get3A_957 = arith.index_cast %add3A_946 : i32 to index
            %get3A_958 = arith.constant 16 : index
            %get3A_959 = tpu.vector_load %arg16[%get3A_957, %get3A_958] {strides = array<i32>} : memref<320x32xf32, #tpu.memory_space<vmem>>, vector<16xf32>,
            %sub3A_960 = arith.subf %get3A_956, %get3A_959 : vector<16xf32>
            %mul3A_961 = arith.mulf %sub3A_953, %sub3A_953 : vector<16xf32>
            %mul3A_962 = arith.mulf %sub3A_960, %sub3A_960 : vector<16xf32>
            %add3A_963 = arith.addf %mul3A_961, %mul3A_962 : vector<16xf32>
            %add3A_964 = arith.constant 14 : i32
            %add3A_965 = arith.addi %mul3A_697, %add3A_964 : i32
            %get3A_966 = arith.index_cast %add3A_965 : i32 to index
            %get3A_967 = arith.constant 0 : index
            %get3A_968 = tpu.vector_load %arg13[%get3A_966, %get3A_967] {strides = array<i32>} : memref<320x32xf32, #tpu.memory_space<vmem>>, vector<16xf32>,
            %get3A_969 = arith.index_cast %add3A_965 : i32 to index
            %get3A_970 = arith.constant 0 : index
            %get3A_971 = tpu.vector_load %arg16[%get3A_969, %get3A_970] {strides = array<i32>} : memref<320x32xf32, #tpu.memory_space<vmem>>, vector<16xf32>,
            %sub3A_972 = arith.subf %get3A_968, %get3A_971 : vector<16xf32>
            %get3A_973 = arith.index_cast %add3A_965 : i32 to index
            %get3A_974 = arith.constant 16 : index
            %get3A_975 = tpu.vector_load %arg13[%get3A_973, %get3A_974] {strides = array<i32>} : memref<320x32xf32, #tpu.memory_space<vmem>>, vector<16xf32>,
            %get3A_976 = arith.index_cast %add3A_965 : i32 to index
            %get3A_977 = arith.constant 16 : index
            %get3A_978 = tpu.vector_load %arg16[%get3A_976, %get3A_977] {strides = array<i32>} : memref<320x32xf32, #tpu.memory_space<vmem>>, vector<16xf32>,
            %sub3A_979 = arith.subf %get3A_975, %get3A_978 : vector<16xf32>
            %mul3A_980 = arith.mulf %sub3A_972, %sub3A_972 : vector<16xf32>
            %mul3A_981 = arith.mulf %sub3A_979, %sub3A_979 : vector<16xf32>
            %add3A_982 = arith.addf %mul3A_980, %mul3A_981 : vector<16xf32>
            %add3A_983 = arith.constant 15 : i32
            %add3A_984 = arith.addi %mul3A_697, %add3A_983 : i32
            %get3A_985 = arith.index_cast %add3A_984 : i32 to index
            %get3A_986 = arith.constant 0 : index
            %get3A_987 = tpu.vector_load %arg13[%get3A_985, %get3A_986] {strides = array<i32>} : memref<320x32xf32, #tpu.memory_space<vmem>>, vector<16xf32>,
            %get3A_988 = arith.index_cast %add3A_984 : i32 to index
            %get3A_989 = arith.constant 0 : index
            %get3A_990 = tpu.vector_load %arg16[%get3A_988, %get3A_989] {strides = array<i32>} : memref<320x32xf32, #tpu.memory_space<vmem>>, vector<16xf32>,
            %sub3A_991 = arith.subf %get3A_987, %get3A_990 : vector<16xf32>
            %get3A_992 = arith.index_cast %add3A_984 : i32 to index
            %get3A_993 = arith.constant 16 : index
            %get3A_994 = tpu.vector_load %arg13[%get3A_992, %get3A_993] {strides = array<i32>} : memref<320x32xf32, #tpu.memory_space<vmem>>, vector<16xf32>,
            %get3A_995 = arith.index_cast %add3A_984 : i32 to index
            %get3A_996 = arith.constant 16 : index
            %get3A_997 = tpu.vector_load %arg16[%get3A_995, %get3A_996] {strides = array<i32>} : memref<320x32xf32, #tpu.memory_space<vmem>>, vector<16xf32>,
            %sub3A_998 = arith.subf %get3A_994, %get3A_997 : vector<16xf32>
            %mul3A_999 = arith.mulf %sub3A_991, %sub3A_991 : vector<16xf32>
            %mul3A_1000 = arith.mulf %sub3A_998, %sub3A_998 : vector<16xf32>
            %add3A_1001 = arith.addf %mul3A_999, %mul3A_1000 : vector<16xf32>
            %broadcast_in_dim3A_1002 = vector.shape_cast %xor3A_8 : vector<16xi32> to vector<16x1xi32>
            %gather3A_1003 = vector.shape_cast %broadcast_in_dim3A_1002 : vector<16x1xi32> to vector<16xi32>
            %gather3A_1004 = tpu.dynamic_gather %add3A_735[%gather3A_1003] in [0] : vector<16xf32>, vector<16xi32> -> vector<16xf32>
            %select_n3A_1005 = arith.select %lt3A_4, %add3A_716, %gather3A_1004 : vector<16xi1>, vector<16xf32>
            %broadcast_in_dim3A_1006 = vector.shape_cast %xor3A_8 : vector<16xi32> to vector<16x1xi32>
            %gather3A_1007 = vector.shape_cast %broadcast_in_dim3A_1006 : vector<16x1xi32> to vector<16xi32>
            %gather3A_1008 = tpu.dynamic_gather %add3A_716[%gather3A_1007] in [0] : vector<16xf32>, vector<16xi32> -> vector<16xf32>
            %select_n3A_1009 = arith.select %lt3A_4, %gather3A_1008, %add3A_735 : vector<16xi1>, vector<16xf32>
            %add3A_1010 = arith.addf %select_n3A_1005, %select_n3A_1009 : vector<16xf32>
            %broadcast_in_dim3A_1011 = vector.shape_cast %xor3A_8 : vector<16xi32> to vector<16x1xi32>
            %gather3A_1012 = vector.shape_cast %broadcast_in_dim3A_1011 : vector<16x1xi32> to vector<16xi32>
            %gather3A_1013 = tpu.dynamic_gather %add3A_773[%gather3A_1012] in [0] : vector<16xf32>, vector<16xi32> -> vector<16xf32>
            %select_n3A_1014 = arith.select %lt3A_4, %add3A_754, %gather3A_1013 : vector<16xi1>, vector<16xf32>
            %broadcast_in_dim3A_1015 = vector.shape_cast %xor3A_8 : vector<16xi32> to vector<16x1xi32>
            %gather3A_1016 = vector.shape_cast %broadcast_in_dim3A_1015 : vector<16x1xi32> to vector<16xi32>
            %gather3A_1017 = tpu.dynamic_gather %add3A_754[%gather3A_1016] in [0] : vector<16xf32>, vector<16xi32> -> vector<16xf32>
            %select_n3A_1018 = arith.select %lt3A_4, %gather3A_1017, %add3A_773 : vector<16xi1>, vector<16xf32>
            %add3A_1019 = arith.addf %select_n3A_1014, %select_n3A_1018 : vector<16xf32>
            %broadcast_in_dim3A_1020 = vector.shape_cast %xor3A_8 : vector<16xi32> to vector<16x1xi32>
            %gather3A_1021 = vector.shape_cast %broadcast_in_dim3A_1020 : vector<16x1xi32> to vector<16xi32>
            %gather3A_1022 = tpu.dynamic_gather %add3A_811[%gather3A_1021] in [0] : vector<16xf32>, vector<16xi32> -> vector<16xf32>
            %select_n3A_1023 = arith.select %lt3A_4, %add3A_792, %gather3A_1022 : vector<16xi1>, vector<16xf32>
            %broadcast_in_dim3A_1024 = vector.shape_cast %xor3A_8 : vector<16xi32> to vector<16x1xi32>
            %gather3A_1025 = vector.shape_cast %broadcast_in_dim3A_1024 : vector<16x1xi32> to vector<16xi32>
            %gather3A_1026 = tpu.dynamic_gather %add3A_792[%gather3A_1025] in [0] : vector<16xf32>, vector<16xi32> -> vector<16xf32>
            %select_n3A_1027 = arith.select %lt3A_4, %gather3A_1026, %add3A_811 : vector<16xi1>, vector<16xf32>
            %add3A_1028 = arith.addf %select_n3A_1023, %select_n3A_1027 : vector<16xf32>
            %broadcast_in_dim3A_1029 = vector.shape_cast %xor3A_8 : vector<16xi32> to vector<16x1xi32>
            %gather3A_1030 = vector.shape_cast %broadcast_in_dim3A_1029 : vector<16x1xi32> to vector<16xi32>
            %gather3A_1031 = tpu.dynamic_gather %add3A_849[%gather3A_1030] in [0] : vector<16xf32>, vector<16xi32> -> vector<16xf32>
            %select_n3A_1032 = arith.select %lt3A_4, %add3A_830, %gather3A_1031 : vector<16xi1>, vector<16xf32>
            %broadcast_in_dim3A_1033 = vector.shape_cast %xor3A_8 : vector<16xi32> to vector<16x1xi32>
            %gather3A_1034 = vector.shape_cast %broadcast_in_dim3A_1033 : vector<16x1xi32> to vector<16xi32>
            %gather3A_1035 = tpu.dynamic_gather %add3A_830[%gather3A_1034] in [0] : vector<16xf32>, vector<16xi32> -> vector<16xf32>
            %select_n3A_1036 = arith.select %lt3A_4, %gather3A_1035, %add3A_849 : vector<16xi1>, vector<16xf32>
            %add3A_1037 = arith.addf %select_n3A_1032, %select_n3A_1036 : vector<16xf32>
            %broadcast_in_dim3A_1038 = vector.shape_cast %xor3A_8 : vector<16xi32> to vector<16x1xi32>
            %gather3A_1039 = vector.shape_cast %broadcast_in_dim3A_1038 : vector<16x1xi32> to vector<16xi32>
            %gather3A_1040 = tpu.dynamic_gather %add3A_887[%gather3A_1039] in [0] : vector<16xf32>, vector<16xi32> -> vector<16xf32>
            %select_n3A_1041 = arith.select %lt3A_4, %add3A_868, %gather3A_1040 : vector<16xi1>, vector<16xf32>
            %broadcast_in_dim3A_1042 = vector.shape_cast %xor3A_8 : vector<16xi32> to vector<16x1xi32>
            %gather3A_1043 = vector.shape_cast %broadcast_in_dim3A_1042 : vector<16x1xi32> to vector<16xi32>
            %gather3A_1044 = tpu.dynamic_gather %add3A_868[%gather3A_1043] in [0] : vector<16xf32>, vector<16xi32> -> vector<16xf32>
            %select_n3A_1045 = arith.select %lt3A_4, %gather3A_1044, %add3A_887 : vector<16xi1>, vector<16xf32>
            %add3A_1046 = arith.addf %select_n3A_1041, %select_n3A_1045 : vector<16xf32>
            %broadcast_in_dim3A_1047 = vector.shape_cast %xor3A_8 : vector<16xi32> to vector<16x1xi32>
            %gather3A_1048 = vector.shape_cast %broadcast_in_dim3A_1047 : vector<16x1xi32> to vector<16xi32>
            %gather3A_1049 = tpu.dynamic_gather %add3A_925[%gather3A_1048] in [0] : vector<16xf32>, vector<16xi32> -> vector<16xf32>
            %select_n3A_1050 = arith.select %lt3A_4, %add3A_906, %gather3A_1049 : vector<16xi1>, vector<16xf32>
            %broadcast_in_dim3A_1051 = vector.shape_cast %xor3A_8 : vector<16xi32> to vector<16x1xi32>
            %gather3A_1052 = vector.shape_cast %broadcast_in_dim3A_1051 : vector<16x1xi32> to vector<16xi32>
            %gather3A_1053 = tpu.dynamic_gather %add3A_906[%gather3A_1052] in [0] : vector<16xf32>, vector<16xi32> -> vector<16xf32>
            %select_n3A_1054 = arith.select %lt3A_4, %gather3A_1053, %add3A_925 : vector<16xi1>, vector<16xf32>
            %add3A_1055 = arith.addf %select_n3A_1050, %select_n3A_1054 : vector<16xf32>
            %broadcast_in_dim3A_1056 = vector.shape_cast %xor3A_8 : vector<16xi32> to vector<16x1xi32>
            %gather3A_1057 = vector.shape_cast %broadcast_in_dim3A_1056 : vector<16x1xi32> to vector<16xi32>
            %gather3A_1058 = tpu.dynamic_gather %add3A_963[%gather3A_1057] in [0] : vector<16xf32>, vector<16xi32> -> vector<16xf32>
            %select_n3A_1059 = arith.select %lt3A_4, %add3A_944, %gather3A_1058 : vector<16xi1>, vector<16xf32>
            %broadcast_in_dim3A_1060 = vector.shape_cast %xor3A_8 : vector<16xi32> to vector<16x1xi32>
            %gather3A_1061 = vector.shape_cast %broadcast_in_dim3A_1060 : vector<16x1xi32> to vector<16xi32>
            %gather3A_1062 = tpu.dynamic_gather %add3A_944[%gather3A_1061] in [0] : vector<16xf32>, vector<16xi32> -> vector<16xf32>
            %select_n3A_1063 = arith.select %lt3A_4, %gather3A_1062, %add3A_963 : vector<16xi1>, vector<16xf32>
            %add3A_1064 = arith.addf %select_n3A_1059, %select_n3A_1063 : vector<16xf32>
            %broadcast_in_dim3A_1065 = vector.shape_cast %xor3A_8 : vector<16xi32> to vector<16x1xi32>
            %gather3A_1066 = vector.shape_cast %broadcast_in_dim3A_1065 : vector<16x1xi32> to vector<16xi32>
            %gather3A_1067 = tpu.dynamic_gather %add3A_1001[%gather3A_1066] in [0] : vector<16xf32>, vector<16xi32> -> vector<16xf32>
            %select_n3A_1068 = arith.select %lt3A_4, %add3A_982, %gather3A_1067 : vector<16xi1>, vector<16xf32>
            %broadcast_in_dim3A_1069 = vector.shape_cast %xor3A_8 : vector<16xi32> to vector<16x1xi32>
            %gather3A_1070 = vector.shape_cast %broadcast_in_dim3A_1069 : vector<16x1xi32> to vector<16xi32>
            %gather3A_1071 = tpu.dynamic_gather %add3A_982[%gather3A_1070] in [0] : vector<16xf32>, vector<16xi32> -> vector<16xf32>
            %select_n3A_1072 = arith.select %lt3A_4, %gather3A_1071, %add3A_1001 : vector<16xi1>, vector<16xf32>
            %add3A_1073 = arith.addf %select_n3A_1068, %select_n3A_1072 : vector<16xf32>
            %broadcast_in_dim3A_1074 = vector.shape_cast %or3A : vector<16xi32> to vector<16x1xi32>
            %gather3A_1075 = vector.shape_cast %broadcast_in_dim3A_1074 : vector<16x1xi32> to vector<16xi32>
            %gather3A_1076 = tpu.dynamic_gather %add3A_1010[%gather3A_1075] in [0] : vector<16xf32>, vector<16xi32> -> vector<16xf32>
            %broadcast_in_dim3A_1077 = vector.shape_cast %or3A : vector<16xi32> to vector<16x1xi32>
            %gather3A_1078 = vector.shape_cast %broadcast_in_dim3A_1077 : vector<16x1xi32> to vector<16xi32>
            %gather3A_1079 = tpu.dynamic_gather %add3A_1019[%gather3A_1078] in [0] : vector<16xf32>, vector<16xi32> -> vector<16xf32>
            %select_n3A_1080 = arith.select %lt3A_4, %gather3A_1076, %gather3A_1079 : vector<16xi1>, vector<16xf32>
            %broadcast_in_dim3A_1081 = vector.shape_cast %add3A_18 : vector<16xi32> to vector<16x1xi32>
            %gather3A_1082 = vector.shape_cast %broadcast_in_dim3A_1081 : vector<16x1xi32> to vector<16xi32>
            %gather3A_1083 = tpu.dynamic_gather %add3A_1010[%gather3A_1082] in [0] : vector<16xf32>, vector<16xi32> -> vector<16xf32>
            %broadcast_in_dim3A_1084 = vector.shape_cast %add3A_18 : vector<16xi32> to vector<16x1xi32>
            %gather3A_1085 = vector.shape_cast %broadcast_in_dim3A_1084 : vector<16x1xi32> to vector<16xi32>
            %gather3A_1086 = tpu.dynamic_gather %add3A_1019[%gather3A_1085] in [0] : vector<16xf32>, vector<16xi32> -> vector<16xf32>
            %select_n3A_1087 = arith.select %lt3A_4, %gather3A_1083, %gather3A_1086 : vector<16xi1>, vector<16xf32>
            %add3A_1088 = arith.addf %select_n3A_1080, %select_n3A_1087 : vector<16xf32>
            %broadcast_in_dim3A_1089 = vector.shape_cast %or3A : vector<16xi32> to vector<16x1xi32>
            %gather3A_1090 = vector.shape_cast %broadcast_in_dim3A_1089 : vector<16x1xi32> to vector<16xi32>
            %gather3A_1091 = tpu.dynamic_gather %add3A_1028[%gather3A_1090] in [0] : vector<16xf32>, vector<16xi32> -> vector<16xf32>
            %broadcast_in_dim3A_1092 = vector.shape_cast %or3A : vector<16xi32> to vector<16x1xi32>
            %gather3A_1093 = vector.shape_cast %broadcast_in_dim3A_1092 : vector<16x1xi32> to vector<16xi32>
            %gather3A_1094 = tpu.dynamic_gather %add3A_1037[%gather3A_1093] in [0] : vector<16xf32>, vector<16xi32> -> vector<16xf32>
            %select_n3A_1095 = arith.select %lt3A_4, %gather3A_1091, %gather3A_1094 : vector<16xi1>, vector<16xf32>
            %broadcast_in_dim3A_1096 = vector.shape_cast %add3A_18 : vector<16xi32> to vector<16x1xi32>
            %gather3A_1097 = vector.shape_cast %broadcast_in_dim3A_1096 : vector<16x1xi32> to vector<16xi32>
            %gather3A_1098 = tpu.dynamic_gather %add3A_1028[%gather3A_1097] in [0] : vector<16xf32>, vector<16xi32> -> vector<16xf32>
            %broadcast_in_dim3A_1099 = vector.shape_cast %add3A_18 : vector<16xi32> to vector<16x1xi32>
            %gather3A_1100 = vector.shape_cast %broadcast_in_dim3A_1099 : vector<16x1xi32> to vector<16xi32>
            %gather3A_1101 = tpu.dynamic_gather %add3A_1037[%gather3A_1100] in [0] : vector<16xf32>, vector<16xi32> -> vector<16xf32>
            %select_n3A_1102 = arith.select %lt3A_4, %gather3A_1098, %gather3A_1101 : vector<16xi1>, vector<16xf32>
            %add3A_1103 = arith.addf %select_n3A_1095, %select_n3A_1102 : vector<16xf32>
            %broadcast_in_dim3A_1104 = vector.shape_cast %or3A : vector<16xi32> to vector<16x1xi32>
            %gather3A_1105 = vector.shape_cast %broadcast_in_dim3A_1104 : vector<16x1xi32> to vector<16xi32>
            %gather3A_1106 = tpu.dynamic_gather %add3A_1046[%gather3A_1105] in [0] : vector<16xf32>, vector<16xi32> -> vector<16xf32>
            %broadcast_in_dim3A_1107 = vector.shape_cast %or3A : vector<16xi32> to vector<16x1xi32>
            %gather3A_1108 = vector.shape_cast %broadcast_in_dim3A_1107 : vector<16x1xi32> to vector<16xi32>
            %gather3A_1109 = tpu.dynamic_gather %add3A_1055[%gather3A_1108] in [0] : vector<16xf32>, vector<16xi32> -> vector<16xf32>
            %select_n3A_1110 = arith.select %lt3A_4, %gather3A_1106, %gather3A_1109 : vector<16xi1>, vector<16xf32>
            %broadcast_in_dim3A_1111 = vector.shape_cast %add3A_18 : vector<16xi32> to vector<16x1xi32>
            %gather3A_1112 = vector.shape_cast %broadcast_in_dim3A_1111 : vector<16x1xi32> to vector<16xi32>
            %gather3A_1113 = tpu.dynamic_gather %add3A_1046[%gather3A_1112] in [0] : vector<16xf32>, vector<16xi32> -> vector<16xf32>
            %broadcast_in_dim3A_1114 = vector.shape_cast %add3A_18 : vector<16xi32> to vector<16x1xi32>
            %gather3A_1115 = vector.shape_cast %broadcast_in_dim3A_1114 : vector<16x1xi32> to vector<16xi32>
            %gather3A_1116 = tpu.dynamic_gather %add3A_1055[%gather3A_1115] in [0] : vector<16xf32>, vector<16xi32> -> vector<16xf32>
            %select_n3A_1117 = arith.select %lt3A_4, %gather3A_1113, %gather3A_1116 : vector<16xi1>, vector<16xf32>
            %add3A_1118 = arith.addf %select_n3A_1110, %select_n3A_1117 : vector<16xf32>
            %broadcast_in_dim3A_1119 = vector.shape_cast %or3A : vector<16xi32> to vector<16x1xi32>
            %gather3A_1120 = vector.shape_cast %broadcast_in_dim3A_1119 : vector<16x1xi32> to vector<16xi32>
            %gather3A_1121 = tpu.dynamic_gather %add3A_1064[%gather3A_1120] in [0] : vector<16xf32>, vector<16xi32> -> vector<16xf32>
            %broadcast_in_dim3A_1122 = vector.shape_cast %or3A : vector<16xi32> to vector<16x1xi32>
            %gather3A_1123 = vector.shape_cast %broadcast_in_dim3A_1122 : vector<16x1xi32> to vector<16xi32>
            %gather3A_1124 = tpu.dynamic_gather %add3A_1073[%gather3A_1123] in [0] : vector<16xf32>, vector<16xi32> -> vector<16xf32>
            %select_n3A_1125 = arith.select %lt3A_4, %gather3A_1121, %gather3A_1124 : vector<16xi1>, vector<16xf32>
            %broadcast_in_dim3A_1126 = vector.shape_cast %add3A_18 : vector<16xi32> to vector<16x1xi32>
            %gather3A_1127 = vector.shape_cast %broadcast_in_dim3A_1126 : vector<16x1xi32> to vector<16xi32>
            %gather3A_1128 = tpu.dynamic_gather %add3A_1064[%gather3A_1127] in [0] : vector<16xf32>, vector<16xi32> -> vector<16xf32>
            %broadcast_in_dim3A_1129 = vector.shape_cast %add3A_18 : vector<16xi32> to vector<16x1xi32>
            %gather3A_1130 = vector.shape_cast %broadcast_in_dim3A_1129 : vector<16x1xi32> to vector<16xi32>
            %gather3A_1131 = tpu.dynamic_gather %add3A_1073[%gather3A_1130] in [0] : vector<16xf32>, vector<16xi32> -> vector<16xf32>
            %select_n3A_1132 = arith.select %lt3A_4, %gather3A_1128, %gather3A_1131 : vector<16xi1>, vector<16xf32>
            %add3A_1133 = arith.addf %select_n3A_1125, %select_n3A_1132 : vector<16xf32>
            %broadcast_in_dim3A_1134 = vector.shape_cast %or3A_28 : vector<16xi32> to vector<16x1xi32>
            %gather3A_1135 = vector.shape_cast %broadcast_in_dim3A_1134 : vector<16x1xi32> to vector<16xi32>
            %gather3A_1136 = tpu.dynamic_gather %add3A_1088[%gather3A_1135] in [0] : vector<16xf32>, vector<16xi32> -> vector<16xf32>
            %broadcast_in_dim3A_1137 = vector.shape_cast %or3A_28 : vector<16xi32> to vector<16x1xi32>
            %gather3A_1138 = vector.shape_cast %broadcast_in_dim3A_1137 : vector<16x1xi32> to vector<16xi32>
            %gather3A_1139 = tpu.dynamic_gather %add3A_1103[%gather3A_1138] in [0] : vector<16xf32>, vector<16xi32> -> vector<16xf32>
            %select_n3A_1140 = arith.select %lt3A_4, %gather3A_1136, %gather3A_1139 : vector<16xi1>, vector<16xf32>
            %broadcast_in_dim3A_1141 = vector.shape_cast %add3A_31 : vector<16xi32> to vector<16x1xi32>
            %gather3A_1142 = vector.shape_cast %broadcast_in_dim3A_1141 : vector<16x1xi32> to vector<16xi32>
            %gather3A_1143 = tpu.dynamic_gather %add3A_1088[%gather3A_1142] in [0] : vector<16xf32>, vector<16xi32> -> vector<16xf32>
            %broadcast_in_dim3A_1144 = vector.shape_cast %add3A_31 : vector<16xi32> to vector<16x1xi32>
            %gather3A_1145 = vector.shape_cast %broadcast_in_dim3A_1144 : vector<16x1xi32> to vector<16xi32>
            %gather3A_1146 = tpu.dynamic_gather %add3A_1103[%gather3A_1145] in [0] : vector<16xf32>, vector<16xi32> -> vector<16xf32>
            %select_n3A_1147 = arith.select %lt3A_4, %gather3A_1143, %gather3A_1146 : vector<16xi1>, vector<16xf32>
            %add3A_1148 = arith.addf %select_n3A_1140, %select_n3A_1147 : vector<16xf32>
            %broadcast_in_dim3A_1149 = vector.shape_cast %or3A_28 : vector<16xi32> to vector<16x1xi32>
            %gather3A_1150 = vector.shape_cast %broadcast_in_dim3A_1149 : vector<16x1xi32> to vector<16xi32>
            %gather3A_1151 = tpu.dynamic_gather %add3A_1118[%gather3A_1150] in [0] : vector<16xf32>, vector<16xi32> -> vector<16xf32>
            %broadcast_in_dim3A_1152 = vector.shape_cast %or3A_28 : vector<16xi32> to vector<16x1xi32>
            %gather3A_1153 = vector.shape_cast %broadcast_in_dim3A_1152 : vector<16x1xi32> to vector<16xi32>
            %gather3A_1154 = tpu.dynamic_gather %add3A_1133[%gather3A_1153] in [0] : vector<16xf32>, vector<16xi32> -> vector<16xf32>
            %select_n3A_1155 = arith.select %lt3A_4, %gather3A_1151, %gather3A_1154 : vector<16xi1>, vector<16xf32>
            %broadcast_in_dim3A_1156 = vector.shape_cast %add3A_31 : vector<16xi32> to vector<16x1xi32>
            %gather3A_1157 = vector.shape_cast %broadcast_in_dim3A_1156 : vector<16x1xi32> to vector<16xi32>
            %gather3A_1158 = tpu.dynamic_gather %add3A_1118[%gather3A_1157] in [0] : vector<16xf32>, vector<16xi32> -> vector<16xf32>
            %broadcast_in_dim3A_1159 = vector.shape_cast %add3A_31 : vector<16xi32> to vector<16x1xi32>
            %gather3A_1160 = vector.shape_cast %broadcast_in_dim3A_1159 : vector<16x1xi32> to vector<16xi32>
            %gather3A_1161 = tpu.dynamic_gather %add3A_1133[%gather3A_1160] in [0] : vector<16xf32>, vector<16xi32> -> vector<16xf32>
            %select_n3A_1162 = arith.select %lt3A_4, %gather3A_1158, %gather3A_1161 : vector<16xi1>, vector<16xf32>
            %add3A_1163 = arith.addf %select_n3A_1155, %select_n3A_1162 : vector<16xf32>
            %broadcast_in_dim3A_1164 = vector.shape_cast %shift_left3A_34 : vector<16xi32> to vector<16x1xi32>
            %gather3A_1165 = vector.shape_cast %broadcast_in_dim3A_1164 : vector<16x1xi32> to vector<16xi32>
            %gather3A_1166 = tpu.dynamic_gather %add3A_1148[%gather3A_1165] in [0] : vector<16xf32>, vector<16xi32> -> vector<16xf32>
            %broadcast_in_dim3A_1167 = vector.shape_cast %shift_left3A_34 : vector<16xi32> to vector<16x1xi32>
            %gather3A_1168 = vector.shape_cast %broadcast_in_dim3A_1167 : vector<16x1xi32> to vector<16xi32>
            %gather3A_1169 = tpu.dynamic_gather %add3A_1163[%gather3A_1168] in [0] : vector<16xf32>, vector<16xi32> -> vector<16xf32>
            %select_n3A_1170 = arith.select %lt3A_4, %gather3A_1166, %gather3A_1169 : vector<16xi1>, vector<16xf32>
            %broadcast_in_dim3A_1171 = vector.shape_cast %add3A_37 : vector<16xi32> to vector<16x1xi32>
            %gather3A_1172 = vector.shape_cast %broadcast_in_dim3A_1171 : vector<16x1xi32> to vector<16xi32>
            %gather3A_1173 = tpu.dynamic_gather %add3A_1148[%gather3A_1172] in [0] : vector<16xf32>, vector<16xi32> -> vector<16xf32>
            %broadcast_in_dim3A_1174 = vector.shape_cast %add3A_37 : vector<16xi32> to vector<16x1xi32>
            %gather3A_1175 = vector.shape_cast %broadcast_in_dim3A_1174 : vector<16x1xi32> to vector<16xi32>
            %gather3A_1176 = tpu.dynamic_gather %add3A_1163[%gather3A_1175] in [0] : vector<16xf32>, vector<16xi32> -> vector<16xf32>
            %select_n3A_1177 = arith.select %lt3A_4, %gather3A_1173, %gather3A_1176 : vector<16xi1>, vector<16xf32>
            %add3A_1178 = arith.addf %select_n3A_1170, %select_n3A_1177 : vector<16xf32>
            %get3A_1179 = arith.constant 0 : index
            %get3A_1180 = tpu.vector_load %arg18[%get3A_1179] {strides = array<i32>} : memref<16xf32, #tpu.memory_space<vmem>>, vector<16xf32>,
            %max3A_1181 = arith.constant 1.000000e-30 : f32
            %max3A_1182 = vector.broadcast %max3A_1181 : f32 to vector<16xf32>
            %max3A_1183 = arith.maximumf %add3A_1178, %max3A_1182 : vector<16xf32>
            %bitcast3A_1184 = vector.bitcast %max3A_1183 : vector<16xf32> to vector<16xi32>
            %shift_right_logical3A_1185 = arith.constant 1 : i32
            %shift_right_logical3A_1186 = vector.broadcast %shift_right_logical3A_1185 : i32 to vector<16xi32>
            %shift_right_logical3A_1187 = arith.shrui %bitcast3A_1184, %shift_right_logical3A_1186 : vector<16xi32>
            %sub3A_1188 = arith.constant 1597463007 : i32
            %sub3A_1189 = vector.broadcast %sub3A_1188 : i32 to vector<16xi32>
            %sub3A_1190 = arith.subi %sub3A_1189, %shift_right_logical3A_1187 : vector<16xi32>
            %bitcast3A_1191 = vector.bitcast %sub3A_1190 : vector<16xi32> to vector<16xf32>
            %mul3A_1192 = arith.constant 5.000000e-01 : f32
            %mul3A_1193 = vector.broadcast %mul3A_1192 : f32 to vector<16xf32>
            %mul3A_1194 = arith.mulf %mul3A_1193, %max3A_1183 : vector<16xf32>
            %mul3A_1195 = arith.mulf %mul3A_1194, %bitcast3A_1191 : vector<16xf32>
            %mul3A_1196 = arith.mulf %mul3A_1195, %bitcast3A_1191 : vector<16xf32>
            %sub3A_1197 = arith.constant 1.500000e+00 : f32
            %sub3A_1198 = vector.broadcast %sub3A_1197 : f32 to vector<16xf32>
            %sub3A_1199 = arith.subf %sub3A_1198, %mul3A_1196 : vector<16xf32>
            %mul3A_1200 = arith.mulf %bitcast3A_1191, %sub3A_1199 : vector<16xf32>
            %mul3A_1201 = arith.mulf %max3A_1183, %mul3A_1200 : vector<16xf32>
            %add3A_1202 = arith.addf %mul3A_693, %mul3A_1201 : vector<16xf32>
            %add3A_1203 = arith.addf %get3A_1180, %add3A_1202 : vector<16xf32>
            %swap3A_1204 = arith.constant 0 : index
            %swap3A_1205 = tpu.vector_load %arg18[%swap3A_1204] {strides = array<i32>} : memref<16xf32, #tpu.memory_space<vmem>>, vector<16xf32>,
            tpu.vector_store %arg18[%swap3A_1204], %add3A_1203 {strides = array<i32>} : memref<16xf32, #tpu.memory_space<vmem>>, vector<16xf32>,
          }
          %scan3A_190 = arith.constant 10 : i32
        } else {
        }
      } else {
      }
      %add3A_139 = arith.constant 2 : i32
      %add3A_140 = arith.addi %add3A_126, %add3A_139 : i32
      %lt3A_141 = arith.constant 98 : i32
      %lt3A_142 = arith.cmpi slt, %add3A_140, %lt3A_141 : i32
      %convert_element_type3A_143 = arith.extui %lt3A_142 : i1 to i32
      %cond3A_144 = arith.constant 0 : i32
      %cond3A_145 = arith.cmpi ne, %convert_element_type3A_143, %cond3A_144 : i32
      scf.if %cond3A_145 {
        %dma_wait3A_146 = arith.constant 0 : i32
        %dma_wait3A_147 = arith.constant 0 : i32
        %dma_wait3A_148 = tpu.memref_slice %arg2[%dma_wait3A_146, %dma_wait3A_147] : memref<1000000x32xf32, #tpu.memory_space<hbm>> -> memref<320x32xf32, #tpu.memory_space<hbm>>
        %dma_wait3A_149 = arith.constant 0 : i32
        %dma_wait3A_150 = arith.constant 0 : i32
        %dma_wait3A_151 = tpu.memref_slice %arg2[%dma_wait3A_149, %dma_wait3A_150] : memref<1000000x32xf32, #tpu.memory_space<hbm>> -> memref<320x32xf32, #tpu.memory_space<hbm>>
        tpu.wait_dma2 semaphore(%arg24 : memref<!tpu.dma_semaphore, #tpu.memory_space<semaphore_mem>>) src(%dma_wait3A_151 : memref<320x32xf32, #tpu.memory_space<hbm>>) dst(%arg14 : memref<320x32xf32, #tpu.memory_space<vmem>>)
        %dma_wait3A_152 = arith.constant 0 : i32
        %dma_wait3A_153 = arith.constant 0 : i32
        %dma_wait3A_154 = tpu.memref_slice %arg2[%dma_wait3A_152, %dma_wait3A_153] : memref<1000000x32xf32, #tpu.memory_space<hbm>> -> memref<320x32xf32, #tpu.memory_space<hbm>>
        %dma_wait3A_155 = arith.constant 0 : i32
        %dma_wait3A_156 = arith.constant 0 : i32
        %dma_wait3A_157 = tpu.memref_slice %arg2[%dma_wait3A_155, %dma_wait3A_156] : memref<1000000x32xf32, #tpu.memory_space<hbm>> -> memref<320x32xf32, #tpu.memory_space<hbm>>
        tpu.wait_dma2 semaphore(%arg24 : memref<!tpu.dma_semaphore, #tpu.memory_space<semaphore_mem>>) src(%dma_wait3A_157 : memref<320x32xf32, #tpu.memory_space<hbm>>) dst(%arg17 : memref<320x32xf32, #tpu.memory_space<vmem>>)
        %add3A_158 = arith.constant 2 : i32
        %add3A_159 = arith.addi %add3A_126, %add3A_158 : i32
        %add3A_160 = arith.constant 3 : i32
        %add3A_161 = arith.addi %add3A_159, %add3A_160 : i32
        %lt3A_162 = arith.constant 98 : i32
        %lt3A_163 = arith.cmpi slt, %add3A_161, %lt3A_162 : i32
        %convert_element_type3A_164 = arith.extui %lt3A_163 : i1 to i32
        %cond3A_165 = arith.constant 0 : i32
        %cond3A_166 = arith.cmpi ne, %convert_element_type3A_164, %cond3A_165 : i32
        scf.if %cond3A_166 {
          %add3A_186 = arith.constant 2 : i32
          %add3A_187 = arith.addi %add3A_126, %add3A_186 : i32
          %add3A_188 = arith.constant 3 : i32
          %add3A_189 = arith.addi %add3A_187, %add3A_188 : i32
          %mul3A_190 = arith.constant 32 : i32
          %mul3A_191 = arith.muli %mul3A_190, %add3A_189 : i32
          %add3A_192 = arith.addi %add3A, %mul3A_191 : i32
          %lt3A_193 = arith.constant 3125 : i32
          %lt3A_194 = arith.cmpi slt, %add3A_192, %lt3A_193 : i32
          %jit3A_195 = arith.constant 0 : i32
          %select_n3A_196 = arith.select %lt3A_194, %add3A_192, %jit3A_195 : i32
          %mul3A_197 = arith.constant 320 : i32
          %mul3A_198 = arith.muli %select_n3A_196, %mul3A_197 : i32
          %dma_start3A_199 = tpu.memref_slice %arg3[%mul3A_198] : memref<1000000xi32, #tpu.memory_space<hbm>> -> memref<320xi32, #tpu.memory_space<hbm>>
          %dma_start3A_200 = tpu.memref_slice %arg3[%mul3A_198] : memref<1000000xi32, #tpu.memory_space<hbm>> -> memref<320xi32, #tpu.memory_space<hbm>>
          tpu.enqueue_dma source(%dma_start3A_200 : memref<320xi32, #tpu.memory_space<hbm>>) target(%arg8 : memref<320xi32, #tpu.memory_space<vmem>>) target_semaphore(%arg21 : memref<!tpu.dma_semaphore, #tpu.memory_space<semaphore_mem>>)
          %dma_start3A_201 = tpu.memref_slice %arg4[%mul3A_198] : memref<1000000xi32, #tpu.memory_space<hbm>> -> memref<320xi32, #tpu.memory_space<hbm>>
          %dma_start3A_202 = tpu.memref_slice %arg4[%mul3A_198] : memref<1000000xi32, #tpu.memory_space<hbm>> -> memref<320xi32, #tpu.memory_space<hbm>>
          tpu.enqueue_dma source(%dma_start3A_202 : memref<320xi32, #tpu.memory_space<hbm>>) target(%arg11 : memref<320xi32, #tpu.memory_space<vmem>>) target_semaphore(%arg21 : memref<!tpu.dma_semaphore, #tpu.memory_space<semaphore_mem>>)
        } else {
        }
        %add3A_167 = arith.constant 2 : i32
        %add3A_168 = arith.addi %add3A_126, %add3A_167 : i32
        %add3A_169 = arith.constant 2 : i32
        %add3A_170 = arith.addi %add3A_168, %add3A_169 : i32
        %lt3A_171 = arith.constant 98 : i32
        %lt3A_172 = arith.cmpi slt, %add3A_170, %lt3A_171 : i32
        %convert_element_type3A_173 = arith.extui %lt3A_172 : i1 to i32
        %cond3A_174 = arith.constant 0 : i32
        %cond3A_175 = arith.cmpi ne, %convert_element_type3A_173, %cond3A_174 : i32
        scf.if %cond3A_175 {
          %dma_wait3A_186 = arith.constant 0 : i32
          %dma_wait3A_187 = tpu.memref_slice %arg3[%dma_wait3A_186] : memref<1000000xi32, #tpu.memory_space<hbm>> -> memref<320xi32, #tpu.memory_space<hbm>>
          %dma_wait3A_188 = arith.constant 0 : i32
          %dma_wait3A_189 = tpu.memref_slice %arg3[%dma_wait3A_188] : memref<1000000xi32, #tpu.memory_space<hbm>> -> memref<320xi32, #tpu.memory_space<hbm>>
          tpu.wait_dma2 semaphore(%arg20 : memref<!tpu.dma_semaphore, #tpu.memory_space<semaphore_mem>>) src(%dma_wait3A_189 : memref<320xi32, #tpu.memory_space<hbm>>) dst(%arg7 : memref<320xi32, #tpu.memory_space<vmem>>)
          %dma_wait3A_190 = arith.constant 0 : i32
          %dma_wait3A_191 = tpu.memref_slice %arg4[%dma_wait3A_190] : memref<1000000xi32, #tpu.memory_space<hbm>> -> memref<320xi32, #tpu.memory_space<hbm>>
          %dma_wait3A_192 = arith.constant 0 : i32
          %dma_wait3A_193 = tpu.memref_slice %arg4[%dma_wait3A_192] : memref<1000000xi32, #tpu.memory_space<hbm>> -> memref<320xi32, #tpu.memory_space<hbm>>
          tpu.wait_dma2 semaphore(%arg20 : memref<!tpu.dma_semaphore, #tpu.memory_space<semaphore_mem>>) src(%dma_wait3A_193 : memref<320xi32, #tpu.memory_space<hbm>>) dst(%arg10 : memref<320xi32, #tpu.memory_space<vmem>>)
          %dma_start3A_194 = arith.constant 0 : i32
          %dma_start3A_195 = arith.constant 0 : i32
          %dma_start3A_196 = tpu.memref_slice %arg13[%dma_start3A_194, %dma_start3A_195] : memref<320x32xf32, #tpu.memory_space<vmem>> -> memref<320x32xf32, #tpu.memory_space<vmem>>
          %dma_start3A_197 = arith.constant 0 : i32
          %dma_start3A_198 = tpu.memref_slice %arg7[%dma_start3A_197] : memref<320xi32, #tpu.memory_space<vmem>> -> memref<320xi32, #tpu.memory_space<vmem>>
          %dma_start3A_199 = arith.constant 0 : i32
          %dma_start3A_200 = arith.constant 0 : i32
          %dma_start3A_201 = tpu.memref_slice %arg2[%dma_start3A_199, %dma_start3A_200] : memref<1000000x32xf32, #tpu.memory_space<hbm>> -> memref<1000000x32xf32, #tpu.memory_space<hbm>>
          tpu.enqueue_indirect_dma source(%dma_start3A_201 : memref<1000000x32xf32, #tpu.memory_space<hbm>>) target(%dma_start3A_196 : memref<320x32xf32, #tpu.memory_space<vmem>>) offsets(%dma_start3A_198 : memref<320xi32, #tpu.memory_space<vmem>>) semaphore(%arg23 : memref<!tpu.dma_semaphore, #tpu.memory_space<semaphore_mem>>)
          %dma_start3A_202 = arith.constant 0 : i32
          %dma_start3A_203 = arith.constant 0 : i32
          %dma_start3A_204 = tpu.memref_slice %arg16[%dma_start3A_202, %dma_start3A_203] : memref<320x32xf32, #tpu.memory_space<vmem>> -> memref<320x32xf32, #tpu.memory_space<vmem>>
          %dma_start3A_205 = arith.constant 0 : i32
          %dma_start3A_206 = tpu.memref_slice %arg10[%dma_start3A_205] : memref<320xi32, #tpu.memory_space<vmem>> -> memref<320xi32, #tpu.memory_space<vmem>>
          %dma_start3A_207 = arith.constant 0 : i32
          %dma_start3A_208 = arith.constant 0 : i32
          %dma_start3A_209 = tpu.memref_slice %arg2[%dma_start3A_207, %dma_start3A_208] : memref<1000000x32xf32, #tpu.memory_space<hbm>> -> memref<1000000x32xf32, #tpu.memory_space<hbm>>
          tpu.enqueue_indirect_dma source(%dma_start3A_209 : memref<1000000x32xf32, #tpu.memory_space<hbm>>) target(%dma_start3A_204 : memref<320x32xf32, #tpu.memory_space<vmem>>) offsets(%dma_start3A_206 : memref<320xi32, #tpu.memory_space<vmem>>) semaphore(%arg23 : memref<!tpu.dma_semaphore, #tpu.memory_space<semaphore_mem>>)
        } else {
        }
        %add3A_176 = arith.constant 2 : i32
        %add3A_177 = arith.addi %add3A_126, %add3A_176 : i32
        %mul3A_178 = arith.constant 32 : i32
        %mul3A_179 = arith.muli %mul3A_178, %add3A_177 : i32
        %add3A_180 = arith.addi %add3A, %mul3A_179 : i32
        %lt3A_181 = arith.constant 3125 : i32
        %lt3A_182 = arith.cmpi slt, %add3A_180, %lt3A_181 : i32
        %convert_element_type3A_183 = arith.extui %lt3A_182 : i1 to i32
        %cond3A_184 = arith.constant 0 : i32
        %cond3A_185 = arith.cmpi ne, %convert_element_type3A_183, %cond3A_184 : i32
        scf.if %cond3A_185 {
          %scan3A_186 = arith.constant 0 : i32
          %scan3A_187 = arith.constant 10 : i32
          %scan3A_188 = arith.addi %scan3A_186, %scan3A_187 : i32
          %scan3A_189 = arith.constant 1 : i32
          scf.for %scan3A_191 = %scan3A_186 to %scan3A_188 step %scan3A_189  : i32 {
            %mul3A_192 = arith.constant 2 : i32
            %mul3A_193 = arith.muli %scan3A_191, %mul3A_192 : i32
            %add3A_194 = arith.constant 0 : i32
            %add3A_195 = arith.addi %add3A_194, %mul3A_193 : i32
            %mul3A_196 = arith.constant 16 : i32
            %mul3A_197 = arith.muli %add3A_195, %mul3A_196 : i32
            %add3A_198 = arith.constant 0 : i32
            %add3A_199 = arith.addi %mul3A_197, %add3A_198 : i32
            %get3A = arith.index_cast %add3A_199 : i32 to index
            %get3A_200 = arith.constant 0 : index
            %get3A_201 = tpu.vector_load %arg14[%get3A, %get3A_200] {strides = array<i32>} : memref<320x32xf32, #tpu.memory_space<vmem>>, vector<16xf32>,
            %get3A_202 = arith.index_cast %add3A_199 : i32 to index
            %get3A_203 = arith.constant 0 : index
            %get3A_204 = tpu.vector_load %arg17[%get3A_202, %get3A_203] {strides = array<i32>} : memref<320x32xf32, #tpu.memory_space<vmem>>, vector<16xf32>,
            %sub3A = arith.subf %get3A_201, %get3A_204 : vector<16xf32>
            %get3A_205 = arith.index_cast %add3A_199 : i32 to index
            %get3A_206 = arith.constant 16 : index
            %get3A_207 = tpu.vector_load %arg14[%get3A_205, %get3A_206] {strides = array<i32>} : memref<320x32xf32, #tpu.memory_space<vmem>>, vector<16xf32>,
            %get3A_208 = arith.index_cast %add3A_199 : i32 to index
            %get3A_209 = arith.constant 16 : index
            %get3A_210 = tpu.vector_load %arg17[%get3A_208, %get3A_209] {strides = array<i32>} : memref<320x32xf32, #tpu.memory_space<vmem>>, vector<16xf32>,
            %sub3A_211 = arith.subf %get3A_207, %get3A_210 : vector<16xf32>
            %mul3A_212 = arith.mulf %sub3A, %sub3A : vector<16xf32>
            %mul3A_213 = arith.mulf %sub3A_211, %sub3A_211 : vector<16xf32>
            %add3A_214 = arith.addf %mul3A_212, %mul3A_213 : vector<16xf32>
            %add3A_215 = arith.constant 1 : i32
            %add3A_216 = arith.addi %mul3A_197, %add3A_215 : i32
            %get3A_217 = arith.index_cast %add3A_216 : i32 to index
            %get3A_218 = arith.constant 0 : index
            %get3A_219 = tpu.vector_load %arg14[%get3A_217, %get3A_218] {strides = array<i32>} : memref<320x32xf32, #tpu.memory_space<vmem>>, vector<16xf32>,
            %get3A_220 = arith.index_cast %add3A_216 : i32 to index
            %get3A_221 = arith.constant 0 : index
            %get3A_222 = tpu.vector_load %arg17[%get3A_220, %get3A_221] {strides = array<i32>} : memref<320x32xf32, #tpu.memory_space<vmem>>, vector<16xf32>,
            %sub3A_223 = arith.subf %get3A_219, %get3A_222 : vector<16xf32>
            %get3A_224 = arith.index_cast %add3A_216 : i32 to index
            %get3A_225 = arith.constant 16 : index
            %get3A_226 = tpu.vector_load %arg14[%get3A_224, %get3A_225] {strides = array<i32>} : memref<320x32xf32, #tpu.memory_space<vmem>>, vector<16xf32>,
            %get3A_227 = arith.index_cast %add3A_216 : i32 to index
            %get3A_228 = arith.constant 16 : index
            %get3A_229 = tpu.vector_load %arg17[%get3A_227, %get3A_228] {strides = array<i32>} : memref<320x32xf32, #tpu.memory_space<vmem>>, vector<16xf32>,
            %sub3A_230 = arith.subf %get3A_226, %get3A_229 : vector<16xf32>
            %mul3A_231 = arith.mulf %sub3A_223, %sub3A_223 : vector<16xf32>
            %mul3A_232 = arith.mulf %sub3A_230, %sub3A_230 : vector<16xf32>
            %add3A_233 = arith.addf %mul3A_231, %mul3A_232 : vector<16xf32>
            %add3A_234 = arith.constant 2 : i32
            %add3A_235 = arith.addi %mul3A_197, %add3A_234 : i32
            %get3A_236 = arith.index_cast %add3A_235 : i32 to index
            %get3A_237 = arith.constant 0 : index
            %get3A_238 = tpu.vector_load %arg14[%get3A_236, %get3A_237] {strides = array<i32>} : memref<320x32xf32, #tpu.memory_space<vmem>>, vector<16xf32>,
            %get3A_239 = arith.index_cast %add3A_235 : i32 to index
            %get3A_240 = arith.constant 0 : index
            %get3A_241 = tpu.vector_load %arg17[%get3A_239, %get3A_240] {strides = array<i32>} : memref<320x32xf32, #tpu.memory_space<vmem>>, vector<16xf32>,
            %sub3A_242 = arith.subf %get3A_238, %get3A_241 : vector<16xf32>
            %get3A_243 = arith.index_cast %add3A_235 : i32 to index
            %get3A_244 = arith.constant 16 : index
            %get3A_245 = tpu.vector_load %arg14[%get3A_243, %get3A_244] {strides = array<i32>} : memref<320x32xf32, #tpu.memory_space<vmem>>, vector<16xf32>,
            %get3A_246 = arith.index_cast %add3A_235 : i32 to index
            %get3A_247 = arith.constant 16 : index
            %get3A_248 = tpu.vector_load %arg17[%get3A_246, %get3A_247] {strides = array<i32>} : memref<320x32xf32, #tpu.memory_space<vmem>>, vector<16xf32>,
            %sub3A_249 = arith.subf %get3A_245, %get3A_248 : vector<16xf32>
            %mul3A_250 = arith.mulf %sub3A_242, %sub3A_242 : vector<16xf32>
            %mul3A_251 = arith.mulf %sub3A_249, %sub3A_249 : vector<16xf32>
            %add3A_252 = arith.addf %mul3A_250, %mul3A_251 : vector<16xf32>
            %add3A_253 = arith.constant 3 : i32
            %add3A_254 = arith.addi %mul3A_197, %add3A_253 : i32
            %get3A_255 = arith.index_cast %add3A_254 : i32 to index
            %get3A_256 = arith.constant 0 : index
            %get3A_257 = tpu.vector_load %arg14[%get3A_255, %get3A_256] {strides = array<i32>} : memref<320x32xf32, #tpu.memory_space<vmem>>, vector<16xf32>,
            %get3A_258 = arith.index_cast %add3A_254 : i32 to index
            %get3A_259 = arith.constant 0 : index
            %get3A_260 = tpu.vector_load %arg17[%get3A_258, %get3A_259] {strides = array<i32>} : memref<320x32xf32, #tpu.memory_space<vmem>>, vector<16xf32>,
            %sub3A_261 = arith.subf %get3A_257, %get3A_260 : vector<16xf32>
            %get3A_262 = arith.index_cast %add3A_254 : i32 to index
            %get3A_263 = arith.constant 16 : index
            %get3A_264 = tpu.vector_load %arg14[%get3A_262, %get3A_263] {strides = array<i32>} : memref<320x32xf32, #tpu.memory_space<vmem>>, vector<16xf32>,
            %get3A_265 = arith.index_cast %add3A_254 : i32 to index
            %get3A_266 = arith.constant 16 : index
            %get3A_267 = tpu.vector_load %arg17[%get3A_265, %get3A_266] {strides = array<i32>} : memref<320x32xf32, #tpu.memory_space<vmem>>, vector<16xf32>,
            %sub3A_268 = arith.subf %get3A_264, %get3A_267 : vector<16xf32>
            %mul3A_269 = arith.mulf %sub3A_261, %sub3A_261 : vector<16xf32>
            %mul3A_270 = arith.mulf %sub3A_268, %sub3A_268 : vector<16xf32>
            %add3A_271 = arith.addf %mul3A_269, %mul3A_270 : vector<16xf32>
            %add3A_272 = arith.constant 4 : i32
            %add3A_273 = arith.addi %mul3A_197, %add3A_272 : i32
            %get3A_274 = arith.index_cast %add3A_273 : i32 to index
            %get3A_275 = arith.constant 0 : index
            %get3A_276 = tpu.vector_load %arg14[%get3A_274, %get3A_275] {strides = array<i32>} : memref<320x32xf32, #tpu.memory_space<vmem>>, vector<16xf32>,
            %get3A_277 = arith.index_cast %add3A_273 : i32 to index
            %get3A_278 = arith.constant 0 : index
            %get3A_279 = tpu.vector_load %arg17[%get3A_277, %get3A_278] {strides = array<i32>} : memref<320x32xf32, #tpu.memory_space<vmem>>, vector<16xf32>,
            %sub3A_280 = arith.subf %get3A_276, %get3A_279 : vector<16xf32>
            %get3A_281 = arith.index_cast %add3A_273 : i32 to index
            %get3A_282 = arith.constant 16 : index
            %get3A_283 = tpu.vector_load %arg14[%get3A_281, %get3A_282] {strides = array<i32>} : memref<320x32xf32, #tpu.memory_space<vmem>>, vector<16xf32>,
            %get3A_284 = arith.index_cast %add3A_273 : i32 to index
            %get3A_285 = arith.constant 16 : index
            %get3A_286 = tpu.vector_load %arg17[%get3A_284, %get3A_285] {strides = array<i32>} : memref<320x32xf32, #tpu.memory_space<vmem>>, vector<16xf32>,
            %sub3A_287 = arith.subf %get3A_283, %get3A_286 : vector<16xf32>
            %mul3A_288 = arith.mulf %sub3A_280, %sub3A_280 : vector<16xf32>
            %mul3A_289 = arith.mulf %sub3A_287, %sub3A_287 : vector<16xf32>
            %add3A_290 = arith.addf %mul3A_288, %mul3A_289 : vector<16xf32>
            %add3A_291 = arith.constant 5 : i32
            %add3A_292 = arith.addi %mul3A_197, %add3A_291 : i32
            %get3A_293 = arith.index_cast %add3A_292 : i32 to index
            %get3A_294 = arith.constant 0 : index
            %get3A_295 = tpu.vector_load %arg14[%get3A_293, %get3A_294] {strides = array<i32>} : memref<320x32xf32, #tpu.memory_space<vmem>>, vector<16xf32>,
            %get3A_296 = arith.index_cast %add3A_292 : i32 to index
            %get3A_297 = arith.constant 0 : index
            %get3A_298 = tpu.vector_load %arg17[%get3A_296, %get3A_297] {strides = array<i32>} : memref<320x32xf32, #tpu.memory_space<vmem>>, vector<16xf32>,
            %sub3A_299 = arith.subf %get3A_295, %get3A_298 : vector<16xf32>
            %get3A_300 = arith.index_cast %add3A_292 : i32 to index
            %get3A_301 = arith.constant 16 : index
            %get3A_302 = tpu.vector_load %arg14[%get3A_300, %get3A_301] {strides = array<i32>} : memref<320x32xf32, #tpu.memory_space<vmem>>, vector<16xf32>,
            %get3A_303 = arith.index_cast %add3A_292 : i32 to index
            %get3A_304 = arith.constant 16 : index
            %get3A_305 = tpu.vector_load %arg17[%get3A_303, %get3A_304] {strides = array<i32>} : memref<320x32xf32, #tpu.memory_space<vmem>>, vector<16xf32>,
            %sub3A_306 = arith.subf %get3A_302, %get3A_305 : vector<16xf32>
            %mul3A_307 = arith.mulf %sub3A_299, %sub3A_299 : vector<16xf32>
            %mul3A_308 = arith.mulf %sub3A_306, %sub3A_306 : vector<16xf32>
            %add3A_309 = arith.addf %mul3A_307, %mul3A_308 : vector<16xf32>
            %add3A_310 = arith.constant 6 : i32
            %add3A_311 = arith.addi %mul3A_197, %add3A_310 : i32
            %get3A_312 = arith.index_cast %add3A_311 : i32 to index
            %get3A_313 = arith.constant 0 : index
            %get3A_314 = tpu.vector_load %arg14[%get3A_312, %get3A_313] {strides = array<i32>} : memref<320x32xf32, #tpu.memory_space<vmem>>, vector<16xf32>,
            %get3A_315 = arith.index_cast %add3A_311 : i32 to index
            %get3A_316 = arith.constant 0 : index
            %get3A_317 = tpu.vector_load %arg17[%get3A_315, %get3A_316] {strides = array<i32>} : memref<320x32xf32, #tpu.memory_space<vmem>>, vector<16xf32>,
            %sub3A_318 = arith.subf %get3A_314, %get3A_317 : vector<16xf32>
            %get3A_319 = arith.index_cast %add3A_311 : i32 to index
            %get3A_320 = arith.constant 16 : index
            %get3A_321 = tpu.vector_load %arg14[%get3A_319, %get3A_320] {strides = array<i32>} : memref<320x32xf32, #tpu.memory_space<vmem>>, vector<16xf32>,
            %get3A_322 = arith.index_cast %add3A_311 : i32 to index
            %get3A_323 = arith.constant 16 : index
            %get3A_324 = tpu.vector_load %arg17[%get3A_322, %get3A_323] {strides = array<i32>} : memref<320x32xf32, #tpu.memory_space<vmem>>, vector<16xf32>,
            %sub3A_325 = arith.subf %get3A_321, %get3A_324 : vector<16xf32>
            %mul3A_326 = arith.mulf %sub3A_318, %sub3A_318 : vector<16xf32>
            %mul3A_327 = arith.mulf %sub3A_325, %sub3A_325 : vector<16xf32>
            %add3A_328 = arith.addf %mul3A_326, %mul3A_327 : vector<16xf32>
            %add3A_329 = arith.constant 7 : i32
            %add3A_330 = arith.addi %mul3A_197, %add3A_329 : i32
            %get3A_331 = arith.index_cast %add3A_330 : i32 to index
            %get3A_332 = arith.constant 0 : index
            %get3A_333 = tpu.vector_load %arg14[%get3A_331, %get3A_332] {strides = array<i32>} : memref<320x32xf32, #tpu.memory_space<vmem>>, vector<16xf32>,
            %get3A_334 = arith.index_cast %add3A_330 : i32 to index
            %get3A_335 = arith.constant 0 : index
            %get3A_336 = tpu.vector_load %arg17[%get3A_334, %get3A_335] {strides = array<i32>} : memref<320x32xf32, #tpu.memory_space<vmem>>, vector<16xf32>,
            %sub3A_337 = arith.subf %get3A_333, %get3A_336 : vector<16xf32>
            %get3A_338 = arith.index_cast %add3A_330 : i32 to index
            %get3A_339 = arith.constant 16 : index
            %get3A_340 = tpu.vector_load %arg14[%get3A_338, %get3A_339] {strides = array<i32>} : memref<320x32xf32, #tpu.memory_space<vmem>>, vector<16xf32>,
            %get3A_341 = arith.index_cast %add3A_330 : i32 to index
            %get3A_342 = arith.constant 16 : index
            %get3A_343 = tpu.vector_load %arg17[%get3A_341, %get3A_342] {strides = array<i32>} : memref<320x32xf32, #tpu.memory_space<vmem>>, vector<16xf32>,
            %sub3A_344 = arith.subf %get3A_340, %get3A_343 : vector<16xf32>
            %mul3A_345 = arith.mulf %sub3A_337, %sub3A_337 : vector<16xf32>
            %mul3A_346 = arith.mulf %sub3A_344, %sub3A_344 : vector<16xf32>
            %add3A_347 = arith.addf %mul3A_345, %mul3A_346 : vector<16xf32>
            %add3A_348 = arith.constant 8 : i32
            %add3A_349 = arith.addi %mul3A_197, %add3A_348 : i32
            %get3A_350 = arith.index_cast %add3A_349 : i32 to index
            %get3A_351 = arith.constant 0 : index
            %get3A_352 = tpu.vector_load %arg14[%get3A_350, %get3A_351] {strides = array<i32>} : memref<320x32xf32, #tpu.memory_space<vmem>>, vector<16xf32>,
            %get3A_353 = arith.index_cast %add3A_349 : i32 to index
            %get3A_354 = arith.constant 0 : index
            %get3A_355 = tpu.vector_load %arg17[%get3A_353, %get3A_354] {strides = array<i32>} : memref<320x32xf32, #tpu.memory_space<vmem>>, vector<16xf32>,
            %sub3A_356 = arith.subf %get3A_352, %get3A_355 : vector<16xf32>
            %get3A_357 = arith.index_cast %add3A_349 : i32 to index
            %get3A_358 = arith.constant 16 : index
            %get3A_359 = tpu.vector_load %arg14[%get3A_357, %get3A_358] {strides = array<i32>} : memref<320x32xf32, #tpu.memory_space<vmem>>, vector<16xf32>,
            %get3A_360 = arith.index_cast %add3A_349 : i32 to index
            %get3A_361 = arith.constant 16 : index
            %get3A_362 = tpu.vector_load %arg17[%get3A_360, %get3A_361] {strides = array<i32>} : memref<320x32xf32, #tpu.memory_space<vmem>>, vector<16xf32>,
            %sub3A_363 = arith.subf %get3A_359, %get3A_362 : vector<16xf32>
            %mul3A_364 = arith.mulf %sub3A_356, %sub3A_356 : vector<16xf32>
            %mul3A_365 = arith.mulf %sub3A_363, %sub3A_363 : vector<16xf32>
            %add3A_366 = arith.addf %mul3A_364, %mul3A_365 : vector<16xf32>
            %add3A_367 = arith.constant 9 : i32
            %add3A_368 = arith.addi %mul3A_197, %add3A_367 : i32
            %get3A_369 = arith.index_cast %add3A_368 : i32 to index
            %get3A_370 = arith.constant 0 : index
            %get3A_371 = tpu.vector_load %arg14[%get3A_369, %get3A_370] {strides = array<i32>} : memref<320x32xf32, #tpu.memory_space<vmem>>, vector<16xf32>,
            %get3A_372 = arith.index_cast %add3A_368 : i32 to index
            %get3A_373 = arith.constant 0 : index
            %get3A_374 = tpu.vector_load %arg17[%get3A_372, %get3A_373] {strides = array<i32>} : memref<320x32xf32, #tpu.memory_space<vmem>>, vector<16xf32>,
            %sub3A_375 = arith.subf %get3A_371, %get3A_374 : vector<16xf32>
            %get3A_376 = arith.index_cast %add3A_368 : i32 to index
            %get3A_377 = arith.constant 16 : index
            %get3A_378 = tpu.vector_load %arg14[%get3A_376, %get3A_377] {strides = array<i32>} : memref<320x32xf32, #tpu.memory_space<vmem>>, vector<16xf32>,
            %get3A_379 = arith.index_cast %add3A_368 : i32 to index
            %get3A_380 = arith.constant 16 : index
            %get3A_381 = tpu.vector_load %arg17[%get3A_379, %get3A_380] {strides = array<i32>} : memref<320x32xf32, #tpu.memory_space<vmem>>, vector<16xf32>,
            %sub3A_382 = arith.subf %get3A_378, %get3A_381 : vector<16xf32>
            %mul3A_383 = arith.mulf %sub3A_375, %sub3A_375 : vector<16xf32>
            %mul3A_384 = arith.mulf %sub3A_382, %sub3A_382 : vector<16xf32>
            %add3A_385 = arith.addf %mul3A_383, %mul3A_384 : vector<16xf32>
            %add3A_386 = arith.constant 10 : i32
            %add3A_387 = arith.addi %mul3A_197, %add3A_386 : i32
            %get3A_388 = arith.index_cast %add3A_387 : i32 to index
            %get3A_389 = arith.constant 0 : index
            %get3A_390 = tpu.vector_load %arg14[%get3A_388, %get3A_389] {strides = array<i32>} : memref<320x32xf32, #tpu.memory_space<vmem>>, vector<16xf32>,
            %get3A_391 = arith.index_cast %add3A_387 : i32 to index
            %get3A_392 = arith.constant 0 : index
            %get3A_393 = tpu.vector_load %arg17[%get3A_391, %get3A_392] {strides = array<i32>} : memref<320x32xf32, #tpu.memory_space<vmem>>, vector<16xf32>,
            %sub3A_394 = arith.subf %get3A_390, %get3A_393 : vector<16xf32>
            %get3A_395 = arith.index_cast %add3A_387 : i32 to index
            %get3A_396 = arith.constant 16 : index
            %get3A_397 = tpu.vector_load %arg14[%get3A_395, %get3A_396] {strides = array<i32>} : memref<320x32xf32, #tpu.memory_space<vmem>>, vector<16xf32>,
            %get3A_398 = arith.index_cast %add3A_387 : i32 to index
            %get3A_399 = arith.constant 16 : index
            %get3A_400 = tpu.vector_load %arg17[%get3A_398, %get3A_399] {strides = array<i32>} : memref<320x32xf32, #tpu.memory_space<vmem>>, vector<16xf32>,
            %sub3A_401 = arith.subf %get3A_397, %get3A_400 : vector<16xf32>
            %mul3A_402 = arith.mulf %sub3A_394, %sub3A_394 : vector<16xf32>
            %mul3A_403 = arith.mulf %sub3A_401, %sub3A_401 : vector<16xf32>
            %add3A_404 = arith.addf %mul3A_402, %mul3A_403 : vector<16xf32>
            %add3A_405 = arith.constant 11 : i32
            %add3A_406 = arith.addi %mul3A_197, %add3A_405 : i32
            %get3A_407 = arith.index_cast %add3A_406 : i32 to index
            %get3A_408 = arith.constant 0 : index
            %get3A_409 = tpu.vector_load %arg14[%get3A_407, %get3A_408] {strides = array<i32>} : memref<320x32xf32, #tpu.memory_space<vmem>>, vector<16xf32>,
            %get3A_410 = arith.index_cast %add3A_406 : i32 to index
            %get3A_411 = arith.constant 0 : index
            %get3A_412 = tpu.vector_load %arg17[%get3A_410, %get3A_411] {strides = array<i32>} : memref<320x32xf32, #tpu.memory_space<vmem>>, vector<16xf32>,
            %sub3A_413 = arith.subf %get3A_409, %get3A_412 : vector<16xf32>
            %get3A_414 = arith.index_cast %add3A_406 : i32 to index
            %get3A_415 = arith.constant 16 : index
            %get3A_416 = tpu.vector_load %arg14[%get3A_414, %get3A_415] {strides = array<i32>} : memref<320x32xf32, #tpu.memory_space<vmem>>, vector<16xf32>,
            %get3A_417 = arith.index_cast %add3A_406 : i32 to index
            %get3A_418 = arith.constant 16 : index
            %get3A_419 = tpu.vector_load %arg17[%get3A_417, %get3A_418] {strides = array<i32>} : memref<320x32xf32, #tpu.memory_space<vmem>>, vector<16xf32>,
            %sub3A_420 = arith.subf %get3A_416, %get3A_419 : vector<16xf32>
            %mul3A_421 = arith.mulf %sub3A_413, %sub3A_413 : vector<16xf32>
            %mul3A_422 = arith.mulf %sub3A_420, %sub3A_420 : vector<16xf32>
            %add3A_423 = arith.addf %mul3A_421, %mul3A_422 : vector<16xf32>
            %add3A_424 = arith.constant 12 : i32
            %add3A_425 = arith.addi %mul3A_197, %add3A_424 : i32
            %get3A_426 = arith.index_cast %add3A_425 : i32 to index
            %get3A_427 = arith.constant 0 : index
            %get3A_428 = tpu.vector_load %arg14[%get3A_426, %get3A_427] {strides = array<i32>} : memref<320x32xf32, #tpu.memory_space<vmem>>, vector<16xf32>,
            %get3A_429 = arith.index_cast %add3A_425 : i32 to index
            %get3A_430 = arith.constant 0 : index
            %get3A_431 = tpu.vector_load %arg17[%get3A_429, %get3A_430] {strides = array<i32>} : memref<320x32xf32, #tpu.memory_space<vmem>>, vector<16xf32>,
            %sub3A_432 = arith.subf %get3A_428, %get3A_431 : vector<16xf32>
            %get3A_433 = arith.index_cast %add3A_425 : i32 to index
            %get3A_434 = arith.constant 16 : index
            %get3A_435 = tpu.vector_load %arg14[%get3A_433, %get3A_434] {strides = array<i32>} : memref<320x32xf32, #tpu.memory_space<vmem>>, vector<16xf32>,
            %get3A_436 = arith.index_cast %add3A_425 : i32 to index
            %get3A_437 = arith.constant 16 : index
            %get3A_438 = tpu.vector_load %arg17[%get3A_436, %get3A_437] {strides = array<i32>} : memref<320x32xf32, #tpu.memory_space<vmem>>, vector<16xf32>,
            %sub3A_439 = arith.subf %get3A_435, %get3A_438 : vector<16xf32>
            %mul3A_440 = arith.mulf %sub3A_432, %sub3A_432 : vector<16xf32>
            %mul3A_441 = arith.mulf %sub3A_439, %sub3A_439 : vector<16xf32>
            %add3A_442 = arith.addf %mul3A_440, %mul3A_441 : vector<16xf32>
            %add3A_443 = arith.constant 13 : i32
            %add3A_444 = arith.addi %mul3A_197, %add3A_443 : i32
            %get3A_445 = arith.index_cast %add3A_444 : i32 to index
            %get3A_446 = arith.constant 0 : index
            %get3A_447 = tpu.vector_load %arg14[%get3A_445, %get3A_446] {strides = array<i32>} : memref<320x32xf32, #tpu.memory_space<vmem>>, vector<16xf32>,
            %get3A_448 = arith.index_cast %add3A_444 : i32 to index
            %get3A_449 = arith.constant 0 : index
            %get3A_450 = tpu.vector_load %arg17[%get3A_448, %get3A_449] {strides = array<i32>} : memref<320x32xf32, #tpu.memory_space<vmem>>, vector<16xf32>,
            %sub3A_451 = arith.subf %get3A_447, %get3A_450 : vector<16xf32>
            %get3A_452 = arith.index_cast %add3A_444 : i32 to index
            %get3A_453 = arith.constant 16 : index
            %get3A_454 = tpu.vector_load %arg14[%get3A_452, %get3A_453] {strides = array<i32>} : memref<320x32xf32, #tpu.memory_space<vmem>>, vector<16xf32>,
            %get3A_455 = arith.index_cast %add3A_444 : i32 to index
            %get3A_456 = arith.constant 16 : index
            %get3A_457 = tpu.vector_load %arg17[%get3A_455, %get3A_456] {strides = array<i32>} : memref<320x32xf32, #tpu.memory_space<vmem>>, vector<16xf32>,
            %sub3A_458 = arith.subf %get3A_454, %get3A_457 : vector<16xf32>
            %mul3A_459 = arith.mulf %sub3A_451, %sub3A_451 : vector<16xf32>
            %mul3A_460 = arith.mulf %sub3A_458, %sub3A_458 : vector<16xf32>
            %add3A_461 = arith.addf %mul3A_459, %mul3A_460 : vector<16xf32>
            %add3A_462 = arith.constant 14 : i32
            %add3A_463 = arith.addi %mul3A_197, %add3A_462 : i32
            %get3A_464 = arith.index_cast %add3A_463 : i32 to index
            %get3A_465 = arith.constant 0 : index
            %get3A_466 = tpu.vector_load %arg14[%get3A_464, %get3A_465] {strides = array<i32>} : memref<320x32xf32, #tpu.memory_space<vmem>>, vector<16xf32>,
            %get3A_467 = arith.index_cast %add3A_463 : i32 to index
            %get3A_468 = arith.constant 0 : index
            %get3A_469 = tpu.vector_load %arg17[%get3A_467, %get3A_468] {strides = array<i32>} : memref<320x32xf32, #tpu.memory_space<vmem>>, vector<16xf32>,
            %sub3A_470 = arith.subf %get3A_466, %get3A_469 : vector<16xf32>
            %get3A_471 = arith.index_cast %add3A_463 : i32 to index
            %get3A_472 = arith.constant 16 : index
            %get3A_473 = tpu.vector_load %arg14[%get3A_471, %get3A_472] {strides = array<i32>} : memref<320x32xf32, #tpu.memory_space<vmem>>, vector<16xf32>,
            %get3A_474 = arith.index_cast %add3A_463 : i32 to index
            %get3A_475 = arith.constant 16 : index
            %get3A_476 = tpu.vector_load %arg17[%get3A_474, %get3A_475] {strides = array<i32>} : memref<320x32xf32, #tpu.memory_space<vmem>>, vector<16xf32>,
            %sub3A_477 = arith.subf %get3A_473, %get3A_476 : vector<16xf32>
            %mul3A_478 = arith.mulf %sub3A_470, %sub3A_470 : vector<16xf32>
            %mul3A_479 = arith.mulf %sub3A_477, %sub3A_477 : vector<16xf32>
            %add3A_480 = arith.addf %mul3A_478, %mul3A_479 : vector<16xf32>
            %add3A_481 = arith.constant 15 : i32
            %add3A_482 = arith.addi %mul3A_197, %add3A_481 : i32
            %get3A_483 = arith.index_cast %add3A_482 : i32 to index
            %get3A_484 = arith.constant 0 : index
            %get3A_485 = tpu.vector_load %arg14[%get3A_483, %get3A_484] {strides = array<i32>} : memref<320x32xf32, #tpu.memory_space<vmem>>, vector<16xf32>,
            %get3A_486 = arith.index_cast %add3A_482 : i32 to index
            %get3A_487 = arith.constant 0 : index
            %get3A_488 = tpu.vector_load %arg17[%get3A_486, %get3A_487] {strides = array<i32>} : memref<320x32xf32, #tpu.memory_space<vmem>>, vector<16xf32>,
            %sub3A_489 = arith.subf %get3A_485, %get3A_488 : vector<16xf32>
            %get3A_490 = arith.index_cast %add3A_482 : i32 to index
            %get3A_491 = arith.constant 16 : index
            %get3A_492 = tpu.vector_load %arg14[%get3A_490, %get3A_491] {strides = array<i32>} : memref<320x32xf32, #tpu.memory_space<vmem>>, vector<16xf32>,
            %get3A_493 = arith.index_cast %add3A_482 : i32 to index
            %get3A_494 = arith.constant 16 : index
            %get3A_495 = tpu.vector_load %arg17[%get3A_493, %get3A_494] {strides = array<i32>} : memref<320x32xf32, #tpu.memory_space<vmem>>, vector<16xf32>,
            %sub3A_496 = arith.subf %get3A_492, %get3A_495 : vector<16xf32>
            %mul3A_497 = arith.mulf %sub3A_489, %sub3A_489 : vector<16xf32>
            %mul3A_498 = arith.mulf %sub3A_496, %sub3A_496 : vector<16xf32>
            %add3A_499 = arith.addf %mul3A_497, %mul3A_498 : vector<16xf32>
            %broadcast_in_dim3A_500 = vector.shape_cast %xor3A_8 : vector<16xi32> to vector<16x1xi32>
            %gather3A = vector.shape_cast %broadcast_in_dim3A_500 : vector<16x1xi32> to vector<16xi32>
            %gather3A_501 = tpu.dynamic_gather %add3A_233[%gather3A] in [0] : vector<16xf32>, vector<16xi32> -> vector<16xf32>
            %select_n3A_502 = arith.select %lt3A_4, %add3A_214, %gather3A_501 : vector<16xi1>, vector<16xf32>
            %broadcast_in_dim3A_503 = vector.shape_cast %xor3A_8 : vector<16xi32> to vector<16x1xi32>
            %gather3A_504 = vector.shape_cast %broadcast_in_dim3A_503 : vector<16x1xi32> to vector<16xi32>
            %gather3A_505 = tpu.dynamic_gather %add3A_214[%gather3A_504] in [0] : vector<16xf32>, vector<16xi32> -> vector<16xf32>
            %select_n3A_506 = arith.select %lt3A_4, %gather3A_505, %add3A_233 : vector<16xi1>, vector<16xf32>
            %add3A_507 = arith.addf %select_n3A_502, %select_n3A_506 : vector<16xf32>
            %broadcast_in_dim3A_508 = vector.shape_cast %xor3A_8 : vector<16xi32> to vector<16x1xi32>
            %gather3A_509 = vector.shape_cast %broadcast_in_dim3A_508 : vector<16x1xi32> to vector<16xi32>
            %gather3A_510 = tpu.dynamic_gather %add3A_271[%gather3A_509] in [0] : vector<16xf32>, vector<16xi32> -> vector<16xf32>
            %select_n3A_511 = arith.select %lt3A_4, %add3A_252, %gather3A_510 : vector<16xi1>, vector<16xf32>
            %broadcast_in_dim3A_512 = vector.shape_cast %xor3A_8 : vector<16xi32> to vector<16x1xi32>
            %gather3A_513 = vector.shape_cast %broadcast_in_dim3A_512 : vector<16x1xi32> to vector<16xi32>
            %gather3A_514 = tpu.dynamic_gather %add3A_252[%gather3A_513] in [0] : vector<16xf32>, vector<16xi32> -> vector<16xf32>
            %select_n3A_515 = arith.select %lt3A_4, %gather3A_514, %add3A_271 : vector<16xi1>, vector<16xf32>
            %add3A_516 = arith.addf %select_n3A_511, %select_n3A_515 : vector<16xf32>
            %broadcast_in_dim3A_517 = vector.shape_cast %xor3A_8 : vector<16xi32> to vector<16x1xi32>
            %gather3A_518 = vector.shape_cast %broadcast_in_dim3A_517 : vector<16x1xi32> to vector<16xi32>
            %gather3A_519 = tpu.dynamic_gather %add3A_309[%gather3A_518] in [0] : vector<16xf32>, vector<16xi32> -> vector<16xf32>
            %select_n3A_520 = arith.select %lt3A_4, %add3A_290, %gather3A_519 : vector<16xi1>, vector<16xf32>
            %broadcast_in_dim3A_521 = vector.shape_cast %xor3A_8 : vector<16xi32> to vector<16x1xi32>
            %gather3A_522 = vector.shape_cast %broadcast_in_dim3A_521 : vector<16x1xi32> to vector<16xi32>
            %gather3A_523 = tpu.dynamic_gather %add3A_290[%gather3A_522] in [0] : vector<16xf32>, vector<16xi32> -> vector<16xf32>
            %select_n3A_524 = arith.select %lt3A_4, %gather3A_523, %add3A_309 : vector<16xi1>, vector<16xf32>
            %add3A_525 = arith.addf %select_n3A_520, %select_n3A_524 : vector<16xf32>
            %broadcast_in_dim3A_526 = vector.shape_cast %xor3A_8 : vector<16xi32> to vector<16x1xi32>
            %gather3A_527 = vector.shape_cast %broadcast_in_dim3A_526 : vector<16x1xi32> to vector<16xi32>
            %gather3A_528 = tpu.dynamic_gather %add3A_347[%gather3A_527] in [0] : vector<16xf32>, vector<16xi32> -> vector<16xf32>
            %select_n3A_529 = arith.select %lt3A_4, %add3A_328, %gather3A_528 : vector<16xi1>, vector<16xf32>
            %broadcast_in_dim3A_530 = vector.shape_cast %xor3A_8 : vector<16xi32> to vector<16x1xi32>
            %gather3A_531 = vector.shape_cast %broadcast_in_dim3A_530 : vector<16x1xi32> to vector<16xi32>
            %gather3A_532 = tpu.dynamic_gather %add3A_328[%gather3A_531] in [0] : vector<16xf32>, vector<16xi32> -> vector<16xf32>
            %select_n3A_533 = arith.select %lt3A_4, %gather3A_532, %add3A_347 : vector<16xi1>, vector<16xf32>
            %add3A_534 = arith.addf %select_n3A_529, %select_n3A_533 : vector<16xf32>
            %broadcast_in_dim3A_535 = vector.shape_cast %xor3A_8 : vector<16xi32> to vector<16x1xi32>
            %gather3A_536 = vector.shape_cast %broadcast_in_dim3A_535 : vector<16x1xi32> to vector<16xi32>
            %gather3A_537 = tpu.dynamic_gather %add3A_385[%gather3A_536] in [0] : vector<16xf32>, vector<16xi32> -> vector<16xf32>
            %select_n3A_538 = arith.select %lt3A_4, %add3A_366, %gather3A_537 : vector<16xi1>, vector<16xf32>
            %broadcast_in_dim3A_539 = vector.shape_cast %xor3A_8 : vector<16xi32> to vector<16x1xi32>
            %gather3A_540 = vector.shape_cast %broadcast_in_dim3A_539 : vector<16x1xi32> to vector<16xi32>
            %gather3A_541 = tpu.dynamic_gather %add3A_366[%gather3A_540] in [0] : vector<16xf32>, vector<16xi32> -> vector<16xf32>
            %select_n3A_542 = arith.select %lt3A_4, %gather3A_541, %add3A_385 : vector<16xi1>, vector<16xf32>
            %add3A_543 = arith.addf %select_n3A_538, %select_n3A_542 : vector<16xf32>
            %broadcast_in_dim3A_544 = vector.shape_cast %xor3A_8 : vector<16xi32> to vector<16x1xi32>
            %gather3A_545 = vector.shape_cast %broadcast_in_dim3A_544 : vector<16x1xi32> to vector<16xi32>
            %gather3A_546 = tpu.dynamic_gather %add3A_423[%gather3A_545] in [0] : vector<16xf32>, vector<16xi32> -> vector<16xf32>
            %select_n3A_547 = arith.select %lt3A_4, %add3A_404, %gather3A_546 : vector<16xi1>, vector<16xf32>
            %broadcast_in_dim3A_548 = vector.shape_cast %xor3A_8 : vector<16xi32> to vector<16x1xi32>
            %gather3A_549 = vector.shape_cast %broadcast_in_dim3A_548 : vector<16x1xi32> to vector<16xi32>
            %gather3A_550 = tpu.dynamic_gather %add3A_404[%gather3A_549] in [0] : vector<16xf32>, vector<16xi32> -> vector<16xf32>
            %select_n3A_551 = arith.select %lt3A_4, %gather3A_550, %add3A_423 : vector<16xi1>, vector<16xf32>
            %add3A_552 = arith.addf %select_n3A_547, %select_n3A_551 : vector<16xf32>
            %broadcast_in_dim3A_553 = vector.shape_cast %xor3A_8 : vector<16xi32> to vector<16x1xi32>
            %gather3A_554 = vector.shape_cast %broadcast_in_dim3A_553 : vector<16x1xi32> to vector<16xi32>
            %gather3A_555 = tpu.dynamic_gather %add3A_461[%gather3A_554] in [0] : vector<16xf32>, vector<16xi32> -> vector<16xf32>
            %select_n3A_556 = arith.select %lt3A_4, %add3A_442, %gather3A_555 : vector<16xi1>, vector<16xf32>
            %broadcast_in_dim3A_557 = vector.shape_cast %xor3A_8 : vector<16xi32> to vector<16x1xi32>
            %gather3A_558 = vector.shape_cast %broadcast_in_dim3A_557 : vector<16x1xi32> to vector<16xi32>
            %gather3A_559 = tpu.dynamic_gather %add3A_442[%gather3A_558] in [0] : vector<16xf32>, vector<16xi32> -> vector<16xf32>
            %select_n3A_560 = arith.select %lt3A_4, %gather3A_559, %add3A_461 : vector<16xi1>, vector<16xf32>
            %add3A_561 = arith.addf %select_n3A_556, %select_n3A_560 : vector<16xf32>
            %broadcast_in_dim3A_562 = vector.shape_cast %xor3A_8 : vector<16xi32> to vector<16x1xi32>
            %gather3A_563 = vector.shape_cast %broadcast_in_dim3A_562 : vector<16x1xi32> to vector<16xi32>
            %gather3A_564 = tpu.dynamic_gather %add3A_499[%gather3A_563] in [0] : vector<16xf32>, vector<16xi32> -> vector<16xf32>
            %select_n3A_565 = arith.select %lt3A_4, %add3A_480, %gather3A_564 : vector<16xi1>, vector<16xf32>
            %broadcast_in_dim3A_566 = vector.shape_cast %xor3A_8 : vector<16xi32> to vector<16x1xi32>
            %gather3A_567 = vector.shape_cast %broadcast_in_dim3A_566 : vector<16x1xi32> to vector<16xi32>
            %gather3A_568 = tpu.dynamic_gather %add3A_480[%gather3A_567] in [0] : vector<16xf32>, vector<16xi32> -> vector<16xf32>
            %select_n3A_569 = arith.select %lt3A_4, %gather3A_568, %add3A_499 : vector<16xi1>, vector<16xf32>
            %add3A_570 = arith.addf %select_n3A_565, %select_n3A_569 : vector<16xf32>
            %broadcast_in_dim3A_571 = vector.shape_cast %or3A : vector<16xi32> to vector<16x1xi32>
            %gather3A_572 = vector.shape_cast %broadcast_in_dim3A_571 : vector<16x1xi32> to vector<16xi32>
            %gather3A_573 = tpu.dynamic_gather %add3A_507[%gather3A_572] in [0] : vector<16xf32>, vector<16xi32> -> vector<16xf32>
            %broadcast_in_dim3A_574 = vector.shape_cast %or3A : vector<16xi32> to vector<16x1xi32>
            %gather3A_575 = vector.shape_cast %broadcast_in_dim3A_574 : vector<16x1xi32> to vector<16xi32>
            %gather3A_576 = tpu.dynamic_gather %add3A_516[%gather3A_575] in [0] : vector<16xf32>, vector<16xi32> -> vector<16xf32>
            %select_n3A_577 = arith.select %lt3A_4, %gather3A_573, %gather3A_576 : vector<16xi1>, vector<16xf32>
            %broadcast_in_dim3A_578 = vector.shape_cast %add3A_18 : vector<16xi32> to vector<16x1xi32>
            %gather3A_579 = vector.shape_cast %broadcast_in_dim3A_578 : vector<16x1xi32> to vector<16xi32>
            %gather3A_580 = tpu.dynamic_gather %add3A_507[%gather3A_579] in [0] : vector<16xf32>, vector<16xi32> -> vector<16xf32>
            %broadcast_in_dim3A_581 = vector.shape_cast %add3A_18 : vector<16xi32> to vector<16x1xi32>
            %gather3A_582 = vector.shape_cast %broadcast_in_dim3A_581 : vector<16x1xi32> to vector<16xi32>
            %gather3A_583 = tpu.dynamic_gather %add3A_516[%gather3A_582] in [0] : vector<16xf32>, vector<16xi32> -> vector<16xf32>
            %select_n3A_584 = arith.select %lt3A_4, %gather3A_580, %gather3A_583 : vector<16xi1>, vector<16xf32>
            %add3A_585 = arith.addf %select_n3A_577, %select_n3A_584 : vector<16xf32>
            %broadcast_in_dim3A_586 = vector.shape_cast %or3A : vector<16xi32> to vector<16x1xi32>
            %gather3A_587 = vector.shape_cast %broadcast_in_dim3A_586 : vector<16x1xi32> to vector<16xi32>
            %gather3A_588 = tpu.dynamic_gather %add3A_525[%gather3A_587] in [0] : vector<16xf32>, vector<16xi32> -> vector<16xf32>
            %broadcast_in_dim3A_589 = vector.shape_cast %or3A : vector<16xi32> to vector<16x1xi32>
            %gather3A_590 = vector.shape_cast %broadcast_in_dim3A_589 : vector<16x1xi32> to vector<16xi32>
            %gather3A_591 = tpu.dynamic_gather %add3A_534[%gather3A_590] in [0] : vector<16xf32>, vector<16xi32> -> vector<16xf32>
            %select_n3A_592 = arith.select %lt3A_4, %gather3A_588, %gather3A_591 : vector<16xi1>, vector<16xf32>
            %broadcast_in_dim3A_593 = vector.shape_cast %add3A_18 : vector<16xi32> to vector<16x1xi32>
            %gather3A_594 = vector.shape_cast %broadcast_in_dim3A_593 : vector<16x1xi32> to vector<16xi32>
            %gather3A_595 = tpu.dynamic_gather %add3A_525[%gather3A_594] in [0] : vector<16xf32>, vector<16xi32> -> vector<16xf32>
            %broadcast_in_dim3A_596 = vector.shape_cast %add3A_18 : vector<16xi32> to vector<16x1xi32>
            %gather3A_597 = vector.shape_cast %broadcast_in_dim3A_596 : vector<16x1xi32> to vector<16xi32>
            %gather3A_598 = tpu.dynamic_gather %add3A_534[%gather3A_597] in [0] : vector<16xf32>, vector<16xi32> -> vector<16xf32>
            %select_n3A_599 = arith.select %lt3A_4, %gather3A_595, %gather3A_598 : vector<16xi1>, vector<16xf32>
            %add3A_600 = arith.addf %select_n3A_592, %select_n3A_599 : vector<16xf32>
            %broadcast_in_dim3A_601 = vector.shape_cast %or3A : vector<16xi32> to vector<16x1xi32>
            %gather3A_602 = vector.shape_cast %broadcast_in_dim3A_601 : vector<16x1xi32> to vector<16xi32>
            %gather3A_603 = tpu.dynamic_gather %add3A_543[%gather3A_602] in [0] : vector<16xf32>, vector<16xi32> -> vector<16xf32>
            %broadcast_in_dim3A_604 = vector.shape_cast %or3A : vector<16xi32> to vector<16x1xi32>
            %gather3A_605 = vector.shape_cast %broadcast_in_dim3A_604 : vector<16x1xi32> to vector<16xi32>
            %gather3A_606 = tpu.dynamic_gather %add3A_552[%gather3A_605] in [0] : vector<16xf32>, vector<16xi32> -> vector<16xf32>
            %select_n3A_607 = arith.select %lt3A_4, %gather3A_603, %gather3A_606 : vector<16xi1>, vector<16xf32>
            %broadcast_in_dim3A_608 = vector.shape_cast %add3A_18 : vector<16xi32> to vector<16x1xi32>
            %gather3A_609 = vector.shape_cast %broadcast_in_dim3A_608 : vector<16x1xi32> to vector<16xi32>
            %gather3A_610 = tpu.dynamic_gather %add3A_543[%gather3A_609] in [0] : vector<16xf32>, vector<16xi32> -> vector<16xf32>
            %broadcast_in_dim3A_611 = vector.shape_cast %add3A_18 : vector<16xi32> to vector<16x1xi32>
            %gather3A_612 = vector.shape_cast %broadcast_in_dim3A_611 : vector<16x1xi32> to vector<16xi32>
            %gather3A_613 = tpu.dynamic_gather %add3A_552[%gather3A_612] in [0] : vector<16xf32>, vector<16xi32> -> vector<16xf32>
            %select_n3A_614 = arith.select %lt3A_4, %gather3A_610, %gather3A_613 : vector<16xi1>, vector<16xf32>
            %add3A_615 = arith.addf %select_n3A_607, %select_n3A_614 : vector<16xf32>
            %broadcast_in_dim3A_616 = vector.shape_cast %or3A : vector<16xi32> to vector<16x1xi32>
            %gather3A_617 = vector.shape_cast %broadcast_in_dim3A_616 : vector<16x1xi32> to vector<16xi32>
            %gather3A_618 = tpu.dynamic_gather %add3A_561[%gather3A_617] in [0] : vector<16xf32>, vector<16xi32> -> vector<16xf32>
            %broadcast_in_dim3A_619 = vector.shape_cast %or3A : vector<16xi32> to vector<16x1xi32>
            %gather3A_620 = vector.shape_cast %broadcast_in_dim3A_619 : vector<16x1xi32> to vector<16xi32>
            %gather3A_621 = tpu.dynamic_gather %add3A_570[%gather3A_620] in [0] : vector<16xf32>, vector<16xi32> -> vector<16xf32>
            %select_n3A_622 = arith.select %lt3A_4, %gather3A_618, %gather3A_621 : vector<16xi1>, vector<16xf32>
            %broadcast_in_dim3A_623 = vector.shape_cast %add3A_18 : vector<16xi32> to vector<16x1xi32>
            %gather3A_624 = vector.shape_cast %broadcast_in_dim3A_623 : vector<16x1xi32> to vector<16xi32>
            %gather3A_625 = tpu.dynamic_gather %add3A_561[%gather3A_624] in [0] : vector<16xf32>, vector<16xi32> -> vector<16xf32>
            %broadcast_in_dim3A_626 = vector.shape_cast %add3A_18 : vector<16xi32> to vector<16x1xi32>
            %gather3A_627 = vector.shape_cast %broadcast_in_dim3A_626 : vector<16x1xi32> to vector<16xi32>
            %gather3A_628 = tpu.dynamic_gather %add3A_570[%gather3A_627] in [0] : vector<16xf32>, vector<16xi32> -> vector<16xf32>
            %select_n3A_629 = arith.select %lt3A_4, %gather3A_625, %gather3A_628 : vector<16xi1>, vector<16xf32>
            %add3A_630 = arith.addf %select_n3A_622, %select_n3A_629 : vector<16xf32>
            %broadcast_in_dim3A_631 = vector.shape_cast %or3A_28 : vector<16xi32> to vector<16x1xi32>
            %gather3A_632 = vector.shape_cast %broadcast_in_dim3A_631 : vector<16x1xi32> to vector<16xi32>
            %gather3A_633 = tpu.dynamic_gather %add3A_585[%gather3A_632] in [0] : vector<16xf32>, vector<16xi32> -> vector<16xf32>
            %broadcast_in_dim3A_634 = vector.shape_cast %or3A_28 : vector<16xi32> to vector<16x1xi32>
            %gather3A_635 = vector.shape_cast %broadcast_in_dim3A_634 : vector<16x1xi32> to vector<16xi32>
            %gather3A_636 = tpu.dynamic_gather %add3A_600[%gather3A_635] in [0] : vector<16xf32>, vector<16xi32> -> vector<16xf32>
            %select_n3A_637 = arith.select %lt3A_4, %gather3A_633, %gather3A_636 : vector<16xi1>, vector<16xf32>
            %broadcast_in_dim3A_638 = vector.shape_cast %add3A_31 : vector<16xi32> to vector<16x1xi32>
            %gather3A_639 = vector.shape_cast %broadcast_in_dim3A_638 : vector<16x1xi32> to vector<16xi32>
            %gather3A_640 = tpu.dynamic_gather %add3A_585[%gather3A_639] in [0] : vector<16xf32>, vector<16xi32> -> vector<16xf32>
            %broadcast_in_dim3A_641 = vector.shape_cast %add3A_31 : vector<16xi32> to vector<16x1xi32>
            %gather3A_642 = vector.shape_cast %broadcast_in_dim3A_641 : vector<16x1xi32> to vector<16xi32>
            %gather3A_643 = tpu.dynamic_gather %add3A_600[%gather3A_642] in [0] : vector<16xf32>, vector<16xi32> -> vector<16xf32>
            %select_n3A_644 = arith.select %lt3A_4, %gather3A_640, %gather3A_643 : vector<16xi1>, vector<16xf32>
            %add3A_645 = arith.addf %select_n3A_637, %select_n3A_644 : vector<16xf32>
            %broadcast_in_dim3A_646 = vector.shape_cast %or3A_28 : vector<16xi32> to vector<16x1xi32>
            %gather3A_647 = vector.shape_cast %broadcast_in_dim3A_646 : vector<16x1xi32> to vector<16xi32>
            %gather3A_648 = tpu.dynamic_gather %add3A_615[%gather3A_647] in [0] : vector<16xf32>, vector<16xi32> -> vector<16xf32>
            %broadcast_in_dim3A_649 = vector.shape_cast %or3A_28 : vector<16xi32> to vector<16x1xi32>
            %gather3A_650 = vector.shape_cast %broadcast_in_dim3A_649 : vector<16x1xi32> to vector<16xi32>
            %gather3A_651 = tpu.dynamic_gather %add3A_630[%gather3A_650] in [0] : vector<16xf32>, vector<16xi32> -> vector<16xf32>
            %select_n3A_652 = arith.select %lt3A_4, %gather3A_648, %gather3A_651 : vector<16xi1>, vector<16xf32>
            %broadcast_in_dim3A_653 = vector.shape_cast %add3A_31 : vector<16xi32> to vector<16x1xi32>
            %gather3A_654 = vector.shape_cast %broadcast_in_dim3A_653 : vector<16x1xi32> to vector<16xi32>
            %gather3A_655 = tpu.dynamic_gather %add3A_615[%gather3A_654] in [0] : vector<16xf32>, vector<16xi32> -> vector<16xf32>
            %broadcast_in_dim3A_656 = vector.shape_cast %add3A_31 : vector<16xi32> to vector<16x1xi32>
            %gather3A_657 = vector.shape_cast %broadcast_in_dim3A_656 : vector<16x1xi32> to vector<16xi32>
            %gather3A_658 = tpu.dynamic_gather %add3A_630[%gather3A_657] in [0] : vector<16xf32>, vector<16xi32> -> vector<16xf32>
            %select_n3A_659 = arith.select %lt3A_4, %gather3A_655, %gather3A_658 : vector<16xi1>, vector<16xf32>
            %add3A_660 = arith.addf %select_n3A_652, %select_n3A_659 : vector<16xf32>
            %broadcast_in_dim3A_661 = vector.shape_cast %shift_left3A_34 : vector<16xi32> to vector<16x1xi32>
            %gather3A_662 = vector.shape_cast %broadcast_in_dim3A_661 : vector<16x1xi32> to vector<16xi32>
            %gather3A_663 = tpu.dynamic_gather %add3A_645[%gather3A_662] in [0] : vector<16xf32>, vector<16xi32> -> vector<16xf32>
            %broadcast_in_dim3A_664 = vector.shape_cast %shift_left3A_34 : vector<16xi32> to vector<16x1xi32>
            %gather3A_665 = vector.shape_cast %broadcast_in_dim3A_664 : vector<16x1xi32> to vector<16xi32>
            %gather3A_666 = tpu.dynamic_gather %add3A_660[%gather3A_665] in [0] : vector<16xf32>, vector<16xi32> -> vector<16xf32>
            %select_n3A_667 = arith.select %lt3A_4, %gather3A_663, %gather3A_666 : vector<16xi1>, vector<16xf32>
            %broadcast_in_dim3A_668 = vector.shape_cast %add3A_37 : vector<16xi32> to vector<16x1xi32>
            %gather3A_669 = vector.shape_cast %broadcast_in_dim3A_668 : vector<16x1xi32> to vector<16xi32>
            %gather3A_670 = tpu.dynamic_gather %add3A_645[%gather3A_669] in [0] : vector<16xf32>, vector<16xi32> -> vector<16xf32>
            %broadcast_in_dim3A_671 = vector.shape_cast %add3A_37 : vector<16xi32> to vector<16x1xi32>
            %gather3A_672 = vector.shape_cast %broadcast_in_dim3A_671 : vector<16x1xi32> to vector<16xi32>
            %gather3A_673 = tpu.dynamic_gather %add3A_660[%gather3A_672] in [0] : vector<16xf32>, vector<16xi32> -> vector<16xf32>
            %select_n3A_674 = arith.select %lt3A_4, %gather3A_670, %gather3A_673 : vector<16xi1>, vector<16xf32>
            %add3A_675 = arith.addf %select_n3A_667, %select_n3A_674 : vector<16xf32>
            %max3A = arith.constant 1.000000e-30 : f32
            %max3A_676 = vector.broadcast %max3A : f32 to vector<16xf32>
            %max3A_677 = arith.maximumf %add3A_675, %max3A_676 : vector<16xf32>
            %bitcast3A = vector.bitcast %max3A_677 : vector<16xf32> to vector<16xi32>
            %shift_right_logical3A = arith.constant 1 : i32
            %shift_right_logical3A_678 = vector.broadcast %shift_right_logical3A : i32 to vector<16xi32>
            %shift_right_logical3A_679 = arith.shrui %bitcast3A, %shift_right_logical3A_678 : vector<16xi32>
            %sub3A_680 = arith.constant 1597463007 : i32
            %sub3A_681 = vector.broadcast %sub3A_680 : i32 to vector<16xi32>
            %sub3A_682 = arith.subi %sub3A_681, %shift_right_logical3A_679 : vector<16xi32>
            %bitcast3A_683 = vector.bitcast %sub3A_682 : vector<16xi32> to vector<16xf32>
            %mul3A_684 = arith.constant 5.000000e-01 : f32
            %mul3A_685 = vector.broadcast %mul3A_684 : f32 to vector<16xf32>
            %mul3A_686 = arith.mulf %mul3A_685, %max3A_677 : vector<16xf32>
            %mul3A_687 = arith.mulf %mul3A_686, %bitcast3A_683 : vector<16xf32>
            %mul3A_688 = arith.mulf %mul3A_687, %bitcast3A_683 : vector<16xf32>
            %sub3A_689 = arith.constant 1.500000e+00 : f32
            %sub3A_690 = vector.broadcast %sub3A_689 : f32 to vector<16xf32>
            %sub3A_691 = arith.subf %sub3A_690, %mul3A_688 : vector<16xf32>
            %mul3A_692 = arith.mulf %bitcast3A_683, %sub3A_691 : vector<16xf32>
            %mul3A_693 = arith.mulf %max3A_677, %mul3A_692 : vector<16xf32>
            %add3A_694 = arith.constant 1 : i32
            %add3A_695 = arith.addi %add3A_195, %add3A_694 : i32
            %mul3A_696 = arith.constant 16 : i32
            %mul3A_697 = arith.muli %add3A_695, %mul3A_696 : i32
            %add3A_698 = arith.constant 0 : i32
            %add3A_699 = arith.addi %mul3A_697, %add3A_698 : i32
            %get3A_700 = arith.index_cast %add3A_699 : i32 to index
            %get3A_701 = arith.constant 0 : index
            %get3A_702 = tpu.vector_load %arg14[%get3A_700, %get3A_701] {strides = array<i32>} : memref<320x32xf32, #tpu.memory_space<vmem>>, vector<16xf32>,
            %get3A_703 = arith.index_cast %add3A_699 : i32 to index
            %get3A_704 = arith.constant 0 : index
            %get3A_705 = tpu.vector_load %arg17[%get3A_703, %get3A_704] {strides = array<i32>} : memref<320x32xf32, #tpu.memory_space<vmem>>, vector<16xf32>,
            %sub3A_706 = arith.subf %get3A_702, %get3A_705 : vector<16xf32>
            %get3A_707 = arith.index_cast %add3A_699 : i32 to index
            %get3A_708 = arith.constant 16 : index
            %get3A_709 = tpu.vector_load %arg14[%get3A_707, %get3A_708] {strides = array<i32>} : memref<320x32xf32, #tpu.memory_space<vmem>>, vector<16xf32>,
            %get3A_710 = arith.index_cast %add3A_699 : i32 to index
            %get3A_711 = arith.constant 16 : index
            %get3A_712 = tpu.vector_load %arg17[%get3A_710, %get3A_711] {strides = array<i32>} : memref<320x32xf32, #tpu.memory_space<vmem>>, vector<16xf32>,
            %sub3A_713 = arith.subf %get3A_709, %get3A_712 : vector<16xf32>
            %mul3A_714 = arith.mulf %sub3A_706, %sub3A_706 : vector<16xf32>
            %mul3A_715 = arith.mulf %sub3A_713, %sub3A_713 : vector<16xf32>
            %add3A_716 = arith.addf %mul3A_714, %mul3A_715 : vector<16xf32>
            %add3A_717 = arith.constant 1 : i32
            %add3A_718 = arith.addi %mul3A_697, %add3A_717 : i32
            %get3A_719 = arith.index_cast %add3A_718 : i32 to index
            %get3A_720 = arith.constant 0 : index
            %get3A_721 = tpu.vector_load %arg14[%get3A_719, %get3A_720] {strides = array<i32>} : memref<320x32xf32, #tpu.memory_space<vmem>>, vector<16xf32>,
            %get3A_722 = arith.index_cast %add3A_718 : i32 to index
            %get3A_723 = arith.constant 0 : index
            %get3A_724 = tpu.vector_load %arg17[%get3A_722, %get3A_723] {strides = array<i32>} : memref<320x32xf32, #tpu.memory_space<vmem>>, vector<16xf32>,
            %sub3A_725 = arith.subf %get3A_721, %get3A_724 : vector<16xf32>
            %get3A_726 = arith.index_cast %add3A_718 : i32 to index
            %get3A_727 = arith.constant 16 : index
            %get3A_728 = tpu.vector_load %arg14[%get3A_726, %get3A_727] {strides = array<i32>} : memref<320x32xf32, #tpu.memory_space<vmem>>, vector<16xf32>,
            %get3A_729 = arith.index_cast %add3A_718 : i32 to index
            %get3A_730 = arith.constant 16 : index
            %get3A_731 = tpu.vector_load %arg17[%get3A_729, %get3A_730] {strides = array<i32>} : memref<320x32xf32, #tpu.memory_space<vmem>>, vector<16xf32>,
            %sub3A_732 = arith.subf %get3A_728, %get3A_731 : vector<16xf32>
            %mul3A_733 = arith.mulf %sub3A_725, %sub3A_725 : vector<16xf32>
            %mul3A_734 = arith.mulf %sub3A_732, %sub3A_732 : vector<16xf32>
            %add3A_735 = arith.addf %mul3A_733, %mul3A_734 : vector<16xf32>
            %add3A_736 = arith.constant 2 : i32
            %add3A_737 = arith.addi %mul3A_697, %add3A_736 : i32
            %get3A_738 = arith.index_cast %add3A_737 : i32 to index
            %get3A_739 = arith.constant 0 : index
            %get3A_740 = tpu.vector_load %arg14[%get3A_738, %get3A_739] {strides = array<i32>} : memref<320x32xf32, #tpu.memory_space<vmem>>, vector<16xf32>,
            %get3A_741 = arith.index_cast %add3A_737 : i32 to index
            %get3A_742 = arith.constant 0 : index
            %get3A_743 = tpu.vector_load %arg17[%get3A_741, %get3A_742] {strides = array<i32>} : memref<320x32xf32, #tpu.memory_space<vmem>>, vector<16xf32>,
            %sub3A_744 = arith.subf %get3A_740, %get3A_743 : vector<16xf32>
            %get3A_745 = arith.index_cast %add3A_737 : i32 to index
            %get3A_746 = arith.constant 16 : index
            %get3A_747 = tpu.vector_load %arg14[%get3A_745, %get3A_746] {strides = array<i32>} : memref<320x32xf32, #tpu.memory_space<vmem>>, vector<16xf32>,
            %get3A_748 = arith.index_cast %add3A_737 : i32 to index
            %get3A_749 = arith.constant 16 : index
            %get3A_750 = tpu.vector_load %arg17[%get3A_748, %get3A_749] {strides = array<i32>} : memref<320x32xf32, #tpu.memory_space<vmem>>, vector<16xf32>,
            %sub3A_751 = arith.subf %get3A_747, %get3A_750 : vector<16xf32>
            %mul3A_752 = arith.mulf %sub3A_744, %sub3A_744 : vector<16xf32>
            %mul3A_753 = arith.mulf %sub3A_751, %sub3A_751 : vector<16xf32>
            %add3A_754 = arith.addf %mul3A_752, %mul3A_753 : vector<16xf32>
            %add3A_755 = arith.constant 3 : i32
            %add3A_756 = arith.addi %mul3A_697, %add3A_755 : i32
            %get3A_757 = arith.index_cast %add3A_756 : i32 to index
            %get3A_758 = arith.constant 0 : index
            %get3A_759 = tpu.vector_load %arg14[%get3A_757, %get3A_758] {strides = array<i32>} : memref<320x32xf32, #tpu.memory_space<vmem>>, vector<16xf32>,
            %get3A_760 = arith.index_cast %add3A_756 : i32 to index
            %get3A_761 = arith.constant 0 : index
            %get3A_762 = tpu.vector_load %arg17[%get3A_760, %get3A_761] {strides = array<i32>} : memref<320x32xf32, #tpu.memory_space<vmem>>, vector<16xf32>,
            %sub3A_763 = arith.subf %get3A_759, %get3A_762 : vector<16xf32>
            %get3A_764 = arith.index_cast %add3A_756 : i32 to index
            %get3A_765 = arith.constant 16 : index
            %get3A_766 = tpu.vector_load %arg14[%get3A_764, %get3A_765] {strides = array<i32>} : memref<320x32xf32, #tpu.memory_space<vmem>>, vector<16xf32>,
            %get3A_767 = arith.index_cast %add3A_756 : i32 to index
            %get3A_768 = arith.constant 16 : index
            %get3A_769 = tpu.vector_load %arg17[%get3A_767, %get3A_768] {strides = array<i32>} : memref<320x32xf32, #tpu.memory_space<vmem>>, vector<16xf32>,
            %sub3A_770 = arith.subf %get3A_766, %get3A_769 : vector<16xf32>
            %mul3A_771 = arith.mulf %sub3A_763, %sub3A_763 : vector<16xf32>
            %mul3A_772 = arith.mulf %sub3A_770, %sub3A_770 : vector<16xf32>
            %add3A_773 = arith.addf %mul3A_771, %mul3A_772 : vector<16xf32>
            %add3A_774 = arith.constant 4 : i32
            %add3A_775 = arith.addi %mul3A_697, %add3A_774 : i32
            %get3A_776 = arith.index_cast %add3A_775 : i32 to index
            %get3A_777 = arith.constant 0 : index
            %get3A_778 = tpu.vector_load %arg14[%get3A_776, %get3A_777] {strides = array<i32>} : memref<320x32xf32, #tpu.memory_space<vmem>>, vector<16xf32>,
            %get3A_779 = arith.index_cast %add3A_775 : i32 to index
            %get3A_780 = arith.constant 0 : index
            %get3A_781 = tpu.vector_load %arg17[%get3A_779, %get3A_780] {strides = array<i32>} : memref<320x32xf32, #tpu.memory_space<vmem>>, vector<16xf32>,
            %sub3A_782 = arith.subf %get3A_778, %get3A_781 : vector<16xf32>
            %get3A_783 = arith.index_cast %add3A_775 : i32 to index
            %get3A_784 = arith.constant 16 : index
            %get3A_785 = tpu.vector_load %arg14[%get3A_783, %get3A_784] {strides = array<i32>} : memref<320x32xf32, #tpu.memory_space<vmem>>, vector<16xf32>,
            %get3A_786 = arith.index_cast %add3A_775 : i32 to index
            %get3A_787 = arith.constant 16 : index
            %get3A_788 = tpu.vector_load %arg17[%get3A_786, %get3A_787] {strides = array<i32>} : memref<320x32xf32, #tpu.memory_space<vmem>>, vector<16xf32>,
            %sub3A_789 = arith.subf %get3A_785, %get3A_788 : vector<16xf32>
            %mul3A_790 = arith.mulf %sub3A_782, %sub3A_782 : vector<16xf32>
            %mul3A_791 = arith.mulf %sub3A_789, %sub3A_789 : vector<16xf32>
            %add3A_792 = arith.addf %mul3A_790, %mul3A_791 : vector<16xf32>
            %add3A_793 = arith.constant 5 : i32
            %add3A_794 = arith.addi %mul3A_697, %add3A_793 : i32
            %get3A_795 = arith.index_cast %add3A_794 : i32 to index
            %get3A_796 = arith.constant 0 : index
            %get3A_797 = tpu.vector_load %arg14[%get3A_795, %get3A_796] {strides = array<i32>} : memref<320x32xf32, #tpu.memory_space<vmem>>, vector<16xf32>,
            %get3A_798 = arith.index_cast %add3A_794 : i32 to index
            %get3A_799 = arith.constant 0 : index
            %get3A_800 = tpu.vector_load %arg17[%get3A_798, %get3A_799] {strides = array<i32>} : memref<320x32xf32, #tpu.memory_space<vmem>>, vector<16xf32>,
            %sub3A_801 = arith.subf %get3A_797, %get3A_800 : vector<16xf32>
            %get3A_802 = arith.index_cast %add3A_794 : i32 to index
            %get3A_803 = arith.constant 16 : index
            %get3A_804 = tpu.vector_load %arg14[%get3A_802, %get3A_803] {strides = array<i32>} : memref<320x32xf32, #tpu.memory_space<vmem>>, vector<16xf32>,
            %get3A_805 = arith.index_cast %add3A_794 : i32 to index
            %get3A_806 = arith.constant 16 : index
            %get3A_807 = tpu.vector_load %arg17[%get3A_805, %get3A_806] {strides = array<i32>} : memref<320x32xf32, #tpu.memory_space<vmem>>, vector<16xf32>,
            %sub3A_808 = arith.subf %get3A_804, %get3A_807 : vector<16xf32>
            %mul3A_809 = arith.mulf %sub3A_801, %sub3A_801 : vector<16xf32>
            %mul3A_810 = arith.mulf %sub3A_808, %sub3A_808 : vector<16xf32>
            %add3A_811 = arith.addf %mul3A_809, %mul3A_810 : vector<16xf32>
            %add3A_812 = arith.constant 6 : i32
            %add3A_813 = arith.addi %mul3A_697, %add3A_812 : i32
            %get3A_814 = arith.index_cast %add3A_813 : i32 to index
            %get3A_815 = arith.constant 0 : index
            %get3A_816 = tpu.vector_load %arg14[%get3A_814, %get3A_815] {strides = array<i32>} : memref<320x32xf32, #tpu.memory_space<vmem>>, vector<16xf32>,
            %get3A_817 = arith.index_cast %add3A_813 : i32 to index
            %get3A_818 = arith.constant 0 : index
            %get3A_819 = tpu.vector_load %arg17[%get3A_817, %get3A_818] {strides = array<i32>} : memref<320x32xf32, #tpu.memory_space<vmem>>, vector<16xf32>,
            %sub3A_820 = arith.subf %get3A_816, %get3A_819 : vector<16xf32>
            %get3A_821 = arith.index_cast %add3A_813 : i32 to index
            %get3A_822 = arith.constant 16 : index
            %get3A_823 = tpu.vector_load %arg14[%get3A_821, %get3A_822] {strides = array<i32>} : memref<320x32xf32, #tpu.memory_space<vmem>>, vector<16xf32>,
            %get3A_824 = arith.index_cast %add3A_813 : i32 to index
            %get3A_825 = arith.constant 16 : index
            %get3A_826 = tpu.vector_load %arg17[%get3A_824, %get3A_825] {strides = array<i32>} : memref<320x32xf32, #tpu.memory_space<vmem>>, vector<16xf32>,
            %sub3A_827 = arith.subf %get3A_823, %get3A_826 : vector<16xf32>
            %mul3A_828 = arith.mulf %sub3A_820, %sub3A_820 : vector<16xf32>
            %mul3A_829 = arith.mulf %sub3A_827, %sub3A_827 : vector<16xf32>
            %add3A_830 = arith.addf %mul3A_828, %mul3A_829 : vector<16xf32>
            %add3A_831 = arith.constant 7 : i32
            %add3A_832 = arith.addi %mul3A_697, %add3A_831 : i32
            %get3A_833 = arith.index_cast %add3A_832 : i32 to index
            %get3A_834 = arith.constant 0 : index
            %get3A_835 = tpu.vector_load %arg14[%get3A_833, %get3A_834] {strides = array<i32>} : memref<320x32xf32, #tpu.memory_space<vmem>>, vector<16xf32>,
            %get3A_836 = arith.index_cast %add3A_832 : i32 to index
            %get3A_837 = arith.constant 0 : index
            %get3A_838 = tpu.vector_load %arg17[%get3A_836, %get3A_837] {strides = array<i32>} : memref<320x32xf32, #tpu.memory_space<vmem>>, vector<16xf32>,
            %sub3A_839 = arith.subf %get3A_835, %get3A_838 : vector<16xf32>
            %get3A_840 = arith.index_cast %add3A_832 : i32 to index
            %get3A_841 = arith.constant 16 : index
            %get3A_842 = tpu.vector_load %arg14[%get3A_840, %get3A_841] {strides = array<i32>} : memref<320x32xf32, #tpu.memory_space<vmem>>, vector<16xf32>,
            %get3A_843 = arith.index_cast %add3A_832 : i32 to index
            %get3A_844 = arith.constant 16 : index
            %get3A_845 = tpu.vector_load %arg17[%get3A_843, %get3A_844] {strides = array<i32>} : memref<320x32xf32, #tpu.memory_space<vmem>>, vector<16xf32>,
            %sub3A_846 = arith.subf %get3A_842, %get3A_845 : vector<16xf32>
            %mul3A_847 = arith.mulf %sub3A_839, %sub3A_839 : vector<16xf32>
            %mul3A_848 = arith.mulf %sub3A_846, %sub3A_846 : vector<16xf32>
            %add3A_849 = arith.addf %mul3A_847, %mul3A_848 : vector<16xf32>
            %add3A_850 = arith.constant 8 : i32
            %add3A_851 = arith.addi %mul3A_697, %add3A_850 : i32
            %get3A_852 = arith.index_cast %add3A_851 : i32 to index
            %get3A_853 = arith.constant 0 : index
            %get3A_854 = tpu.vector_load %arg14[%get3A_852, %get3A_853] {strides = array<i32>} : memref<320x32xf32, #tpu.memory_space<vmem>>, vector<16xf32>,
            %get3A_855 = arith.index_cast %add3A_851 : i32 to index
            %get3A_856 = arith.constant 0 : index
            %get3A_857 = tpu.vector_load %arg17[%get3A_855, %get3A_856] {strides = array<i32>} : memref<320x32xf32, #tpu.memory_space<vmem>>, vector<16xf32>,
            %sub3A_858 = arith.subf %get3A_854, %get3A_857 : vector<16xf32>
            %get3A_859 = arith.index_cast %add3A_851 : i32 to index
            %get3A_860 = arith.constant 16 : index
            %get3A_861 = tpu.vector_load %arg14[%get3A_859, %get3A_860] {strides = array<i32>} : memref<320x32xf32, #tpu.memory_space<vmem>>, vector<16xf32>,
            %get3A_862 = arith.index_cast %add3A_851 : i32 to index
            %get3A_863 = arith.constant 16 : index
            %get3A_864 = tpu.vector_load %arg17[%get3A_862, %get3A_863] {strides = array<i32>} : memref<320x32xf32, #tpu.memory_space<vmem>>, vector<16xf32>,
            %sub3A_865 = arith.subf %get3A_861, %get3A_864 : vector<16xf32>
            %mul3A_866 = arith.mulf %sub3A_858, %sub3A_858 : vector<16xf32>
            %mul3A_867 = arith.mulf %sub3A_865, %sub3A_865 : vector<16xf32>
            %add3A_868 = arith.addf %mul3A_866, %mul3A_867 : vector<16xf32>
            %add3A_869 = arith.constant 9 : i32
            %add3A_870 = arith.addi %mul3A_697, %add3A_869 : i32
            %get3A_871 = arith.index_cast %add3A_870 : i32 to index
            %get3A_872 = arith.constant 0 : index
            %get3A_873 = tpu.vector_load %arg14[%get3A_871, %get3A_872] {strides = array<i32>} : memref<320x32xf32, #tpu.memory_space<vmem>>, vector<16xf32>,
            %get3A_874 = arith.index_cast %add3A_870 : i32 to index
            %get3A_875 = arith.constant 0 : index
            %get3A_876 = tpu.vector_load %arg17[%get3A_874, %get3A_875] {strides = array<i32>} : memref<320x32xf32, #tpu.memory_space<vmem>>, vector<16xf32>,
            %sub3A_877 = arith.subf %get3A_873, %get3A_876 : vector<16xf32>
            %get3A_878 = arith.index_cast %add3A_870 : i32 to index
            %get3A_879 = arith.constant 16 : index
            %get3A_880 = tpu.vector_load %arg14[%get3A_878, %get3A_879] {strides = array<i32>} : memref<320x32xf32, #tpu.memory_space<vmem>>, vector<16xf32>,
            %get3A_881 = arith.index_cast %add3A_870 : i32 to index
            %get3A_882 = arith.constant 16 : index
            %get3A_883 = tpu.vector_load %arg17[%get3A_881, %get3A_882] {strides = array<i32>} : memref<320x32xf32, #tpu.memory_space<vmem>>, vector<16xf32>,
            %sub3A_884 = arith.subf %get3A_880, %get3A_883 : vector<16xf32>
            %mul3A_885 = arith.mulf %sub3A_877, %sub3A_877 : vector<16xf32>
            %mul3A_886 = arith.mulf %sub3A_884, %sub3A_884 : vector<16xf32>
            %add3A_887 = arith.addf %mul3A_885, %mul3A_886 : vector<16xf32>
            %add3A_888 = arith.constant 10 : i32
            %add3A_889 = arith.addi %mul3A_697, %add3A_888 : i32
            %get3A_890 = arith.index_cast %add3A_889 : i32 to index
            %get3A_891 = arith.constant 0 : index
            %get3A_892 = tpu.vector_load %arg14[%get3A_890, %get3A_891] {strides = array<i32>} : memref<320x32xf32, #tpu.memory_space<vmem>>, vector<16xf32>,
            %get3A_893 = arith.index_cast %add3A_889 : i32 to index
            %get3A_894 = arith.constant 0 : index
            %get3A_895 = tpu.vector_load %arg17[%get3A_893, %get3A_894] {strides = array<i32>} : memref<320x32xf32, #tpu.memory_space<vmem>>, vector<16xf32>,
            %sub3A_896 = arith.subf %get3A_892, %get3A_895 : vector<16xf32>
            %get3A_897 = arith.index_cast %add3A_889 : i32 to index
            %get3A_898 = arith.constant 16 : index
            %get3A_899 = tpu.vector_load %arg14[%get3A_897, %get3A_898] {strides = array<i32>} : memref<320x32xf32, #tpu.memory_space<vmem>>, vector<16xf32>,
            %get3A_900 = arith.index_cast %add3A_889 : i32 to index
            %get3A_901 = arith.constant 16 : index
            %get3A_902 = tpu.vector_load %arg17[%get3A_900, %get3A_901] {strides = array<i32>} : memref<320x32xf32, #tpu.memory_space<vmem>>, vector<16xf32>,
            %sub3A_903 = arith.subf %get3A_899, %get3A_902 : vector<16xf32>
            %mul3A_904 = arith.mulf %sub3A_896, %sub3A_896 : vector<16xf32>
            %mul3A_905 = arith.mulf %sub3A_903, %sub3A_903 : vector<16xf32>
            %add3A_906 = arith.addf %mul3A_904, %mul3A_905 : vector<16xf32>
            %add3A_907 = arith.constant 11 : i32
            %add3A_908 = arith.addi %mul3A_697, %add3A_907 : i32
            %get3A_909 = arith.index_cast %add3A_908 : i32 to index
            %get3A_910 = arith.constant 0 : index
            %get3A_911 = tpu.vector_load %arg14[%get3A_909, %get3A_910] {strides = array<i32>} : memref<320x32xf32, #tpu.memory_space<vmem>>, vector<16xf32>,
            %get3A_912 = arith.index_cast %add3A_908 : i32 to index
            %get3A_913 = arith.constant 0 : index
            %get3A_914 = tpu.vector_load %arg17[%get3A_912, %get3A_913] {strides = array<i32>} : memref<320x32xf32, #tpu.memory_space<vmem>>, vector<16xf32>,
            %sub3A_915 = arith.subf %get3A_911, %get3A_914 : vector<16xf32>
            %get3A_916 = arith.index_cast %add3A_908 : i32 to index
            %get3A_917 = arith.constant 16 : index
            %get3A_918 = tpu.vector_load %arg14[%get3A_916, %get3A_917] {strides = array<i32>} : memref<320x32xf32, #tpu.memory_space<vmem>>, vector<16xf32>,
            %get3A_919 = arith.index_cast %add3A_908 : i32 to index
            %get3A_920 = arith.constant 16 : index
            %get3A_921 = tpu.vector_load %arg17[%get3A_919, %get3A_920] {strides = array<i32>} : memref<320x32xf32, #tpu.memory_space<vmem>>, vector<16xf32>,
            %sub3A_922 = arith.subf %get3A_918, %get3A_921 : vector<16xf32>
            %mul3A_923 = arith.mulf %sub3A_915, %sub3A_915 : vector<16xf32>
            %mul3A_924 = arith.mulf %sub3A_922, %sub3A_922 : vector<16xf32>
            %add3A_925 = arith.addf %mul3A_923, %mul3A_924 : vector<16xf32>
            %add3A_926 = arith.constant 12 : i32
            %add3A_927 = arith.addi %mul3A_697, %add3A_926 : i32
            %get3A_928 = arith.index_cast %add3A_927 : i32 to index
            %get3A_929 = arith.constant 0 : index
            %get3A_930 = tpu.vector_load %arg14[%get3A_928, %get3A_929] {strides = array<i32>} : memref<320x32xf32, #tpu.memory_space<vmem>>, vector<16xf32>,
            %get3A_931 = arith.index_cast %add3A_927 : i32 to index
            %get3A_932 = arith.constant 0 : index
            %get3A_933 = tpu.vector_load %arg17[%get3A_931, %get3A_932] {strides = array<i32>} : memref<320x32xf32, #tpu.memory_space<vmem>>, vector<16xf32>,
            %sub3A_934 = arith.subf %get3A_930, %get3A_933 : vector<16xf32>
            %get3A_935 = arith.index_cast %add3A_927 : i32 to index
            %get3A_936 = arith.constant 16 : index
            %get3A_937 = tpu.vector_load %arg14[%get3A_935, %get3A_936] {strides = array<i32>} : memref<320x32xf32, #tpu.memory_space<vmem>>, vector<16xf32>,
            %get3A_938 = arith.index_cast %add3A_927 : i32 to index
            %get3A_939 = arith.constant 16 : index
            %get3A_940 = tpu.vector_load %arg17[%get3A_938, %get3A_939] {strides = array<i32>} : memref<320x32xf32, #tpu.memory_space<vmem>>, vector<16xf32>,
            %sub3A_941 = arith.subf %get3A_937, %get3A_940 : vector<16xf32>
            %mul3A_942 = arith.mulf %sub3A_934, %sub3A_934 : vector<16xf32>
            %mul3A_943 = arith.mulf %sub3A_941, %sub3A_941 : vector<16xf32>
            %add3A_944 = arith.addf %mul3A_942, %mul3A_943 : vector<16xf32>
            %add3A_945 = arith.constant 13 : i32
            %add3A_946 = arith.addi %mul3A_697, %add3A_945 : i32
            %get3A_947 = arith.index_cast %add3A_946 : i32 to index
            %get3A_948 = arith.constant 0 : index
            %get3A_949 = tpu.vector_load %arg14[%get3A_947, %get3A_948] {strides = array<i32>} : memref<320x32xf32, #tpu.memory_space<vmem>>, vector<16xf32>,
            %get3A_950 = arith.index_cast %add3A_946 : i32 to index
            %get3A_951 = arith.constant 0 : index
            %get3A_952 = tpu.vector_load %arg17[%get3A_950, %get3A_951] {strides = array<i32>} : memref<320x32xf32, #tpu.memory_space<vmem>>, vector<16xf32>,
            %sub3A_953 = arith.subf %get3A_949, %get3A_952 : vector<16xf32>
            %get3A_954 = arith.index_cast %add3A_946 : i32 to index
            %get3A_955 = arith.constant 16 : index
            %get3A_956 = tpu.vector_load %arg14[%get3A_954, %get3A_955] {strides = array<i32>} : memref<320x32xf32, #tpu.memory_space<vmem>>, vector<16xf32>,
            %get3A_957 = arith.index_cast %add3A_946 : i32 to index
            %get3A_958 = arith.constant 16 : index
            %get3A_959 = tpu.vector_load %arg17[%get3A_957, %get3A_958] {strides = array<i32>} : memref<320x32xf32, #tpu.memory_space<vmem>>, vector<16xf32>,
            %sub3A_960 = arith.subf %get3A_956, %get3A_959 : vector<16xf32>
            %mul3A_961 = arith.mulf %sub3A_953, %sub3A_953 : vector<16xf32>
            %mul3A_962 = arith.mulf %sub3A_960, %sub3A_960 : vector<16xf32>
            %add3A_963 = arith.addf %mul3A_961, %mul3A_962 : vector<16xf32>
            %add3A_964 = arith.constant 14 : i32
            %add3A_965 = arith.addi %mul3A_697, %add3A_964 : i32
            %get3A_966 = arith.index_cast %add3A_965 : i32 to index
            %get3A_967 = arith.constant 0 : index
            %get3A_968 = tpu.vector_load %arg14[%get3A_966, %get3A_967] {strides = array<i32>} : memref<320x32xf32, #tpu.memory_space<vmem>>, vector<16xf32>,
            %get3A_969 = arith.index_cast %add3A_965 : i32 to index
            %get3A_970 = arith.constant 0 : index
            %get3A_971 = tpu.vector_load %arg17[%get3A_969, %get3A_970] {strides = array<i32>} : memref<320x32xf32, #tpu.memory_space<vmem>>, vector<16xf32>,
            %sub3A_972 = arith.subf %get3A_968, %get3A_971 : vector<16xf32>
            %get3A_973 = arith.index_cast %add3A_965 : i32 to index
            %get3A_974 = arith.constant 16 : index
            %get3A_975 = tpu.vector_load %arg14[%get3A_973, %get3A_974] {strides = array<i32>} : memref<320x32xf32, #tpu.memory_space<vmem>>, vector<16xf32>,
            %get3A_976 = arith.index_cast %add3A_965 : i32 to index
            %get3A_977 = arith.constant 16 : index
            %get3A_978 = tpu.vector_load %arg17[%get3A_976, %get3A_977] {strides = array<i32>} : memref<320x32xf32, #tpu.memory_space<vmem>>, vector<16xf32>,
            %sub3A_979 = arith.subf %get3A_975, %get3A_978 : vector<16xf32>
            %mul3A_980 = arith.mulf %sub3A_972, %sub3A_972 : vector<16xf32>
            %mul3A_981 = arith.mulf %sub3A_979, %sub3A_979 : vector<16xf32>
            %add3A_982 = arith.addf %mul3A_980, %mul3A_981 : vector<16xf32>
            %add3A_983 = arith.constant 15 : i32
            %add3A_984 = arith.addi %mul3A_697, %add3A_983 : i32
            %get3A_985 = arith.index_cast %add3A_984 : i32 to index
            %get3A_986 = arith.constant 0 : index
            %get3A_987 = tpu.vector_load %arg14[%get3A_985, %get3A_986] {strides = array<i32>} : memref<320x32xf32, #tpu.memory_space<vmem>>, vector<16xf32>,
            %get3A_988 = arith.index_cast %add3A_984 : i32 to index
            %get3A_989 = arith.constant 0 : index
            %get3A_990 = tpu.vector_load %arg17[%get3A_988, %get3A_989] {strides = array<i32>} : memref<320x32xf32, #tpu.memory_space<vmem>>, vector<16xf32>,
            %sub3A_991 = arith.subf %get3A_987, %get3A_990 : vector<16xf32>
            %get3A_992 = arith.index_cast %add3A_984 : i32 to index
            %get3A_993 = arith.constant 16 : index
            %get3A_994 = tpu.vector_load %arg14[%get3A_992, %get3A_993] {strides = array<i32>} : memref<320x32xf32, #tpu.memory_space<vmem>>, vector<16xf32>,
            %get3A_995 = arith.index_cast %add3A_984 : i32 to index
            %get3A_996 = arith.constant 16 : index
            %get3A_997 = tpu.vector_load %arg17[%get3A_995, %get3A_996] {strides = array<i32>} : memref<320x32xf32, #tpu.memory_space<vmem>>, vector<16xf32>,
            %sub3A_998 = arith.subf %get3A_994, %get3A_997 : vector<16xf32>
            %mul3A_999 = arith.mulf %sub3A_991, %sub3A_991 : vector<16xf32>
            %mul3A_1000 = arith.mulf %sub3A_998, %sub3A_998 : vector<16xf32>
            %add3A_1001 = arith.addf %mul3A_999, %mul3A_1000 : vector<16xf32>
            %broadcast_in_dim3A_1002 = vector.shape_cast %xor3A_8 : vector<16xi32> to vector<16x1xi32>
            %gather3A_1003 = vector.shape_cast %broadcast_in_dim3A_1002 : vector<16x1xi32> to vector<16xi32>
            %gather3A_1004 = tpu.dynamic_gather %add3A_735[%gather3A_1003] in [0] : vector<16xf32>, vector<16xi32> -> vector<16xf32>
            %select_n3A_1005 = arith.select %lt3A_4, %add3A_716, %gather3A_1004 : vector<16xi1>, vector<16xf32>
            %broadcast_in_dim3A_1006 = vector.shape_cast %xor3A_8 : vector<16xi32> to vector<16x1xi32>
            %gather3A_1007 = vector.shape_cast %broadcast_in_dim3A_1006 : vector<16x1xi32> to vector<16xi32>
            %gather3A_1008 = tpu.dynamic_gather %add3A_716[%gather3A_1007] in [0] : vector<16xf32>, vector<16xi32> -> vector<16xf32>
            %select_n3A_1009 = arith.select %lt3A_4, %gather3A_1008, %add3A_735 : vector<16xi1>, vector<16xf32>
            %add3A_1010 = arith.addf %select_n3A_1005, %select_n3A_1009 : vector<16xf32>
            %broadcast_in_dim3A_1011 = vector.shape_cast %xor3A_8 : vector<16xi32> to vector<16x1xi32>
            %gather3A_1012 = vector.shape_cast %broadcast_in_dim3A_1011 : vector<16x1xi32> to vector<16xi32>
            %gather3A_1013 = tpu.dynamic_gather %add3A_773[%gather3A_1012] in [0] : vector<16xf32>, vector<16xi32> -> vector<16xf32>
            %select_n3A_1014 = arith.select %lt3A_4, %add3A_754, %gather3A_1013 : vector<16xi1>, vector<16xf32>
            %broadcast_in_dim3A_1015 = vector.shape_cast %xor3A_8 : vector<16xi32> to vector<16x1xi32>
            %gather3A_1016 = vector.shape_cast %broadcast_in_dim3A_1015 : vector<16x1xi32> to vector<16xi32>
            %gather3A_1017 = tpu.dynamic_gather %add3A_754[%gather3A_1016] in [0] : vector<16xf32>, vector<16xi32> -> vector<16xf32>
            %select_n3A_1018 = arith.select %lt3A_4, %gather3A_1017, %add3A_773 : vector<16xi1>, vector<16xf32>
            %add3A_1019 = arith.addf %select_n3A_1014, %select_n3A_1018 : vector<16xf32>
            %broadcast_in_dim3A_1020 = vector.shape_cast %xor3A_8 : vector<16xi32> to vector<16x1xi32>
            %gather3A_1021 = vector.shape_cast %broadcast_in_dim3A_1020 : vector<16x1xi32> to vector<16xi32>
            %gather3A_1022 = tpu.dynamic_gather %add3A_811[%gather3A_1021] in [0] : vector<16xf32>, vector<16xi32> -> vector<16xf32>
            %select_n3A_1023 = arith.select %lt3A_4, %add3A_792, %gather3A_1022 : vector<16xi1>, vector<16xf32>
            %broadcast_in_dim3A_1024 = vector.shape_cast %xor3A_8 : vector<16xi32> to vector<16x1xi32>
            %gather3A_1025 = vector.shape_cast %broadcast_in_dim3A_1024 : vector<16x1xi32> to vector<16xi32>
            %gather3A_1026 = tpu.dynamic_gather %add3A_792[%gather3A_1025] in [0] : vector<16xf32>, vector<16xi32> -> vector<16xf32>
            %select_n3A_1027 = arith.select %lt3A_4, %gather3A_1026, %add3A_811 : vector<16xi1>, vector<16xf32>
            %add3A_1028 = arith.addf %select_n3A_1023, %select_n3A_1027 : vector<16xf32>
            %broadcast_in_dim3A_1029 = vector.shape_cast %xor3A_8 : vector<16xi32> to vector<16x1xi32>
            %gather3A_1030 = vector.shape_cast %broadcast_in_dim3A_1029 : vector<16x1xi32> to vector<16xi32>
            %gather3A_1031 = tpu.dynamic_gather %add3A_849[%gather3A_1030] in [0] : vector<16xf32>, vector<16xi32> -> vector<16xf32>
            %select_n3A_1032 = arith.select %lt3A_4, %add3A_830, %gather3A_1031 : vector<16xi1>, vector<16xf32>
            %broadcast_in_dim3A_1033 = vector.shape_cast %xor3A_8 : vector<16xi32> to vector<16x1xi32>
            %gather3A_1034 = vector.shape_cast %broadcast_in_dim3A_1033 : vector<16x1xi32> to vector<16xi32>
            %gather3A_1035 = tpu.dynamic_gather %add3A_830[%gather3A_1034] in [0] : vector<16xf32>, vector<16xi32> -> vector<16xf32>
            %select_n3A_1036 = arith.select %lt3A_4, %gather3A_1035, %add3A_849 : vector<16xi1>, vector<16xf32>
            %add3A_1037 = arith.addf %select_n3A_1032, %select_n3A_1036 : vector<16xf32>
            %broadcast_in_dim3A_1038 = vector.shape_cast %xor3A_8 : vector<16xi32> to vector<16x1xi32>
            %gather3A_1039 = vector.shape_cast %broadcast_in_dim3A_1038 : vector<16x1xi32> to vector<16xi32>
            %gather3A_1040 = tpu.dynamic_gather %add3A_887[%gather3A_1039] in [0] : vector<16xf32>, vector<16xi32> -> vector<16xf32>
            %select_n3A_1041 = arith.select %lt3A_4, %add3A_868, %gather3A_1040 : vector<16xi1>, vector<16xf32>
            %broadcast_in_dim3A_1042 = vector.shape_cast %xor3A_8 : vector<16xi32> to vector<16x1xi32>
            %gather3A_1043 = vector.shape_cast %broadcast_in_dim3A_1042 : vector<16x1xi32> to vector<16xi32>
            %gather3A_1044 = tpu.dynamic_gather %add3A_868[%gather3A_1043] in [0] : vector<16xf32>, vector<16xi32> -> vector<16xf32>
            %select_n3A_1045 = arith.select %lt3A_4, %gather3A_1044, %add3A_887 : vector<16xi1>, vector<16xf32>
            %add3A_1046 = arith.addf %select_n3A_1041, %select_n3A_1045 : vector<16xf32>
            %broadcast_in_dim3A_1047 = vector.shape_cast %xor3A_8 : vector<16xi32> to vector<16x1xi32>
            %gather3A_1048 = vector.shape_cast %broadcast_in_dim3A_1047 : vector<16x1xi32> to vector<16xi32>
            %gather3A_1049 = tpu.dynamic_gather %add3A_925[%gather3A_1048] in [0] : vector<16xf32>, vector<16xi32> -> vector<16xf32>
            %select_n3A_1050 = arith.select %lt3A_4, %add3A_906, %gather3A_1049 : vector<16xi1>, vector<16xf32>
            %broadcast_in_dim3A_1051 = vector.shape_cast %xor3A_8 : vector<16xi32> to vector<16x1xi32>
            %gather3A_1052 = vector.shape_cast %broadcast_in_dim3A_1051 : vector<16x1xi32> to vector<16xi32>
            %gather3A_1053 = tpu.dynamic_gather %add3A_906[%gather3A_1052] in [0] : vector<16xf32>, vector<16xi32> -> vector<16xf32>
            %select_n3A_1054 = arith.select %lt3A_4, %gather3A_1053, %add3A_925 : vector<16xi1>, vector<16xf32>
            %add3A_1055 = arith.addf %select_n3A_1050, %select_n3A_1054 : vector<16xf32>
            %broadcast_in_dim3A_1056 = vector.shape_cast %xor3A_8 : vector<16xi32> to vector<16x1xi32>
            %gather3A_1057 = vector.shape_cast %broadcast_in_dim3A_1056 : vector<16x1xi32> to vector<16xi32>
            %gather3A_1058 = tpu.dynamic_gather %add3A_963[%gather3A_1057] in [0] : vector<16xf32>, vector<16xi32> -> vector<16xf32>
            %select_n3A_1059 = arith.select %lt3A_4, %add3A_944, %gather3A_1058 : vector<16xi1>, vector<16xf32>
            %broadcast_in_dim3A_1060 = vector.shape_cast %xor3A_8 : vector<16xi32> to vector<16x1xi32>
            %gather3A_1061 = vector.shape_cast %broadcast_in_dim3A_1060 : vector<16x1xi32> to vector<16xi32>
            %gather3A_1062 = tpu.dynamic_gather %add3A_944[%gather3A_1061] in [0] : vector<16xf32>, vector<16xi32> -> vector<16xf32>
            %select_n3A_1063 = arith.select %lt3A_4, %gather3A_1062, %add3A_963 : vector<16xi1>, vector<16xf32>
            %add3A_1064 = arith.addf %select_n3A_1059, %select_n3A_1063 : vector<16xf32>
            %broadcast_in_dim3A_1065 = vector.shape_cast %xor3A_8 : vector<16xi32> to vector<16x1xi32>
            %gather3A_1066 = vector.shape_cast %broadcast_in_dim3A_1065 : vector<16x1xi32> to vector<16xi32>
            %gather3A_1067 = tpu.dynamic_gather %add3A_1001[%gather3A_1066] in [0] : vector<16xf32>, vector<16xi32> -> vector<16xf32>
            %select_n3A_1068 = arith.select %lt3A_4, %add3A_982, %gather3A_1067 : vector<16xi1>, vector<16xf32>
            %broadcast_in_dim3A_1069 = vector.shape_cast %xor3A_8 : vector<16xi32> to vector<16x1xi32>
            %gather3A_1070 = vector.shape_cast %broadcast_in_dim3A_1069 : vector<16x1xi32> to vector<16xi32>
            %gather3A_1071 = tpu.dynamic_gather %add3A_982[%gather3A_1070] in [0] : vector<16xf32>, vector<16xi32> -> vector<16xf32>
            %select_n3A_1072 = arith.select %lt3A_4, %gather3A_1071, %add3A_1001 : vector<16xi1>, vector<16xf32>
            %add3A_1073 = arith.addf %select_n3A_1068, %select_n3A_1072 : vector<16xf32>
            %broadcast_in_dim3A_1074 = vector.shape_cast %or3A : vector<16xi32> to vector<16x1xi32>
            %gather3A_1075 = vector.shape_cast %broadcast_in_dim3A_1074 : vector<16x1xi32> to vector<16xi32>
            %gather3A_1076 = tpu.dynamic_gather %add3A_1010[%gather3A_1075] in [0] : vector<16xf32>, vector<16xi32> -> vector<16xf32>
            %broadcast_in_dim3A_1077 = vector.shape_cast %or3A : vector<16xi32> to vector<16x1xi32>
            %gather3A_1078 = vector.shape_cast %broadcast_in_dim3A_1077 : vector<16x1xi32> to vector<16xi32>
            %gather3A_1079 = tpu.dynamic_gather %add3A_1019[%gather3A_1078] in [0] : vector<16xf32>, vector<16xi32> -> vector<16xf32>
            %select_n3A_1080 = arith.select %lt3A_4, %gather3A_1076, %gather3A_1079 : vector<16xi1>, vector<16xf32>
            %broadcast_in_dim3A_1081 = vector.shape_cast %add3A_18 : vector<16xi32> to vector<16x1xi32>
            %gather3A_1082 = vector.shape_cast %broadcast_in_dim3A_1081 : vector<16x1xi32> to vector<16xi32>
            %gather3A_1083 = tpu.dynamic_gather %add3A_1010[%gather3A_1082] in [0] : vector<16xf32>, vector<16xi32> -> vector<16xf32>
            %broadcast_in_dim3A_1084 = vector.shape_cast %add3A_18 : vector<16xi32> to vector<16x1xi32>
            %gather3A_1085 = vector.shape_cast %broadcast_in_dim3A_1084 : vector<16x1xi32> to vector<16xi32>
            %gather3A_1086 = tpu.dynamic_gather %add3A_1019[%gather3A_1085] in [0] : vector<16xf32>, vector<16xi32> -> vector<16xf32>
            %select_n3A_1087 = arith.select %lt3A_4, %gather3A_1083, %gather3A_1086 : vector<16xi1>, vector<16xf32>
            %add3A_1088 = arith.addf %select_n3A_1080, %select_n3A_1087 : vector<16xf32>
            %broadcast_in_dim3A_1089 = vector.shape_cast %or3A : vector<16xi32> to vector<16x1xi32>
            %gather3A_1090 = vector.shape_cast %broadcast_in_dim3A_1089 : vector<16x1xi32> to vector<16xi32>
            %gather3A_1091 = tpu.dynamic_gather %add3A_1028[%gather3A_1090] in [0] : vector<16xf32>, vector<16xi32> -> vector<16xf32>
            %broadcast_in_dim3A_1092 = vector.shape_cast %or3A : vector<16xi32> to vector<16x1xi32>
            %gather3A_1093 = vector.shape_cast %broadcast_in_dim3A_1092 : vector<16x1xi32> to vector<16xi32>
            %gather3A_1094 = tpu.dynamic_gather %add3A_1037[%gather3A_1093] in [0] : vector<16xf32>, vector<16xi32> -> vector<16xf32>
            %select_n3A_1095 = arith.select %lt3A_4, %gather3A_1091, %gather3A_1094 : vector<16xi1>, vector<16xf32>
            %broadcast_in_dim3A_1096 = vector.shape_cast %add3A_18 : vector<16xi32> to vector<16x1xi32>
            %gather3A_1097 = vector.shape_cast %broadcast_in_dim3A_1096 : vector<16x1xi32> to vector<16xi32>
            %gather3A_1098 = tpu.dynamic_gather %add3A_1028[%gather3A_1097] in [0] : vector<16xf32>, vector<16xi32> -> vector<16xf32>
            %broadcast_in_dim3A_1099 = vector.shape_cast %add3A_18 : vector<16xi32> to vector<16x1xi32>
            %gather3A_1100 = vector.shape_cast %broadcast_in_dim3A_1099 : vector<16x1xi32> to vector<16xi32>
            %gather3A_1101 = tpu.dynamic_gather %add3A_1037[%gather3A_1100] in [0] : vector<16xf32>, vector<16xi32> -> vector<16xf32>
            %select_n3A_1102 = arith.select %lt3A_4, %gather3A_1098, %gather3A_1101 : vector<16xi1>, vector<16xf32>
            %add3A_1103 = arith.addf %select_n3A_1095, %select_n3A_1102 : vector<16xf32>
            %broadcast_in_dim3A_1104 = vector.shape_cast %or3A : vector<16xi32> to vector<16x1xi32>
            %gather3A_1105 = vector.shape_cast %broadcast_in_dim3A_1104 : vector<16x1xi32> to vector<16xi32>
            %gather3A_1106 = tpu.dynamic_gather %add3A_1046[%gather3A_1105] in [0] : vector<16xf32>, vector<16xi32> -> vector<16xf32>
            %broadcast_in_dim3A_1107 = vector.shape_cast %or3A : vector<16xi32> to vector<16x1xi32>
            %gather3A_1108 = vector.shape_cast %broadcast_in_dim3A_1107 : vector<16x1xi32> to vector<16xi32>
            %gather3A_1109 = tpu.dynamic_gather %add3A_1055[%gather3A_1108] in [0] : vector<16xf32>, vector<16xi32> -> vector<16xf32>
            %select_n3A_1110 = arith.select %lt3A_4, %gather3A_1106, %gather3A_1109 : vector<16xi1>, vector<16xf32>
            %broadcast_in_dim3A_1111 = vector.shape_cast %add3A_18 : vector<16xi32> to vector<16x1xi32>
            %gather3A_1112 = vector.shape_cast %broadcast_in_dim3A_1111 : vector<16x1xi32> to vector<16xi32>
            %gather3A_1113 = tpu.dynamic_gather %add3A_1046[%gather3A_1112] in [0] : vector<16xf32>, vector<16xi32> -> vector<16xf32>
            %broadcast_in_dim3A_1114 = vector.shape_cast %add3A_18 : vector<16xi32> to vector<16x1xi32>
            %gather3A_1115 = vector.shape_cast %broadcast_in_dim3A_1114 : vector<16x1xi32> to vector<16xi32>
            %gather3A_1116 = tpu.dynamic_gather %add3A_1055[%gather3A_1115] in [0] : vector<16xf32>, vector<16xi32> -> vector<16xf32>
            %select_n3A_1117 = arith.select %lt3A_4, %gather3A_1113, %gather3A_1116 : vector<16xi1>, vector<16xf32>
            %add3A_1118 = arith.addf %select_n3A_1110, %select_n3A_1117 : vector<16xf32>
            %broadcast_in_dim3A_1119 = vector.shape_cast %or3A : vector<16xi32> to vector<16x1xi32>
            %gather3A_1120 = vector.shape_cast %broadcast_in_dim3A_1119 : vector<16x1xi32> to vector<16xi32>
            %gather3A_1121 = tpu.dynamic_gather %add3A_1064[%gather3A_1120] in [0] : vector<16xf32>, vector<16xi32> -> vector<16xf32>
            %broadcast_in_dim3A_1122 = vector.shape_cast %or3A : vector<16xi32> to vector<16x1xi32>
            %gather3A_1123 = vector.shape_cast %broadcast_in_dim3A_1122 : vector<16x1xi32> to vector<16xi32>
            %gather3A_1124 = tpu.dynamic_gather %add3A_1073[%gather3A_1123] in [0] : vector<16xf32>, vector<16xi32> -> vector<16xf32>
            %select_n3A_1125 = arith.select %lt3A_4, %gather3A_1121, %gather3A_1124 : vector<16xi1>, vector<16xf32>
            %broadcast_in_dim3A_1126 = vector.shape_cast %add3A_18 : vector<16xi32> to vector<16x1xi32>
            %gather3A_1127 = vector.shape_cast %broadcast_in_dim3A_1126 : vector<16x1xi32> to vector<16xi32>
            %gather3A_1128 = tpu.dynamic_gather %add3A_1064[%gather3A_1127] in [0] : vector<16xf32>, vector<16xi32> -> vector<16xf32>
            %broadcast_in_dim3A_1129 = vector.shape_cast %add3A_18 : vector<16xi32> to vector<16x1xi32>
            %gather3A_1130 = vector.shape_cast %broadcast_in_dim3A_1129 : vector<16x1xi32> to vector<16xi32>
            %gather3A_1131 = tpu.dynamic_gather %add3A_1073[%gather3A_1130] in [0] : vector<16xf32>, vector<16xi32> -> vector<16xf32>
            %select_n3A_1132 = arith.select %lt3A_4, %gather3A_1128, %gather3A_1131 : vector<16xi1>, vector<16xf32>
            %add3A_1133 = arith.addf %select_n3A_1125, %select_n3A_1132 : vector<16xf32>
            %broadcast_in_dim3A_1134 = vector.shape_cast %or3A_28 : vector<16xi32> to vector<16x1xi32>
            %gather3A_1135 = vector.shape_cast %broadcast_in_dim3A_1134 : vector<16x1xi32> to vector<16xi32>
            %gather3A_1136 = tpu.dynamic_gather %add3A_1088[%gather3A_1135] in [0] : vector<16xf32>, vector<16xi32> -> vector<16xf32>
            %broadcast_in_dim3A_1137 = vector.shape_cast %or3A_28 : vector<16xi32> to vector<16x1xi32>
            %gather3A_1138 = vector.shape_cast %broadcast_in_dim3A_1137 : vector<16x1xi32> to vector<16xi32>
            %gather3A_1139 = tpu.dynamic_gather %add3A_1103[%gather3A_1138] in [0] : vector<16xf32>, vector<16xi32> -> vector<16xf32>
            %select_n3A_1140 = arith.select %lt3A_4, %gather3A_1136, %gather3A_1139 : vector<16xi1>, vector<16xf32>
            %broadcast_in_dim3A_1141 = vector.shape_cast %add3A_31 : vector<16xi32> to vector<16x1xi32>
            %gather3A_1142 = vector.shape_cast %broadcast_in_dim3A_1141 : vector<16x1xi32> to vector<16xi32>
            %gather3A_1143 = tpu.dynamic_gather %add3A_1088[%gather3A_1142] in [0] : vector<16xf32>, vector<16xi32> -> vector<16xf32>
            %broadcast_in_dim3A_1144 = vector.shape_cast %add3A_31 : vector<16xi32> to vector<16x1xi32>
            %gather3A_1145 = vector.shape_cast %broadcast_in_dim3A_1144 : vector<16x1xi32> to vector<16xi32>
            %gather3A_1146 = tpu.dynamic_gather %add3A_1103[%gather3A_1145] in [0] : vector<16xf32>, vector<16xi32> -> vector<16xf32>
            %select_n3A_1147 = arith.select %lt3A_4, %gather3A_1143, %gather3A_1146 : vector<16xi1>, vector<16xf32>
            %add3A_1148 = arith.addf %select_n3A_1140, %select_n3A_1147 : vector<16xf32>
            %broadcast_in_dim3A_1149 = vector.shape_cast %or3A_28 : vector<16xi32> to vector<16x1xi32>
            %gather3A_1150 = vector.shape_cast %broadcast_in_dim3A_1149 : vector<16x1xi32> to vector<16xi32>
            %gather3A_1151 = tpu.dynamic_gather %add3A_1118[%gather3A_1150] in [0] : vector<16xf32>, vector<16xi32> -> vector<16xf32>
            %broadcast_in_dim3A_1152 = vector.shape_cast %or3A_28 : vector<16xi32> to vector<16x1xi32>
            %gather3A_1153 = vector.shape_cast %broadcast_in_dim3A_1152 : vector<16x1xi32> to vector<16xi32>
            %gather3A_1154 = tpu.dynamic_gather %add3A_1133[%gather3A_1153] in [0] : vector<16xf32>, vector<16xi32> -> vector<16xf32>
            %select_n3A_1155 = arith.select %lt3A_4, %gather3A_1151, %gather3A_1154 : vector<16xi1>, vector<16xf32>
            %broadcast_in_dim3A_1156 = vector.shape_cast %add3A_31 : vector<16xi32> to vector<16x1xi32>
            %gather3A_1157 = vector.shape_cast %broadcast_in_dim3A_1156 : vector<16x1xi32> to vector<16xi32>
            %gather3A_1158 = tpu.dynamic_gather %add3A_1118[%gather3A_1157] in [0] : vector<16xf32>, vector<16xi32> -> vector<16xf32>
            %broadcast_in_dim3A_1159 = vector.shape_cast %add3A_31 : vector<16xi32> to vector<16x1xi32>
            %gather3A_1160 = vector.shape_cast %broadcast_in_dim3A_1159 : vector<16x1xi32> to vector<16xi32>
            %gather3A_1161 = tpu.dynamic_gather %add3A_1133[%gather3A_1160] in [0] : vector<16xf32>, vector<16xi32> -> vector<16xf32>
            %select_n3A_1162 = arith.select %lt3A_4, %gather3A_1158, %gather3A_1161 : vector<16xi1>, vector<16xf32>
            %add3A_1163 = arith.addf %select_n3A_1155, %select_n3A_1162 : vector<16xf32>
            %broadcast_in_dim3A_1164 = vector.shape_cast %shift_left3A_34 : vector<16xi32> to vector<16x1xi32>
            %gather3A_1165 = vector.shape_cast %broadcast_in_dim3A_1164 : vector<16x1xi32> to vector<16xi32>
            %gather3A_1166 = tpu.dynamic_gather %add3A_1148[%gather3A_1165] in [0] : vector<16xf32>, vector<16xi32> -> vector<16xf32>
            %broadcast_in_dim3A_1167 = vector.shape_cast %shift_left3A_34 : vector<16xi32> to vector<16x1xi32>
            %gather3A_1168 = vector.shape_cast %broadcast_in_dim3A_1167 : vector<16x1xi32> to vector<16xi32>
            %gather3A_1169 = tpu.dynamic_gather %add3A_1163[%gather3A_1168] in [0] : vector<16xf32>, vector<16xi32> -> vector<16xf32>
            %select_n3A_1170 = arith.select %lt3A_4, %gather3A_1166, %gather3A_1169 : vector<16xi1>, vector<16xf32>
            %broadcast_in_dim3A_1171 = vector.shape_cast %add3A_37 : vector<16xi32> to vector<16x1xi32>
            %gather3A_1172 = vector.shape_cast %broadcast_in_dim3A_1171 : vector<16x1xi32> to vector<16xi32>
            %gather3A_1173 = tpu.dynamic_gather %add3A_1148[%gather3A_1172] in [0] : vector<16xf32>, vector<16xi32> -> vector<16xf32>
            %broadcast_in_dim3A_1174 = vector.shape_cast %add3A_37 : vector<16xi32> to vector<16x1xi32>
            %gather3A_1175 = vector.shape_cast %broadcast_in_dim3A_1174 : vector<16x1xi32> to vector<16xi32>
            %gather3A_1176 = tpu.dynamic_gather %add3A_1163[%gather3A_1175] in [0] : vector<16xf32>, vector<16xi32> -> vector<16xf32>
            %select_n3A_1177 = arith.select %lt3A_4, %gather3A_1173, %gather3A_1176 : vector<16xi1>, vector<16xf32>
            %add3A_1178 = arith.addf %select_n3A_1170, %select_n3A_1177 : vector<16xf32>
            %get3A_1179 = arith.constant 0 : index
            %get3A_1180 = tpu.vector_load %arg18[%get3A_1179] {strides = array<i32>} : memref<16xf32, #tpu.memory_space<vmem>>, vector<16xf32>,
            %max3A_1181 = arith.constant 1.000000e-30 : f32
            %max3A_1182 = vector.broadcast %max3A_1181 : f32 to vector<16xf32>
            %max3A_1183 = arith.maximumf %add3A_1178, %max3A_1182 : vector<16xf32>
            %bitcast3A_1184 = vector.bitcast %max3A_1183 : vector<16xf32> to vector<16xi32>
            %shift_right_logical3A_1185 = arith.constant 1 : i32
            %shift_right_logical3A_1186 = vector.broadcast %shift_right_logical3A_1185 : i32 to vector<16xi32>
            %shift_right_logical3A_1187 = arith.shrui %bitcast3A_1184, %shift_right_logical3A_1186 : vector<16xi32>
            %sub3A_1188 = arith.constant 1597463007 : i32
            %sub3A_1189 = vector.broadcast %sub3A_1188 : i32 to vector<16xi32>
            %sub3A_1190 = arith.subi %sub3A_1189, %shift_right_logical3A_1187 : vector<16xi32>
            %bitcast3A_1191 = vector.bitcast %sub3A_1190 : vector<16xi32> to vector<16xf32>
            %mul3A_1192 = arith.constant 5.000000e-01 : f32
            %mul3A_1193 = vector.broadcast %mul3A_1192 : f32 to vector<16xf32>
            %mul3A_1194 = arith.mulf %mul3A_1193, %max3A_1183 : vector<16xf32>
            %mul3A_1195 = arith.mulf %mul3A_1194, %bitcast3A_1191 : vector<16xf32>
            %mul3A_1196 = arith.mulf %mul3A_1195, %bitcast3A_1191 : vector<16xf32>
            %sub3A_1197 = arith.constant 1.500000e+00 : f32
            %sub3A_1198 = vector.broadcast %sub3A_1197 : f32 to vector<16xf32>
            %sub3A_1199 = arith.subf %sub3A_1198, %mul3A_1196 : vector<16xf32>
            %mul3A_1200 = arith.mulf %bitcast3A_1191, %sub3A_1199 : vector<16xf32>
            %mul3A_1201 = arith.mulf %max3A_1183, %mul3A_1200 : vector<16xf32>
            %add3A_1202 = arith.addf %mul3A_693, %mul3A_1201 : vector<16xf32>
            %add3A_1203 = arith.addf %get3A_1180, %add3A_1202 : vector<16xf32>
            %swap3A_1204 = arith.constant 0 : index
            %swap3A_1205 = tpu.vector_load %arg18[%swap3A_1204] {strides = array<i32>} : memref<16xf32, #tpu.memory_space<vmem>>, vector<16xf32>,
            tpu.vector_store %arg18[%swap3A_1204], %add3A_1203 {strides = array<i32>} : memref<16xf32, #tpu.memory_space<vmem>>, vector<16xf32>,
          }
          %scan3A_190 = arith.constant 10 : i32
        } else {
        }
      } else {
      }
    }
    %scan3A_121 = arith.constant 33 : i32
    "tpu.region"() ({
      %run_scoped3A = tpu.sem_alloc : memref<!tpu.dma_semaphore, #tpu.memory_space<semaphore_mem>>
      %dma_start3A_122 = arith.constant 0 : i32
      %dma_start3A_123 = tpu.memref_slice %arg5[%add3A, %dma_start3A_122] : memref<32x16xf32, #tpu.memory_space<hbm>> -> memref<1x16xf32, #tpu.memory_space<hbm>>
      %dma_start3A_124 = tpu.memref_squeeze %dma_start3A_123 : memref<1x16xf32, #tpu.memory_space<hbm>> -> memref<16xf32, #tpu.memory_space<hbm>>
      %dma_start3A_125 = arith.constant 0 : i32
      %dma_start3A_126 = tpu.memref_slice %arg5[%add3A, %dma_start3A_125] : memref<32x16xf32, #tpu.memory_space<hbm>> -> memref<1x16xf32, #tpu.memory_space<hbm>>
      %dma_start3A_127 = tpu.memref_squeeze %dma_start3A_126 : memref<1x16xf32, #tpu.memory_space<hbm>> -> memref<16xf32, #tpu.memory_space<hbm>>
      tpu.enqueue_dma source(%arg18 : memref<16xf32, #tpu.memory_space<vmem>>) target(%dma_start3A_127 : memref<16xf32, #tpu.memory_space<hbm>>) target_semaphore(%run_scoped3A : memref<!tpu.dma_semaphore, #tpu.memory_space<semaphore_mem>>)
      %dma_wait3A_128 = arith.constant 0 : i32
      %dma_wait3A_129 = tpu.memref_slice %arg5[%add3A, %dma_wait3A_128] : memref<32x16xf32, #tpu.memory_space<hbm>> -> memref<1x16xf32, #tpu.memory_space<hbm>>
      %dma_wait3A_130 = tpu.memref_squeeze %dma_wait3A_129 : memref<1x16xf32, #tpu.memory_space<hbm>> -> memref<16xf32, #tpu.memory_space<hbm>>
      %dma_wait3A_131 = arith.constant 0 : i32
      %dma_wait3A_132 = tpu.memref_slice %arg5[%add3A, %dma_wait3A_131] : memref<32x16xf32, #tpu.memory_space<hbm>> -> memref<1x16xf32, #tpu.memory_space<hbm>>
      %dma_wait3A_133 = tpu.memref_squeeze %dma_wait3A_132 : memref<1x16xf32, #tpu.memory_space<hbm>> -> memref<16xf32, #tpu.memory_space<hbm>>
      tpu.wait_dma2 semaphore(%run_scoped3A : memref<!tpu.dma_semaphore, #tpu.memory_space<semaphore_mem>>) src(%arg18 : memref<16xf32, #tpu.memory_space<vmem>>) dst(%dma_wait3A_133 : memref<16xf32, #tpu.memory_space<hbm>>)
      tpu.yield
    }) : () -> ()
    return
  }
}

</mosaic_0001>

<sc_bundles>
// kernel: kernel.3.cloned.1.call-start
scs
__scs_entry_jumppad:
0x0: {  	(pc) =	sbr.rel $0x88, $3  }
0x1: {  	(tag) =	ssettag $0x0;
	lr =	simm.s32 $0x1  }
0x2: {  	[smem:$0x3F9E] =	sst lr;
	_ =	strace $0xD0000000  }
0x3: {  	_ = 	snop  }
0x4: {  	_ = 	snop  }
0x5: {  	_ = 	snop  }
0x6: {  	_ = 	snop  }
0x7: {  	_ = 	snop  }
__scs_overlays_trampoline_lowered:
0x8: {  	[smem:$0x3FAD] =	sst s0  }
0x9: {  	[smem:$0x3FAE] =	sst s1  }
0xa: {  	[smem:$0x3FAF] =	sst s2  }
0xb: {  	[smem:$0x3FB0] =	sst s3  }
0xc: {  	[smem:$0x3FB1] =	sst s4  }
0xd: {  	[smem:$0x3FB2] =	sst s5  }
0xe: {  	[smem:$0x3FB3] =	sst s6  }
0xf: {  	[smem:$0x3FB4] =	sst s7  }
0x10: {  	[smem:$0x3FB5] =	sst s8  }
0x11: {  	[smem:$0x3FB6] =	sst s9;
	s0 =	simm.s32 @!p0 $0x0  }
0x12: {  	s1 =	sld [smem:$0x3F9C];
	s0 =	simm.s32 @p0 $0x1  }
0x13: {  	[smem:$0x3FB7] =	sst s0;
	s0 =	simm.s32 @!p1 $0x0  }
0x14: {  	s2 =	sld [smem:$0x3F9B];
	s0 =	simm.s32 @p1 $0x1  }
0x15: {  	[smem:$0x3FB8] =	sst s0;
	s0 =	simm.s32 @!p2 $0x0  }
0x16: {  	s3 =	sld [smem:$0x3FDB];
	s0 =	simm.s32 @p2 $0x1  }
0x17: {  	s4 =	simm.s32 $0x1BF5;
	[smem:$0x3FBA] =	sst s0  }
0x18: {  	s0 =	sld [smem:$0x3F9D];
	_ =	swait.ge [sflag:s4], $0x0  }
0x19: {  	s7 =	sld [smem:$0x3F9E]  }
0x1a: {  	s8 =	sadd.s32 $0xFFFFE003, lr  }
0x1b: {  	s9 =	sadd.s32 $0xFFFFFEF7, lr;
	s5 =	simm.s32 $0xFFFFFFFF;
	p2 =	slt.u32 s8, $0xFFFFF086  }
0x1c: {  	p1 =	slt.u32 s9, $0xF7A;
	s5 =	simm.s32 @!p2 $0x0  }
0x1d: {  	s5 =	simm.s32 @p1 $0x1;
	p0 =	seq.s32 s7, s2  }
0x1e: {  	s7 =	smul.u32 @!p0 $0xF7A, s2;
	p2 =	seq.s32 @!p0 s5, $0x0  }
0x1f: {  	s9 =	smul.u32 $0xF7A, s1;
	s8 =	simm.s32 @!p0 $0x1BF5;
	p2 =	por !p2, p0  }
0x20: {  	[sflag:s8] =	ssyncset.s32 @!p0 $0xFFFFF086;
	s6 =	sadd.s32 @!p0 s3, s7;
	s7 =	simm.s32 @!p0 $0x108  }
0x21: {  	s3 =	sadd.s32 s3, s9;
	s6 =	sadd.s32 @!p0 $0x88, s6;
	s7 =	simm.s32 @p2 $0x1082  }
0x22: {  	[simem:s7], [sflag:s8] =	dma.local @!p0 [hbm:s6], $0xF7A  }
0x23: {  	s9 =	sor.u32 $0xD0000000, s2;
	s6 =	simm.s32 $0x108;
	_ =	swait.ge @!p0 [sflag:s8], $0x0  }
0x24: {  	s3 =	sadd.s32 $0x88, s3;
	s6 =	simm.s32 @!p1 $0x1082;
	[sflag:s4] =	ssyncset.s32 $0xFFFFF086  }
0x25: {  	[simem:s6], [sflag:s4] =	dma.local [hbm:s3], $0xF7A  }
0x26: {  	[smem:$0x3F9E] =	sst s1;
	(tag) =	ssettag s2;
	_ =	strace s9  }
0x27: {  	s1 =	sld [smem:$0x3FAE]  }
0x28: {  	s2 =	sld [smem:$0x3FAF]  }
0x29: {  	s4 =	sld [smem:$0x3FB1]  }
0x2a: {  	p0 =	seq.s32 s5, $0x0;
	s5 =	sld [smem:$0x3FB2]  }
0x2b: {  	s6 =	sld [smem:$0x3FB3]  }
0x2c: {  	s7 =	sld [smem:$0x3FB4]  }
0x2d: {  	s3 =	simm.s32 $0x108;
	s8 =	sld [smem:$0x3FB5]  }
0x2e: {  	s3 =	simm.s32 @!p0 $0x1082;
	s9 =	sld [smem:$0x3FB6]  }
0x2f: {  	lr =	sadd.s32 s0, s3;
	s0 =	sld [smem:$0x3FAD]  }
0x30: {  	s3 =	sld [smem:$0x3FB0]  }
0x31: {  	[smem:$0x3FB9] =	sst s10  }
0x32: {  	s10 =	sld [smem:$0x3FB7];
	_ =	sdelay $0x3  }
0x33: {  	p0 =	seq.s32 s10, $0x1;
	s10 =	sld [smem:$0x3FB9];
	_ =	sdelay $0x3  }
0x34: {  	[smem:$0x3FB9] =	sst s10  }
0x35: {  	s10 =	sld [smem:$0x3FB8];
	_ =	sdelay $0x3  }
0x36: {  	p1 =	seq.s32 s10, $0x1;
	s10 =	sld [smem:$0x3FB9];
	_ =	sdelay $0x3  }
0x37: {  	[smem:$0x3FB9] =	sst s10  }
0x38: {  	s10 =	sld [smem:$0x3FBA]  }
0x39: {  	_ = 	snop;
	(pc) =	sbr.ind lr, $3  }
0x3a: {  	_ = 	snop  }
0x3b: {  	_ = 	snop  }
0x3c: {  	p2 =	seq.s32 s10, $0x1;
	s10 =	sld [smem:$0x3FB9]  }
0x3d: {  	_ =	shalt  }
0x3e: {  	_ =	shalt  }
0x3f: {  	_ =	shalt  }
0x40: {  	_ =	shalt  }
0x41: {  	_ =	shalt  }
0x42: {  	_ =	shalt  }
0x43: {  	_ =	shalt  }
0x44: {  	_ =	shalt  }
0x45: {  	_ =	shalt  }
0x46: {  	_ =	shalt  }
0x47: {  	_ =	shalt  }
0x48: {  	_ =	shalt  }
0x49: {  	_ =	shalt  }
0x4a: {  	_ =	shalt  }
0x4b: {  	_ =	shalt  }
0x4c: {  	_ =	shalt  }
0x4d: {  	_ =	shalt  }
0x4e: {  	_ =	shalt  }
0x4f: {  	_ =	shalt  }
0x50: {  	_ =	shalt  }
0x51: {  	_ =	shalt  }
0x52: {  	_ =	shalt  }
0x53: {  	_ =	shalt  }
0x54: {  	_ =	shalt  }
0x55: {  	_ =	shalt  }
0x56: {  	_ =	shalt  }
0x57: {  	_ =	shalt  }
0x58: {  	_ =	shalt  }
0x59: {  	_ =	shalt  }
0x5a: {  	_ =	shalt  }
0x5b: {  	_ =	shalt  }
0x5c: {  	_ =	shalt  }
0x5d: {  	_ =	shalt  }
0x5e: {  	_ =	shalt  }
0x5f: {  	_ =	shalt  }
0x60: {  	_ =	shalt  }
0x61: {  	_ =	shalt  }
0x62: {  	_ =	shalt  }
0x63: {  	_ =	shalt  }
0x64: {  	_ =	shalt  }
0x65: {  	_ =	shalt  }
0x66: {  	_ =	shalt  }
0x67: {  	_ =	shalt  }
0x68: {  	_ =	shalt  }
0x69: {  	_ =	shalt  }
0x6a: {  	_ =	shalt  }
0x6b: {  	_ =	shalt  }
0x6c: {  	_ =	shalt  }
0x6d: {  	_ =	shalt  }
0x6e: {  	_ =	shalt  }
0x6f: {  	_ =	shalt  }
0x70: {  	_ =	shalt  }
0x71: {  	_ =	shalt  }
0x72: {  	_ =	shalt  }
0x73: {  	_ =	shalt  }
0x74: {  	_ =	shalt  }
0x75: {  	_ =	shalt  }
0x76: {  	_ =	shalt  }
0x77: {  	_ =	shalt  }
0x78: {  	_ =	shalt  }
0x79: {  	_ =	shalt  }
0x7a: {  	_ =	shalt  }
0x7b: {  	_ =	shalt  }
0x7c: {  	_ =	shalt  }
0x7d: {  	_ =	shalt  }
0x7e: {  	_ =	shalt  }
0x7f: {  	_ =	shalt  }
0x80: {  	_ =	shalt  }
0x81: {  	_ =	shalt  }
0x82: {  	_ =	shalt  }
0x83: {  	_ =	shalt  }
0x84: {  	_ =	shalt  }
0x85: {  	_ =	shalt  }
0x86: {  	_ =	shalt  }
0x87: {  	_ =	shalt  }
.Lfunc_end0:
.L_simem_size_0:
called_computation_lowered:
.L_overlay_start_0:
0x88: {  	s2 =	sld [smem:$0x3FD9]  }
0x89: {  	s3 =	sld [smem:$0x3FFE];
	_ =	sdelay $0x1  }
0x8a: {  	s1 =	srdreg.scid  }
0x8b: {  	s0 =	sand.u32 $0x1, s1  }
0x8c: {  	s17 =	sshll.u32 s0, $0xA;
	s2 =	sadd.s32 s3, s2  }
0x8d: {  	s2 =	sadd.s32 s2, s17  }
0x8e: {  	[smem:$0x3FC5] =	sst s2  }
0x8f: {  	_ = 	snop  }
0x90: {  	s2 =	sld [smem:$0x3FC8]  }
0x91: {  	s18 =	sld [smem:$0x3FC7];
	(tm) =	ssettm $0x1  }
0x92: {  	s4 =	sld [smem:$0x3FFB];
	_ =	sdelay $0x3  }
0x93: {  	_ =	strace s4  }
0x94: {  	s4 =	sld [smem:$0x3FFC];
	_ =	sdelay $0x3  }
0x95: {  	_ =	strace s4  }
0x96: {  	s4 =	sld [smem:$0x3FFD];
	_ =	sdelay $0x3  }
0x97: {  	_ =	strace s4  }
0x98: {  	_ =	strace $0x8FFFFFFF  }
0x99: {  	s19 =	sld [smem:$0x3FDB];
	_ =	sdelay $0x1  }
0x9a: {  	s5 =	simm.s32 $_scs_section_size  }
0x9b: {  	s6 =	simm.s32 $_size__tile_overlayer_lowered;
	s7 =	simm.s32 $_tile_overlayer_lowered  }
0x9c: {  	s22 =	simm.s32 $0x1BFF;
	s21 =	sshll.u32 s7, $0x1;
	s4 =	sadd.s32 s5, s19  }
0x9d: {  	s8 =	simm.s32 $0x0;
	s20 =	sshll.u32 s6, $0x1;
	s6 =	sadd.s32 s21, s4  }
0x9e: {  	[timem:s8], [sflag:s22] =	dma.local [hbm:s6], s20  }
0x9f: {  	_ =	swait.ge [sflag:s22], s20  }
0xa0: {  	s5 =	ssub.s32 $0x0, s20;
	[sflag:s22] =	ssyncset.done $0x0  }
0xa1: {  	[sflag:s22] =	ssyncadd.s32 s5;
	_ =	sdelay $0x1  }
0xa2: {  	s23 =	simm.s32 $0x1B8B  }
0xa3: {  	_ =	swait.ge [sflag:s23], $0x1  }
0xa4: {  	[sflag:s23] =	ssyncset.done $0x0  }
0xa5: {  	s25 =	simm.s32 $0x1B8E;
	s24 =	sld [smem:$0x3FFE];
	[sflag:s23] =	ssyncadd.s32 $0xFFFFFFFF  }
0xa6: {  	s26 =	simm.s32 $execute0_lowered;
	[smem:$0x3FD2] =	sst s25  }
0xa7: {  	s6 =	sshll.u32 s26, $0x1;
	_ =	strace $0x80000046;
	[dreg:$0x1] =	wrdreg $0xFFFFFFFF  }
0xa8: {  	s28 =	simm.s32 $_size_execute0_lowered;
	s4 =	sadd.s32 s4, s6;
	[dreg:$0x0] =	wrdreg $0x0  }
0xa9: {  	s6 =	sshll.u32 s28, $0x1;
	[dreg:$0x2] =	wrdreg s4  }
0xaa: {  	[dreg:$0x3] =	wrdreg s6  }
0xab: {  	[dreg:$0x4] =	wrdreg $0xC0  }
0xac: {  	_ =	task [dreg:s8], $0x5FFFF  }
0xad: {  	[dreg:$0x1] =	wrdreg $0xFFFFFFFF  }
0xae: {  	[dreg:$0x0] =	wrdreg $0x60  }
0xaf: {  	[dreg:$0x2] =	wrdreg s24  }
0xb0: {  	[dreg:$0x3] =	wrdreg s2  }
0xb1: {  	[dreg:$0x4] =	wrdreg s18  }
0xb2: {  	[dreg:$0x5] =	wrdreg $0x9  }
0xb3: {  	_ =	task.clear_ibuf [dreg:s8], $0x6FFFF;
	_ =	strace $0x90000046  }
0xb4: {  	s29 =	simm.s32 $0x9;
	_ =	strace $0x80000048  }
0xb5: {  	_ =	swait.ge [sflag:s29], $0x1  }
0xb6: {  	[sflag:s29] =	ssyncadd.s32 $0xFFFFFFFF  }
0xb7: {  	_ =	strace $0x90000048  }
0xb8: {  	_ =	sfence  }
0xb9: {  	s30 =	sld [smem:$0x0];
	_ =	sdelay $0x2  }
0xba: {  	s31 =	sshll.u32 s1, $0xD;
	s1 =	sshrl.u32 s1, $0x2  }
0xbb: {  	s3 =	sand.u32 $0x4000, s31;
	s1 =	sadd.s32 s1, s30  }
0xbc: {  	s0 =	sor.u32 s3, s0;
	s1 =	sshll.u32 s1, $0x11  }
0xbd: {  	s0 =	sor.u32 s1, s0  }
0xbe: {  	s0 =	sadd.s32 $0x8F2B, s0  }
0xbf: {  	[sflag:s0] =	ssyncadd.remote.s32 $0x1  }
0xc0: {  	_ =	sfence.sel $0xFFFF  }
0xc1: {  	[dreg:$0x0] =	wrdreg $0xFFFFFFFF;
	(pc) =	sbr.abs _section_cstart, $3  }
0xc2: {  	[dreg:$0x1] =	wrdreg $0xFFFFFFFF  }
0xc3: {  	_ =	task.clear_ibuf [dreg:s8], $0x2FFFF;
	_ =	strace $0x9FFFFFFF  }
0xc4: {  	(tm) =	ssettm $0x7FFFFFFF  }
0xc5: {  	_ =	shalt  }
tec
execute0_lowered:
.L_overlay_start_1:
0x0: {  	(tag) =	ssettag $0x1  }
0x1: {  	s0 =	rddreg [dreg:$0x0]  }
0x2: {  	s2 =	rddreg [dreg:$0x1]  }
0x3: {  	s1 =	srdreg.scid;
	s4 =	stileid.u32  }
0x4: {  	s3 =	rddreg [dreg:$0x2];
	s20 =	simm.s32 $0x140;
	s21 =	simm.s32 $0x500  }
0x5: {  	s28 =	simm.s32 $0x2;
	s29 =	simm.s32 $0x2F80;
	s30 =	simm.s32 $0xA780  }
0x6: {  	s31 =	simm.s32 $0x4;
	s1 =	sand.u32 $0x1, s1;
	s5 =	sshll.u32 s4, $0x1  }
0x7: {  	v0 =	vimm.s32 $0xFEDCBA98;
	s22 =	simm.s32 $0x7;
	s4 =	simm.s32 $0x0;
	s6 =	sor.u32 s1, s5  }
0x8: {  	v1 =	vimm.s32 $0x76543210;
	v0 =	vunpack.c.l.s4.s8 v0;
	[smem:$0x7FF] =	sst s4;
	s1 =	ssub.s32 $0x2, s1;
	s5 =	sadd.s32 $0xF42400, s0  }
0x9: {  	v1 =	vunpack.c.l.s4.s8 v1;
	s7 =	smul.u32 $0x140, s6;
	_ =	strace $0x80000047;
	s8 =	sshrl.u32 s1, $0x1  }
0xa: {  	v3 =	vimm.s32 $0xBA983210;
	s9 =	smul.u32 $0x28, s6;
	v2 =	vunpack.c.0.s8.s32 v0;
	s12 =	sor.u32 $0x60, s6;
	s13 =	sor.u32 $0x80, s6  }
0xb: {  	v4 =	vimm.s32 $0xDC985410;
	v5 =	vimm.s32 $0xFEBA7632;
	v1 =	vunpack.c.0.s8.s32 v1;
	s14 =	ssub.s32 $0xC15, s6;
	s17 =	sshll.u32 s6, $0x1;
	s15 =	sor.u32 $0xA0, s6  }
0xc: {  	v6 =	vlaneseq.u32;
	v4 =	vunpack.c.l.s4.s8 v4;
	s16 =	ssub.s32 $0xBF5, s6;
	s1 =	ssub.s32 s1, s8;
	s17 =	sadd.s32 s0, s17;
	v2 =	vand.u32 $0xF, v2  }
0xd: {  	s10 =	sshrl.u32 s7, $0x3;
	s23 =	sadd.s32 s2, s9;
	s24 =	sadd.s32 s3, s9;
	v1 =	vcombine.low v2, v1;
	v2 =	vunpack.c.l.s4.s8 v3;
	v3 =	vimm.s32 $0xFEDC7654  }
.Ltmp0:
0xe: {  	vm0 =	vmmov $0xff;
	v5 =	vunpack.c.l.s4.s8 v5;
	s18 =	smax.u32 s1, $0x1;
	[dreg:$0x4] =	wrdreg s23;
	v3 =	vunpack.c.l.s4.s8 v3;
	(pc) =	sbr.rel .LBB2_1-.Ltmp0, $4  }
0xf: {  	s1 =	simm.s32 $0x5;
	[dreg:$0x5] =	wrdreg s24;
	s25 =	sadd.s32 $0x500, s10;
	v7 =	vunpack.c.0.s8.s32 v2;
	v2 =	vand.u32 $0x7, v6;
	v6 =	vunpack.c.0.s8.s32 v4  }
0x10: {  	v9 =	vunpack.c.0.s8.s32 v5;
	s11 =	sadd.s32 $0xA00, s10;
	s24 =	simm.s32 $0x1;
	s23 =	simm.s32 $0x6;
	v8 =	vunpack.c.0.s8.s32 v3;
	v2 =	vmul.u32 $0x2, v2  }
0x11: {  	v0 =	vimm.f32 $0.0e+00;
	s26 =	sadd.s32 s2, s25;
	s9 =	sadd.s32 s3, s25;
	s10 =	sadd.s32 s2, s11;
	v3 =	vand.u32 $0xF, v7;
	v5 =	vand.u32 $0xF, v6  }
0x12: {  	s11 =	sadd.s32 s3, s11;
	s25 =	simm.s32 $0x0;
	[dreg:$0x6] =	wrdreg s26;
	v6 =	vand.u32 $0xF, v9;
	v4 =	vand.u32 $0xF, v8;
	v7 =	vor.u32 $0x1, v2  }
.LBB2_10:
0x13: {  	s25 =	sadd.s32 $0x1, s25  }
0x14: {  	p0 =	sne.s32 s25, s18  }
.Ltmp1:
0x15: {  	s0 =	simm.s32 $0xF780;
	(pc) =	sbr.rel @!p0 .LBB2_11-.Ltmp1, $4  }
0x16: {  	[hbm4b:s17+s4] =	stream.linear.scatter [tilespmem:s0], [sflag:$0x7], $0x10, $0x38;
	[tilespmem:$0xF790] =	vst v63  }
0x17: {  	_ =	swait.ge [sflag:s22], $0x10  }
0x18: {  	[sflag:s22] =	ssyncset.done $0x0  }
0x19: {  	[sflag:s22] =	ssyncadd.s32 $0xFFFFFFF0  }
.LBB2_1:
0x1a: {  	[tilespmem:$0xF780] =	vst v0;
	s0 =	rddreg [dreg:$0x4]  }
0x1b: {  	[tilespmem:s4], [sflag:$0x1] =	stream.linear.gather [hbm4b:s0+s4], $0x140, $0x38;
	[tilespmem:$0xF790] =	vst v63  }
0x1c: {  	s19 =	rddreg [dreg:$0x5];
	s6 =	simm.s32 $0x3C0  }
0x1d: {  	[tilespmem:s6], [sflag:$0x1] =	stream.linear.gather [hbm4b:s19+s4], $0x140, $0x38;
	[tilespmem:$0xF790] =	vst v63  }
0x1e: {  	s26 =	rddreg [dreg:$0x6]  }
0x1f: {  	[tilespmem:s20], [sflag:$0x2] =	stream.linear.gather [hbm4b:s26+s4], $0x140, $0x38;
	[tilespmem:$0xF790] =	vst v63  }
0x20: {  	_ = 	snop  }
0x21: {  	[tilespmem:s21], [sflag:$0x2] =	stream.linear.gather [hbm4b:s9+s4], $0x140, $0x38;
	[tilespmem:$0xF790] =	vst v63  }
0x22: {  	s7 =	simm.s32 $0x280  }
0x23: {  	[tilespmem:s7], [sflag:$0x3] =	stream.linear.gather [hbm4b:s10+s4], $0x140, $0x38;
	[tilespmem:$0xF790] =	vst v63  }
0x24: {  	s8 =	simm.s32 $0x640  }
0x25: {  	[tilespmem:s8], [sflag:$0x3] =	stream.linear.gather [hbm4b:s11+s4], $0x140, $0x38;
	[tilespmem:$0xF790] =	vst v63  }
0x26: {  	_ =	swait.ge [sflag:s24], $0x140  }
0x27: {  	[sflag:s24] =	ssyncset.done $0x0  }
0x28: {  	[sflag:s24] =	ssyncadd.s32 $0xFFFFFEC0  }
0x29: {  	_ =	swait.ge [sflag:s24], $0x140  }
0x2a: {  	[sflag:s24] =	ssyncset.done $0x0  }
0x2b: {  	s19 =	simm.s32 $0x780;
	[sflag:s24] =	ssyncadd.s32 $0xFFFFFEC0  }
0x2c: {  	[tilespmem:s19], [sflag:$0x4] =	stream.indirect.gather [hbm4b:s5+s20], $0x20, s4, s20, $0xb8;
	[tilespmem:$0xF790] =	vst v63  }
0x2d: {  	s26 =	simm.s32 $0x7F80  }
0x2e: {  	[tilespmem:s26], [sflag:$0x4] =	stream.indirect.gather [hbm4b:s5+s20], $0x20, s6, s20, $0xb8;
	[tilespmem:$0xF790] =	vst v63  }
0x2f: {  	_ =	swait.ge [sflag:s28], $0x140  }
0x30: {  	[sflag:s28] =	ssyncset.done $0x0  }
0x31: {  	[sflag:s28] =	ssyncadd.s32 $0xFFFFFEC0  }
0x32: {  	_ =	swait.ge [sflag:s28], $0x140  }
.Ltmp2:
0x33: {  	[sflag:s28] =	ssyncset.done $0x0;
	(pc) =	sbr.rel .LBB2_2-.Ltmp2, $4  }
0x34: {  	[sflag:s28] =	ssyncadd.s32 $0xFFFFFEC0  }
0x35: {  	[tilespmem:s29], [sflag:$0x5] =	stream.indirect.gather [hbm4b:s5+s20], $0x20, s20, s20, $0xb8;
	[tilespmem:$0xF790] =	vst v63  }
0x36: {  	s26 =	simm.s32 $0x0  }
0x37: {  	[tilespmem:s30], [sflag:$0x5] =	stream.indirect.gather [hbm4b:s5+s20], $0x20, s21, s20, $0xb8;
	[tilespmem:$0xF790] =	vst v63  }
.LBB2_9:
0x38: {  	s26 =	sadd.s32 $0x1, s26  }
0x39: {  	p0 =	sne.s32 s26, $0x21  }
.Ltmp3:
0x3a: {  	_ = 	snop;
	(pc) =	sbr.rel @!p0 .LBB2_10-.Ltmp3, $1  }
0x3b: {  	_ =	sdelay $0x3  }
.LBB2_2:
0x3c: {  	p0 =	seq.s32 s26, $0x20  }
0x3d: {  	s0 =	smul.u32 @!p0 $0x60, s26  }
0x3e: {  	_ =	swait.ge [sflag:s31], $0x2800  }
0x3f: {  	[sflag:s31] =	ssyncset.done $0x0;
	s6 =	sadd.s32 @!p0 s12, s0  }
0x40: {  	[sflag:s31] =	ssyncadd.s32 $0xFFFFD800;
	p1 =	slt.u32 @!p0 s6, $0xC35;
	s6 =	smul.u32 @!p0 $0x28, s6  }
0x41: {  	_ =	swait.ge [sflag:s31], $0x2800;
	p1 =	por !p1, p0  }
0x42: {  	[sflag:s31] =	ssyncset.done $0x0;
	s6 =	simm.s32 @p1 $0x0  }
0x43: {  	s7 =	simm.s32 @!p0 $0x0;
	[sflag:s31] =	ssyncadd.s32 $0xFFFFD800;
	s19 =	sadd.s32 @!p0 s2, s6  }
0x44: {  	[tilespmem:s7], [sflag:$0x1] =	stream.linear.gather @!p0 [hbm4b:s19+s7], $0x140, $0x38;
	[tilespmem:$0xF790] =	vst v63  }
0x45: {  	s6 =	sadd.s32 @!p0 s3, s6;
	s19 =	simm.s32 @!p0 $0x3C0  }
0x46: {  	[tilespmem:s19], [sflag:$0x1] =	stream.linear.gather @!p0 [hbm4b:s6+s7], $0x140, $0x38;
	[tilespmem:$0xF790] =	vst v63  }
0x47: {  	s6 =	simm.s32 @!p0 $0x3  }
0x48: {  	_ =	swait.ge @!p0 [sflag:s6], $0x140  }
0x49: {  	[sflag:s6] =	ssyncset.done @!p0 $0x0  }
0x4a: {  	[sflag:s6] =	ssyncadd.s32 @!p0 $0xFFFFFEC0  }
0x4b: {  	_ =	swait.ge @!p0 [sflag:s6], $0x140  }
0x4c: {  	s7 =	simm.s32 @!p0 $0x280;
	[sflag:s6] =	ssyncset.done @!p0 $0x0  }
0x4d: {  	s19 =	simm.s32 @!p0 $0x5780;
	[sflag:s6] =	ssyncadd.s32 @!p0 $0xFFFFFEC0;
	s6 =	simm.s32 @!p0 $0x140  }
0x4e: {  	[tilespmem:s19], [sflag:$0x6] =	stream.indirect.gather @!p0 [hbm4b:s5+s6], $0x20, s7, s6, $0xb8;
	[tilespmem:$0xF790] =	vst v63  }
0x4f: {  	s7 =	simm.s32 @!p0 $0x640;
	s19 =	simm.s32 @!p0 $0xCF80  }
0x50: {  	[tilespmem:s19], [sflag:$0x6] =	stream.indirect.gather @!p0 [hbm4b:s5+s6], $0x20, s7, s6, $0xb8;
	[tilespmem:$0xF790] =	vst v63  }
0x51: {  	s0 =	simm.s32 @p0 $0xC00;
	s19 =	simm.s32 $0x0  }
.LBB2_3:
0x52: {  	s6 =	sshra.s32 s19, $0x2  }
0x53: {  	v8 =	vld [tilespmem:s6+$0x780]  }
0x54: {  	v9 =	vld [tilespmem:s6+$0x7F80]  }
0x55: {  	v10 =	vld [tilespmem:s6+$0x790]  }
0x56: {  	v11 =	vld [tilespmem:s6+$0x7F90]  }
0x57: {  	v12 =	vld [tilespmem:s6+$0x7A0]  }
0x58: {  	v13 =	vld [tilespmem:s6+$0x7FA0]  }
0x59: {  	v14 =	vld [tilespmem:s6+$0x7B0]  }
0x5a: {  	v15 =	vld [tilespmem:s6+$0x7FB0]  }
0x5b: {  	v16 =	vld [tilespmem:s6+$0x7C0]  }
0x5c: {  	v17 =	vld [tilespmem:s6+$0x7FC0]  }
0x5d: {  	v18 =	vld [tilespmem:s6+$0x7D0]  }
0x5e: {  	v19 =	vld [tilespmem:s6+$0x7FD0]  }
0x5f: {  	v20 =	vld [tilespmem:s6+$0x7E0]  }
0x60: {  	v21 =	vld [tilespmem:s6+$0x7FE0]  }
0x61: {  	v22 =	vld [tilespmem:s6+$0x7F0]  }
0x62: {  	v23 =	vld [tilespmem:s6+$0x7FF0]  }
0x63: {  	v24 =	vld [tilespmem:s6+$0x800]  }
0x64: {  	v25 =	vld [tilespmem:s6+$0x8000]  }
0x65: {  	v26 =	vld [tilespmem:s6+$0x810]  }
0x66: {  	v27 =	vld [tilespmem:s6+$0x8010]  }
0x67: {  	v28 =	vld [tilespmem:s6+$0x820]  }
0x68: {  	v29 =	vld [tilespmem:s6+$0x8020]  }
0x69: {  	v30 =	vld [tilespmem:s6+$0x830]  }
0x6a: {  	v31 =	vld [tilespmem:s6+$0x8030]  }
0x6b: {  	v32 =	vld [tilespmem:s6+$0x840]  }
0x6c: {  	v33 =	vld [tilespmem:s6+$0x8040]  }
0x6d: {  	v34 =	vld [tilespmem:s6+$0x850]  }
0x6e: {  	v35 =	vld [tilespmem:s6+$0x8050]  }
0x6f: {  	v36 =	vld [tilespmem:s6+$0x860]  }
0x70: {  	v37 =	vld [tilespmem:s6+$0x8060]  }
0x71: {  	v38 =	vld [tilespmem:s6+$0x870]  }
0x72: {  	v39 =	vld [tilespmem:s6+$0x8070]  }
0x73: {  	v40 =	vld [tilespmem:s6+$0x880]  }
0x74: {  	v41 =	vld [tilespmem:s6+$0x8080]  }
0x75: {  	v42 =	vld [tilespmem:s6+$0x890]  }
0x76: {  	v43 =	vld [tilespmem:s6+$0x8090]  }
0x77: {  	v44 =	vld [tilespmem:s6+$0x8A0]  }
0x78: {  	v45 =	vld [tilespmem:s6+$0x80A0]  }
0x79: {  	v46 =	vld [tilespmem:s6+$0x8B0]  }
0x7a: {  	v47 =	vld [tilespmem:s6+$0x80B0]  }
0x7b: {  	v48 =	vld [tilespmem:s6+$0x8C0]  }
0x7c: {  	v49 =	vld [tilespmem:s6+$0x80C0]  }
0x7d: {  	v50 =	vld [tilespmem:s6+$0x8D0]  }
0x7e: {  	v51 =	vld [tilespmem:s6+$0x80D0]  }
0x7f: {  	v52 =	vld [tilespmem:s6+$0x8E0]  }
0x80: {  	v53 =	vld [tilespmem:s6+$0x80E0]  }
0x81: {  	v54 =	vld [tilespmem:s6+$0x8F0]  }
0x82: {  	v55 =	vld [tilespmem:s6+$0x80F0]  }
0x83: {  	v56 =	vld [tilespmem:s6+$0x900];
	v8 =	vsub.f32 v8, v9  }
0x84: {  	v57 =	vld [tilespmem:s6+$0x8110];
	v60 =	vsub.f32 v10, v11;
	v61 =	vsub.f32 v12, v13  }
0x85: {  	v59 =	vld [tilespmem:s6+$0x920];
	v62 =	vsub.f32 v14, v15;
	v63 =	vsub.f32 v18, v19  }
0x86: {  	v14 =	vld [tilespmem:s6+$0x8100];
	v21 =	vsub.f32 v20, v21;
	v23 =	vsub.f32 v22, v23  }
0x87: {  	v15 =	vld [tilespmem:s6+$0x910];
	v30 =	vsub.f32 v30, v31;
	v33 =	vsub.f32 v32, v33  }
0x88: {  	v18 =	vld [tilespmem:s6+$0x8130];
	v35 =	vsub.f32 v34, v35;
	v40 =	vsub.f32 v40, v41  }
0x89: {  	v19 =	vld [tilespmem:s6+$0x940];
	v41 =	vsub.f32 v42, v43;
	v43 =	vsub.f32 v44, v45  }
0x8a: {  	v20 =	vld [tilespmem:s6+$0x960];
	v44 =	vsub.f32 v46, v47;
	v48 =	vsub.f32 v48, v49  }
0x8b: {  	v22 =	vld [tilespmem:s6+$0x8160];
	v49 =	vsub.f32 v50, v51;
	v50 =	vsub.f32 v52, v53;
	v8 =	vmul.f32 v8, v8  }
0x8c: {  	v34 =	vld [tilespmem:s6+$0x8190];
	v51 =	vsub.f32 v54, v55;
	v9 =	vmul.f32 v60, v60;
	v10 =	vmul.f32 v61, v61  }
0x8d: {  	v11 =	vmul.f32 v62, v62;
	v62 =	vsub.f32 v26, v27;
	v26 =	vld [tilespmem:s6+$0x8150];
	v31 =	vmul.f32 v30, v30  }
0x8e: {  	v61 =	vsub.f32 v24, v25;
	v45 =	vmul.f32 v40, v40;
	v47 =	vmul.f32 v44, v44;
	v44 =	vld [tilespmem:s6+$0xA10]  }
0x8f: {  	v46 =	vmul.f32 v43, v43;
	v53 =	vmul.f32 v50, v50;
	v43 =	vld [tilespmem:s6+$0xAB0];
	v58 =	vadd.f32 v9, v8  }
0x90: {  	v60 =	vadd.f32 v11, v10;
	v8 =	vsub.f32 v16, v17;
	v16 =	vld [tilespmem:s6+$0x8120];
	v9 =	vmul.f32 v63, v63  }
0x91: {  	v17 =	vld [tilespmem:s6+$0x930];
	v10 =	vmul.f32 v21, v21;
	v11 =	vmul.f32 v23, v23;
	v63 =	vsub.f32 v28, v29  }
0x92: {  	v21 =	vld [tilespmem:s6+$0x8140];
	v12 =	vmul.f32 v61, v61;
	v13 =	vmul.f32 v62, v62;
	v62 =	vsub.f32 v38, v39  }
0x93: {  	v23 =	vld [tilespmem:s6+$0x950];
	v52 =	vsub.f32 v56, v14;
	v15 =	vsub.f32 v15, v57;
	v8 =	vmul.f32 v8, v8  }
0x94: {  	v61 =	vld [tilespmem:s6+$0x970];
	v25 =	vadd.f32 v11, v10;
	v10 =	vmul.f32 v33, v33;
	v11 =	vmul.f32 v35, v35  }
0x95: {  	v38 =	vld [tilespmem:s6+$0x9C0];
	v20 =	vsub.f32 v20, v22;
	v42 =	vmul.f32 v62, v62;
	v56 =	vperm.xlane v60, v1  }
0x96: {  	v29 =	vld [tilespmem:s6+$0x81E0];
	v27 =	vadd.f32 v13, v12;
	v57 =	vperm.xlane v58, v1;
	v40 =	vmul.f32 v52, v52  }
0x97: {  	v14 =	vld [tilespmem:s6+$0x81B0];
	v33 =	vadd.f32 v47, v46;
	v15 =	vmul.f32 v15, v15;
	v20 =	vmul.f32 v20, v20  }
0x98: {  	v13 =	vld [tilespmem:s6+$0x990];
	v24 =	vadd.f32 v9, v8;
	v8 =	vmul.f32 v63, v63;
	v35 =	vadd.f32 v11, v10  }
0x99: {  	v12 =	vld [tilespmem:s6+$0x9B0];
	v30 =	vsel vm0, v57, v60;
	v62 =	vperm.xlane v27, v1;
	v16 =	vsub.f32 v59, v16  }
0x9a: {  	v46 =	vld [tilespmem:s6+$0x8210];
	v17 =	vsub.f32 v17, v18;
	v59 =	vperm.xlane v25, v1;
	v28 =	vadd.f32 v31, v8  }
0x9b: {  	v47 =	vld [tilespmem:s6+$0xA60];
	v8 =	vsub.f32 v36, v37;
	v31 =	vmul.f32 v41, v41;
	v36 =	vmul.f32 v48, v48  }
0x9c: {  	v63 =	vld [tilespmem:s6+$0x8170];
	v54 =	vsub.f32 v19, v21;
	v37 =	vmul.f32 v49, v49;
	v60 =	vperm.xlane v24, v1  }
0x9d: {  	v9 =	vld [tilespmem:s6+$0x8180];
	v23 =	vsub.f32 v23, v26;
	v48 =	vperm.xlane v35, v1;
	v16 =	vmul.f32 v16, v16  }
0x9e: {  	v10 =	vld [tilespmem:s6+$0x9A0];
	v15 =	vadd.f32 v15, v40;
	v17 =	vmul.f32 v17, v17;
	v18 =	vmul.f32 v54, v54  }
0x9f: {  	v11 =	vld [tilespmem:s6+$0x81A0];
	v23 =	vmul.f32 v23, v23;
	v24 =	vsel vm0, v24, v59;
	v13 =	vsub.f32 v13, v34  }
0xa0: {  	v19 =	vld [tilespmem:s6+$0x9D0];
	v12 =	vsub.f32 v12, v14;
	v39 =	vmul.f32 v8, v8;
	v31 =	vadd.f32 v31, v45  }
0xa1: {  	v26 =	vld [tilespmem:s6+$0x81D0];
	v36 =	vadd.f32 v37, v36;
	v50 =	vsel vm0, v62, v28;
	v55 =	vsub.f32 v61, v63  }
0xa2: {  	v40 =	vld [tilespmem:s6+$0x8220];
	v16 =	vadd.f32 v17, v16;
	v18 =	vadd.f32 v23, v18;
	v61 =	vperm.xlane v28, v1  }
0xa3: {  	v41 =	vld [tilespmem:s6+$0x81C0];
	v17 =	vsel vm0, v58, v56;
	v56 =	vperm.xlane v15, v1;
	v13 =	vmul.f32 v13, v13  }
0xa4: {  	v34 =	vld [tilespmem:s6+$0x82A0];
	v10 =	vsub.f32 v10, v11;
	v12 =	vmul.f32 v12, v12;
	v32 =	vadd.f32 v42, v39  }
0xa5: {  	v8 =	vld [tilespmem:s6+$0x980];
	v39 =	vmul.f32 v51, v51;
	v17 =	vadd.f32 v30, v17;
	v51 =	vperm.xlane v33, v1  }
0xa6: {  	v37 =	vld [tilespmem:s6+$0x9E0];
	v52 =	vperm.xlane v31, v1;
	v54 =	vperm.xlane v36, v1;
	v19 =	vsub.f32 v19, v26  }
0xa7: {  	v45 =	vld [tilespmem:s6+$0x8230];
	v22 =	vmul.f32 v55, v55;
	v49 =	vsel vm0, v27, v61;
	v55 =	vperm.xlane v16, v1  }
0xa8: {  	v23 =	vld [tilespmem:s6+$0x81F0];
	v16 =	vsel vm0, v56, v16;
	v59 =	vperm.xlane v18, v1;
	v10 =	vmul.f32 v10, v10  }
0xa9: {  	v28 =	vld [tilespmem:s6+$0xA20];
	v21 =	vadd.f32 v39, v53;
	v63 =	vperm.xlane v32, v1;
	v32 =	vsel vm0, v48, v32  }
0xaa: {  	v11 =	vld [tilespmem:s6+$0xAC0];
	v31 =	vsel vm0, v31, v51;
	v27 =	vsel vm0, v52, v33;
	v19 =	vmul.f32 v19, v19  }
0xab: {  	v42 =	vld [tilespmem:s6+$0xA00];
	v20 =	vadd.f32 v22, v20;
	v22 =	vsel vm0, v60, v25;
	v27 =	vadd.f32 v27, v31  }
0xac: {  	v30 =	vld [tilespmem:s6+$0x8200];
	v15 =	vsel vm0, v15, v55;
	v60 =	vperm.xlane v17, v3;
	v8 =	vsub.f32 v8, v9  }
0xad: {  	v39 =	vld [tilespmem:s6+$0x9F0];
	v17 =	vperm.xlane v17, v4;
	v10 =	vadd.f32 v12, v10;
	v22 =	vadd.f32 v22, v24  }
0xae: {  	v48 =	vld [tilespmem:s6+$0xA40];
	v25 =	vsel vm0, v35, v63;
	v24 =	vadd.f32 v50, v49;
	v53 =	vperm.xlane v21, v1  }
0xaf: {  	v31 =	vld [tilespmem:s6+$0x8250];
	v21 =	vsel vm0, v54, v21;
	v15 =	vadd.f32 v16, v15;
	v28 =	vsub.f32 v28, v40  }
0xb0: {  	v35 =	vld [tilespmem:s6+$0x8240];
	v25 =	vadd.f32 v32, v25;
	v58 =	vperm.xlane v20, v1;
	v56 =	vperm.xlane v27, v3  }
0xb1: {  	v50 =	vld [tilespmem:s6+$0xA70];
	v16 =	vsel vm0, v59, v20;
	v51 =	vmul.f32 v8, v8;
	v61 =	vperm.xlane v22, v3  }
0xb2: {  	v49 =	vld [tilespmem:s6+$0x8280];
	v57 =	vsel vm0, v36, v53;
	v62 =	vperm.xlane v22, v4;
	v63 =	vperm.xlane v24, v3  }
0xb3: {  	v32 =	vld [tilespmem:s6+$0xA30];
	v53 =	vperm.xlane v24, v4;
	v59 =	vperm.xlane v15, v3;
	v21 =	vadd.f32 v21, v57  }
0xb4: {  	v36 =	vld [tilespmem:s6+$0xA50];
	v18 =	vsel vm0, v18, v58;
	v52 =	vperm.xlane v25, v3;
	v54 =	vperm.xlane v25, v4  }
0xb5: {  	v22 =	vld [tilespmem:s6+$0x8260];
	v58 =	vperm.xlane v27, v4;
	v13 =	vadd.f32 v13, v51;
	v23 =	vsub.f32 v39, v23  }
0xb6: {  	v25 =	vld [tilespmem:s6+$0x8270];
	v33 =	vsel vm0, v60, v61;
	v17 =	vsel vm0, v17, v62;
	v16 =	vadd.f32 v16, v18  }
0xb7: {  	v27 =	vld [tilespmem:s6+$0xA90];
	v61 =	vperm.xlane v15, v4;
	v17 =	vadd.f32 v17, v33;
	v55 =	vsel vm0, v63, v52  }
0xb8: {  	v39 =	vld [tilespmem:s6+$0xAF0];
	v20 =	vsel vm0, v53, v54;
	v57 =	vperm.xlane v21, v3;
	v21 =	vperm.xlane v21, v4  }
0xb9: {  	v51 =	vld [tilespmem:s6+$0xB20];
	v52 =	vsub.f32 v38, v41;
	v54 =	vsub.f32 v37, v29;
	v23 =	vmul.f32 v23, v23  }
0xba: {  	v15 =	vld [tilespmem:s6+$0x82C0];
	v18 =	vadd.f32 v20, v55;
	v60 =	vperm.xlane v16, v3;
	v62 =	vperm.xlane v16, v4  }
0xbb: {  	v33 =	vld [tilespmem:s6+$0xA80];
	v32 =	vsub.f32 v32, v45;
	v45 =	vsub.f32 v48, v35;
	v24 =	vsel vm0, v56, v57  }
0xbc: {  	v53 =	vld [tilespmem:s6+$0x8290];
	v20 =	vsel vm0, v58, v21;
	v56 =	vsub.f32 v42, v30;
	v58 =	vsub.f32 v44, v46  }
0xbd: {  	v37 =	vld [tilespmem:s6+$0xAE0];
	v14 =	vmul.f32 v52, v52;
	v21 =	vmul.f32 v54, v54;
	v31 =	vsub.f32 v36, v31  }
0xbe: {  	v38 =	vld [tilespmem:s6+$0x82E0];
	v22 =	vsub.f32 v47, v22;
	v47 =	vperm.xlane v10, v1;
	v63 =	vsel vm0, v59, v60  }
0xbf: {  	v16 =	vld [tilespmem:s6+$0xAA0];
	v9 =	vsel vm0, v61, v62;
	v8 =	vadd.f32 v20, v24;
	v61 =	vmul.f32 v28, v28  }
0xc0: {  	v55 =	vld [tilespmem:s6+$0xAD0];
	v62 =	vmul.f32 v32, v32;
	v25 =	vsub.f32 v50, v25;
	v26 =	vmul.f32 v45, v45  }
0xc1: {  	v48 =	vld [tilespmem:s6+$0x8310];
	v9 =	vadd.f32 v9, v63;
	v59 =	vmul.f32 v56, v56;
	v60 =	vmul.f32 v58, v58  }
0xc2: {  	v57 =	vld [tilespmem:s6+$0x82D0];
	v14 =	vadd.f32 v19, v14;
	v21 =	vadd.f32 v23, v21;
	v31 =	vmul.f32 v31, v31  }
0xc3: {  	v30 =	vld [tilespmem:s6+$0x82F0];
	v22 =	vmul.f32 v22, v22;
	v11 =	vsub.f32 v11, v15;
	v58 =	vperm.xlane v17, v5  }
0xc4: {  	v46 =	vld [tilespmem:s6+$0xB10];
	v17 =	vperm.xlane v17, v6;
	v19 =	vadd.f32 v62, v61;
	v33 =	vsub.f32 v33, v49  }
0xc5: {  	v52 =	vld [tilespmem:s6+$0x8320];
	v27 =	vsub.f32 v27, v53;
	v25 =	vmul.f32 v25, v25;
	v37 =	vsub.f32 v37, v38  }
0xc6: {  	v44 =	vld [tilespmem:s6+$0x8300];
	v49 =	vperm.xlane v13, v1;
	v13 =	vsel vm0, v13, v47;
	v12 =	vadd.f32 v60, v59  }
0xc7: {  	v20 =	vld [tilespmem:s6+$0x82B0];
	v16 =	vsub.f32 v16, v34;
	v26 =	vadd.f32 v31, v26;
	v11 =	vmul.f32 v11, v11  }
0xc8: {  	v54 =	vld [tilespmem:s6+$0x8330];
	v60 =	vperm.xlane v18, v5;
	v18 =	vperm.xlane v18, v6;
	v24 =	vsub.f32 v55, v57  }
0xc9: {  	v53 =	vld [tilespmem:s6+$0xB30];
	v33 =	vmul.f32 v33, v33;
	v22 =	vadd.f32 v25, v22;
	v30 =	vsub.f32 v39, v30  }
0xca: {  	v61 =	vld [tilespmem:s6+$0xB60];
	v27 =	vmul.f32 v27, v27;
	v28 =	vsub.f32 v46, v48;
	v36 =	vsub.f32 v51, v52  }
0xcb: {  	v62 =	vld [tilespmem:s6+$0x8360];
	v41 =	vmul.f32 v37, v37;
	v10 =	vsel vm0, v49, v10;
	v52 =	vperm.xlane v21, v1  }
0xcc: {  	v63 =	vld [tilespmem:s6+$0xB00];
	v20 =	vsub.f32 v43, v20;
	v16 =	vmul.f32 v16, v16;
	v17 =	vsel vm0, v17, v18  }
0xcd: {  	v10 =	vadd.f32 v10, v13;
	v24 =	vmul.f32 v24, v24;
	v30 =	vmul.f32 v30, v30  }
0xce: {  	v56 =	vld [tilespmem:s6+$0x8340];
	v27 =	vadd.f32 v27, v33;
	v42 =	vmul.f32 v28, v28;
	v18 =	vmul.f32 v36, v36  }
0xcf: {  	v59 =	vld [tilespmem:s6+$0x8350];
	v20 =	vmul.f32 v20, v20;
	v15 =	vsub.f32 v53, v54;
	v53 =	vperm.xlane v14, v1  }
0xd0: {  	v55 =	vld [tilespmem:s6+$0xB40];
	v45 =	vsub.f32 v61, v62;
	v54 =	vperm.xlane v19, v1;
	v61 =	vperm.xlane v8, v5  }
0xd1: {  	v57 =	vld [tilespmem:s6+$0xB50];
	v23 =	vsub.f32 v63, v44;
	v62 =	vperm.xlane v9, v5;
	v8 =	vperm.xlane v8, v6  }
0xd2: {  	v14 =	vsel vm0, v14, v52;
	v9 =	vperm.xlane v9, v6;
	v33 =	vperm.xlane v10, v3  }
0xd3: {  	v10 =	vperm.xlane v10, v4;
	v11 =	vadd.f32 v24, v11;
	v24 =	vsel vm0, v58, v60  }
0xd4: {  	v40 =	vld [tilespmem:s6+$0x8370];
	v23 =	vmul.f32 v23, v23;
	v43 =	vadd.f32 v30, v41;
	v58 =	vperm.xlane v26, v1  }
0xd5: {  	v63 =	vld [tilespmem:s6+$0xB70];
	v60 =	vperm.xlane v27, v1;
	v16 =	vadd.f32 v20, v16;
	v29 =	vsub.f32 v55, v56  }
0xd6: {  	v20 =	vsub.f32 v57, v59;
	v15 =	vmul.f32 v15, v15;
	v50 =	vmul.f32 v45, v45  }
0xd7: {  	v55 =	vsel vm0, v53, v21;
	v56 =	vperm.xlane v12, v1;
	v12 =	vsel vm0, v12, v54  }
0xd8: {  	v47 =	vsel vm0, v61, v62;
	v8 =	vsel vm0, v8, v9;
	v23 =	vadd.f32 v42, v23  }
0xd9: {  	v57 =	vperm.xlane v22, v1;
	v14 =	vadd.f32 v55, v14;
	v8 =	vadd.f32 v8, v47  }
0xda: {  	v44 =	vmul.f32 v29, v29;
	v20 =	vmul.f32 v20, v20;
	v46 =	vsub.f32 v63, v40  }
0xdb: {  	v15 =	vadd.f32 v15, v18;
	v19 =	vsel vm0, v56, v19;
	v59 =	vperm.xlane v16, v1  }
0xdc: {  	v13 =	vsel vm0, v26, v57;
	v63 =	vperm.xlane v43, v1;
	v30 =	vperm.xlane v23, v1  }
0xdd: {  	v16 =	vsel vm0, v60, v16;
	v34 =	vperm.xlane v14, v3;
	v14 =	vperm.xlane v14, v4  }
0xde: {  	v12 =	vadd.f32 v19, v12;
	v54 =	vperm.xlane v8, v2;
	v8 =	vperm.xlane v8, v7  }
0xdf: {  	v48 =	vadd.f32 v20, v44;
	v51 =	vmul.f32 v46, v46;
	v20 =	vsel vm0, v58, v22  }
0xe0: {  	v21 =	vsel vm0, v27, v59;
	v27 =	vperm.xlane v11, v1;
	v11 =	vsel vm0, v11, v63  }
0xe1: {  	v29 =	vperm.xlane v15, v1;
	v13 =	vadd.f32 v20, v13;
	v16 =	vadd.f32 v16, v21  }
0xe2: {  	v15 =	vsel vm0, v30, v15;
	v35 =	vperm.xlane v12, v3;
	v12 =	vperm.xlane v12, v4  }
0xe3: {  	v10 =	vsel vm0, v10, v14;
	v25 =	vadd.f32 v51, v50;
	v20 =	vsel vm0, v27, v43  }
0xe4: {  	v19 =	vsel vm0, v23, v29;
	v32 =	vperm.xlane v48, v1;
	v11 =	vadd.f32 v20, v11  }
0xe5: {  	v15 =	vadd.f32 v15, v19;
	v36 =	vperm.xlane v13, v3;
	v13 =	vperm.xlane v13, v4  }
0xe6: {  	v20 =	vsel vm0, v33, v34;
	v37 =	vperm.xlane v16, v3;
	v31 =	vperm.xlane v25, v1  }
0xe7: {  	v16 =	vperm.xlane v16, v4;
	v19 =	vsel vm0, v32, v25;
	v10 =	vadd.f32 v10, v20  }
0xe8: {  	v38 =	vperm.xlane v11, v3;
	v11 =	vperm.xlane v11, v4;
	v18 =	vsel vm0, v48, v31  }
0xe9: {  	v39 =	vperm.xlane v15, v3;
	v41 =	vperm.xlane v15, v4;
	v18 =	vadd.f32 v19, v18  }
0xea: {  	v12 =	vsel vm0, v12, v13;
	v44 =	vperm.xlane v10, v5;
	v10 =	vperm.xlane v10, v6  }
0xeb: {  	v19 =	vsel vm0, v35, v36;
	v40 =	vperm.xlane v18, v3;
	v42 =	vperm.xlane v18, v4  }
0xec: {  	v14 =	vsel vm0, v37, v38;
	v11 =	vsel vm0, v16, v11;
	v12 =	vadd.f32 v12, v19  }
0xed: {  	v11 =	vadd.f32 v11, v14;
	v43 =	vsel vm0, v39, v40;
	v13 =	vsel vm0, v41, v42  }
0xee: {  	v45 =	vperm.xlane v12, v5;
	v12 =	vperm.xlane v12, v6;
	v13 =	vadd.f32 v13, v43  }
0xef: {  	v48 =	vperm.xlane v11, v5;
	v50 =	vperm.xlane v11, v6  }
0xf0: {  	v49 =	vperm.xlane v13, v5;
	v51 =	vperm.xlane v13, v6  }
0xf1: {  	v46 =	vadd.f32 v17, v24;
	v14 =	vsel vm0, v44, v45;
	v10 =	vsel vm0, v10, v12  }
0xf2: {  	v10 =	vadd.f32 v10, v14;
	v53 =	vsel vm0, v48, v49;
	v9 =	vsel vm0, v50, v51  }
0xf3: {  	v52 =	vperm.xlane v46, v2;
	v55 =	vperm.xlane v46, v7;
	v9 =	vadd.f32 v9, v53  }
0xf4: {  	v14 =	vperm.xlane v10, v2;
	v10 =	vperm.xlane v10, v7  }
0xf5: {  	v56 =	vperm.xlane v9, v2;
	v9 =	vperm.xlane v9, v7  }
0xf6: {  	v8 =	vsel vm0, v55, v8;
	v11 =	vsel vm0, v52, v54  }
0xf7: {  	v8 =	vadd.f32 v8, v11;
	v57 =	vsel vm0, v14, v56;
	v9 =	vsel vm0, v10, v9  }
0xf8: {  	v9 =	vadd.f32 v9, v57  }
0xf9: {  	v8 =	vmax.f32 v8, $1.000000000e-30  }
0xfa: {  	v58 =	vshrl.u32 v8, $0x1;
	v9 =	vmax.f32 v9, $1.000000000e-30  }
0xfb: {  	v59 =	vmul.f32 $5.000000000e-01, v8;
	v60 =	vshrl.u32 v9, $0x1;
	v61 =	vmul.f32 $5.000000000e-01, v9  }
0xfc: {  	v10 =	vsub.s32 $0x5F3759DF, v58;
	v12 =	vsub.s32 $0x5F3759DF, v60  }
0xfd: {  	v11 =	vmul.f32 v10, v59;
	v13 =	vmul.f32 v12, v61;
	_ =	sdelay $0x1  }
0xfe: {  	v11 =	vmul.f32 v10, v11;
	v13 =	vmul.f32 v12, v13;
	_ =	sdelay $0x1  }
0xff: {  	v11 =	vsub.f32 $1.500000000e+00, v11;
	v13 =	vsub.f32 $1.500000000e+00, v13;
	_ =	sdelay $0x1  }
0x100: {  	v10 =	vmul.f32 v10, v11;
	v62 =	vmul.f32 v12, v13  }
0x101: {  	v63 =	vld [tilespmem:$0xF780]  }
0x102: {  	v8 =	vmul.f32 v10, v8;
	v9 =	vmul.f32 v62, v9  }
0x103: {  	p1 =	sne.s32 s19, $0x9000  }
.Ltmp4:
0x104: {  	v8 =	vadd.f32 v9, v8;
	(pc) =	sbr.rel @p1 .LBB2_3-.Ltmp4, $3  }
0x105: {  	_ = 	snop  }
0x106: {  	v8 =	vadd.f32 v8, v63;
	_ =	sdelay $0x1  }
0x107: {  	s19 =	sadd.s32 $0x1000, s19;
	[tilespmem:$0xF780] =	vst v8  }
0x108: {  	_ =	swait.ge [sflag:s1], $0x2800  }
0x109: {  	s6 =	sadd.s32 @!p0 s13, s0;
	[sflag:s1] =	ssyncset.done $0x0  }
0x10a: {  	p1 =	slt.u32 @!p0 s6, $0xC35;
	s6 =	smul.u32 @!p0 $0x28, s6;
	[sflag:s1] =	ssyncadd.s32 $0xFFFFD800  }
0x10b: {  	p1 =	por !p1, p0;
	_ =	swait.ge [sflag:s1], $0x2800  }
0x10c: {  	s19 =	simm.s32 @!p0 $0x0;
	s6 =	simm.s32 @p1 $0x0;
	[sflag:s1] =	ssyncset.done $0x0  }
0x10d: {  	s8 =	simm.s32 @!p0 $0x140;
	s7 =	sadd.s32 @!p0 s2, s6;
	[sflag:s1] =	ssyncadd.s32 $0xFFFFD800  }
0x10e: {  	[tilespmem:s8], [sflag:$0x2] =	stream.linear.gather @!p0 [hbm4b:s7+s19], $0x140, $0x38;
	[tilespmem:$0xF790] =	vst v63  }
0x10f: {  	s6 =	sadd.s32 @!p0 s3, s6;
	s7 =	simm.s32 @!p0 $0x500  }
0x110: {  	[tilespmem:s7], [sflag:$0x2] =	stream.linear.gather @!p0 [hbm4b:s6+s19], $0x140, $0x38;
	[tilespmem:$0xF790] =	vst v63  }
0x111: {  	s6 =	simm.s32 @!p0 $0x1  }
0x112: {  	_ =	swait.ge @!p0 [sflag:s6], $0x140  }
0x113: {  	[sflag:s6] =	ssyncset.done @!p0 $0x0  }
0x114: {  	[sflag:s6] =	ssyncadd.s32 @!p0 $0xFFFFFEC0  }
0x115: {  	p1 =	sge.u32 s0, s14;
	_ =	swait.ge @!p0 [sflag:s6], $0x140  }
.Ltmp5:
0x116: {  	[sflag:s6] =	ssyncset.done @!p0 $0x0;
	(pc) =	sbr.rel @p1 .LBB2_6-.Ltmp5, $4  }
0x117: {  	[sflag:s6] =	ssyncadd.s32 @!p0 $0xFFFFFEC0;
	s6 =	simm.s32 @!p0 $0x780  }
0x118: {  	[tilespmem:s6], [sflag:$0x4] =	stream.indirect.gather @!p0 [hbm4b:s5+s8], $0x20, s19, s8, $0xb8;
	[tilespmem:$0xF790] =	vst v63  }
0x119: {  	s7 =	simm.s32 @!p0 $0x7F80;
	s6 =	simm.s32 @!p0 $0x3C0;
	s19 =	simm.s32 $0x0  }
0x11a: {  	[tilespmem:s7], [sflag:$0x4] =	stream.indirect.gather @!p0 [hbm4b:s5+s8], $0x20, s6, s8, $0xb8;
	[tilespmem:$0xF790] =	vst v63  }
.LBB2_5:
0x11b: {  	s6 =	sshra.s32 s19, $0x2  }
0x11c: {  	v8 =	vld [tilespmem:s6+$0x2F80]  }
0x11d: {  	v9 =	vld [tilespmem:s6+$0xA780]  }
0x11e: {  	v10 =	vld [tilespmem:s6+$0x2F90]  }
0x11f: {  	v11 =	vld [tilespmem:s6+$0xA790]  }
0x120: {  	v12 =	vld [tilespmem:s6+$0x2FA0]  }
0x121: {  	v13 =	vld [tilespmem:s6+$0xA7A0]  }
0x122: {  	v14 =	vld [tilespmem:s6+$0x2FB0]  }
0x123: {  	v15 =	vld [tilespmem:s6+$0xA7B0]  }
0x124: {  	v16 =	vld [tilespmem:s6+$0x2FC0]  }
0x125: {  	v17 =	vld [tilespmem:s6+$0xA7C0]  }
0x126: {  	v18 =	vld [tilespmem:s6+$0x2FD0]  }
0x127: {  	v19 =	vld [tilespmem:s6+$0xA7D0]  }
0x128: {  	v20 =	vld [tilespmem:s6+$0x2FE0]  }
0x129: {  	v21 =	vld [tilespmem:s6+$0xA7E0]  }
0x12a: {  	v22 =	vld [tilespmem:s6+$0x2FF0]  }
0x12b: {  	v23 =	vld [tilespmem:s6+$0xA7F0]  }
0x12c: {  	v24 =	vld [tilespmem:s6+$0x3000]  }
0x12d: {  	v25 =	vld [tilespmem:s6+$0xA800]  }
0x12e: {  	v26 =	vld [tilespmem:s6+$0x3010]  }
0x12f: {  	v27 =	vld [tilespmem:s6+$0xA810]  }
0x130: {  	v28 =	vld [tilespmem:s6+$0x3020]  }
0x131: {  	v29 =	vld [tilespmem:s6+$0xA820]  }
0x132: {  	v30 =	vld [tilespmem:s6+$0x3030]  }
0x133: {  	v31 =	vld [tilespmem:s6+$0xA830]  }
0x134: {  	v32 =	vld [tilespmem:s6+$0x3040]  }
0x135: {  	v33 =	vld [tilespmem:s6+$0xA840]  }
0x136: {  	v34 =	vld [tilespmem:s6+$0x3050]  }
0x137: {  	v35 =	vld [tilespmem:s6+$0xA850]  }
0x138: {  	v36 =	vld [tilespmem:s6+$0x3060]  }
0x139: {  	v37 =	vld [tilespmem:s6+$0xA860]  }
0x13a: {  	v38 =	vld [tilespmem:s6+$0x3070]  }
0x13b: {  	v39 =	vld [tilespmem:s6+$0xA870]  }
0x13c: {  	v40 =	vld [tilespmem:s6+$0x3080]  }
0x13d: {  	v41 =	vld [tilespmem:s6+$0xA880]  }
0x13e: {  	v42 =	vld [tilespmem:s6+$0x3090]  }
0x13f: {  	v43 =	vld [tilespmem:s6+$0xA890]  }
0x140: {  	v44 =	vld [tilespmem:s6+$0x30A0]  }
0x141: {  	v45 =	vld [tilespmem:s6+$0xA8A0]  }
0x142: {  	v46 =	vld [tilespmem:s6+$0x30B0]  }
0x143: {  	v47 =	vld [tilespmem:s6+$0xA8B0]  }
0x144: {  	v48 =	vld [tilespmem:s6+$0x30C0]  }
0x145: {  	v49 =	vld [tilespmem:s6+$0xA8C0]  }
0x146: {  	v50 =	vld [tilespmem:s6+$0x30D0]  }
0x147: {  	v51 =	vld [tilespmem:s6+$0xA8D0]  }
0x148: {  	v52 =	vld [tilespmem:s6+$0x30E0]  }
0x149: {  	v53 =	vld [tilespmem:s6+$0xA8E0]  }
0x14a: {  	v54 =	vld [tilespmem:s6+$0x30F0]  }
0x14b: {  	v55 =	vld [tilespmem:s6+$0xA8F0]  }
0x14c: {  	v56 =	vld [tilespmem:s6+$0x3100];
	v8 =	vsub.f32 v8, v9  }
0x14d: {  	v57 =	vld [tilespmem:s6+$0xA910];
	v60 =	vsub.f32 v10, v11;
	v61 =	vsub.f32 v12, v13  }
0x14e: {  	v59 =	vld [tilespmem:s6+$0x3120];
	v62 =	vsub.f32 v14, v15;
	v63 =	vsub.f32 v18, v19  }
0x14f: {  	v14 =	vld [tilespmem:s6+$0xA900];
	v21 =	vsub.f32 v20, v21;
	v23 =	vsub.f32 v22, v23  }
0x150: {  	v15 =	vld [tilespmem:s6+$0x3110];
	v30 =	vsub.f32 v30, v31;
	v33 =	vsub.f32 v32, v33  }
0x151: {  	v18 =	vld [tilespmem:s6+$0xA930];
	v35 =	vsub.f32 v34, v35;
	v40 =	vsub.f32 v40, v41  }
0x152: {  	v19 =	vld [tilespmem:s6+$0x3140];
	v41 =	vsub.f32 v42, v43;
	v43 =	vsub.f32 v44, v45  }
0x153: {  	v20 =	vld [tilespmem:s6+$0x3160];
	v44 =	vsub.f32 v46, v47;
	v48 =	vsub.f32 v48, v49  }
0x154: {  	v22 =	vld [tilespmem:s6+$0xA960];
	v49 =	vsub.f32 v50, v51;
	v50 =	vsub.f32 v52, v53;
	v8 =	vmul.f32 v8, v8  }
0x155: {  	v34 =	vld [tilespmem:s6+$0xA990];
	v51 =	vsub.f32 v54, v55;
	v9 =	vmul.f32 v60, v60;
	v10 =	vmul.f32 v61, v61  }
0x156: {  	v11 =	vmul.f32 v62, v62;
	v62 =	vsub.f32 v26, v27;
	v26 =	vld [tilespmem:s6+$0xA950];
	v31 =	vmul.f32 v30, v30  }
0x157: {  	v61 =	vsub.f32 v24, v25;
	v45 =	vmul.f32 v40, v40;
	v47 =	vmul.f32 v44, v44;
	v44 =	vld [tilespmem:s6+$0x3210]  }
0x158: {  	v46 =	vmul.f32 v43, v43;
	v53 =	vmul.f32 v50, v50;
	v43 =	vld [tilespmem:s6+$0x32B0];
	v58 =	vadd.f32 v9, v8  }
0x159: {  	v60 =	vadd.f32 v11, v10;
	v8 =	vsub.f32 v16, v17;
	v16 =	vld [tilespmem:s6+$0xA920];
	v9 =	vmul.f32 v63, v63  }
0x15a: {  	v17 =	vld [tilespmem:s6+$0x3130];
	v10 =	vmul.f32 v21, v21;
	v11 =	vmul.f32 v23, v23;
	v63 =	vsub.f32 v28, v29  }
0x15b: {  	v21 =	vld [tilespmem:s6+$0xA940];
	v12 =	vmul.f32 v61, v61;
	v13 =	vmul.f32 v62, v62;
	v62 =	vsub.f32 v38, v39  }
0x15c: {  	v23 =	vld [tilespmem:s6+$0x3150];
	v52 =	vsub.f32 v56, v14;
	v15 =	vsub.f32 v15, v57;
	v8 =	vmul.f32 v8, v8  }
0x15d: {  	v61 =	vld [tilespmem:s6+$0x3170];
	v25 =	vadd.f32 v11, v10;
	v10 =	vmul.f32 v33, v33;
	v11 =	vmul.f32 v35, v35  }
0x15e: {  	v38 =	vld [tilespmem:s6+$0x31C0];
	v20 =	vsub.f32 v20, v22;
	v42 =	vmul.f32 v62, v62;
	v56 =	vperm.xlane v60, v1  }
0x15f: {  	v29 =	vld [tilespmem:s6+$0xA9E0];
	v27 =	vadd.f32 v13, v12;
	v57 =	vperm.xlane v58, v1;
	v40 =	vmul.f32 v52, v52  }
0x160: {  	v14 =	vld [tilespmem:s6+$0xA9B0];
	v33 =	vadd.f32 v47, v46;
	v15 =	vmul.f32 v15, v15;
	v20 =	vmul.f32 v20, v20  }
0x161: {  	v13 =	vld [tilespmem:s6+$0x3190];
	v24 =	vadd.f32 v9, v8;
	v8 =	vmul.f32 v63, v63;
	v35 =	vadd.f32 v11, v10  }
0x162: {  	v12 =	vld [tilespmem:s6+$0x31B0];
	v30 =	vsel vm0, v57, v60;
	v62 =	vperm.xlane v27, v1;
	v16 =	vsub.f32 v59, v16  }
0x163: {  	v46 =	vld [tilespmem:s6+$0xAA10];
	v17 =	vsub.f32 v17, v18;
	v59 =	vperm.xlane v25, v1;
	v28 =	vadd.f32 v31, v8  }
0x164: {  	v47 =	vld [tilespmem:s6+$0x3260];
	v8 =	vsub.f32 v36, v37;
	v31 =	vmul.f32 v41, v41;
	v36 =	vmul.f32 v48, v48  }
0x165: {  	v63 =	vld [tilespmem:s6+$0xA970];
	v54 =	vsub.f32 v19, v21;
	v37 =	vmul.f32 v49, v49;
	v60 =	vperm.xlane v24, v1  }
0x166: {  	v9 =	vld [tilespmem:s6+$0xA980];
	v23 =	vsub.f32 v23, v26;
	v48 =	vperm.xlane v35, v1;
	v16 =	vmul.f32 v16, v16  }
0x167: {  	v10 =	vld [tilespmem:s6+$0x31A0];
	v15 =	vadd.f32 v15, v40;
	v17 =	vmul.f32 v17, v17;
	v18 =	vmul.f32 v54, v54  }
0x168: {  	v11 =	vld [tilespmem:s6+$0xA9A0];
	v23 =	vmul.f32 v23, v23;
	v24 =	vsel vm0, v24, v59;
	v13 =	vsub.f32 v13, v34  }
0x169: {  	v19 =	vld [tilespmem:s6+$0x31D0];
	v12 =	vsub.f32 v12, v14;
	v39 =	vmul.f32 v8, v8;
	v31 =	vadd.f32 v31, v45  }
0x16a: {  	v26 =	vld [tilespmem:s6+$0xA9D0];
	v36 =	vadd.f32 v37, v36;
	v50 =	vsel vm0, v62, v28;
	v55 =	vsub.f32 v61, v63  }
0x16b: {  	v40 =	vld [tilespmem:s6+$0xAA20];
	v16 =	vadd.f32 v17, v16;
	v18 =	vadd.f32 v23, v18;
	v61 =	vperm.xlane v28, v1  }
0x16c: {  	v41 =	vld [tilespmem:s6+$0xA9C0];
	v17 =	vsel vm0, v58, v56;
	v56 =	vperm.xlane v15, v1;
	v13 =	vmul.f32 v13, v13  }
0x16d: {  	v34 =	vld [tilespmem:s6+$0xAAA0];
	v10 =	vsub.f32 v10, v11;
	v12 =	vmul.f32 v12, v12;
	v32 =	vadd.f32 v42, v39  }
0x16e: {  	v8 =	vld [tilespmem:s6+$0x3180];
	v39 =	vmul.f32 v51, v51;
	v17 =	vadd.f32 v30, v17;
	v51 =	vperm.xlane v33, v1  }
0x16f: {  	v37 =	vld [tilespmem:s6+$0x31E0];
	v52 =	vperm.xlane v31, v1;
	v54 =	vperm.xlane v36, v1;
	v19 =	vsub.f32 v19, v26  }
0x170: {  	v45 =	vld [tilespmem:s6+$0xAA30];
	v22 =	vmul.f32 v55, v55;
	v49 =	vsel vm0, v27, v61;
	v55 =	vperm.xlane v16, v1  }
0x171: {  	v23 =	vld [tilespmem:s6+$0xA9F0];
	v16 =	vsel vm0, v56, v16;
	v59 =	vperm.xlane v18, v1;
	v10 =	vmul.f32 v10, v10  }
0x172: {  	v28 =	vld [tilespmem:s6+$0x3220];
	v21 =	vadd.f32 v39, v53;
	v63 =	vperm.xlane v32, v1;
	v32 =	vsel vm0, v48, v32  }
0x173: {  	v11 =	vld [tilespmem:s6+$0x32C0];
	v31 =	vsel vm0, v31, v51;
	v27 =	vsel vm0, v52, v33;
	v19 =	vmul.f32 v19, v19  }
0x174: {  	v42 =	vld [tilespmem:s6+$0x3200];
	v20 =	vadd.f32 v22, v20;
	v22 =	vsel vm0, v60, v25;
	v27 =	vadd.f32 v27, v31  }
0x175: {  	v30 =	vld [tilespmem:s6+$0xAA00];
	v15 =	vsel vm0, v15, v55;
	v60 =	vperm.xlane v17, v3;
	v8 =	vsub.f32 v8, v9  }
0x176: {  	v39 =	vld [tilespmem:s6+$0x31F0];
	v17 =	vperm.xlane v17, v4;
	v10 =	vadd.f32 v12, v10;
	v22 =	vadd.f32 v22, v24  }
0x177: {  	v48 =	vld [tilespmem:s6+$0x3240];
	v25 =	vsel vm0, v35, v63;
	v24 =	vadd.f32 v50, v49;
	v53 =	vperm.xlane v21, v1  }
0x178: {  	v31 =	vld [tilespmem:s6+$0xAA50];
	v21 =	vsel vm0, v54, v21;
	v15 =	vadd.f32 v16, v15;
	v28 =	vsub.f32 v28, v40  }
0x179: {  	v35 =	vld [tilespmem:s6+$0xAA40];
	v25 =	vadd.f32 v32, v25;
	v58 =	vperm.xlane v20, v1;
	v56 =	vperm.xlane v27, v3  }
0x17a: {  	v50 =	vld [tilespmem:s6+$0x3270];
	v16 =	vsel vm0, v59, v20;
	v51 =	vmul.f32 v8, v8;
	v61 =	vperm.xlane v22, v3  }
0x17b: {  	v49 =	vld [tilespmem:s6+$0xAA80];
	v57 =	vsel vm0, v36, v53;
	v62 =	vperm.xlane v22, v4;
	v63 =	vperm.xlane v24, v3  }
0x17c: {  	v32 =	vld [tilespmem:s6+$0x3230];
	v53 =	vperm.xlane v24, v4;
	v59 =	vperm.xlane v15, v3;
	v21 =	vadd.f32 v21, v57  }
0x17d: {  	v36 =	vld [tilespmem:s6+$0x3250];
	v18 =	vsel vm0, v18, v58;
	v52 =	vperm.xlane v25, v3;
	v54 =	vperm.xlane v25, v4  }
0x17e: {  	v22 =	vld [tilespmem:s6+$0xAA60];
	v58 =	vperm.xlane v27, v4;
	v13 =	vadd.f32 v13, v51;
	v23 =	vsub.f32 v39, v23  }
0x17f: {  	v25 =	vld [tilespmem:s6+$0xAA70];
	v33 =	vsel vm0, v60, v61;
	v17 =	vsel vm0, v17, v62;
	v16 =	vadd.f32 v16, v18  }
0x180: {  	v27 =	vld [tilespmem:s6+$0x3290];
	v61 =	vperm.xlane v15, v4;
	v17 =	vadd.f32 v17, v33;
	v55 =	vsel vm0, v63, v52  }
0x181: {  	v39 =	vld [tilespmem:s6+$0x32F0];
	v20 =	vsel vm0, v53, v54;
	v57 =	vperm.xlane v21, v3;
	v21 =	vperm.xlane v21, v4  }
0x182: {  	v51 =	vld [tilespmem:s6+$0x3320];
	v52 =	vsub.f32 v38, v41;
	v54 =	vsub.f32 v37, v29;
	v23 =	vmul.f32 v23, v23  }
0x183: {  	v15 =	vld [tilespmem:s6+$0xAAC0];
	v18 =	vadd.f32 v20, v55;
	v60 =	vperm.xlane v16, v3;
	v62 =	vperm.xlane v16, v4  }
0x184: {  	v33 =	vld [tilespmem:s6+$0x3280];
	v32 =	vsub.f32 v32, v45;
	v45 =	vsub.f32 v48, v35;
	v24 =	vsel vm0, v56, v57  }
0x185: {  	v53 =	vld [tilespmem:s6+$0xAA90];
	v20 =	vsel vm0, v58, v21;
	v56 =	vsub.f32 v42, v30;
	v58 =	vsub.f32 v44, v46  }
0x186: {  	v37 =	vld [tilespmem:s6+$0x32E0];
	v14 =	vmul.f32 v52, v52;
	v21 =	vmul.f32 v54, v54;
	v31 =	vsub.f32 v36, v31  }
0x187: {  	v38 =	vld [tilespmem:s6+$0xAAE0];
	v22 =	vsub.f32 v47, v22;
	v47 =	vperm.xlane v10, v1;
	v63 =	vsel vm0, v59, v60  }
0x188: {  	v16 =	vld [tilespmem:s6+$0x32A0];
	v9 =	vsel vm0, v61, v62;
	v8 =	vadd.f32 v20, v24;
	v61 =	vmul.f32 v28, v28  }
0x189: {  	v55 =	vld [tilespmem:s6+$0x32D0];
	v62 =	vmul.f32 v32, v32;
	v25 =	vsub.f32 v50, v25;
	v26 =	vmul.f32 v45, v45  }
0x18a: {  	v48 =	vld [tilespmem:s6+$0xAB10];
	v9 =	vadd.f32 v9, v63;
	v59 =	vmul.f32 v56, v56;
	v60 =	vmul.f32 v58, v58  }
0x18b: {  	v57 =	vld [tilespmem:s6+$0xAAD0];
	v14 =	vadd.f32 v19, v14;
	v21 =	vadd.f32 v23, v21;
	v31 =	vmul.f32 v31, v31  }
0x18c: {  	v30 =	vld [tilespmem:s6+$0xAAF0];
	v22 =	vmul.f32 v22, v22;
	v11 =	vsub.f32 v11, v15;
	v58 =	vperm.xlane v17, v5  }
0x18d: {  	v46 =	vld [tilespmem:s6+$0x3310];
	v17 =	vperm.xlane v17, v6;
	v19 =	vadd.f32 v62, v61;
	v33 =	vsub.f32 v33, v49  }
0x18e: {  	v52 =	vld [tilespmem:s6+$0xAB20];
	v27 =	vsub.f32 v27, v53;
	v25 =	vmul.f32 v25, v25;
	v37 =	vsub.f32 v37, v38  }
0x18f: {  	v44 =	vld [tilespmem:s6+$0xAB00];
	v49 =	vperm.xlane v13, v1;
	v13 =	vsel vm0, v13, v47;
	v12 =	vadd.f32 v60, v59  }
0x190: {  	v20 =	vld [tilespmem:s6+$0xAAB0];
	v16 =	vsub.f32 v16, v34;
	v26 =	vadd.f32 v31, v26;
	v11 =	vmul.f32 v11, v11  }
0x191: {  	v54 =	vld [tilespmem:s6+$0xAB30];
	v60 =	vperm.xlane v18, v5;
	v18 =	vperm.xlane v18, v6;
	v24 =	vsub.f32 v55, v57  }
0x192: {  	v53 =	vld [tilespmem:s6+$0x3330];
	v33 =	vmul.f32 v33, v33;
	v22 =	vadd.f32 v25, v22;
	v30 =	vsub.f32 v39, v30  }
0x193: {  	v61 =	vld [tilespmem:s6+$0x3360];
	v27 =	vmul.f32 v27, v27;
	v28 =	vsub.f32 v46, v48;
	v36 =	vsub.f32 v51, v52  }
0x194: {  	v62 =	vld [tilespmem:s6+$0xAB60];
	v41 =	vmul.f32 v37, v37;
	v10 =	vsel vm0, v49, v10;
	v52 =	vperm.xlane v21, v1  }
0x195: {  	v63 =	vld [tilespmem:s6+$0x3300];
	v20 =	vsub.f32 v43, v20;
	v16 =	vmul.f32 v16, v16;
	v17 =	vsel vm0, v17, v18  }
0x196: {  	v10 =	vadd.f32 v10, v13;
	v24 =	vmul.f32 v24, v24;
	v30 =	vmul.f32 v30, v30  }
0x197: {  	v56 =	vld [tilespmem:s6+$0xAB40];
	v27 =	vadd.f32 v27, v33;
	v42 =	vmul.f32 v28, v28;
	v18 =	vmul.f32 v36, v36  }
0x198: {  	v59 =	vld [tilespmem:s6+$0xAB50];
	v20 =	vmul.f32 v20, v20;
	v15 =	vsub.f32 v53, v54;
	v53 =	vperm.xlane v14, v1  }
0x199: {  	v55 =	vld [tilespmem:s6+$0x3340];
	v45 =	vsub.f32 v61, v62;
	v54 =	vperm.xlane v19, v1;
	v61 =	vperm.xlane v8, v5  }
0x19a: {  	v57 =	vld [tilespmem:s6+$0x3350];
	v23 =	vsub.f32 v63, v44;
	v62 =	vperm.xlane v9, v5;
	v8 =	vperm.xlane v8, v6  }
0x19b: {  	v14 =	vsel vm0, v14, v52;
	v9 =	vperm.xlane v9, v6;
	v33 =	vperm.xlane v10, v3  }
0x19c: {  	v10 =	vperm.xlane v10, v4;
	v11 =	vadd.f32 v24, v11;
	v24 =	vsel vm0, v58, v60  }
0x19d: {  	v40 =	vld [tilespmem:s6+$0xAB70];
	v23 =	vmul.f32 v23, v23;
	v43 =	vadd.f32 v30, v41;
	v58 =	vperm.xlane v26, v1  }
0x19e: {  	v63 =	vld [tilespmem:s6+$0x3370];
	v60 =	vperm.xlane v27, v1;
	v16 =	vadd.f32 v20, v16;
	v29 =	vsub.f32 v55, v56  }
0x19f: {  	v20 =	vsub.f32 v57, v59;
	v15 =	vmul.f32 v15, v15;
	v50 =	vmul.f32 v45, v45  }
0x1a0: {  	v55 =	vsel vm0, v53, v21;
	v56 =	vperm.xlane v12, v1;
	v12 =	vsel vm0, v12, v54  }
0x1a1: {  	v47 =	vsel vm0, v61, v62;
	v8 =	vsel vm0, v8, v9;
	v23 =	vadd.f32 v42, v23  }
0x1a2: {  	v57 =	vperm.xlane v22, v1;
	v14 =	vadd.f32 v55, v14;
	v8 =	vadd.f32 v8, v47  }
0x1a3: {  	v44 =	vmul.f32 v29, v29;
	v20 =	vmul.f32 v20, v20;
	v46 =	vsub.f32 v63, v40  }
0x1a4: {  	v15 =	vadd.f32 v15, v18;
	v19 =	vsel vm0, v56, v19;
	v59 =	vperm.xlane v16, v1  }
0x1a5: {  	v13 =	vsel vm0, v26, v57;
	v63 =	vperm.xlane v43, v1;
	v30 =	vperm.xlane v23, v1  }
0x1a6: {  	v16 =	vsel vm0, v60, v16;
	v34 =	vperm.xlane v14, v3;
	v14 =	vperm.xlane v14, v4  }
0x1a7: {  	v12 =	vadd.f32 v19, v12;
	v54 =	vperm.xlane v8, v2;
	v8 =	vperm.xlane v8, v7  }
0x1a8: {  	v48 =	vadd.f32 v20, v44;
	v51 =	vmul.f32 v46, v46;
	v20 =	vsel vm0, v58, v22  }
0x1a9: {  	v21 =	vsel vm0, v27, v59;
	v27 =	vperm.xlane v11, v1;
	v11 =	vsel vm0, v11, v63  }
0x1aa: {  	v29 =	vperm.xlane v15, v1;
	v13 =	vadd.f32 v20, v13;
	v16 =	vadd.f32 v16, v21  }
0x1ab: {  	v15 =	vsel vm0, v30, v15;
	v35 =	vperm.xlane v12, v3;
	v12 =	vperm.xlane v12, v4  }
0x1ac: {  	v10 =	vsel vm0, v10, v14;
	v25 =	vadd.f32 v51, v50;
	v20 =	vsel vm0, v27, v43  }
0x1ad: {  	v19 =	vsel vm0, v23, v29;
	v32 =	vperm.xlane v48, v1;
	v11 =	vadd.f32 v20, v11  }
0x1ae: {  	v15 =	vadd.f32 v15, v19;
	v36 =	vperm.xlane v13, v3;
	v13 =	vperm.xlane v13, v4  }
0x1af: {  	v20 =	vsel vm0, v33, v34;
	v37 =	vperm.xlane v16, v3;
	v31 =	vperm.xlane v25, v1  }
0x1b0: {  	v16 =	vperm.xlane v16, v4;
	v19 =	vsel vm0, v32, v25;
	v10 =	vadd.f32 v10, v20  }
0x1b1: {  	v38 =	vperm.xlane v11, v3;
	v11 =	vperm.xlane v11, v4;
	v18 =	vsel vm0, v48, v31  }
0x1b2: {  	v39 =	vperm.xlane v15, v3;
	v41 =	vperm.xlane v15, v4;
	v18 =	vadd.f32 v19, v18  }
0x1b3: {  	v12 =	vsel vm0, v12, v13;
	v44 =	vperm.xlane v10, v5;
	v10 =	vperm.xlane v10, v6  }
0x1b4: {  	v19 =	vsel vm0, v35, v36;
	v40 =	vperm.xlane v18, v3;
	v42 =	vperm.xlane v18, v4  }
0x1b5: {  	v14 =	vsel vm0, v37, v38;
	v11 =	vsel vm0, v16, v11;
	v12 =	vadd.f32 v12, v19  }
0x1b6: {  	v11 =	vadd.f32 v11, v14;
	v43 =	vsel vm0, v39, v40;
	v13 =	vsel vm0, v41, v42  }
0x1b7: {  	v45 =	vperm.xlane v12, v5;
	v12 =	vperm.xlane v12, v6;
	v13 =	vadd.f32 v13, v43  }
0x1b8: {  	v48 =	vperm.xlane v11, v5;
	v50 =	vperm.xlane v11, v6  }
0x1b9: {  	v49 =	vperm.xlane v13, v5;
	v51 =	vperm.xlane v13, v6  }
0x1ba: {  	v46 =	vadd.f32 v17, v24;
	v14 =	vsel vm0, v44, v45;
	v10 =	vsel vm0, v10, v12  }
0x1bb: {  	v10 =	vadd.f32 v10, v14;
	v53 =	vsel vm0, v48, v49;
	v9 =	vsel vm0, v50, v51  }
0x1bc: {  	v52 =	vperm.xlane v46, v2;
	v55 =	vperm.xlane v46, v7;
	v9 =	vadd.f32 v9, v53  }
0x1bd: {  	v14 =	vperm.xlane v10, v2;
	v10 =	vperm.xlane v10, v7  }
0x1be: {  	v56 =	vperm.xlane v9, v2;
	v9 =	vperm.xlane v9, v7  }
0x1bf: {  	v8 =	vsel vm0, v55, v8;
	v11 =	vsel vm0, v52, v54  }
0x1c0: {  	v8 =	vadd.f32 v8, v11;
	v57 =	vsel vm0, v14, v56;
	v9 =	vsel vm0, v10, v9  }
0x1c1: {  	v9 =	vadd.f32 v9, v57  }
0x1c2: {  	v8 =	vmax.f32 v8, $1.000000000e-30  }
0x1c3: {  	v58 =	vshrl.u32 v8, $0x1;
	v9 =	vmax.f32 v9, $1.000000000e-30  }
0x1c4: {  	v59 =	vmul.f32 $5.000000000e-01, v8;
	v60 =	vshrl.u32 v9, $0x1;
	v61 =	vmul.f32 $5.000000000e-01, v9  }
0x1c5: {  	v10 =	vsub.s32 $0x5F3759DF, v58;
	v12 =	vsub.s32 $0x5F3759DF, v60  }
0x1c6: {  	v11 =	vmul.f32 v10, v59;
	v13 =	vmul.f32 v12, v61;
	_ =	sdelay $0x1  }
0x1c7: {  	v11 =	vmul.f32 v10, v11;
	v13 =	vmul.f32 v12, v13;
	_ =	sdelay $0x1  }
0x1c8: {  	v11 =	vsub.f32 $1.500000000e+00, v11;
	v13 =	vsub.f32 $1.500000000e+00, v13;
	_ =	sdelay $0x1  }
0x1c9: {  	v10 =	vmul.f32 v10, v11;
	v62 =	vmul.f32 v12, v13  }
0x1ca: {  	v63 =	vld [tilespmem:$0xF780]  }
0x1cb: {  	v8 =	vmul.f32 v10, v8;
	v9 =	vmul.f32 v62, v9  }
0x1cc: {  	p1 =	sne.s32 s19, $0x9000  }
.Ltmp6:
0x1cd: {  	v8 =	vadd.f32 v9, v8;
	(pc) =	sbr.rel @p1 .LBB2_5-.Ltmp6, $3  }
0x1ce: {  	_ = 	snop  }
0x1cf: {  	v8 =	vadd.f32 v8, v63;
	_ =	sdelay $0x1  }
0x1d0: {  	s19 =	sadd.s32 $0x1000, s19;
	[tilespmem:$0xF780] =	vst v8  }
.LBB2_6:
.Ltmp7:
0x1d1: {  	(pc) =	sbr.rel @p0 .LBB2_10-.Ltmp7, $1  }
0x1d2: {  	_ =	sdelay $0x3  }
0x1d3: {  	_ =	swait.ge [sflag:s23], $0x2800;
	p0 =	sgt.u32 s26, $0x1E  }
0x1d4: {  	[sflag:s23] =	ssyncset.done $0x0;
	s6 =	sadd.s32 @!p0 s15, s0  }
0x1d5: {  	[sflag:s23] =	ssyncadd.s32 $0xFFFFD800;
	p1 =	slt.u32 @!p0 s6, $0xC35;
	s6 =	smul.u32 @!p0 $0x28, s6  }
0x1d6: {  	_ =	swait.ge [sflag:s23], $0x2800;
	p1 =	por !p1, p0  }
0x1d7: {  	s8 =	simm.s32 @!p0 $0x0;
	[sflag:s23] =	ssyncset.done $0x0;
	s6 =	simm.s32 @p1 $0x0  }
0x1d8: {  	s19 =	simm.s32 @!p0 $0x280;
	[sflag:s23] =	ssyncadd.s32 $0xFFFFD800;
	s7 =	sadd.s32 @!p0 s2, s6  }
0x1d9: {  	[tilespmem:s19], [sflag:$0x3] =	stream.linear.gather @!p0 [hbm4b:s7+s8], $0x140, $0x38;
	[tilespmem:$0xF790] =	vst v63  }
0x1da: {  	s6 =	sadd.s32 @!p0 s3, s6;
	s7 =	simm.s32 @!p0 $0x640  }
0x1db: {  	[tilespmem:s7], [sflag:$0x3] =	stream.linear.gather @!p0 [hbm4b:s6+s8], $0x140, $0x38;
	[tilespmem:$0xF790] =	vst v63  }
0x1dc: {  	_ =	swait.ge [sflag:s28], $0x140  }
0x1dd: {  	[sflag:s28] =	ssyncset.done $0x0  }
0x1de: {  	[sflag:s28] =	ssyncadd.s32 $0xFFFFFEC0  }
0x1df: {  	p0 =	sge.u32 s0, s16;
	_ =	swait.ge [sflag:s28], $0x140  }
.Ltmp8:
0x1e0: {  	[sflag:s28] =	ssyncset.done $0x0;
	(pc) =	sbr.rel @p0 .LBB2_9-.Ltmp8, $4  }
0x1e1: {  	[sflag:s28] =	ssyncadd.s32 $0xFFFFFEC0  }
0x1e2: {  	[tilespmem:s29], [sflag:$0x5] =	stream.indirect.gather [hbm4b:s5+s20], $0x20, s20, s20, $0xb8;
	[tilespmem:$0xF790] =	vst v63  }
0x1e3: {  	s0 =	simm.s32 $0x0  }
0x1e4: {  	[tilespmem:s30], [sflag:$0x5] =	stream.indirect.gather [hbm4b:s5+s20], $0x20, s21, s20, $0xb8;
	[tilespmem:$0xF790] =	vst v63  }
.LBB2_8:
0x1e5: {  	s6 =	sshra.s32 s0, $0x2  }
0x1e6: {  	v8 =	vld [tilespmem:s6+$0x5780]  }
0x1e7: {  	v9 =	vld [tilespmem:s6+$0xCF80]  }
0x1e8: {  	v10 =	vld [tilespmem:s6+$0x5790]  }
0x1e9: {  	v11 =	vld [tilespmem:s6+$0xCF90]  }
0x1ea: {  	v12 =	vld [tilespmem:s6+$0x57A0]  }
0x1eb: {  	v13 =	vld [tilespmem:s6+$0xCFA0]  }
0x1ec: {  	v14 =	vld [tilespmem:s6+$0x57B0]  }
0x1ed: {  	v15 =	vld [tilespmem:s6+$0xCFB0]  }
0x1ee: {  	v16 =	vld [tilespmem:s6+$0x57C0]  }
0x1ef: {  	v17 =	vld [tilespmem:s6+$0xCFC0]  }
0x1f0: {  	v18 =	vld [tilespmem:s6+$0x57D0]  }
0x1f1: {  	v19 =	vld [tilespmem:s6+$0xCFD0]  }
0x1f2: {  	v20 =	vld [tilespmem:s6+$0x57E0]  }
0x1f3: {  	v21 =	vld [tilespmem:s6+$0xCFE0]  }
0x1f4: {  	v22 =	vld [tilespmem:s6+$0x57F0]  }
0x1f5: {  	v23 =	vld [tilespmem:s6+$0xCFF0]  }
0x1f6: {  	v24 =	vld [tilespmem:s6+$0x5800]  }
0x1f7: {  	v25 =	vld [tilespmem:s6+$0xD000]  }
0x1f8: {  	v26 =	vld [tilespmem:s6+$0x5810]  }
0x1f9: {  	v27 =	vld [tilespmem:s6+$0xD010]  }
0x1fa: {  	v28 =	vld [tilespmem:s6+$0x5820]  }
0x1fb: {  	v29 =	vld [tilespmem:s6+$0xD020]  }
0x1fc: {  	v30 =	vld [tilespmem:s6+$0x5830]  }
0x1fd: {  	v31 =	vld [tilespmem:s6+$0xD030]  }
0x1fe: {  	v32 =	vld [tilespmem:s6+$0x5840]  }
0x1ff: {  	v33 =	vld [tilespmem:s6+$0xD040]  }
0x200: {  	v34 =	vld [tilespmem:s6+$0x5850]  }
0x201: {  	v35 =	vld [tilespmem:s6+$0xD050]  }
0x202: {  	v36 =	vld [tilespmem:s6+$0x5860]  }
0x203: {  	v37 =	vld [tilespmem:s6+$0xD060]  }
0x204: {  	v38 =	vld [tilespmem:s6+$0x5870]  }
0x205: {  	v39 =	vld [tilespmem:s6+$0xD070]  }
0x206: {  	v40 =	vld [tilespmem:s6+$0x5880]  }
0x207: {  	v41 =	vld [tilespmem:s6+$0xD080]  }
0x208: {  	v42 =	vld [tilespmem:s6+$0x5890]  }
0x209: {  	v43 =	vld [tilespmem:s6+$0xD090]  }
0x20a: {  	v44 =	vld [tilespmem:s6+$0x58A0]  }
0x20b: {  	v45 =	vld [tilespmem:s6+$0xD0A0]  }
0x20c: {  	v46 =	vld [tilespmem:s6+$0x58B0]  }
0x20d: {  	v47 =	vld [tilespmem:s6+$0xD0B0]  }
0x20e: {  	v48 =	vld [tilespmem:s6+$0x58C0]  }
0x20f: {  	v49 =	vld [tilespmem:s6+$0xD0C0]  }
0x210: {  	v50 =	vld [tilespmem:s6+$0x58D0]  }
0x211: {  	v51 =	vld [tilespmem:s6+$0xD0D0]  }
0x212: {  	v52 =	vld [tilespmem:s6+$0x58E0]  }
0x213: {  	v53 =	vld [tilespmem:s6+$0xD0E0]  }
0x214: {  	v54 =	vld [tilespmem:s6+$0x58F0]  }
0x215: {  	v55 =	vld [tilespmem:s6+$0xD0F0]  }
0x216: {  	v56 =	vld [tilespmem:s6+$0x5900];
	v8 =	vsub.f32 v8, v9  }
0x217: {  	v57 =	vld [tilespmem:s6+$0xD110];
	v60 =	vsub.f32 v10, v11;
	v61 =	vsub.f32 v12, v13  }
0x218: {  	v59 =	vld [tilespmem:s6+$0x5920];
	v62 =	vsub.f32 v14, v15;
	v63 =	vsub.f32 v18, v19  }
0x219: {  	v14 =	vld [tilespmem:s6+$0xD100];
	v21 =	vsub.f32 v20, v21;
	v23 =	vsub.f32 v22, v23  }
0x21a: {  	v15 =	vld [tilespmem:s6+$0x5910];
	v30 =	vsub.f32 v30, v31;
	v33 =	vsub.f32 v32, v33  }
0x21b: {  	v18 =	vld [tilespmem:s6+$0xD130];
	v35 =	vsub.f32 v34, v35;
	v40 =	vsub.f32 v40, v41  }
0x21c: {  	v19 =	vld [tilespmem:s6+$0x5940];
	v41 =	vsub.f32 v42, v43;
	v43 =	vsub.f32 v44, v45  }
0x21d: {  	v20 =	vld [tilespmem:s6+$0x5960];
	v44 =	vsub.f32 v46, v47;
	v48 =	vsub.f32 v48, v49  }
0x21e: {  	v22 =	vld [tilespmem:s6+$0xD160];
	v49 =	vsub.f32 v50, v51;
	v50 =	vsub.f32 v52, v53;
	v8 =	vmul.f32 v8, v8  }
0x21f: {  	v34 =	vld [tilespmem:s6+$0xD190];
	v51 =	vsub.f32 v54, v55;
	v9 =	vmul.f32 v60, v60;
	v10 =	vmul.f32 v61, v61  }
0x220: {  	v11 =	vmul.f32 v62, v62;
	v62 =	vsub.f32 v26, v27;
	v26 =	vld [tilespmem:s6+$0xD150];
	v31 =	vmul.f32 v30, v30  }
0x221: {  	v61 =	vsub.f32 v24, v25;
	v45 =	vmul.f32 v40, v40;
	v47 =	vmul.f32 v44, v44;
	v44 =	vld [tilespmem:s6+$0x5A10]  }
0x222: {  	v46 =	vmul.f32 v43, v43;
	v53 =	vmul.f32 v50, v50;
	v43 =	vld [tilespmem:s6+$0x5AB0];
	v58 =	vadd.f32 v9, v8  }
0x223: {  	v60 =	vadd.f32 v11, v10;
	v8 =	vsub.f32 v16, v17;
	v16 =	vld [tilespmem:s6+$0xD120];
	v9 =	vmul.f32 v63, v63  }
0x224: {  	v17 =	vld [tilespmem:s6+$0x5930];
	v10 =	vmul.f32 v21, v21;
	v11 =	vmul.f32 v23, v23;
	v63 =	vsub.f32 v28, v29  }
0x225: {  	v21 =	vld [tilespmem:s6+$0xD140];
	v12 =	vmul.f32 v61, v61;
	v13 =	vmul.f32 v62, v62;
	v62 =	vsub.f32 v38, v39  }
0x226: {  	v23 =	vld [tilespmem:s6+$0x5950];
	v52 =	vsub.f32 v56, v14;
	v15 =	vsub.f32 v15, v57;
	v8 =	vmul.f32 v8, v8  }
0x227: {  	v61 =	vld [tilespmem:s6+$0x5970];
	v25 =	vadd.f32 v11, v10;
	v10 =	vmul.f32 v33, v33;
	v11 =	vmul.f32 v35, v35  }
0x228: {  	v38 =	vld [tilespmem:s6+$0x59C0];
	v20 =	vsub.f32 v20, v22;
	v42 =	vmul.f32 v62, v62;
	v56 =	vperm.xlane v60, v1  }
0x229: {  	v29 =	vld [tilespmem:s6+$0xD1E0];
	v27 =	vadd.f32 v13, v12;
	v57 =	vperm.xlane v58, v1;
	v40 =	vmul.f32 v52, v52  }
0x22a: {  	v14 =	vld [tilespmem:s6+$0xD1B0];
	v33 =	vadd.f32 v47, v46;
	v15 =	vmul.f32 v15, v15;
	v20 =	vmul.f32 v20, v20  }
0x22b: {  	v13 =	vld [tilespmem:s6+$0x5990];
	v24 =	vadd.f32 v9, v8;
	v8 =	vmul.f32 v63, v63;
	v35 =	vadd.f32 v11, v10  }
0x22c: {  	v12 =	vld [tilespmem:s6+$0x59B0];
	v30 =	vsel vm0, v57, v60;
	v62 =	vperm.xlane v27, v1;
	v16 =	vsub.f32 v59, v16  }
0x22d: {  	v46 =	vld [tilespmem:s6+$0xD210];
	v17 =	vsub.f32 v17, v18;
	v59 =	vperm.xlane v25, v1;
	v28 =	vadd.f32 v31, v8  }
0x22e: {  	v47 =	vld [tilespmem:s6+$0x5A60];
	v8 =	vsub.f32 v36, v37;
	v31 =	vmul.f32 v41, v41;
	v36 =	vmul.f32 v48, v48  }
0x22f: {  	v63 =	vld [tilespmem:s6+$0xD170];
	v54 =	vsub.f32 v19, v21;
	v37 =	vmul.f32 v49, v49;
	v60 =	vperm.xlane v24, v1  }
0x230: {  	v9 =	vld [tilespmem:s6+$0xD180];
	v23 =	vsub.f32 v23, v26;
	v48 =	vperm.xlane v35, v1;
	v16 =	vmul.f32 v16, v16  }
0x231: {  	v10 =	vld [tilespmem:s6+$0x59A0];
	v15 =	vadd.f32 v15, v40;
	v17 =	vmul.f32 v17, v17;
	v18 =	vmul.f32 v54, v54  }
0x232: {  	v11 =	vld [tilespmem:s6+$0xD1A0];
	v23 =	vmul.f32 v23, v23;
	v24 =	vsel vm0, v24, v59;
	v13 =	vsub.f32 v13, v34  }
0x233: {  	v19 =	vld [tilespmem:s6+$0x59D0];
	v12 =	vsub.f32 v12, v14;
	v39 =	vmul.f32 v8, v8;
	v31 =	vadd.f32 v31, v45  }
0x234: {  	v26 =	vld [tilespmem:s6+$0xD1D0];
	v36 =	vadd.f32 v37, v36;
	v50 =	vsel vm0, v62, v28;
	v55 =	vsub.f32 v61, v63  }
0x235: {  	v40 =	vld [tilespmem:s6+$0xD220];
	v16 =	vadd.f32 v17, v16;
	v18 =	vadd.f32 v23, v18;
	v61 =	vperm.xlane v28, v1  }
0x236: {  	v41 =	vld [tilespmem:s6+$0xD1C0];
	v17 =	vsel vm0, v58, v56;
	v56 =	vperm.xlane v15, v1;
	v13 =	vmul.f32 v13, v13  }
0x237: {  	v34 =	vld [tilespmem:s6+$0xD2A0];
	v10 =	vsub.f32 v10, v11;
	v12 =	vmul.f32 v12, v12;
	v32 =	vadd.f32 v42, v39  }
0x238: {  	v8 =	vld [tilespmem:s6+$0x5980];
	v39 =	vmul.f32 v51, v51;
	v17 =	vadd.f32 v30, v17;
	v51 =	vperm.xlane v33, v1  }
0x239: {  	v37 =	vld [tilespmem:s6+$0x59E0];
	v52 =	vperm.xlane v31, v1;
	v54 =	vperm.xlane v36, v1;
	v19 =	vsub.f32 v19, v26  }
0x23a: {  	v45 =	vld [tilespmem:s6+$0xD230];
	v22 =	vmul.f32 v55, v55;
	v49 =	vsel vm0, v27, v61;
	v55 =	vperm.xlane v16, v1  }
0x23b: {  	v23 =	vld [tilespmem:s6+$0xD1F0];
	v16 =	vsel vm0, v56, v16;
	v59 =	vperm.xlane v18, v1;
	v10 =	vmul.f32 v10, v10  }
0x23c: {  	v28 =	vld [tilespmem:s6+$0x5A20];
	v21 =	vadd.f32 v39, v53;
	v63 =	vperm.xlane v32, v1;
	v32 =	vsel vm0, v48, v32  }
0x23d: {  	v11 =	vld [tilespmem:s6+$0x5AC0];
	v31 =	vsel vm0, v31, v51;
	v27 =	vsel vm0, v52, v33;
	v19 =	vmul.f32 v19, v19  }
0x23e: {  	v42 =	vld [tilespmem:s6+$0x5A00];
	v20 =	vadd.f32 v22, v20;
	v22 =	vsel vm0, v60, v25;
	v27 =	vadd.f32 v27, v31  }
0x23f: {  	v30 =	vld [tilespmem:s6+$0xD200];
	v15 =	vsel vm0, v15, v55;
	v60 =	vperm.xlane v17, v3;
	v8 =	vsub.f32 v8, v9  }
0x240: {  	v39 =	vld [tilespmem:s6+$0x59F0];
	v17 =	vperm.xlane v17, v4;
	v10 =	vadd.f32 v12, v10;
	v22 =	vadd.f32 v22, v24  }
0x241: {  	v48 =	vld [tilespmem:s6+$0x5A40];
	v25 =	vsel vm0, v35, v63;
	v24 =	vadd.f32 v50, v49;
	v53 =	vperm.xlane v21, v1  }
0x242: {  	v31 =	vld [tilespmem:s6+$0xD250];
	v21 =	vsel vm0, v54, v21;
	v15 =	vadd.f32 v16, v15;
	v28 =	vsub.f32 v28, v40  }
0x243: {  	v35 =	vld [tilespmem:s6+$0xD240];
	v25 =	vadd.f32 v32, v25;
	v58 =	vperm.xlane v20, v1;
	v56 =	vperm.xlane v27, v3  }
0x244: {  	v50 =	vld [tilespmem:s6+$0x5A70];
	v16 =	vsel vm0, v59, v20;
	v51 =	vmul.f32 v8, v8;
	v61 =	vperm.xlane v22, v3  }
0x245: {  	v49 =	vld [tilespmem:s6+$0xD280];
	v57 =	vsel vm0, v36, v53;
	v62 =	vperm.xlane v22, v4;
	v63 =	vperm.xlane v24, v3  }
0x246: {  	v32 =	vld [tilespmem:s6+$0x5A30];
	v53 =	vperm.xlane v24, v4;
	v59 =	vperm.xlane v15, v3;
	v21 =	vadd.f32 v21, v57  }
0x247: {  	v36 =	vld [tilespmem:s6+$0x5A50];
	v18 =	vsel vm0, v18, v58;
	v52 =	vperm.xlane v25, v3;
	v54 =	vperm.xlane v25, v4  }
0x248: {  	v22 =	vld [tilespmem:s6+$0xD260];
	v58 =	vperm.xlane v27, v4;
	v13 =	vadd.f32 v13, v51;
	v23 =	vsub.f32 v39, v23  }
0x249: {  	v25 =	vld [tilespmem:s6+$0xD270];
	v33 =	vsel vm0, v60, v61;
	v17 =	vsel vm0, v17, v62;
	v16 =	vadd.f32 v16, v18  }
0x24a: {  	v27 =	vld [tilespmem:s6+$0x5A90];
	v61 =	vperm.xlane v15, v4;
	v17 =	vadd.f32 v17, v33;
	v55 =	vsel vm0, v63, v52  }
0x24b: {  	v39 =	vld [tilespmem:s6+$0x5AF0];
	v20 =	vsel vm0, v53, v54;
	v57 =	vperm.xlane v21, v3;
	v21 =	vperm.xlane v21, v4  }
0x24c: {  	v51 =	vld [tilespmem:s6+$0x5B20];
	v52 =	vsub.f32 v38, v41;
	v54 =	vsub.f32 v37, v29;
	v23 =	vmul.f32 v23, v23  }
0x24d: {  	v15 =	vld [tilespmem:s6+$0xD2C0];
	v18 =	vadd.f32 v20, v55;
	v60 =	vperm.xlane v16, v3;
	v62 =	vperm.xlane v16, v4  }
0x24e: {  	v33 =	vld [tilespmem:s6+$0x5A80];
	v32 =	vsub.f32 v32, v45;
	v45 =	vsub.f32 v48, v35;
	v24 =	vsel vm0, v56, v57  }
0x24f: {  	v53 =	vld [tilespmem:s6+$0xD290];
	v20 =	vsel vm0, v58, v21;
	v56 =	vsub.f32 v42, v30;
	v58 =	vsub.f32 v44, v46  }
0x250: {  	v37 =	vld [tilespmem:s6+$0x5AE0];
	v14 =	vmul.f32 v52, v52;
	v21 =	vmul.f32 v54, v54;
	v31 =	vsub.f32 v36, v31  }
0x251: {  	v38 =	vld [tilespmem:s6+$0xD2E0];
	v22 =	vsub.f32 v47, v22;
	v47 =	vperm.xlane v10, v1;
	v63 =	vsel vm0, v59, v60  }
0x252: {  	v16 =	vld [tilespmem:s6+$0x5AA0];
	v9 =	vsel vm0, v61, v62;
	v8 =	vadd.f32 v20, v24;
	v61 =	vmul.f32 v28, v28  }
0x253: {  	v55 =	vld [tilespmem:s6+$0x5AD0];
	v62 =	vmul.f32 v32, v32;
	v25 =	vsub.f32 v50, v25;
	v26 =	vmul.f32 v45, v45  }
0x254: {  	v48 =	vld [tilespmem:s6+$0xD310];
	v9 =	vadd.f32 v9, v63;
	v59 =	vmul.f32 v56, v56;
	v60 =	vmul.f32 v58, v58  }
0x255: {  	v57 =	vld [tilespmem:s6+$0xD2D0];
	v14 =	vadd.f32 v19, v14;
	v21 =	vadd.f32 v23, v21;
	v31 =	vmul.f32 v31, v31  }
0x256: {  	v30 =	vld [tilespmem:s6+$0xD2F0];
	v22 =	vmul.f32 v22, v22;
	v11 =	vsub.f32 v11, v15;
	v58 =	vperm.xlane v17, v5  }
0x257: {  	v46 =	vld [tilespmem:s6+$0x5B10];
	v17 =	vperm.xlane v17, v6;
	v19 =	vadd.f32 v62, v61;
	v33 =	vsub.f32 v33, v49  }
0x258: {  	v52 =	vld [tilespmem:s6+$0xD320];
	v27 =	vsub.f32 v27, v53;
	v25 =	vmul.f32 v25, v25;
	v37 =	vsub.f32 v37, v38  }
0x259: {  	v44 =	vld [tilespmem:s6+$0xD300];
	v49 =	vperm.xlane v13, v1;
	v13 =	vsel vm0, v13, v47;
	v12 =	vadd.f32 v60, v59  }
0x25a: {  	v20 =	vld [tilespmem:s6+$0xD2B0];
	v16 =	vsub.f32 v16, v34;
	v26 =	vadd.f32 v31, v26;
	v11 =	vmul.f32 v11, v11  }
0x25b: {  	v54 =	vld [tilespmem:s6+$0xD330];
	v60 =	vperm.xlane v18, v5;
	v18 =	vperm.xlane v18, v6;
	v24 =	vsub.f32 v55, v57  }
0x25c: {  	v53 =	vld [tilespmem:s6+$0x5B30];
	v33 =	vmul.f32 v33, v33;
	v22 =	vadd.f32 v25, v22;
	v30 =	vsub.f32 v39, v30  }
0x25d: {  	v61 =	vld [tilespmem:s6+$0x5B60];
	v27 =	vmul.f32 v27, v27;
	v28 =	vsub.f32 v46, v48;
	v36 =	vsub.f32 v51, v52  }
0x25e: {  	v62 =	vld [tilespmem:s6+$0xD360];
	v41 =	vmul.f32 v37, v37;
	v10 =	vsel vm0, v49, v10;
	v52 =	vperm.xlane v21, v1  }
0x25f: {  	v63 =	vld [tilespmem:s6+$0x5B00];
	v20 =	vsub.f32 v43, v20;
	v16 =	vmul.f32 v16, v16;
	v17 =	vsel vm0, v17, v18  }
0x260: {  	v10 =	vadd.f32 v10, v13;
	v24 =	vmul.f32 v24, v24;
	v30 =	vmul.f32 v30, v30  }
0x261: {  	v56 =	vld [tilespmem:s6+$0xD340];
	v27 =	vadd.f32 v27, v33;
	v42 =	vmul.f32 v28, v28;
	v18 =	vmul.f32 v36, v36  }
0x262: {  	v59 =	vld [tilespmem:s6+$0xD350];
	v20 =	vmul.f32 v20, v20;
	v15 =	vsub.f32 v53, v54;
	v53 =	vperm.xlane v14, v1  }
0x263: {  	v55 =	vld [tilespmem:s6+$0x5B40];
	v45 =	vsub.f32 v61, v62;
	v54 =	vperm.xlane v19, v1;
	v61 =	vperm.xlane v8, v5  }
0x264: {  	v57 =	vld [tilespmem:s6+$0x5B50];
	v23 =	vsub.f32 v63, v44;
	v62 =	vperm.xlane v9, v5;
	v8 =	vperm.xlane v8, v6  }
0x265: {  	v14 =	vsel vm0, v14, v52;
	v9 =	vperm.xlane v9, v6;
	v33 =	vperm.xlane v10, v3  }
0x266: {  	v10 =	vperm.xlane v10, v4;
	v11 =	vadd.f32 v24, v11;
	v24 =	vsel vm0, v58, v60  }
0x267: {  	v40 =	vld [tilespmem:s6+$0xD370];
	v23 =	vmul.f32 v23, v23;
	v43 =	vadd.f32 v30, v41;
	v58 =	vperm.xlane v26, v1  }
0x268: {  	v63 =	vld [tilespmem:s6+$0x5B70];
	v60 =	vperm.xlane v27, v1;
	v16 =	vadd.f32 v20, v16;
	v29 =	vsub.f32 v55, v56  }
0x269: {  	v20 =	vsub.f32 v57, v59;
	v15 =	vmul.f32 v15, v15;
	v50 =	vmul.f32 v45, v45  }
0x26a: {  	v55 =	vsel vm0, v53, v21;
	v56 =	vperm.xlane v12, v1;
	v12 =	vsel vm0, v12, v54  }
0x26b: {  	v47 =	vsel vm0, v61, v62;
	v8 =	vsel vm0, v8, v9;
	v23 =	vadd.f32 v42, v23  }
0x26c: {  	v57 =	vperm.xlane v22, v1;
	v14 =	vadd.f32 v55, v14;
	v8 =	vadd.f32 v8, v47  }
0x26d: {  	v44 =	vmul.f32 v29, v29;
	v20 =	vmul.f32 v20, v20;
	v46 =	vsub.f32 v63, v40  }
0x26e: {  	v15 =	vadd.f32 v15, v18;
	v19 =	vsel vm0, v56, v19;
	v59 =	vperm.xlane v16, v1  }
0x26f: {  	v13 =	vsel vm0, v26, v57;
	v63 =	vperm.xlane v43, v1;
	v30 =	vperm.xlane v23, v1  }
0x270: {  	v16 =	vsel vm0, v60, v16;
	v34 =	vperm.xlane v14, v3;
	v14 =	vperm.xlane v14, v4  }
0x271: {  	v12 =	vadd.f32 v19, v12;
	v54 =	vperm.xlane v8, v2;
	v8 =	vperm.xlane v8, v7  }
0x272: {  	v48 =	vadd.f32 v20, v44;
	v51 =	vmul.f32 v46, v46;
	v20 =	vsel vm0, v58, v22  }
0x273: {  	v21 =	vsel vm0, v27, v59;
	v27 =	vperm.xlane v11, v1;
	v11 =	vsel vm0, v11, v63  }
0x274: {  	v29 =	vperm.xlane v15, v1;
	v13 =	vadd.f32 v20, v13;
	v16 =	vadd.f32 v16, v21  }
0x275: {  	v15 =	vsel vm0, v30, v15;
	v35 =	vperm.xlane v12, v3;
	v12 =	vperm.xlane v12, v4  }
0x276: {  	v10 =	vsel vm0, v10, v14;
	v25 =	vadd.f32 v51, v50;
	v20 =	vsel vm0, v27, v43  }
0x277: {  	v19 =	vsel vm0, v23, v29;
	v32 =	vperm.xlane v48, v1;
	v11 =	vadd.f32 v20, v11  }
0x278: {  	v15 =	vadd.f32 v15, v19;
	v36 =	vperm.xlane v13, v3;
	v13 =	vperm.xlane v13, v4  }
0x279: {  	v20 =	vsel vm0, v33, v34;
	v37 =	vperm.xlane v16, v3;
	v31 =	vperm.xlane v25, v1  }
0x27a: {  	v16 =	vperm.xlane v16, v4;
	v19 =	vsel vm0, v32, v25;
	v10 =	vadd.f32 v10, v20  }
0x27b: {  	v38 =	vperm.xlane v11, v3;
	v11 =	vperm.xlane v11, v4;
	v18 =	vsel vm0, v48, v31  }
0x27c: {  	v39 =	vperm.xlane v15, v3;
	v41 =	vperm.xlane v15, v4;
	v18 =	vadd.f32 v19, v18  }
0x27d: {  	v12 =	vsel vm0, v12, v13;
	v44 =	vperm.xlane v10, v5;
	v10 =	vperm.xlane v10, v6  }
0x27e: {  	v19 =	vsel vm0, v35, v36;
	v40 =	vperm.xlane v18, v3;
	v42 =	vperm.xlane v18, v4  }
0x27f: {  	v14 =	vsel vm0, v37, v38;
	v11 =	vsel vm0, v16, v11;
	v12 =	vadd.f32 v12, v19  }
0x280: {  	v11 =	vadd.f32 v11, v14;
	v43 =	vsel vm0, v39, v40;
	v13 =	vsel vm0, v41, v42  }
0x281: {  	v45 =	vperm.xlane v12, v5;
	v12 =	vperm.xlane v12, v6;
	v13 =	vadd.f32 v13, v43  }
0x282: {  	v48 =	vperm.xlane v11, v5;
	v50 =	vperm.xlane v11, v6  }
0x283: {  	v49 =	vperm.xlane v13, v5;
	v51 =	vperm.xlane v13, v6  }
0x284: {  	v46 =	vadd.f32 v17, v24;
	v14 =	vsel vm0, v44, v45;
	v10 =	vsel vm0, v10, v12  }
0x285: {  	v10 =	vadd.f32 v10, v14;
	v53 =	vsel vm0, v48, v49;
	v9 =	vsel vm0, v50, v51  }
0x286: {  	v52 =	vperm.xlane v46, v2;
	v55 =	vperm.xlane v46, v7;
	v9 =	vadd.f32 v9, v53  }
0x287: {  	v14 =	vperm.xlane v10, v2;
	v10 =	vperm.xlane v10, v7  }
0x288: {  	v56 =	vperm.xlane v9, v2;
	v9 =	vperm.xlane v9, v7  }
0x289: {  	v8 =	vsel vm0, v55, v8;
	v11 =	vsel vm0, v52, v54  }
0x28a: {  	v8 =	vadd.f32 v8, v11;
	v57 =	vsel vm0, v14, v56;
	v9 =	vsel vm0, v10, v9  }
0x28b: {  	v9 =	vadd.f32 v9, v57  }
0x28c: {  	v8 =	vmax.f32 v8, $1.000000000e-30  }
0x28d: {  	v58 =	vshrl.u32 v8, $0x1;
	v9 =	vmax.f32 v9, $1.000000000e-30  }
0x28e: {  	v59 =	vmul.f32 $5.000000000e-01, v8;
	v60 =	vshrl.u32 v9, $0x1;
	v61 =	vmul.f32 $5.000000000e-01, v9  }
0x28f: {  	v10 =	vsub.s32 $0x5F3759DF, v58;
	v12 =	vsub.s32 $0x5F3759DF, v60  }
0x290: {  	v11 =	vmul.f32 v10, v59;
	v13 =	vmul.f32 v12, v61;
	_ =	sdelay $0x1  }
0x291: {  	v11 =	vmul.f32 v10, v11;
	v13 =	vmul.f32 v12, v13;
	_ =	sdelay $0x1  }
0x292: {  	v11 =	vsub.f32 $1.500000000e+00, v11;
	v13 =	vsub.f32 $1.500000000e+00, v13;
	_ =	sdelay $0x1  }
0x293: {  	v10 =	vmul.f32 v10, v11;
	v62 =	vmul.f32 v12, v13  }
0x294: {  	v63 =	vld [tilespmem:$0xF780]  }
0x295: {  	v8 =	vmul.f32 v10, v8;
	v9 =	vmul.f32 v62, v9  }
0x296: {  	p0 =	sne.s32 s0, $0x9000  }
.Ltmp9:
0x297: {  	v8 =	vadd.f32 v9, v8;
	(pc) =	sbr.rel @p0 .LBB2_8-.Ltmp9, $3  }
0x298: {  	_ = 	snop  }
0x299: {  	v8 =	vadd.f32 v8, v63;
	_ =	sdelay $0x1  }
0x29a: {  	s0 =	sadd.s32 $0x1000, s0;
	[tilespmem:$0xF780] =	vst v8  }
.Ltmp10:
0x29b: {  	_ = 	snop;
	(pc) =	sbr.rel .LBB2_9-.Ltmp10, $1  }
0x29c: {  	_ =	sdelay $0x3  }
.LBB2_11:
0x29d: {  	_ =	sfence.sel $0x180000  }
0x29e: {  	[bflag:$0x0] =	sbarrier.arrive $0xFFFF  }
0x29f: {  	_ =	strace $0x90000047  }
0x2a0: {  	s0 =	stileid.u32;
	[bflag:$0x2] =	sbarrier.arrive $0xFFFF  }
0x2a1: {  	p0 =	sne.s32 s0, $0x0;
	s0 =	rddreg [dreg:$0x3]  }
0x2a2: {  	s0 =	sadd.s32 @!p0 $0x100000, s0  }
0x2a3: {  	[sflag:s0] =	ssyncadd.tile.s32 @!p0 $0x1;
	_ =	shalt  }
.Lfunc_end2:
_tile_overlayer_lowered:
.L_overlay_start_2:
0x2a4: {  	(tag) =	ssettag $0x2  }
0x2a5: {  	s0 =	rddreg [dreg:$0x0];
	s2 =	stileid.u32  }
0x2a6: {  	s1 =	rddreg [dreg:$0x1];
	p0 =	sne.s32 s2, $0x0  }
0x2a7: {  	s3 =	rddreg [dreg:$0x2];
	[bflag:$0x3] =	sbarrier.arrive $0xFFFF;
	s2 =	simm.s32 @!p0 $0x1C07  }
0x2a8: {  	[timem:s3], [sflag:s2] =	dma.local @!p0 [hbm:s0], s1  }
0x2a9: {  	s0 =	simm.s32 @!p0 $0x7  }
0x2aa: {  	_ =	swait.ge @!p0 [sflag:s0], s1  }
0x2ab: {  	s1 =	ssub.s32 @!p0 $0x0, s1;
	[sflag:s0] =	ssyncset.done @!p0 $0x0  }
0x2ac: {  	[sflag:s0] =	ssyncadd.s32 @!p0 s1  }
0x2ad: {  	[bflag:$0x3] =	sbarrier.arrive $0xFFFF  }
0x2ae: {  	_ =	shalt  }

</sc_bundles>
